<compile_context>
chip_gen: v7x
topology: tpu7x:2x2x1
jax: 0.10.2.dev20260603
libtpu: 0.0.44.dev20260713+nightly
codegen_flags: <defaults>
</compile_context>

<pallas_src>
import functools

import jax
import jax.numpy as jnp
from jax import lax
from jax.experimental import pallas as pl
from jax.experimental.pallas import tpu as pltpu
from jax.experimental.pallas import tpu_sc as plsc

N = 10000
D = 128
DH = 64
E = 320000
NC, NS = 2, 16
PT = 20480
EP = NS * PT
SB = 2048
RPT = N // NS
NPAD = N + 8
XCH = 5
XP = NS * XCH * 128

@functools.cache
def _sc_kernels():
    mesh = plsc.VectorSubcoreMesh(
        core_axis_name="c", subcore_axis_name="s", num_cores=NC, num_subcores=NS
    )

    @functools.partial(
        pl.kernel,
        out_type=jax.ShapeDtypeStruct((NC * N, DH), jnp.float32),
        mesh=mesh,
        compiler_params=pltpu.CompilerParams(use_tc_tiling_on_sc=False),
        scratch_types=[
            pltpu.VMEM((XCH, 128), jnp.int32),
            pltpu.VMEM((128, DH), jnp.float32),
            pltpu.SemaphoreType.DMA,
        ],
    )
    def _emb_gather(embT, xs2, out, xv, gbuf, sem):
        cid = lax.axis_index("c")
        sid = lax.axis_index("s")
        pltpu.sync_copy(xs2.at[cid, sid], xv)
        for k in range(XCH):
            cnt = min(128, RPT - k * 128)
            pltpu.async_copy(embT.at[xv.at[k]], gbuf, sem).wait()
            pltpu.sync_copy(
                gbuf.at[pl.ds(0, cnt)],
                out.at[pl.ds(cid * N + sid * RPT + k * 128, cnt)],
            )

    @functools.partial(
        pl.kernel,
        out_type=jax.ShapeDtypeStruct((NC * N, DH), jnp.float32),
        mesh=mesh,
        compiler_params=pltpu.CompilerParams(use_tc_tiling_on_sc=False),
        scratch_types=[
            pltpu.VMEM((XCH, 128), jnp.int32),
            pltpu.VMEM((SB,), jnp.int32),
            pltpu.VMEM((SB,), jnp.int32),
            *([pltpu.VMEM((256, DH), jnp.float32)] * 2),
            pltpu.VMEM_SHARED((N, DH), jnp.float32),
            pltpu.VMEM_SHARED((NPAD, DH), jnp.float32),
            *([pltpu.SemaphoreType.DMA] * 3),
        ],
    )
    def _message_pass0(embT, xs2, srcs, dsts, z, xv, srcv, dstv, g0, g1,
                       hsh, agg, gs0, gs1, is0):
        cid = lax.axis_index("c")
        sid = lax.axis_index("s")
        pltpu.sync_copy(xs2.at[cid, sid], xv)
        for k in range(XCH):
            cnt = min(128, RPT - k * 128)
            pltpu.async_copy(embT.at[xv.at[k]], g0.at[pl.ds(0, 128)], gs0).wait()
            base = sid * RPT + k * 128
            pltpu.sync_copy(g0.at[pl.ds(0, cnt)], hsh.at[pl.ds(base, cnt)])
            pltpu.sync_copy(g0.at[pl.ds(0, cnt)], agg.at[pl.ds(base, cnt)])
        plsc.subcore_barrier()

        def block(bi, carry):
            ds0 = pltpu.async_copy(srcs.at[sid, pl.ds(bi * SB, SB)], srcv, is0)
            ds1 = pltpu.async_copy(dsts.at[sid, pl.ds(bi * SB, SB)], dstv, is0)
            ds0.wait()
            ds1.wait()
            bufs = (g0, g1)
            sems = (gs0, gs1)
            d = pltpu.async_copy(hsh.at[srcv.at[pl.ds(0, 256)]], g0, gs0)
            for t in range(8):
                if t < 7:
                    nxt = pltpu.async_copy(
                        hsh.at[srcv.at[pl.ds((t + 1) * 256, 256)]],
                        bufs[(t + 1) % 2], sems[(t + 1) % 2])
                d.wait()
                pltpu.sync_copy(bufs[t % 2], agg.at[dstv.at[pl.ds(t * 256, 256)]],
                                add=True)
                if t < 7:
                    d = nxt
            return carry

        lax.fori_loop(0, PT // SB, block, 0)
        plsc.subcore_barrier()
        base = sid * RPT
        pltpu.sync_copy(agg.at[pl.ds(base, RPT)], z.at[pl.ds(cid * N + base, RPT)])

    @functools.partial(
        pl.kernel,
        out_type=jax.ShapeDtypeStruct((NC * N, DH), jnp.float32),
        mesh=mesh,
        compiler_params=pltpu.CompilerParams(use_tc_tiling_on_sc=False),
        scratch_types=[
            pltpu.VMEM((SB,), jnp.int32),
            pltpu.VMEM((SB,), jnp.int32),
            *([pltpu.VMEM((256, DH), jnp.float32)] * 2),
            pltpu.VMEM_SHARED((N, DH), jnp.float32),
            pltpu.VMEM_SHARED((NPAD, DH), jnp.float32),
            *([pltpu.SemaphoreType.DMA] * 3),
        ],
    )
    def _message_pass(h, srcs, dsts, z, srcv, dstv, g0, g1, hsh, agg,
                      gs0, gs1, is0):
        cid = lax.axis_index("c")
        sid = lax.axis_index("s")
        base = sid * RPT
        pltpu.sync_copy(h.at[pl.ds(cid * N + base, RPT)], hsh.at[pl.ds(base, RPT)])
        pltpu.sync_copy(h.at[pl.ds(cid * N + base, RPT)], agg.at[pl.ds(base, RPT)])
        plsc.subcore_barrier()

        def block(bi, carry):
            ds0 = pltpu.async_copy(srcs.at[sid, pl.ds(bi * SB, SB)], srcv, is0)
            ds1 = pltpu.async_copy(dsts.at[sid, pl.ds(bi * SB, SB)], dstv, is0)
            ds0.wait()
            ds1.wait()
            bufs = (g0, g1)
            sems = (gs0, gs1)
            d = pltpu.async_copy(hsh.at[srcv.at[pl.ds(0, 256)]], g0, gs0)
            for t in range(8):
                if t < 7:
                    nxt = pltpu.async_copy(
                        hsh.at[srcv.at[pl.ds((t + 1) * 256, 256)]],
                        bufs[(t + 1) % 2], sems[(t + 1) % 2])
                d.wait()
                pltpu.sync_copy(bufs[t % 2], agg.at[dstv.at[pl.ds(t * 256, 256)]],
                                add=True)
                if t < 7:
                    d = nxt
            return carry

        lax.fori_loop(0, PT // SB, block, 0)
        plsc.subcore_barrier()
        pltpu.sync_copy(agg.at[pl.ds(base, RPT)], z.at[pl.ds(cid * N + base, RPT)])

    return _emb_gather, _message_pass, _message_pass0


def _mlp_body(z_ref, w1a_ref, w1b_ref, b1_ref, w2_ref, b2_ref, h_ref):
    z0 = z_ref[0]
    z1 = z_ref[1]
    u = (
        jnp.dot(z0, w1a_ref[...], preferred_element_type=jnp.float32)
        + jnp.dot(z1, w1b_ref[...], preferred_element_type=jnp.float32)
        + b1_ref[...]
    )
    u = jnp.maximum(u, 0.0)
    v = jnp.dot(u, w2_ref[...], preferred_element_type=jnp.float32) + b2_ref[...]
    v = jnp.maximum(v, 0.0)
    h_ref[0] = v[:, :DH]
    h_ref[1] = v[:, DH:]


_MLP_R = 1000


def _mlp(z2, w1a, w1b, b1, w2, b2):
    return pl.pallas_call(
        _mlp_body,
        grid=(N // _MLP_R,),
        in_specs=[
            pl.BlockSpec((NC, _MLP_R, DH), lambda i: (0, i, 0)),
            pl.BlockSpec((DH, D), lambda i: (0, 0)),
            pl.BlockSpec((DH, D), lambda i: (0, 0)),
            pl.BlockSpec((1, D), lambda i: (0, 0)),
            pl.BlockSpec((D, D), lambda i: (0, 0)),
            pl.BlockSpec((1, D), lambda i: (0, 0)),
        ],
        out_specs=pl.BlockSpec((NC, _MLP_R, DH), lambda i: (0, i, 0)),
        out_shape=jax.ShapeDtypeStruct((NC, N, DH), jnp.float32),
    )(z2, w1a, w1b, b1, w2, b2)


def _mlp_pool_body(z_ref, w1a_ref, w1b_ref, b1_ref, w2_ref, b2_ref,
                   lw_ref, lb_ref, out_ref, acc_ref):
    i = pl.program_id(0)
    z0 = z_ref[0]
    z1 = z_ref[1]
    u = (
        jnp.dot(z0, w1a_ref[...], preferred_element_type=jnp.float32)
        + jnp.dot(z1, w1b_ref[...], preferred_element_type=jnp.float32)
        + b1_ref[...]
    )
    u = jnp.maximum(u, 0.0)
    v = jnp.dot(u, w2_ref[...], preferred_element_type=jnp.float32) + b2_ref[...]
    v = jnp.maximum(v, 0.0)
    s = jnp.sum(v, axis=0, keepdims=True)

    @pl.when(i == 0)
    def _():
        acc_ref[...] = s

    @pl.when(i > 0)
    def _():
        acc_ref[...] += s

    @pl.when(i == pl.num_programs(0) - 1)
    def _():
        out_ref[...] = (
            jnp.dot(acc_ref[...], lw_ref[...], preferred_element_type=jnp.float32)
            + lb_ref[...]
        )


def _mlp_pool(z2, w1a, w1b, b1, w2, b2, lw, lb):
    return pl.pallas_call(
        _mlp_pool_body,
        grid=(N // _MLP_R,),
        in_specs=[
            pl.BlockSpec((NC, _MLP_R, DH), lambda i: (0, i, 0)),
            pl.BlockSpec((DH, D), lambda i: (0, 0)),
            pl.BlockSpec((DH, D), lambda i: (0, 0)),
            pl.BlockSpec((1, D), lambda i: (0, 0)),
            pl.BlockSpec((D, D), lambda i: (0, 0)),
            pl.BlockSpec((1, D), lambda i: (0, 0)),
            pl.BlockSpec((D, D), lambda i: (0, 0)),
            pl.BlockSpec((1, D), lambda i: (0, 0)),
        ],
        out_specs=pl.BlockSpec((1, D), lambda i: (0, 0)),
        out_shape=jax.ShapeDtypeStruct((1, D), jnp.float32),
        scratch_shapes=[pltpu.VMEM((1, D), jnp.float32)],
    )(z2, w1a, w1b, b1, w2, b2, lw, lb)


def kernel(x, edge_index, params):
    x = x.astype(jnp.int32)
    src = edge_index[0].astype(jnp.int32)
    dst = edge_index[1].astype(jnp.int32)

    embT = params["embedding"].reshape(2 * N, DH)
    m = jnp.arange(XCH * 128, dtype=jnp.int32)
    nid = (jnp.arange(NS, dtype=jnp.int32)[:, None] * RPT
           + jnp.minimum(m, RPT - 1)[None, :])
    xs = x[nid]
    xs2 = jnp.stack([2 * xs, 2 * xs + 1]).reshape(NC, NS, XCH, 128)

    ept = E // NS
    srcs2 = jnp.concatenate(
        [src.reshape(NS, ept), jnp.zeros((NS, PT - ept), jnp.int32)], axis=1
    )
    dsts2 = jnp.concatenate(
        [dst.reshape(NS, ept), jnp.full((NS, PT - ept), N, jnp.int32)], axis=1
    )

    _emb_gather, _message_pass, _message_pass0 = _sc_kernels()
    h = None
    for i in range(5):
        p = params["convs"][i]
        if i == 0:
            z = _message_pass0(embT, xs2, srcs2, dsts2)
        else:
            z = _message_pass(h, srcs2, dsts2)
        args = (
            z.reshape(NC, N, DH),
            p["w1"][:DH],
            p["w1"][DH:],
            p["b1"].reshape(1, D),
            p["w2"],
            p["b2"].reshape(1, D),
        )
        if i == 4:
            return _mlp_pool(*args, params["lin"]["w"],
                             params["lin"]["b"].reshape(1, D))
        h = _mlp(*args).reshape(NC * N, DH)

# --- scband reference (transcript-rebuilt; emitter-appended) ---
"""Pipeline reference for scband-graph-encoder-35605278884121 (READ-ONLY COPY).

The authoritative reference and input builder live on the scoring server;
editing this copy changes nothing except your own understanding.
"""

import jax, jax.numpy as jnp
import numpy as np

N_NODES = 10000
EMB = 128
HID = 128
OUT = 128
N_EDGES = 320000


def _lin_params(key, fan_in, fan_out):
    w = jax.random.normal(key, (fan_in, fan_out), dtype=jnp.float32) * (1.0 / np.sqrt(fan_in))
    b = jnp.zeros((fan_out,), dtype=jnp.float32)
    return {"w": w, "b": b}


def setup_inputs(seed: int = 0) -> dict:
    key = jax.random.key(seed)
    kx, ke, kp = jax.random.split(key, 3)
    x = jax.random.randint(kx, (N_NODES,), 0, N_NODES, dtype=jnp.int64 if jax.config.jax_enable_x64 else jnp.int32)
    edge_index = jax.random.randint(ke, (2, N_EDGES), 0, N_NODES, dtype=jnp.int64 if jax.config.jax_enable_x64 else jnp.int32)

    pkeys = jax.random.split(kp, 12)
    embedding = jax.random.normal(pkeys[0], (N_NODES, EMB), dtype=jnp.float32)
    convs = []
    in_dim = EMB
    for i in range(5):
        l1 = _lin_params(pkeys[1 + 2 * i], in_dim, HID)
        l2 = _lin_params(pkeys[2 + 2 * i], HID, HID)
        convs.append({"w1": l1["w"], "b1": l1["b"], "w2": l2["w"], "b2": l2["b"]})
        in_dim = HID
    lin = _lin_params(pkeys[11], HID, OUT)
    params = {"embedding": embedding, "convs": convs, "lin": lin}
    return {"x": x, "edge_index": edge_index, "params": params}


def _gin_conv(h, src, dst, p):
    # GINConv with eps=0: MLP((1+eps)*x_i + sum_{j in N(i)} x_j)
    agg = jnp.zeros_like(h).at[dst].add(h[src])
    z = h + agg
    z = jnp.maximum(z @ p["w1"] + p["b1"], 0.0)
    z = z @ p["w2"] + p["b2"]
    return z


def reference(x, edge_index, params):
    src = edge_index[0]
    dst = edge_index[1]
    h = jnp.take(params["embedding"], x, axis=0)
    for i in range(5):
        h = jnp.maximum(_gin_conv(h, src, dst, params["convs"][i]), 0.0)
    # global_add_pool with batch=None -> single graph, sum over all nodes -> [1, HID]
    pooled = jnp.sum(h, axis=0, keepdims=True)
    out = pooled @ params["lin"]["w"] + params["lin"]["b"]
    return out

if __name__ == "__main__":
    import jax
    _d = setup_inputs()
    print(jax.jit(kernel)(*tuple(_d.values())))

</pallas_src>

<mosaic_0001>
#map = affine_map<(d0, d1) -> (0, 0)>
module attributes {stable_mosaic.version = 14 : i64} {
  func.func @_message_pass(%arg0: i32, %arg1: i32, %arg2: memref<20000x64xf32, #tpu.memory_space<hbm>>, %arg3: memref<16x20480xi32, #tpu.memory_space<hbm>>, %arg4: memref<16x20480xi32, #tpu.memory_space<hbm>>, %arg5: memref<20000x64xf32, #tpu.memory_space<hbm>>, %arg6: memref<2048xi32, #tpu.memory_space<vmem>>, %arg7: memref<2048xi32, #tpu.memory_space<vmem>>, %arg8: memref<256x64xf32, #tpu.memory_space<vmem>>, %arg9: memref<256x64xf32, #tpu.memory_space<vmem>>, %arg10: memref<10000x64xf32, #tpu.memory_space<vmem_shared>>, %arg11: memref<10008x64xf32, #tpu.memory_space<vmem_shared>>, %arg12: memref<!tpu.dma_semaphore, #tpu.memory_space<semaphore_mem>>, %arg13: memref<!tpu.dma_semaphore, #tpu.memory_space<semaphore_mem>>, %arg14: memref<!tpu.dma_semaphore, #tpu.memory_space<semaphore_mem>>) attributes {dimension_semantics = [#tpu.dimension_semantics<core_parallel>, #tpu.dimension_semantics<subcore_parallel>], iteration_bounds = array<i64: 2, 16>, scalar_prefetch = 0 : i64, scratch_operands = 9 : i64, tpu.core_type = #tpu.core_type<sc_vector_subcore>, window_params = [{transform_indices = #map}, {transform_indices = #map}, {transform_indices = #map}, {transform_indices = #map}]} {
    %mul3A = arith.constant 625 : i32
    %mul3A_0 = arith.muli %arg1, %mul3A : i32
    %mul3A_1 = arith.constant 10000 : i32
    %mul3A_2 = arith.muli %arg0, %mul3A_1 : i32
    %add3A = arith.addi %mul3A_2, %mul3A_0 : i32
    "tpu.region"() ({
      %run_scoped3A = tpu.sem_alloc : memref<!tpu.dma_semaphore, #tpu.memory_space<semaphore_mem>>
      %dma_start3A = arith.constant 0 : i32
      %dma_start3A_15 = tpu.memref_slice %arg10[%mul3A_0, %dma_start3A] : memref<10000x64xf32, #tpu.memory_space<vmem_shared>> -> memref<625x64xf32, #tpu.memory_space<vmem_shared>>
      %dma_start3A_16 = arith.constant 0 : i32
      %dma_start3A_17 = tpu.memref_slice %arg2[%add3A, %dma_start3A_16] : memref<20000x64xf32, #tpu.memory_space<hbm>> -> memref<625x64xf32, #tpu.memory_space<hbm>>
      tpu.enqueue_dma source(%dma_start3A_17 : memref<625x64xf32, #tpu.memory_space<hbm>>) target(%dma_start3A_15 : memref<625x64xf32, #tpu.memory_space<vmem_shared>>) target_semaphore(%run_scoped3A : memref<!tpu.dma_semaphore, #tpu.memory_space<semaphore_mem>>)
      %dma_wait3A = arith.constant 0 : i32
      %dma_wait3A_18 = tpu.memref_slice %arg10[%mul3A_0, %dma_wait3A] : memref<10000x64xf32, #tpu.memory_space<vmem_shared>> -> memref<625x64xf32, #tpu.memory_space<vmem_shared>>
      %dma_wait3A_19 = arith.constant 0 : i32
      %dma_wait3A_20 = tpu.memref_slice %arg2[%add3A, %dma_wait3A_19] : memref<20000x64xf32, #tpu.memory_space<hbm>> -> memref<625x64xf32, #tpu.memory_space<hbm>>
      tpu.wait_dma2 semaphore(%run_scoped3A : memref<!tpu.dma_semaphore, #tpu.memory_space<semaphore_mem>>) src(%dma_wait3A_20 : memref<625x64xf32, #tpu.memory_space<hbm>>) dst(%dma_wait3A_18 : memref<625x64xf32, #tpu.memory_space<vmem_shared>>)
      tpu.yield
    }) : () -> ()
    %mul3A_3 = arith.constant 10000 : i32
    %mul3A_4 = arith.muli %arg0, %mul3A_3 : i32
    %add3A_5 = arith.addi %mul3A_4, %mul3A_0 : i32
    "tpu.region"() ({
      %run_scoped3A = tpu.sem_alloc : memref<!tpu.dma_semaphore, #tpu.memory_space<semaphore_mem>>
      %dma_start3A = arith.constant 0 : i32
      %dma_start3A_15 = tpu.memref_slice %arg11[%mul3A_0, %dma_start3A] : memref<10008x64xf32, #tpu.memory_space<vmem_shared>> -> memref<625x64xf32, #tpu.memory_space<vmem_shared>>
      %dma_start3A_16 = arith.constant 0 : i32
      %dma_start3A_17 = tpu.memref_slice %arg2[%add3A_5, %dma_start3A_16] : memref<20000x64xf32, #tpu.memory_space<hbm>> -> memref<625x64xf32, #tpu.memory_space<hbm>>
      tpu.enqueue_dma source(%dma_start3A_17 : memref<625x64xf32, #tpu.memory_space<hbm>>) target(%dma_start3A_15 : memref<625x64xf32, #tpu.memory_space<vmem_shared>>) target_semaphore(%run_scoped3A : memref<!tpu.dma_semaphore, #tpu.memory_space<semaphore_mem>>)
      %dma_wait3A = arith.constant 0 : i32
      %dma_wait3A_18 = tpu.memref_slice %arg11[%mul3A_0, %dma_wait3A] : memref<10008x64xf32, #tpu.memory_space<vmem_shared>> -> memref<625x64xf32, #tpu.memory_space<vmem_shared>>
      %dma_wait3A_19 = arith.constant 0 : i32
      %dma_wait3A_20 = tpu.memref_slice %arg2[%add3A_5, %dma_wait3A_19] : memref<20000x64xf32, #tpu.memory_space<hbm>> -> memref<625x64xf32, #tpu.memory_space<hbm>>
      tpu.wait_dma2 semaphore(%run_scoped3A : memref<!tpu.dma_semaphore, #tpu.memory_space<semaphore_mem>>) src(%dma_wait3A_20 : memref<625x64xf32, #tpu.memory_space<hbm>>) dst(%dma_wait3A_18 : memref<625x64xf32, #tpu.memory_space<vmem_shared>>)
      tpu.yield
    }) : () -> ()
    %barrier3A = arith.constant 0 : index
    tpu.barrier barrier_id(%barrier3A)
    %scan3A = arith.constant 0 : i32
    %scan3A_6 = arith.constant 0 : i32
    %scan3A_7 = arith.constant 10 : i32
    %scan3A_8 = arith.addi %scan3A_6, %scan3A_7 : i32
    %scan3A_9 = arith.constant 1 : i32
    scf.for %scan3A_15 = %scan3A_6 to %scan3A_8 step %scan3A_9  : i32 {
      %mul3A_16 = arith.constant 2048 : i32
      %mul3A_17 = arith.muli %scan3A_15, %mul3A_16 : i32
      %dma_start3A = tpu.memref_slice %arg3[%arg1, %mul3A_17] : memref<16x20480xi32, #tpu.memory_space<hbm>> -> memref<1x2048xi32, #tpu.memory_space<hbm>>
      %dma_start3A_18 = tpu.memref_squeeze %dma_start3A : memref<1x2048xi32, #tpu.memory_space<hbm>> -> memref<2048xi32, #tpu.memory_space<hbm>>
      %dma_start3A_19 = tpu.memref_slice %arg3[%arg1, %mul3A_17] : memref<16x20480xi32, #tpu.memory_space<hbm>> -> memref<1x2048xi32, #tpu.memory_space<hbm>>
      %dma_start3A_20 = tpu.memref_squeeze %dma_start3A_19 : memref<1x2048xi32, #tpu.memory_space<hbm>> -> memref<2048xi32, #tpu.memory_space<hbm>>
      tpu.enqueue_dma source(%dma_start3A_20 : memref<2048xi32, #tpu.memory_space<hbm>>) target(%arg6 : memref<2048xi32, #tpu.memory_space<vmem>>) target_semaphore(%arg14 : memref<!tpu.dma_semaphore, #tpu.memory_space<semaphore_mem>>)
      %mul3A_21 = arith.constant 2048 : i32
      %mul3A_22 = arith.muli %scan3A_15, %mul3A_21 : i32
      %dma_start3A_23 = tpu.memref_slice %arg4[%arg1, %mul3A_22] : memref<16x20480xi32, #tpu.memory_space<hbm>> -> memref<1x2048xi32, #tpu.memory_space<hbm>>
      %dma_start3A_24 = tpu.memref_squeeze %dma_start3A_23 : memref<1x2048xi32, #tpu.memory_space<hbm>> -> memref<2048xi32, #tpu.memory_space<hbm>>
      %dma_start3A_25 = tpu.memref_slice %arg4[%arg1, %mul3A_22] : memref<16x20480xi32, #tpu.memory_space<hbm>> -> memref<1x2048xi32, #tpu.memory_space<hbm>>
      %dma_start3A_26 = tpu.memref_squeeze %dma_start3A_25 : memref<1x2048xi32, #tpu.memory_space<hbm>> -> memref<2048xi32, #tpu.memory_space<hbm>>
      tpu.enqueue_dma source(%dma_start3A_26 : memref<2048xi32, #tpu.memory_space<hbm>>) target(%arg7 : memref<2048xi32, #tpu.memory_space<vmem>>) target_semaphore(%arg14 : memref<!tpu.dma_semaphore, #tpu.memory_space<semaphore_mem>>)
      %dma_wait3A = tpu.memref_slice %arg3[%arg1, %mul3A_17] : memref<16x20480xi32, #tpu.memory_space<hbm>> -> memref<1x2048xi32, #tpu.memory_space<hbm>>
      %dma_wait3A_27 = tpu.memref_squeeze %dma_wait3A : memref<1x2048xi32, #tpu.memory_space<hbm>> -> memref<2048xi32, #tpu.memory_space<hbm>>
      %dma_wait3A_28 = tpu.memref_slice %arg3[%arg1, %mul3A_17] : memref<16x20480xi32, #tpu.memory_space<hbm>> -> memref<1x2048xi32, #tpu.memory_space<hbm>>
      %dma_wait3A_29 = tpu.memref_squeeze %dma_wait3A_28 : memref<1x2048xi32, #tpu.memory_space<hbm>> -> memref<2048xi32, #tpu.memory_space<hbm>>
      tpu.wait_dma2 semaphore(%arg14 : memref<!tpu.dma_semaphore, #tpu.memory_space<semaphore_mem>>) src(%dma_wait3A_29 : memref<2048xi32, #tpu.memory_space<hbm>>) dst(%arg6 : memref<2048xi32, #tpu.memory_space<vmem>>)
      %dma_wait3A_30 = tpu.memref_slice %arg4[%arg1, %mul3A_22] : memref<16x20480xi32, #tpu.memory_space<hbm>> -> memref<1x2048xi32, #tpu.memory_space<hbm>>
      %dma_wait3A_31 = tpu.memref_squeeze %dma_wait3A_30 : memref<1x2048xi32, #tpu.memory_space<hbm>> -> memref<2048xi32, #tpu.memory_space<hbm>>
      %dma_wait3A_32 = tpu.memref_slice %arg4[%arg1, %mul3A_22] : memref<16x20480xi32, #tpu.memory_space<hbm>> -> memref<1x2048xi32, #tpu.memory_space<hbm>>
      %dma_wait3A_33 = tpu.memref_squeeze %dma_wait3A_32 : memref<1x2048xi32, #tpu.memory_space<hbm>> -> memref<2048xi32, #tpu.memory_space<hbm>>
      tpu.wait_dma2 semaphore(%arg14 : memref<!tpu.dma_semaphore, #tpu.memory_space<semaphore_mem>>) src(%dma_wait3A_33 : memref<2048xi32, #tpu.memory_space<hbm>>) dst(%arg7 : memref<2048xi32, #tpu.memory_space<vmem>>)
      %dma_start3A_34 = arith.constant 0 : i32
      %dma_start3A_35 = tpu.memref_slice %arg6[%dma_start3A_34] : memref<2048xi32, #tpu.memory_space<vmem>> -> memref<256xi32, #tpu.memory_space<vmem>>
      %dma_start3A_36 = arith.constant 0 : i32
      %dma_start3A_37 = arith.constant 0 : i32
      %dma_start3A_38 = tpu.memref_slice %arg10[%dma_start3A_36, %dma_start3A_37] : memref<10000x64xf32, #tpu.memory_space<vmem_shared>> -> memref<10000x64xf32, #tpu.memory_space<vmem_shared>>
      tpu.enqueue_indirect_dma source(%dma_start3A_38 : memref<10000x64xf32, #tpu.memory_space<vmem_shared>>) target(%arg8 : memref<256x64xf32, #tpu.memory_space<vmem>>) offsets(%dma_start3A_35 : memref<256xi32, #tpu.memory_space<vmem>>) semaphore(%arg12 : memref<!tpu.dma_semaphore, #tpu.memory_space<semaphore_mem>>)
      %dma_start3A_39 = arith.constant 256 : i32
      %dma_start3A_40 = tpu.memref_slice %arg6[%dma_start3A_39] : memref<2048xi32, #tpu.memory_space<vmem>> -> memref<256xi32, #tpu.memory_space<vmem>>
      %dma_start3A_41 = arith.constant 0 : i32
      %dma_start3A_42 = arith.constant 0 : i32
      %dma_start3A_43 = tpu.memref_slice %arg10[%dma_start3A_41, %dma_start3A_42] : memref<10000x64xf32, #tpu.memory_space<vmem_shared>> -> memref<10000x64xf32, #tpu.memory_space<vmem_shared>>
      tpu.enqueue_indirect_dma source(%dma_start3A_43 : memref<10000x64xf32, #tpu.memory_space<vmem_shared>>) target(%arg9 : memref<256x64xf32, #tpu.memory_space<vmem>>) offsets(%dma_start3A_40 : memref<256xi32, #tpu.memory_space<vmem>>) semaphore(%arg13 : memref<!tpu.dma_semaphore, #tpu.memory_space<semaphore_mem>>)
      %dma_wait3A_44 = arith.constant 0 : i32
      %dma_wait3A_45 = tpu.memref_slice %arg6[%dma_wait3A_44] : memref<2048xi32, #tpu.memory_space<vmem>> -> memref<256xi32, #tpu.memory_space<vmem>>
      %dma_wait3A_46 = arith.constant 0 : i32
      %dma_wait3A_47 = arith.constant 0 : i32
      %dma_wait3A_48 = tpu.memref_slice %arg10[%dma_wait3A_46, %dma_wait3A_47] : memref<10000x64xf32, #tpu.memory_space<vmem_shared>> -> memref<10000x64xf32, #tpu.memory_space<vmem_shared>>
      tpu.wait_indirect_dma semaphore(%arg12 : memref<!tpu.dma_semaphore, #tpu.memory_space<semaphore_mem>>) src(%dma_wait3A_48 : memref<10000x64xf32, #tpu.memory_space<vmem_shared>>) dst(%arg8 : memref<256x64xf32, #tpu.memory_space<vmem>>)
      "tpu.region"() ({
        %run_scoped3A = tpu.sem_alloc : memref<!tpu.dma_semaphore, #tpu.memory_space<semaphore_mem>>
        %dma_start3A_114 = arith.constant 0 : i32
        %dma_start3A_115 = tpu.memref_slice %arg7[%dma_start3A_114] : memref<2048xi32, #tpu.memory_space<vmem>> -> memref<256xi32, #tpu.memory_space<vmem>>
        %dma_start3A_116 = arith.constant 0 : i32
        %dma_start3A_117 = arith.constant 0 : i32
        %dma_start3A_118 = tpu.memref_slice %arg11[%dma_start3A_116, %dma_start3A_117] : memref<10008x64xf32, #tpu.memory_space<vmem_shared>> -> memref<10008x64xf32, #tpu.memory_space<vmem_shared>>
        tpu.enqueue_indirect_dma source(%arg8 : memref<256x64xf32, #tpu.memory_space<vmem>>) target(%dma_start3A_118 : memref<10008x64xf32, #tpu.memory_space<vmem_shared>>) offsets(%dma_start3A_115 : memref<256xi32, #tpu.memory_space<vmem>>) semaphore(%run_scoped3A : memref<!tpu.dma_semaphore, #tpu.memory_space<semaphore_mem>>) {add = true}
        %dma_wait3A_119 = arith.constant 0 : i32
        %dma_wait3A_120 = tpu.memref_slice %arg7[%dma_wait3A_119] : memref<2048xi32, #tpu.memory_space<vmem>> -> memref<256xi32, #tpu.memory_space<vmem>>
        %dma_wait3A_121 = arith.constant 0 : i32
        %dma_wait3A_122 = arith.constant 0 : i32
        %dma_wait3A_123 = tpu.memref_slice %arg11[%dma_wait3A_121, %dma_wait3A_122] : memref<10008x64xf32, #tpu.memory_space<vmem_shared>> -> memref<10008x64xf32, #tpu.memory_space<vmem_shared>>
        tpu.wait_indirect_dma semaphore(%run_scoped3A : memref<!tpu.dma_semaphore, #tpu.memory_space<semaphore_mem>>) src(%arg8 : memref<256x64xf32, #tpu.memory_space<vmem>>) dst(%dma_wait3A_123 : memref<10008x64xf32, #tpu.memory_space<vmem_shared>>)
        tpu.yield
      }) : () -> ()
      %dma_start3A_49 = arith.constant 512 : i32
      %dma_start3A_50 = tpu.memref_slice %arg6[%dma_start3A_49] : memref<2048xi32, #tpu.memory_space<vmem>> -> memref<256xi32, #tpu.memory_space<vmem>>
      %dma_start3A_51 = arith.constant 0 : i32
      %dma_start3A_52 = arith.constant 0 : i32
      %dma_start3A_53 = tpu.memref_slice %arg10[%dma_start3A_51, %dma_start3A_52] : memref<10000x64xf32, #tpu.memory_space<vmem_shared>> -> memref<10000x64xf32, #tpu.memory_space<vmem_shared>>
      tpu.enqueue_indirect_dma source(%dma_start3A_53 : memref<10000x64xf32, #tpu.memory_space<vmem_shared>>) target(%arg8 : memref<256x64xf32, #tpu.memory_space<vmem>>) offsets(%dma_start3A_50 : memref<256xi32, #tpu.memory_space<vmem>>) semaphore(%arg12 : memref<!tpu.dma_semaphore, #tpu.memory_space<semaphore_mem>>)
      %dma_wait3A_54 = arith.constant 256 : i32
      %dma_wait3A_55 = tpu.memref_slice %arg6[%dma_wait3A_54] : memref<2048xi32, #tpu.memory_space<vmem>> -> memref<256xi32, #tpu.memory_space<vmem>>
      %dma_wait3A_56 = arith.constant 0 : i32
      %dma_wait3A_57 = arith.constant 0 : i32
      %dma_wait3A_58 = tpu.memref_slice %arg10[%dma_wait3A_56, %dma_wait3A_57] : memref<10000x64xf32, #tpu.memory_space<vmem_shared>> -> memref<10000x64xf32, #tpu.memory_space<vmem_shared>>
      tpu.wait_indirect_dma semaphore(%arg13 : memref<!tpu.dma_semaphore, #tpu.memory_space<semaphore_mem>>) src(%dma_wait3A_58 : memref<10000x64xf32, #tpu.memory_space<vmem_shared>>) dst(%arg9 : memref<256x64xf32, #tpu.memory_space<vmem>>)
      "tpu.region"() ({
        %run_scoped3A = tpu.sem_alloc : memref<!tpu.dma_semaphore, #tpu.memory_space<semaphore_mem>>
        %dma_start3A_114 = arith.constant 256 : i32
        %dma_start3A_115 = tpu.memref_slice %arg7[%dma_start3A_114] : memref<2048xi32, #tpu.memory_space<vmem>> -> memref<256xi32, #tpu.memory_space<vmem>>
        %dma_start3A_116 = arith.constant 0 : i32
        %dma_start3A_117 = arith.constant 0 : i32
        %dma_start3A_118 = tpu.memref_slice %arg11[%dma_start3A_116, %dma_start3A_117] : memref<10008x64xf32, #tpu.memory_space<vmem_shared>> -> memref<10008x64xf32, #tpu.memory_space<vmem_shared>>
        tpu.enqueue_indirect_dma source(%arg9 : memref<256x64xf32, #tpu.memory_space<vmem>>) target(%dma_start3A_118 : memref<10008x64xf32, #tpu.memory_space<vmem_shared>>) offsets(%dma_start3A_115 : memref<256xi32, #tpu.memory_space<vmem>>) semaphore(%run_scoped3A : memref<!tpu.dma_semaphore, #tpu.memory_space<semaphore_mem>>) {add = true}
        %dma_wait3A_119 = arith.constant 256 : i32
        %dma_wait3A_120 = tpu.memref_slice %arg7[%dma_wait3A_119] : memref<2048xi32, #tpu.memory_space<vmem>> -> memref<256xi32, #tpu.memory_space<vmem>>
        %dma_wait3A_121 = arith.constant 0 : i32
        %dma_wait3A_122 = arith.constant 0 : i32
        %dma_wait3A_123 = tpu.memref_slice %arg11[%dma_wait3A_121, %dma_wait3A_122] : memref<10008x64xf32, #tpu.memory_space<vmem_shared>> -> memref<10008x64xf32, #tpu.memory_space<vmem_shared>>
        tpu.wait_indirect_dma semaphore(%run_scoped3A : memref<!tpu.dma_semaphore, #tpu.memory_space<semaphore_mem>>) src(%arg9 : memref<256x64xf32, #tpu.memory_space<vmem>>) dst(%dma_wait3A_123 : memref<10008x64xf32, #tpu.memory_space<vmem_shared>>)
        tpu.yield
      }) : () -> ()
      %dma_start3A_59 = arith.constant 768 : i32
      %dma_start3A_60 = tpu.memref_slice %arg6[%dma_start3A_59] : memref<2048xi32, #tpu.memory_space<vmem>> -> memref<256xi32, #tpu.memory_space<vmem>>
      %dma_start3A_61 = arith.constant 0 : i32
      %dma_start3A_62 = arith.constant 0 : i32
      %dma_start3A_63 = tpu.memref_slice %arg10[%dma_start3A_61, %dma_start3A_62] : memref<10000x64xf32, #tpu.memory_space<vmem_shared>> -> memref<10000x64xf32, #tpu.memory_space<vmem_shared>>
      tpu.enqueue_indirect_dma source(%dma_start3A_63 : memref<10000x64xf32, #tpu.memory_space<vmem_shared>>) target(%arg9 : memref<256x64xf32, #tpu.memory_space<vmem>>) offsets(%dma_start3A_60 : memref<256xi32, #tpu.memory_space<vmem>>) semaphore(%arg13 : memref<!tpu.dma_semaphore, #tpu.memory_space<semaphore_mem>>)
      %dma_wait3A_64 = arith.constant 512 : i32
      %dma_wait3A_65 = tpu.memref_slice %arg6[%dma_wait3A_64] : memref<2048xi32, #tpu.memory_space<vmem>> -> memref<256xi32, #tpu.memory_space<vmem>>
      %dma_wait3A_66 = arith.constant 0 : i32
      %dma_wait3A_67 = arith.constant 0 : i32
      %dma_wait3A_68 = tpu.memref_slice %arg10[%dma_wait3A_66, %dma_wait3A_67] : memref<10000x64xf32, #tpu.memory_space<vmem_shared>> -> memref<10000x64xf32, #tpu.memory_space<vmem_shared>>
      tpu.wait_indirect_dma semaphore(%arg12 : memref<!tpu.dma_semaphore, #tpu.memory_space<semaphore_mem>>) src(%dma_wait3A_68 : memref<10000x64xf32, #tpu.memory_space<vmem_shared>>) dst(%arg8 : memref<256x64xf32, #tpu.memory_space<vmem>>)
      "tpu.region"() ({
        %run_scoped3A = tpu.sem_alloc : memref<!tpu.dma_semaphore, #tpu.memory_space<semaphore_mem>>
        %dma_start3A_114 = arith.constant 512 : i32
        %dma_start3A_115 = tpu.memref_slice %arg7[%dma_start3A_114] : memref<2048xi32, #tpu.memory_space<vmem>> -> memref<256xi32, #tpu.memory_space<vmem>>
        %dma_start3A_116 = arith.constant 0 : i32
        %dma_start3A_117 = arith.constant 0 : i32
        %dma_start3A_118 = tpu.memref_slice %arg11[%dma_start3A_116, %dma_start3A_117] : memref<10008x64xf32, #tpu.memory_space<vmem_shared>> -> memref<10008x64xf32, #tpu.memory_space<vmem_shared>>
        tpu.enqueue_indirect_dma source(%arg8 : memref<256x64xf32, #tpu.memory_space<vmem>>) target(%dma_start3A_118 : memref<10008x64xf32, #tpu.memory_space<vmem_shared>>) offsets(%dma_start3A_115 : memref<256xi32, #tpu.memory_space<vmem>>) semaphore(%run_scoped3A : memref<!tpu.dma_semaphore, #tpu.memory_space<semaphore_mem>>) {add = true}
        %dma_wait3A_119 = arith.constant 512 : i32
        %dma_wait3A_120 = tpu.memref_slice %arg7[%dma_wait3A_119] : memref<2048xi32, #tpu.memory_space<vmem>> -> memref<256xi32, #tpu.memory_space<vmem>>
        %dma_wait3A_121 = arith.constant 0 : i32
        %dma_wait3A_122 = arith.constant 0 : i32
        %dma_wait3A_123 = tpu.memref_slice %arg11[%dma_wait3A_121, %dma_wait3A_122] : memref<10008x64xf32, #tpu.memory_space<vmem_shared>> -> memref<10008x64xf32, #tpu.memory_space<vmem_shared>>
        tpu.wait_indirect_dma semaphore(%run_scoped3A : memref<!tpu.dma_semaphore, #tpu.memory_space<semaphore_mem>>) src(%arg8 : memref<256x64xf32, #tpu.memory_space<vmem>>) dst(%dma_wait3A_123 : memref<10008x64xf32, #tpu.memory_space<vmem_shared>>)
        tpu.yield
      }) : () -> ()
      %dma_start3A_69 = arith.constant 1024 : i32
      %dma_start3A_70 = tpu.memref_slice %arg6[%dma_start3A_69] : memref<2048xi32, #tpu.memory_space<vmem>> -> memref<256xi32, #tpu.memory_space<vmem>>
      %dma_start3A_71 = arith.constant 0 : i32
      %dma_start3A_72 = arith.constant 0 : i32
      %dma_start3A_73 = tpu.memref_slice %arg10[%dma_start3A_71, %dma_start3A_72] : memref<10000x64xf32, #tpu.memory_space<vmem_shared>> -> memref<10000x64xf32, #tpu.memory_space<vmem_shared>>
      tpu.enqueue_indirect_dma source(%dma_start3A_73 : memref<10000x64xf32, #tpu.memory_space<vmem_shared>>) target(%arg8 : memref<256x64xf32, #tpu.memory_space<vmem>>) offsets(%dma_start3A_70 : memref<256xi32, #tpu.memory_space<vmem>>) semaphore(%arg12 : memref<!tpu.dma_semaphore, #tpu.memory_space<semaphore_mem>>)
      %dma_wait3A_74 = arith.constant 768 : i32
      %dma_wait3A_75 = tpu.memref_slice %arg6[%dma_wait3A_74] : memref<2048xi32, #tpu.memory_space<vmem>> -> memref<256xi32, #tpu.memory_space<vmem>>
      %dma_wait3A_76 = arith.constant 0 : i32
      %dma_wait3A_77 = arith.constant 0 : i32
      %dma_wait3A_78 = tpu.memref_slice %arg10[%dma_wait3A_76, %dma_wait3A_77] : memref<10000x64xf32, #tpu.memory_space<vmem_shared>> -> memref<10000x64xf32, #tpu.memory_space<vmem_shared>>
      tpu.wait_indirect_dma semaphore(%arg13 : memref<!tpu.dma_semaphore, #tpu.memory_space<semaphore_mem>>) src(%dma_wait3A_78 : memref<10000x64xf32, #tpu.memory_space<vmem_shared>>) dst(%arg9 : memref<256x64xf32, #tpu.memory_space<vmem>>)
      "tpu.region"() ({
        %run_scoped3A = tpu.sem_alloc : memref<!tpu.dma_semaphore, #tpu.memory_space<semaphore_mem>>
        %dma_start3A_114 = arith.constant 768 : i32
        %dma_start3A_115 = tpu.memref_slice %arg7[%dma_start3A_114] : memref<2048xi32, #tpu.memory_space<vmem>> -> memref<256xi32, #tpu.memory_space<vmem>>
        %dma_start3A_116 = arith.constant 0 : i32
        %dma_start3A_117 = arith.constant 0 : i32
        %dma_start3A_118 = tpu.memref_slice %arg11[%dma_start3A_116, %dma_start3A_117] : memref<10008x64xf32, #tpu.memory_space<vmem_shared>> -> memref<10008x64xf32, #tpu.memory_space<vmem_shared>>
        tpu.enqueue_indirect_dma source(%arg9 : memref<256x64xf32, #tpu.memory_space<vmem>>) target(%dma_start3A_118 : memref<10008x64xf32, #tpu.memory_space<vmem_shared>>) offsets(%dma_start3A_115 : memref<256xi32, #tpu.memory_space<vmem>>) semaphore(%run_scoped3A : memref<!tpu.dma_semaphore, #tpu.memory_space<semaphore_mem>>) {add = true}
        %dma_wait3A_119 = arith.constant 768 : i32
        %dma_wait3A_120 = tpu.memref_slice %arg7[%dma_wait3A_119] : memref<2048xi32, #tpu.memory_space<vmem>> -> memref<256xi32, #tpu.memory_space<vmem>>
        %dma_wait3A_121 = arith.constant 0 : i32
        %dma_wait3A_122 = arith.constant 0 : i32
        %dma_wait3A_123 = tpu.memref_slice %arg11[%dma_wait3A_121, %dma_wait3A_122] : memref<10008x64xf32, #tpu.memory_space<vmem_shared>> -> memref<10008x64xf32, #tpu.memory_space<vmem_shared>>
        tpu.wait_indirect_dma semaphore(%run_scoped3A : memref<!tpu.dma_semaphore, #tpu.memory_space<semaphore_mem>>) src(%arg9 : memref<256x64xf32, #tpu.memory_space<vmem>>) dst(%dma_wait3A_123 : memref<10008x64xf32, #tpu.memory_space<vmem_shared>>)
        tpu.yield
      }) : () -> ()
      %dma_start3A_79 = arith.constant 1280 : i32
      %dma_start3A_80 = tpu.memref_slice %arg6[%dma_start3A_79] : memref<2048xi32, #tpu.memory_space<vmem>> -> memref<256xi32, #tpu.memory_space<vmem>>
      %dma_start3A_81 = arith.constant 0 : i32
      %dma_start3A_82 = arith.constant 0 : i32
      %dma_start3A_83 = tpu.memref_slice %arg10[%dma_start3A_81, %dma_start3A_82] : memref<10000x64xf32, #tpu.memory_space<vmem_shared>> -> memref<10000x64xf32, #tpu.memory_space<vmem_shared>>
      tpu.enqueue_indirect_dma source(%dma_start3A_83 : memref<10000x64xf32, #tpu.memory_space<vmem_shared>>) target(%arg9 : memref<256x64xf32, #tpu.memory_space<vmem>>) offsets(%dma_start3A_80 : memref<256xi32, #tpu.memory_space<vmem>>) semaphore(%arg13 : memref<!tpu.dma_semaphore, #tpu.memory_space<semaphore_mem>>)
      %dma_wait3A_84 = arith.constant 1024 : i32
      %dma_wait3A_85 = tpu.memref_slice %arg6[%dma_wait3A_84] : memref<2048xi32, #tpu.memory_space<vmem>> -> memref<256xi32, #tpu.memory_space<vmem>>
      %dma_wait3A_86 = arith.constant 0 : i32
      %dma_wait3A_87 = arith.constant 0 : i32
      %dma_wait3A_88 = tpu.memref_slice %arg10[%dma_wait3A_86, %dma_wait3A_87] : memref<10000x64xf32, #tpu.memory_space<vmem_shared>> -> memref<10000x64xf32, #tpu.memory_space<vmem_shared>>
      tpu.wait_indirect_dma semaphore(%arg12 : memref<!tpu.dma_semaphore, #tpu.memory_space<semaphore_mem>>) src(%dma_wait3A_88 : memref<10000x64xf32, #tpu.memory_space<vmem_shared>>) dst(%arg8 : memref<256x64xf32, #tpu.memory_space<vmem>>)
      "tpu.region"() ({
        %run_scoped3A = tpu.sem_alloc : memref<!tpu.dma_semaphore, #tpu.memory_space<semaphore_mem>>
        %dma_start3A_114 = arith.constant 1024 : i32
        %dma_start3A_115 = tpu.memref_slice %arg7[%dma_start3A_114] : memref<2048xi32, #tpu.memory_space<vmem>> -> memref<256xi32, #tpu.memory_space<vmem>>
        %dma_start3A_116 = arith.constant 0 : i32
        %dma_start3A_117 = arith.constant 0 : i32
        %dma_start3A_118 = tpu.memref_slice %arg11[%dma_start3A_116, %dma_start3A_117] : memref<10008x64xf32, #tpu.memory_space<vmem_shared>> -> memref<10008x64xf32, #tpu.memory_space<vmem_shared>>
        tpu.enqueue_indirect_dma source(%arg8 : memref<256x64xf32, #tpu.memory_space<vmem>>) target(%dma_start3A_118 : memref<10008x64xf32, #tpu.memory_space<vmem_shared>>) offsets(%dma_start3A_115 : memref<256xi32, #tpu.memory_space<vmem>>) semaphore(%run_scoped3A : memref<!tpu.dma_semaphore, #tpu.memory_space<semaphore_mem>>) {add = true}
        %dma_wait3A_119 = arith.constant 1024 : i32
        %dma_wait3A_120 = tpu.memref_slice %arg7[%dma_wait3A_119] : memref<2048xi32, #tpu.memory_space<vmem>> -> memref<256xi32, #tpu.memory_space<vmem>>
        %dma_wait3A_121 = arith.constant 0 : i32
        %dma_wait3A_122 = arith.constant 0 : i32
        %dma_wait3A_123 = tpu.memref_slice %arg11[%dma_wait3A_121, %dma_wait3A_122] : memref<10008x64xf32, #tpu.memory_space<vmem_shared>> -> memref<10008x64xf32, #tpu.memory_space<vmem_shared>>
        tpu.wait_indirect_dma semaphore(%run_scoped3A : memref<!tpu.dma_semaphore, #tpu.memory_space<semaphore_mem>>) src(%arg8 : memref<256x64xf32, #tpu.memory_space<vmem>>) dst(%dma_wait3A_123 : memref<10008x64xf32, #tpu.memory_space<vmem_shared>>)
        tpu.yield
      }) : () -> ()
      %dma_start3A_89 = arith.constant 1536 : i32
      %dma_start3A_90 = tpu.memref_slice %arg6[%dma_start3A_89] : memref<2048xi32, #tpu.memory_space<vmem>> -> memref<256xi32, #tpu.memory_space<vmem>>
      %dma_start3A_91 = arith.constant 0 : i32
      %dma_start3A_92 = arith.constant 0 : i32
      %dma_start3A_93 = tpu.memref_slice %arg10[%dma_start3A_91, %dma_start3A_92] : memref<10000x64xf32, #tpu.memory_space<vmem_shared>> -> memref<10000x64xf32, #tpu.memory_space<vmem_shared>>
      tpu.enqueue_indirect_dma source(%dma_start3A_93 : memref<10000x64xf32, #tpu.memory_space<vmem_shared>>) target(%arg8 : memref<256x64xf32, #tpu.memory_space<vmem>>) offsets(%dma_start3A_90 : memref<256xi32, #tpu.memory_space<vmem>>) semaphore(%arg12 : memref<!tpu.dma_semaphore, #tpu.memory_space<semaphore_mem>>)
      %dma_wait3A_94 = arith.constant 1280 : i32
      %dma_wait3A_95 = tpu.memref_slice %arg6[%dma_wait3A_94] : memref<2048xi32, #tpu.memory_space<vmem>> -> memref<256xi32, #tpu.memory_space<vmem>>
      %dma_wait3A_96 = arith.constant 0 : i32
      %dma_wait3A_97 = arith.constant 0 : i32
      %dma_wait3A_98 = tpu.memref_slice %arg10[%dma_wait3A_96, %dma_wait3A_97] : memref<10000x64xf32, #tpu.memory_space<vmem_shared>> -> memref<10000x64xf32, #tpu.memory_space<vmem_shared>>
      tpu.wait_indirect_dma semaphore(%arg13 : memref<!tpu.dma_semaphore, #tpu.memory_space<semaphore_mem>>) src(%dma_wait3A_98 : memref<10000x64xf32, #tpu.memory_space<vmem_shared>>) dst(%arg9 : memref<256x64xf32, #tpu.memory_space<vmem>>)
      "tpu.region"() ({
        %run_scoped3A = tpu.sem_alloc : memref<!tpu.dma_semaphore, #tpu.memory_space<semaphore_mem>>
        %dma_start3A_114 = arith.constant 1280 : i32
        %dma_start3A_115 = tpu.memref_slice %arg7[%dma_start3A_114] : memref<2048xi32, #tpu.memory_space<vmem>> -> memref<256xi32, #tpu.memory_space<vmem>>
        %dma_start3A_116 = arith.constant 0 : i32
        %dma_start3A_117 = arith.constant 0 : i32
        %dma_start3A_118 = tpu.memref_slice %arg11[%dma_start3A_116, %dma_start3A_117] : memref<10008x64xf32, #tpu.memory_space<vmem_shared>> -> memref<10008x64xf32, #tpu.memory_space<vmem_shared>>
        tpu.enqueue_indirect_dma source(%arg9 : memref<256x64xf32, #tpu.memory_space<vmem>>) target(%dma_start3A_118 : memref<10008x64xf32, #tpu.memory_space<vmem_shared>>) offsets(%dma_start3A_115 : memref<256xi32, #tpu.memory_space<vmem>>) semaphore(%run_scoped3A : memref<!tpu.dma_semaphore, #tpu.memory_space<semaphore_mem>>) {add = true}
        %dma_wait3A_119 = arith.constant 1280 : i32
        %dma_wait3A_120 = tpu.memref_slice %arg7[%dma_wait3A_119] : memref<2048xi32, #tpu.memory_space<vmem>> -> memref<256xi32, #tpu.memory_space<vmem>>
        %dma_wait3A_121 = arith.constant 0 : i32
        %dma_wait3A_122 = arith.constant 0 : i32
        %dma_wait3A_123 = tpu.memref_slice %arg11[%dma_wait3A_121, %dma_wait3A_122] : memref<10008x64xf32, #tpu.memory_space<vmem_shared>> -> memref<10008x64xf32, #tpu.memory_space<vmem_shared>>
        tpu.wait_indirect_dma semaphore(%run_scoped3A : memref<!tpu.dma_semaphore, #tpu.memory_space<semaphore_mem>>) src(%arg9 : memref<256x64xf32, #tpu.memory_space<vmem>>) dst(%dma_wait3A_123 : memref<10008x64xf32, #tpu.memory_space<vmem_shared>>)
        tpu.yield
      }) : () -> ()
      %dma_start3A_99 = arith.constant 1792 : i32
      %dma_start3A_100 = tpu.memref_slice %arg6[%dma_start3A_99] : memref<2048xi32, #tpu.memory_space<vmem>> -> memref<256xi32, #tpu.memory_space<vmem>>
      %dma_start3A_101 = arith.constant 0 : i32
      %dma_start3A_102 = arith.constant 0 : i32
      %dma_start3A_103 = tpu.memref_slice %arg10[%dma_start3A_101, %dma_start3A_102] : memref<10000x64xf32, #tpu.memory_space<vmem_shared>> -> memref<10000x64xf32, #tpu.memory_space<vmem_shared>>
      tpu.enqueue_indirect_dma source(%dma_start3A_103 : memref<10000x64xf32, #tpu.memory_space<vmem_shared>>) target(%arg9 : memref<256x64xf32, #tpu.memory_space<vmem>>) offsets(%dma_start3A_100 : memref<256xi32, #tpu.memory_space<vmem>>) semaphore(%arg13 : memref<!tpu.dma_semaphore, #tpu.memory_space<semaphore_mem>>)
      %dma_wait3A_104 = arith.constant 1536 : i32
      %dma_wait3A_105 = tpu.memref_slice %arg6[%dma_wait3A_104] : memref<2048xi32, #tpu.memory_space<vmem>> -> memref<256xi32, #tpu.memory_space<vmem>>
      %dma_wait3A_106 = arith.constant 0 : i32
      %dma_wait3A_107 = arith.constant 0 : i32
      %dma_wait3A_108 = tpu.memref_slice %arg10[%dma_wait3A_106, %dma_wait3A_107] : memref<10000x64xf32, #tpu.memory_space<vmem_shared>> -> memref<10000x64xf32, #tpu.memory_space<vmem_shared>>
      tpu.wait_indirect_dma semaphore(%arg12 : memref<!tpu.dma_semaphore, #tpu.memory_space<semaphore_mem>>) src(%dma_wait3A_108 : memref<10000x64xf32, #tpu.memory_space<vmem_shared>>) dst(%arg8 : memref<256x64xf32, #tpu.memory_space<vmem>>)
      "tpu.region"() ({
        %run_scoped3A = tpu.sem_alloc : memref<!tpu.dma_semaphore, #tpu.memory_space<semaphore_mem>>
        %dma_start3A_114 = arith.constant 1536 : i32
        %dma_start3A_115 = tpu.memref_slice %arg7[%dma_start3A_114] : memref<2048xi32, #tpu.memory_space<vmem>> -> memref<256xi32, #tpu.memory_space<vmem>>
        %dma_start3A_116 = arith.constant 0 : i32
        %dma_start3A_117 = arith.constant 0 : i32
        %dma_start3A_118 = tpu.memref_slice %arg11[%dma_start3A_116, %dma_start3A_117] : memref<10008x64xf32, #tpu.memory_space<vmem_shared>> -> memref<10008x64xf32, #tpu.memory_space<vmem_shared>>
        tpu.enqueue_indirect_dma source(%arg8 : memref<256x64xf32, #tpu.memory_space<vmem>>) target(%dma_start3A_118 : memref<10008x64xf32, #tpu.memory_space<vmem_shared>>) offsets(%dma_start3A_115 : memref<256xi32, #tpu.memory_space<vmem>>) semaphore(%run_scoped3A : memref<!tpu.dma_semaphore, #tpu.memory_space<semaphore_mem>>) {add = true}
        %dma_wait3A_119 = arith.constant 1536 : i32
        %dma_wait3A_120 = tpu.memref_slice %arg7[%dma_wait3A_119] : memref<2048xi32, #tpu.memory_space<vmem>> -> memref<256xi32, #tpu.memory_space<vmem>>
        %dma_wait3A_121 = arith.constant 0 : i32
        %dma_wait3A_122 = arith.constant 0 : i32
        %dma_wait3A_123 = tpu.memref_slice %arg11[%dma_wait3A_121, %dma_wait3A_122] : memref<10008x64xf32, #tpu.memory_space<vmem_shared>> -> memref<10008x64xf32, #tpu.memory_space<vmem_shared>>
        tpu.wait_indirect_dma semaphore(%run_scoped3A : memref<!tpu.dma_semaphore, #tpu.memory_space<semaphore_mem>>) src(%arg8 : memref<256x64xf32, #tpu.memory_space<vmem>>) dst(%dma_wait3A_123 : memref<10008x64xf32, #tpu.memory_space<vmem_shared>>)
        tpu.yield
      }) : () -> ()
      %dma_wait3A_109 = arith.constant 1792 : i32
      %dma_wait3A_110 = tpu.memref_slice %arg6[%dma_wait3A_109] : memref<2048xi32, #tpu.memory_space<vmem>> -> memref<256xi32, #tpu.memory_space<vmem>>
      %dma_wait3A_111 = arith.constant 0 : i32
      %dma_wait3A_112 = arith.constant 0 : i32
      %dma_wait3A_113 = tpu.memref_slice %arg10[%dma_wait3A_111, %dma_wait3A_112] : memref<10000x64xf32, #tpu.memory_space<vmem_shared>> -> memref<10000x64xf32, #tpu.memory_space<vmem_shared>>
      tpu.wait_indirect_dma semaphore(%arg13 : memref<!tpu.dma_semaphore, #tpu.memory_space<semaphore_mem>>) src(%dma_wait3A_113 : memref<10000x64xf32, #tpu.memory_space<vmem_shared>>) dst(%arg9 : memref<256x64xf32, #tpu.memory_space<vmem>>)
      "tpu.region"() ({
        %run_scoped3A = tpu.sem_alloc : memref<!tpu.dma_semaphore, #tpu.memory_space<semaphore_mem>>
        %dma_start3A_114 = arith.constant 1792 : i32
        %dma_start3A_115 = tpu.memref_slice %arg7[%dma_start3A_114] : memref<2048xi32, #tpu.memory_space<vmem>> -> memref<256xi32, #tpu.memory_space<vmem>>
        %dma_start3A_116 = arith.constant 0 : i32
        %dma_start3A_117 = arith.constant 0 : i32
        %dma_start3A_118 = tpu.memref_slice %arg11[%dma_start3A_116, %dma_start3A_117] : memref<10008x64xf32, #tpu.memory_space<vmem_shared>> -> memref<10008x64xf32, #tpu.memory_space<vmem_shared>>
        tpu.enqueue_indirect_dma source(%arg9 : memref<256x64xf32, #tpu.memory_space<vmem>>) target(%dma_start3A_118 : memref<10008x64xf32, #tpu.memory_space<vmem_shared>>) offsets(%dma_start3A_115 : memref<256xi32, #tpu.memory_space<vmem>>) semaphore(%run_scoped3A : memref<!tpu.dma_semaphore, #tpu.memory_space<semaphore_mem>>) {add = true}
        %dma_wait3A_119 = arith.constant 1792 : i32
        %dma_wait3A_120 = tpu.memref_slice %arg7[%dma_wait3A_119] : memref<2048xi32, #tpu.memory_space<vmem>> -> memref<256xi32, #tpu.memory_space<vmem>>
        %dma_wait3A_121 = arith.constant 0 : i32
        %dma_wait3A_122 = arith.constant 0 : i32
        %dma_wait3A_123 = tpu.memref_slice %arg11[%dma_wait3A_121, %dma_wait3A_122] : memref<10008x64xf32, #tpu.memory_space<vmem_shared>> -> memref<10008x64xf32, #tpu.memory_space<vmem_shared>>
        tpu.wait_indirect_dma semaphore(%run_scoped3A : memref<!tpu.dma_semaphore, #tpu.memory_space<semaphore_mem>>) src(%arg9 : memref<256x64xf32, #tpu.memory_space<vmem>>) dst(%dma_wait3A_123 : memref<10008x64xf32, #tpu.memory_space<vmem_shared>>)
        tpu.yield
      }) : () -> ()
    }
    %scan3A_10 = arith.constant 10 : i32
    %barrier3A_11 = arith.constant 0 : index
    tpu.barrier barrier_id(%barrier3A_11)
    %mul3A_12 = arith.constant 10000 : i32
    %mul3A_13 = arith.muli %arg0, %mul3A_12 : i32
    %add3A_14 = arith.addi %mul3A_13, %mul3A_0 : i32
    "tpu.region"() ({
      %run_scoped3A = tpu.sem_alloc : memref<!tpu.dma_semaphore, #tpu.memory_space<semaphore_mem>>
      %dma_start3A = arith.constant 0 : i32
      %dma_start3A_15 = tpu.memref_slice %arg5[%add3A_14, %dma_start3A] : memref<20000x64xf32, #tpu.memory_space<hbm>> -> memref<625x64xf32, #tpu.memory_space<hbm>>
      %dma_start3A_16 = arith.constant 0 : i32
      %dma_start3A_17 = tpu.memref_slice %arg11[%mul3A_0, %dma_start3A_16] : memref<10008x64xf32, #tpu.memory_space<vmem_shared>> -> memref<625x64xf32, #tpu.memory_space<vmem_shared>>
      tpu.enqueue_dma source(%dma_start3A_17 : memref<625x64xf32, #tpu.memory_space<vmem_shared>>) target(%dma_start3A_15 : memref<625x64xf32, #tpu.memory_space<hbm>>) target_semaphore(%run_scoped3A : memref<!tpu.dma_semaphore, #tpu.memory_space<semaphore_mem>>)
      %dma_wait3A = arith.constant 0 : i32
      %dma_wait3A_18 = tpu.memref_slice %arg5[%add3A_14, %dma_wait3A] : memref<20000x64xf32, #tpu.memory_space<hbm>> -> memref<625x64xf32, #tpu.memory_space<hbm>>
      %dma_wait3A_19 = arith.constant 0 : i32
      %dma_wait3A_20 = tpu.memref_slice %arg11[%mul3A_0, %dma_wait3A_19] : memref<10008x64xf32, #tpu.memory_space<vmem_shared>> -> memref<625x64xf32, #tpu.memory_space<vmem_shared>>
      tpu.wait_dma2 semaphore(%run_scoped3A : memref<!tpu.dma_semaphore, #tpu.memory_space<semaphore_mem>>) src(%dma_wait3A_20 : memref<625x64xf32, #tpu.memory_space<vmem_shared>>) dst(%dma_wait3A_18 : memref<625x64xf32, #tpu.memory_space<hbm>>)
      tpu.yield
    }) : () -> ()
    return
  }
}

#map = affine_map<(d0, d1) -> (0, 0)>
module attributes {stable_mosaic.version = 14 : i64} {
  func.func @_message_pass(%arg0: i32, %arg1: i32, %arg2: memref<20000x64xf32, #tpu.memory_space<hbm>>, %arg3: memref<16x20480xi32, #tpu.memory_space<hbm>>, %arg4: memref<16x20480xi32, #tpu.memory_space<hbm>>, %arg5: memref<20000x64xf32, #tpu.memory_space<hbm>>, %arg6: memref<2048xi32, #tpu.memory_space<vmem>>, %arg7: memref<2048xi32, #tpu.memory_space<vmem>>, %arg8: memref<256x64xf32, #tpu.memory_space<vmem>>, %arg9: memref<256x64xf32, #tpu.memory_space<vmem>>, %arg10: memref<10000x64xf32, #tpu.memory_space<vmem_shared>>, %arg11: memref<10008x64xf32, #tpu.memory_space<vmem_shared>>, %arg12: memref<!tpu.dma_semaphore, #tpu.memory_space<semaphore_mem>>, %arg13: memref<!tpu.dma_semaphore, #tpu.memory_space<semaphore_mem>>, %arg14: memref<!tpu.dma_semaphore, #tpu.memory_space<semaphore_mem>>) attributes {dimension_semantics = [#tpu.dimension_semantics<core_parallel>, #tpu.dimension_semantics<subcore_parallel>], iteration_bounds = array<i64: 2, 16>, scalar_prefetch = 0 : i64, scratch_operands = 9 : i64, tpu.core_type = #tpu.core_type<sc_vector_subcore>, window_params = [{transform_indices = #map}, {transform_indices = #map}, {transform_indices = #map}, {transform_indices = #map}]} {
    %mul3A = arith.constant 625 : i32
    %mul3A_0 = arith.muli %arg1, %mul3A : i32
    %mul3A_1 = arith.constant 10000 : i32
    %mul3A_2 = arith.muli %arg0, %mul3A_1 : i32
    %add3A = arith.addi %mul3A_2, %mul3A_0 : i32
    "tpu.region"() ({
      %run_scoped3A = tpu.sem_alloc : memref<!tpu.dma_semaphore, #tpu.memory_space<semaphore_mem>>
      %dma_start3A = arith.constant 0 : i32
      %dma_start3A_15 = tpu.memref_slice %arg10[%mul3A_0, %dma_start3A] : memref<10000x64xf32, #tpu.memory_space<vmem_shared>> -> memref<625x64xf32, #tpu.memory_space<vmem_shared>>
      %dma_start3A_16 = arith.constant 0 : i32
      %dma_start3A_17 = tpu.memref_slice %arg2[%add3A, %dma_start3A_16] : memref<20000x64xf32, #tpu.memory_space<hbm>> -> memref<625x64xf32, #tpu.memory_space<hbm>>
      tpu.enqueue_dma source(%dma_start3A_17 : memref<625x64xf32, #tpu.memory_space<hbm>>) target(%dma_start3A_15 : memref<625x64xf32, #tpu.memory_space<vmem_shared>>) target_semaphore(%run_scoped3A : memref<!tpu.dma_semaphore, #tpu.memory_space<semaphore_mem>>)
      %dma_wait3A = arith.constant 0 : i32
      %dma_wait3A_18 = tpu.memref_slice %arg10[%mul3A_0, %dma_wait3A] : memref<10000x64xf32, #tpu.memory_space<vmem_shared>> -> memref<625x64xf32, #tpu.memory_space<vmem_shared>>
      %dma_wait3A_19 = arith.constant 0 : i32
      %dma_wait3A_20 = tpu.memref_slice %arg2[%add3A, %dma_wait3A_19] : memref<20000x64xf32, #tpu.memory_space<hbm>> -> memref<625x64xf32, #tpu.memory_space<hbm>>
      tpu.wait_dma2 semaphore(%run_scoped3A : memref<!tpu.dma_semaphore, #tpu.memory_space<semaphore_mem>>) src(%dma_wait3A_20 : memref<625x64xf32, #tpu.memory_space<hbm>>) dst(%dma_wait3A_18 : memref<625x64xf32, #tpu.memory_space<vmem_shared>>)
      tpu.yield
    }) : () -> ()
    %mul3A_3 = arith.constant 10000 : i32
    %mul3A_4 = arith.muli %arg0, %mul3A_3 : i32
    %add3A_5 = arith.addi %mul3A_4, %mul3A_0 : i32
    "tpu.region"() ({
      %run_scoped3A = tpu.sem_alloc : memref<!tpu.dma_semaphore, #tpu.memory_space<semaphore_mem>>
      %dma_start3A = arith.constant 0 : i32
      %dma_start3A_15 = tpu.memref_slice %arg11[%mul3A_0, %dma_start3A] : memref<10008x64xf32, #tpu.memory_space<vmem_shared>> -> memref<625x64xf32, #tpu.memory_space<vmem_shared>>
      %dma_start3A_16 = arith.constant 0 : i32
      %dma_start3A_17 = tpu.memref_slice %arg2[%add3A_5, %dma_start3A_16] : memref<20000x64xf32, #tpu.memory_space<hbm>> -> memref<625x64xf32, #tpu.memory_space<hbm>>
      tpu.enqueue_dma source(%dma_start3A_17 : memref<625x64xf32, #tpu.memory_space<hbm>>) target(%dma_start3A_15 : memref<625x64xf32, #tpu.memory_space<vmem_shared>>) target_semaphore(%run_scoped3A : memref<!tpu.dma_semaphore, #tpu.memory_space<semaphore_mem>>)
      %dma_wait3A = arith.constant 0 : i32
      %dma_wait3A_18 = tpu.memref_slice %arg11[%mul3A_0, %dma_wait3A] : memref<10008x64xf32, #tpu.memory_space<vmem_shared>> -> memref<625x64xf32, #tpu.memory_space<vmem_shared>>
      %dma_wait3A_19 = arith.constant 0 : i32
      %dma_wait3A_20 = tpu.memref_slice %arg2[%add3A_5, %dma_wait3A_19] : memref<20000x64xf32, #tpu.memory_space<hbm>> -> memref<625x64xf32, #tpu.memory_space<hbm>>
      tpu.wait_dma2 semaphore(%run_scoped3A : memref<!tpu.dma_semaphore, #tpu.memory_space<semaphore_mem>>) src(%dma_wait3A_20 : memref<625x64xf32, #tpu.memory_space<hbm>>) dst(%dma_wait3A_18 : memref<625x64xf32, #tpu.memory_space<vmem_shared>>)
      tpu.yield
    }) : () -> ()
    %barrier3A = arith.constant 0 : index
    tpu.barrier barrier_id(%barrier3A)
    %scan3A = arith.constant 0 : i32
    %scan3A_6 = arith.constant 0 : i32
    %scan3A_7 = arith.constant 10 : i32
    %scan3A_8 = arith.addi %scan3A_6, %scan3A_7 : i32
    %scan3A_9 = arith.constant 1 : i32
    scf.for %scan3A_15 = %scan3A_6 to %scan3A_8 step %scan3A_9  : i32 {
      %mul3A_16 = arith.constant 2048 : i32
      %mul3A_17 = arith.muli %scan3A_15, %mul3A_16 : i32
      %dma_start3A = tpu.memref_slice %arg3[%arg1, %mul3A_17] : memref<16x20480xi32, #tpu.memory_space<hbm>> -> memref<1x2048xi32, #tpu.memory_space<hbm>>
      %dma_start3A_18 = tpu.memref_squeeze %dma_start3A : memref<1x2048xi32, #tpu.memory_space<hbm>> -> memref<2048xi32, #tpu.memory_space<hbm>>
      %dma_start3A_19 = tpu.memref_slice %arg3[%arg1, %mul3A_17] : memref<16x20480xi32, #tpu.memory_space<hbm>> -> memref<1x2048xi32, #tpu.memory_space<hbm>>
      %dma_start3A_20 = tpu.memref_squeeze %dma_start3A_19 : memref<1x2048xi32, #tpu.memory_space<hbm>> -> memref<2048xi32, #tpu.memory_space<hbm>>
      tpu.enqueue_dma source(%dma_start3A_20 : memref<2048xi32, #tpu.memory_space<hbm>>) target(%arg6 : memref<2048xi32, #tpu.memory_space<vmem>>) target_semaphore(%arg14 : memref<!tpu.dma_semaphore, #tpu.memory_space<semaphore_mem>>)
      %mul3A_21 = arith.constant 2048 : i32
      %mul3A_22 = arith.muli %scan3A_15, %mul3A_21 : i32
      %dma_start3A_23 = tpu.memref_slice %arg4[%arg1, %mul3A_22] : memref<16x20480xi32, #tpu.memory_space<hbm>> -> memref<1x2048xi32, #tpu.memory_space<hbm>>
      %dma_start3A_24 = tpu.memref_squeeze %dma_start3A_23 : memref<1x2048xi32, #tpu.memory_space<hbm>> -> memref<2048xi32, #tpu.memory_space<hbm>>
      %dma_start3A_25 = tpu.memref_slice %arg4[%arg1, %mul3A_22] : memref<16x20480xi32, #tpu.memory_space<hbm>> -> memref<1x2048xi32, #tpu.memory_space<hbm>>
      %dma_start3A_26 = tpu.memref_squeeze %dma_start3A_25 : memref<1x2048xi32, #tpu.memory_space<hbm>> -> memref<2048xi32, #tpu.memory_space<hbm>>
      tpu.enqueue_dma source(%dma_start3A_26 : memref<2048xi32, #tpu.memory_space<hbm>>) target(%arg7 : memref<2048xi32, #tpu.memory_space<vmem>>) target_semaphore(%arg14 : memref<!tpu.dma_semaphore, #tpu.memory_space<semaphore_mem>>)
      %dma_wait3A = tpu.memref_slice %arg3[%arg1, %mul3A_17] : memref<16x20480xi32, #tpu.memory_space<hbm>> -> memref<1x2048xi32, #tpu.memory_space<hbm>>
      %dma_wait3A_27 = tpu.memref_squeeze %dma_wait3A : memref<1x2048xi32, #tpu.memory_space<hbm>> -> memref<2048xi32, #tpu.memory_space<hbm>>
      %dma_wait3A_28 = tpu.memref_slice %arg3[%arg1, %mul3A_17] : memref<16x20480xi32, #tpu.memory_space<hbm>> -> memref<1x2048xi32, #tpu.memory_space<hbm>>
      %dma_wait3A_29 = tpu.memref_squeeze %dma_wait3A_28 : memref<1x2048xi32, #tpu.memory_space<hbm>> -> memref<2048xi32, #tpu.memory_space<hbm>>
      tpu.wait_dma2 semaphore(%arg14 : memref<!tpu.dma_semaphore, #tpu.memory_space<semaphore_mem>>) src(%dma_wait3A_29 : memref<2048xi32, #tpu.memory_space<hbm>>) dst(%arg6 : memref<2048xi32, #tpu.memory_space<vmem>>)
      %dma_wait3A_30 = tpu.memref_slice %arg4[%arg1, %mul3A_22] : memref<16x20480xi32, #tpu.memory_space<hbm>> -> memref<1x2048xi32, #tpu.memory_space<hbm>>
      %dma_wait3A_31 = tpu.memref_squeeze %dma_wait3A_30 : memref<1x2048xi32, #tpu.memory_space<hbm>> -> memref<2048xi32, #tpu.memory_space<hbm>>
      %dma_wait3A_32 = tpu.memref_slice %arg4[%arg1, %mul3A_22] : memref<16x20480xi32, #tpu.memory_space<hbm>> -> memref<1x2048xi32, #tpu.memory_space<hbm>>
      %dma_wait3A_33 = tpu.memref_squeeze %dma_wait3A_32 : memref<1x2048xi32, #tpu.memory_space<hbm>> -> memref<2048xi32, #tpu.memory_space<hbm>>
      tpu.wait_dma2 semaphore(%arg14 : memref<!tpu.dma_semaphore, #tpu.memory_space<semaphore_mem>>) src(%dma_wait3A_33 : memref<2048xi32, #tpu.memory_space<hbm>>) dst(%arg7 : memref<2048xi32, #tpu.memory_space<vmem>>)
      %dma_start3A_34 = arith.constant 0 : i32
      %dma_start3A_35 = tpu.memref_slice %arg6[%dma_start3A_34] : memref<2048xi32, #tpu.memory_space<vmem>> -> memref<256xi32, #tpu.memory_space<vmem>>
      %dma_start3A_36 = arith.constant 0 : i32
      %dma_start3A_37 = arith.constant 0 : i32
      %dma_start3A_38 = tpu.memref_slice %arg10[%dma_start3A_36, %dma_start3A_37] : memref<10000x64xf32, #tpu.memory_space<vmem_shared>> -> memref<10000x64xf32, #tpu.memory_space<vmem_shared>>
      tpu.enqueue_indirect_dma source(%dma_start3A_38 : memref<10000x64xf32, #tpu.memory_space<vmem_shared>>) target(%arg8 : memref<256x64xf32, #tpu.memory_space<vmem>>) offsets(%dma_start3A_35 : memref<256xi32, #tpu.memory_space<vmem>>) semaphore(%arg12 : memref<!tpu.dma_semaphore, #tpu.memory_space<semaphore_mem>>)
      %dma_start3A_39 = arith.constant 256 : i32
      %dma_start3A_40 = tpu.memref_slice %arg6[%dma_start3A_39] : memref<2048xi32, #tpu.memory_space<vmem>> -> memref<256xi32, #tpu.memory_space<vmem>>
      %dma_start3A_41 = arith.constant 0 : i32
      %dma_start3A_42 = arith.constant 0 : i32
      %dma_start3A_43 = tpu.memref_slice %arg10[%dma_start3A_41, %dma_start3A_42] : memref<10000x64xf32, #tpu.memory_space<vmem_shared>> -> memref<10000x64xf32, #tpu.memory_space<vmem_shared>>
      tpu.enqueue_indirect_dma source(%dma_start3A_43 : memref<10000x64xf32, #tpu.memory_space<vmem_shared>>) target(%arg9 : memref<256x64xf32, #tpu.memory_space<vmem>>) offsets(%dma_start3A_40 : memref<256xi32, #tpu.memory_space<vmem>>) semaphore(%arg13 : memref<!tpu.dma_semaphore, #tpu.memory_space<semaphore_mem>>)
      %dma_wait3A_44 = arith.constant 0 : i32
      %dma_wait3A_45 = tpu.memref_slice %arg6[%dma_wait3A_44] : memref<2048xi32, #tpu.memory_space<vmem>> -> memref<256xi32, #tpu.memory_space<vmem>>
      %dma_wait3A_46 = arith.constant 0 : i32
      %dma_wait3A_47 = arith.constant 0 : i32
      %dma_wait3A_48 = tpu.memref_slice %arg10[%dma_wait3A_46, %dma_wait3A_47] : memref<10000x64xf32, #tpu.memory_space<vmem_shared>> -> memref<10000x64xf32, #tpu.memory_space<vmem_shared>>
      tpu.wait_indirect_dma semaphore(%arg12 : memref<!tpu.dma_semaphore, #tpu.memory_space<semaphore_mem>>) src(%dma_wait3A_48 : memref<10000x64xf32, #tpu.memory_space<vmem_shared>>) dst(%arg8 : memref<256x64xf32, #tpu.memory_space<vmem>>)
      "tpu.region"() ({
        %run_scoped3A = tpu.sem_alloc : memref<!tpu.dma_semaphore, #tpu.memory_space<semaphore_mem>>
        %dma_start3A_114 = arith.constant 0 : i32
        %dma_start3A_115 = tpu.memref_slice %arg7[%dma_start3A_114] : memref<2048xi32, #tpu.memory_space<vmem>> -> memref<256xi32, #tpu.memory_space<vmem>>
        %dma_start3A_116 = arith.constant 0 : i32
        %dma_start3A_117 = arith.constant 0 : i32
        %dma_start3A_118 = tpu.memref_slice %arg11[%dma_start3A_116, %dma_start3A_117] : memref<10008x64xf32, #tpu.memory_space<vmem_shared>> -> memref<10008x64xf32, #tpu.memory_space<vmem_shared>>
        tpu.enqueue_indirect_dma source(%arg8 : memref<256x64xf32, #tpu.memory_space<vmem>>) target(%dma_start3A_118 : memref<10008x64xf32, #tpu.memory_space<vmem_shared>>) offsets(%dma_start3A_115 : memref<256xi32, #tpu.memory_space<vmem>>) semaphore(%run_scoped3A : memref<!tpu.dma_semaphore, #tpu.memory_space<semaphore_mem>>) {add = true}
        %dma_wait3A_119 = arith.constant 0 : i32
        %dma_wait3A_120 = tpu.memref_slice %arg7[%dma_wait3A_119] : memref<2048xi32, #tpu.memory_space<vmem>> -> memref<256xi32, #tpu.memory_space<vmem>>
        %dma_wait3A_121 = arith.constant 0 : i32
        %dma_wait3A_122 = arith.constant 0 : i32
        %dma_wait3A_123 = tpu.memref_slice %arg11[%dma_wait3A_121, %dma_wait3A_122] : memref<10008x64xf32, #tpu.memory_space<vmem_shared>> -> memref<10008x64xf32, #tpu.memory_space<vmem_shared>>
        tpu.wait_indirect_dma semaphore(%run_scoped3A : memref<!tpu.dma_semaphore, #tpu.memory_space<semaphore_mem>>) src(%arg8 : memref<256x64xf32, #tpu.memory_space<vmem>>) dst(%dma_wait3A_123 : memref<10008x64xf32, #tpu.memory_space<vmem_shared>>)
        tpu.yield
      }) : () -> ()
      %dma_start3A_49 = arith.constant 512 : i32
      %dma_start3A_50 = tpu.memref_slice %arg6[%dma_start3A_49] : memref<2048xi32, #tpu.memory_space<vmem>> -> memref<256xi32, #tpu.memory_space<vmem>>
      %dma_start3A_51 = arith.constant 0 : i32
      %dma_start3A_52 = arith.constant 0 : i32
      %dma_start3A_53 = tpu.memref_slice %arg10[%dma_start3A_51, %dma_start3A_52] : memref<10000x64xf32, #tpu.memory_space<vmem_shared>> -> memref<10000x64xf32, #tpu.memory_space<vmem_shared>>
      tpu.enqueue_indirect_dma source(%dma_start3A_53 : memref<10000x64xf32, #tpu.memory_space<vmem_shared>>) target(%arg8 : memref<256x64xf32, #tpu.memory_space<vmem>>) offsets(%dma_start3A_50 : memref<256xi32, #tpu.memory_space<vmem>>) semaphore(%arg12 : memref<!tpu.dma_semaphore, #tpu.memory_space<semaphore_mem>>)
      %dma_wait3A_54 = arith.constant 256 : i32
      %dma_wait3A_55 = tpu.memref_slice %arg6[%dma_wait3A_54] : memref<2048xi32, #tpu.memory_space<vmem>> -> memref<256xi32, #tpu.memory_space<vmem>>
      %dma_wait3A_56 = arith.constant 0 : i32
      %dma_wait3A_57 = arith.constant 0 : i32
      %dma_wait3A_58 = tpu.memref_slice %arg10[%dma_wait3A_56, %dma_wait3A_57] : memref<10000x64xf32, #tpu.memory_space<vmem_shared>> -> memref<10000x64xf32, #tpu.memory_space<vmem_shared>>
      tpu.wait_indirect_dma semaphore(%arg13 : memref<!tpu.dma_semaphore, #tpu.memory_space<semaphore_mem>>) src(%dma_wait3A_58 : memref<10000x64xf32, #tpu.memory_space<vmem_shared>>) dst(%arg9 : memref<256x64xf32, #tpu.memory_space<vmem>>)
      "tpu.region"() ({
        %run_scoped3A = tpu.sem_alloc : memref<!tpu.dma_semaphore, #tpu.memory_space<semaphore_mem>>
        %dma_start3A_114 = arith.constant 256 : i32
        %dma_start3A_115 = tpu.memref_slice %arg7[%dma_start3A_114] : memref<2048xi32, #tpu.memory_space<vmem>> -> memref<256xi32, #tpu.memory_space<vmem>>
        %dma_start3A_116 = arith.constant 0 : i32
        %dma_start3A_117 = arith.constant 0 : i32
        %dma_start3A_118 = tpu.memref_slice %arg11[%dma_start3A_116, %dma_start3A_117] : memref<10008x64xf32, #tpu.memory_space<vmem_shared>> -> memref<10008x64xf32, #tpu.memory_space<vmem_shared>>
        tpu.enqueue_indirect_dma source(%arg9 : memref<256x64xf32, #tpu.memory_space<vmem>>) target(%dma_start3A_118 : memref<10008x64xf32, #tpu.memory_space<vmem_shared>>) offsets(%dma_start3A_115 : memref<256xi32, #tpu.memory_space<vmem>>) semaphore(%run_scoped3A : memref<!tpu.dma_semaphore, #tpu.memory_space<semaphore_mem>>) {add = true}
        %dma_wait3A_119 = arith.constant 256 : i32
        %dma_wait3A_120 = tpu.memref_slice %arg7[%dma_wait3A_119] : memref<2048xi32, #tpu.memory_space<vmem>> -> memref<256xi32, #tpu.memory_space<vmem>>
        %dma_wait3A_121 = arith.constant 0 : i32
        %dma_wait3A_122 = arith.constant 0 : i32
        %dma_wait3A_123 = tpu.memref_slice %arg11[%dma_wait3A_121, %dma_wait3A_122] : memref<10008x64xf32, #tpu.memory_space<vmem_shared>> -> memref<10008x64xf32, #tpu.memory_space<vmem_shared>>
        tpu.wait_indirect_dma semaphore(%run_scoped3A : memref<!tpu.dma_semaphore, #tpu.memory_space<semaphore_mem>>) src(%arg9 : memref<256x64xf32, #tpu.memory_space<vmem>>) dst(%dma_wait3A_123 : memref<10008x64xf32, #tpu.memory_space<vmem_shared>>)
        tpu.yield
      }) : () -> ()
      %dma_start3A_59 = arith.constant 768 : i32
      %dma_start3A_60 = tpu.memref_slice %arg6[%dma_start3A_59] : memref<2048xi32, #tpu.memory_space<vmem>> -> memref<256xi32, #tpu.memory_space<vmem>>
      %dma_start3A_61 = arith.constant 0 : i32
      %dma_start3A_62 = arith.constant 0 : i32
      %dma_start3A_63 = tpu.memref_slice %arg10[%dma_start3A_61, %dma_start3A_62] : memref<10000x64xf32, #tpu.memory_space<vmem_shared>> -> memref<10000x64xf32, #tpu.memory_space<vmem_shared>>
      tpu.enqueue_indirect_dma source(%dma_start3A_63 : memref<10000x64xf32, #tpu.memory_space<vmem_shared>>) target(%arg9 : memref<256x64xf32, #tpu.memory_space<vmem>>) offsets(%dma_start3A_60 : memref<256xi32, #tpu.memory_space<vmem>>) semaphore(%arg13 : memref<!tpu.dma_semaphore, #tpu.memory_space<semaphore_mem>>)
      %dma_wait3A_64 = arith.constant 512 : i32
      %dma_wait3A_65 = tpu.memref_slice %arg6[%dma_wait3A_64] : memref<2048xi32, #tpu.memory_space<vmem>> -> memref<256xi32, #tpu.memory_space<vmem>>
      %dma_wait3A_66 = arith.constant 0 : i32
      %dma_wait3A_67 = arith.constant 0 : i32
      %dma_wait3A_68 = tpu.memref_slice %arg10[%dma_wait3A_66, %dma_wait3A_67] : memref<10000x64xf32, #tpu.memory_space<vmem_shared>> -> memref<10000x64xf32, #tpu.memory_space<vmem_shared>>
      tpu.wait_indirect_dma semaphore(%arg12 : memref<!tpu.dma_semaphore, #tpu.memory_space<semaphore_mem>>) src(%dma_wait3A_68 : memref<10000x64xf32, #tpu.memory_space<vmem_shared>>) dst(%arg8 : memref<256x64xf32, #tpu.memory_space<vmem>>)
      "tpu.region"() ({
        %run_scoped3A = tpu.sem_alloc : memref<!tpu.dma_semaphore, #tpu.memory_space<semaphore_mem>>
        %dma_start3A_114 = arith.constant 512 : i32
        %dma_start3A_115 = tpu.memref_slice %arg7[%dma_start3A_114] : memref<2048xi32, #tpu.memory_space<vmem>> -> memref<256xi32, #tpu.memory_space<vmem>>
        %dma_start3A_116 = arith.constant 0 : i32
        %dma_start3A_117 = arith.constant 0 : i32
        %dma_start3A_118 = tpu.memref_slice %arg11[%dma_start3A_116, %dma_start3A_117] : memref<10008x64xf32, #tpu.memory_space<vmem_shared>> -> memref<10008x64xf32, #tpu.memory_space<vmem_shared>>
        tpu.enqueue_indirect_dma source(%arg8 : memref<256x64xf32, #tpu.memory_space<vmem>>) target(%dma_start3A_118 : memref<10008x64xf32, #tpu.memory_space<vmem_shared>>) offsets(%dma_start3A_115 : memref<256xi32, #tpu.memory_space<vmem>>) semaphore(%run_scoped3A : memref<!tpu.dma_semaphore, #tpu.memory_space<semaphore_mem>>) {add = true}
        %dma_wait3A_119 = arith.constant 512 : i32
        %dma_wait3A_120 = tpu.memref_slice %arg7[%dma_wait3A_119] : memref<2048xi32, #tpu.memory_space<vmem>> -> memref<256xi32, #tpu.memory_space<vmem>>
        %dma_wait3A_121 = arith.constant 0 : i32
        %dma_wait3A_122 = arith.constant 0 : i32
        %dma_wait3A_123 = tpu.memref_slice %arg11[%dma_wait3A_121, %dma_wait3A_122] : memref<10008x64xf32, #tpu.memory_space<vmem_shared>> -> memref<10008x64xf32, #tpu.memory_space<vmem_shared>>
        tpu.wait_indirect_dma semaphore(%run_scoped3A : memref<!tpu.dma_semaphore, #tpu.memory_space<semaphore_mem>>) src(%arg8 : memref<256x64xf32, #tpu.memory_space<vmem>>) dst(%dma_wait3A_123 : memref<10008x64xf32, #tpu.memory_space<vmem_shared>>)
        tpu.yield
      }) : () -> ()
      %dma_start3A_69 = arith.constant 1024 : i32
      %dma_start3A_70 = tpu.memref_slice %arg6[%dma_start3A_69] : memref<2048xi32, #tpu.memory_space<vmem>> -> memref<256xi32, #tpu.memory_space<vmem>>
      %dma_start3A_71 = arith.constant 0 : i32
      %dma_start3A_72 = arith.constant 0 : i32
      %dma_start3A_73 = tpu.memref_slice %arg10[%dma_start3A_71, %dma_start3A_72] : memref<10000x64xf32, #tpu.memory_space<vmem_shared>> -> memref<10000x64xf32, #tpu.memory_space<vmem_shared>>
      tpu.enqueue_indirect_dma source(%dma_start3A_73 : memref<10000x64xf32, #tpu.memory_space<vmem_shared>>) target(%arg8 : memref<256x64xf32, #tpu.memory_space<vmem>>) offsets(%dma_start3A_70 : memref<256xi32, #tpu.memory_space<vmem>>) semaphore(%arg12 : memref<!tpu.dma_semaphore, #tpu.memory_space<semaphore_mem>>)
      %dma_wait3A_74 = arith.constant 768 : i32
      %dma_wait3A_75 = tpu.memref_slice %arg6[%dma_wait3A_74] : memref<2048xi32, #tpu.memory_space<vmem>> -> memref<256xi32, #tpu.memory_space<vmem>>
      %dma_wait3A_76 = arith.constant 0 : i32
      %dma_wait3A_77 = arith.constant 0 : i32
      %dma_wait3A_78 = tpu.memref_slice %arg10[%dma_wait3A_76, %dma_wait3A_77] : memref<10000x64xf32, #tpu.memory_space<vmem_shared>> -> memref<10000x64xf32, #tpu.memory_space<vmem_shared>>
      tpu.wait_indirect_dma semaphore(%arg13 : memref<!tpu.dma_semaphore, #tpu.memory_space<semaphore_mem>>) src(%dma_wait3A_78 : memref<10000x64xf32, #tpu.memory_space<vmem_shared>>) dst(%arg9 : memref<256x64xf32, #tpu.memory_space<vmem>>)
      "tpu.region"() ({
        %run_scoped3A = tpu.sem_alloc : memref<!tpu.dma_semaphore, #tpu.memory_space<semaphore_mem>>
        %dma_start3A_114 = arith.constant 768 : i32
        %dma_start3A_115 = tpu.memref_slice %arg7[%dma_start3A_114] : memref<2048xi32, #tpu.memory_space<vmem>> -> memref<256xi32, #tpu.memory_space<vmem>>
        %dma_start3A_116 = arith.constant 0 : i32
        %dma_start3A_117 = arith.constant 0 : i32
        %dma_start3A_118 = tpu.memref_slice %arg11[%dma_start3A_116, %dma_start3A_117] : memref<10008x64xf32, #tpu.memory_space<vmem_shared>> -> memref<10008x64xf32, #tpu.memory_space<vmem_shared>>
        tpu.enqueue_indirect_dma source(%arg9 : memref<256x64xf32, #tpu.memory_space<vmem>>) target(%dma_start3A_118 : memref<10008x64xf32, #tpu.memory_space<vmem_shared>>) offsets(%dma_start3A_115 : memref<256xi32, #tpu.memory_space<vmem>>) semaphore(%run_scoped3A : memref<!tpu.dma_semaphore, #tpu.memory_space<semaphore_mem>>) {add = true}
        %dma_wait3A_119 = arith.constant 768 : i32
        %dma_wait3A_120 = tpu.memref_slice %arg7[%dma_wait3A_119] : memref<2048xi32, #tpu.memory_space<vmem>> -> memref<256xi32, #tpu.memory_space<vmem>>
        %dma_wait3A_121 = arith.constant 0 : i32
        %dma_wait3A_122 = arith.constant 0 : i32
        %dma_wait3A_123 = tpu.memref_slice %arg11[%dma_wait3A_121, %dma_wait3A_122] : memref<10008x64xf32, #tpu.memory_space<vmem_shared>> -> memref<10008x64xf32, #tpu.memory_space<vmem_shared>>
        tpu.wait_indirect_dma semaphore(%run_scoped3A : memref<!tpu.dma_semaphore, #tpu.memory_space<semaphore_mem>>) src(%arg9 : memref<256x64xf32, #tpu.memory_space<vmem>>) dst(%dma_wait3A_123 : memref<10008x64xf32, #tpu.memory_space<vmem_shared>>)
        tpu.yield
      }) : () -> ()
      %dma_start3A_79 = arith.constant 1280 : i32
      %dma_start3A_80 = tpu.memref_slice %arg6[%dma_start3A_79] : memref<2048xi32, #tpu.memory_space<vmem>> -> memref<256xi32, #tpu.memory_space<vmem>>
      %dma_start3A_81 = arith.constant 0 : i32
      %dma_start3A_82 = arith.constant 0 : i32
      %dma_start3A_83 = tpu.memref_slice %arg10[%dma_start3A_81, %dma_start3A_82] : memref<10000x64xf32, #tpu.memory_space<vmem_shared>> -> memref<10000x64xf32, #tpu.memory_space<vmem_shared>>
      tpu.enqueue_indirect_dma source(%dma_start3A_83 : memref<10000x64xf32, #tpu.memory_space<vmem_shared>>) target(%arg9 : memref<256x64xf32, #tpu.memory_space<vmem>>) offsets(%dma_start3A_80 : memref<256xi32, #tpu.memory_space<vmem>>) semaphore(%arg13 : memref<!tpu.dma_semaphore, #tpu.memory_space<semaphore_mem>>)
      %dma_wait3A_84 = arith.constant 1024 : i32
      %dma_wait3A_85 = tpu.memref_slice %arg6[%dma_wait3A_84] : memref<2048xi32, #tpu.memory_space<vmem>> -> memref<256xi32, #tpu.memory_space<vmem>>
      %dma_wait3A_86 = arith.constant 0 : i32
      %dma_wait3A_87 = arith.constant 0 : i32
      %dma_wait3A_88 = tpu.memref_slice %arg10[%dma_wait3A_86, %dma_wait3A_87] : memref<10000x64xf32, #tpu.memory_space<vmem_shared>> -> memref<10000x64xf32, #tpu.memory_space<vmem_shared>>
      tpu.wait_indirect_dma semaphore(%arg12 : memref<!tpu.dma_semaphore, #tpu.memory_space<semaphore_mem>>) src(%dma_wait3A_88 : memref<10000x64xf32, #tpu.memory_space<vmem_shared>>) dst(%arg8 : memref<256x64xf32, #tpu.memory_space<vmem>>)
      "tpu.region"() ({
        %run_scoped3A = tpu.sem_alloc : memref<!tpu.dma_semaphore, #tpu.memory_space<semaphore_mem>>
        %dma_start3A_114 = arith.constant 1024 : i32
        %dma_start3A_115 = tpu.memref_slice %arg7[%dma_start3A_114] : memref<2048xi32, #tpu.memory_space<vmem>> -> memref<256xi32, #tpu.memory_space<vmem>>
        %dma_start3A_116 = arith.constant 0 : i32
        %dma_start3A_117 = arith.constant 0 : i32
        %dma_start3A_118 = tpu.memref_slice %arg11[%dma_start3A_116, %dma_start3A_117] : memref<10008x64xf32, #tpu.memory_space<vmem_shared>> -> memref<10008x64xf32, #tpu.memory_space<vmem_shared>>
        tpu.enqueue_indirect_dma source(%arg8 : memref<256x64xf32, #tpu.memory_space<vmem>>) target(%dma_start3A_118 : memref<10008x64xf32, #tpu.memory_space<vmem_shared>>) offsets(%dma_start3A_115 : memref<256xi32, #tpu.memory_space<vmem>>) semaphore(%run_scoped3A : memref<!tpu.dma_semaphore, #tpu.memory_space<semaphore_mem>>) {add = true}
        %dma_wait3A_119 = arith.constant 1024 : i32
        %dma_wait3A_120 = tpu.memref_slice %arg7[%dma_wait3A_119] : memref<2048xi32, #tpu.memory_space<vmem>> -> memref<256xi32, #tpu.memory_space<vmem>>
        %dma_wait3A_121 = arith.constant 0 : i32
        %dma_wait3A_122 = arith.constant 0 : i32
        %dma_wait3A_123 = tpu.memref_slice %arg11[%dma_wait3A_121, %dma_wait3A_122] : memref<10008x64xf32, #tpu.memory_space<vmem_shared>> -> memref<10008x64xf32, #tpu.memory_space<vmem_shared>>
        tpu.wait_indirect_dma semaphore(%run_scoped3A : memref<!tpu.dma_semaphore, #tpu.memory_space<semaphore_mem>>) src(%arg8 : memref<256x64xf32, #tpu.memory_space<vmem>>) dst(%dma_wait3A_123 : memref<10008x64xf32, #tpu.memory_space<vmem_shared>>)
        tpu.yield
      }) : () -> ()
      %dma_start3A_89 = arith.constant 1536 : i32
      %dma_start3A_90 = tpu.memref_slice %arg6[%dma_start3A_89] : memref<2048xi32, #tpu.memory_space<vmem>> -> memref<256xi32, #tpu.memory_space<vmem>>
      %dma_start3A_91 = arith.constant 0 : i32
      %dma_start3A_92 = arith.constant 0 : i32
      %dma_start3A_93 = tpu.memref_slice %arg10[%dma_start3A_91, %dma_start3A_92] : memref<10000x64xf32, #tpu.memory_space<vmem_shared>> -> memref<10000x64xf32, #tpu.memory_space<vmem_shared>>
      tpu.enqueue_indirect_dma source(%dma_start3A_93 : memref<10000x64xf32, #tpu.memory_space<vmem_shared>>) target(%arg8 : memref<256x64xf32, #tpu.memory_space<vmem>>) offsets(%dma_start3A_90 : memref<256xi32, #tpu.memory_space<vmem>>) semaphore(%arg12 : memref<!tpu.dma_semaphore, #tpu.memory_space<semaphore_mem>>)
      %dma_wait3A_94 = arith.constant 1280 : i32
      %dma_wait3A_95 = tpu.memref_slice %arg6[%dma_wait3A_94] : memref<2048xi32, #tpu.memory_space<vmem>> -> memref<256xi32, #tpu.memory_space<vmem>>
      %dma_wait3A_96 = arith.constant 0 : i32
      %dma_wait3A_97 = arith.constant 0 : i32
      %dma_wait3A_98 = tpu.memref_slice %arg10[%dma_wait3A_96, %dma_wait3A_97] : memref<10000x64xf32, #tpu.memory_space<vmem_shared>> -> memref<10000x64xf32, #tpu.memory_space<vmem_shared>>
      tpu.wait_indirect_dma semaphore(%arg13 : memref<!tpu.dma_semaphore, #tpu.memory_space<semaphore_mem>>) src(%dma_wait3A_98 : memref<10000x64xf32, #tpu.memory_space<vmem_shared>>) dst(%arg9 : memref<256x64xf32, #tpu.memory_space<vmem>>)
      "tpu.region"() ({
        %run_scoped3A = tpu.sem_alloc : memref<!tpu.dma_semaphore, #tpu.memory_space<semaphore_mem>>
        %dma_start3A_114 = arith.constant 1280 : i32
        %dma_start3A_115 = tpu.memref_slice %arg7[%dma_start3A_114] : memref<2048xi32, #tpu.memory_space<vmem>> -> memref<256xi32, #tpu.memory_space<vmem>>
        %dma_start3A_116 = arith.constant 0 : i32
        %dma_start3A_117 = arith.constant 0 : i32
        %dma_start3A_118 = tpu.memref_slice %arg11[%dma_start3A_116, %dma_start3A_117] : memref<10008x64xf32, #tpu.memory_space<vmem_shared>> -> memref<10008x64xf32, #tpu.memory_space<vmem_shared>>
        tpu.enqueue_indirect_dma source(%arg9 : memref<256x64xf32, #tpu.memory_space<vmem>>) target(%dma_start3A_118 : memref<10008x64xf32, #tpu.memory_space<vmem_shared>>) offsets(%dma_start3A_115 : memref<256xi32, #tpu.memory_space<vmem>>) semaphore(%run_scoped3A : memref<!tpu.dma_semaphore, #tpu.memory_space<semaphore_mem>>) {add = true}
        %dma_wait3A_119 = arith.constant 1280 : i32
        %dma_wait3A_120 = tpu.memref_slice %arg7[%dma_wait3A_119] : memref<2048xi32, #tpu.memory_space<vmem>> -> memref<256xi32, #tpu.memory_space<vmem>>
        %dma_wait3A_121 = arith.constant 0 : i32
        %dma_wait3A_122 = arith.constant 0 : i32
        %dma_wait3A_123 = tpu.memref_slice %arg11[%dma_wait3A_121, %dma_wait3A_122] : memref<10008x64xf32, #tpu.memory_space<vmem_shared>> -> memref<10008x64xf32, #tpu.memory_space<vmem_shared>>
        tpu.wait_indirect_dma semaphore(%run_scoped3A : memref<!tpu.dma_semaphore, #tpu.memory_space<semaphore_mem>>) src(%arg9 : memref<256x64xf32, #tpu.memory_space<vmem>>) dst(%dma_wait3A_123 : memref<10008x64xf32, #tpu.memory_space<vmem_shared>>)
        tpu.yield
      }) : () -> ()
      %dma_start3A_99 = arith.constant 1792 : i32
      %dma_start3A_100 = tpu.memref_slice %arg6[%dma_start3A_99] : memref<2048xi32, #tpu.memory_space<vmem>> -> memref<256xi32, #tpu.memory_space<vmem>>
      %dma_start3A_101 = arith.constant 0 : i32
      %dma_start3A_102 = arith.constant 0 : i32
      %dma_start3A_103 = tpu.memref_slice %arg10[%dma_start3A_101, %dma_start3A_102] : memref<10000x64xf32, #tpu.memory_space<vmem_shared>> -> memref<10000x64xf32, #tpu.memory_space<vmem_shared>>
      tpu.enqueue_indirect_dma source(%dma_start3A_103 : memref<10000x64xf32, #tpu.memory_space<vmem_shared>>) target(%arg9 : memref<256x64xf32, #tpu.memory_space<vmem>>) offsets(%dma_start3A_100 : memref<256xi32, #tpu.memory_space<vmem>>) semaphore(%arg13 : memref<!tpu.dma_semaphore, #tpu.memory_space<semaphore_mem>>)
      %dma_wait3A_104 = arith.constant 1536 : i32
      %dma_wait3A_105 = tpu.memref_slice %arg6[%dma_wait3A_104] : memref<2048xi32, #tpu.memory_space<vmem>> -> memref<256xi32, #tpu.memory_space<vmem>>
      %dma_wait3A_106 = arith.constant 0 : i32
      %dma_wait3A_107 = arith.constant 0 : i32
      %dma_wait3A_108 = tpu.memref_slice %arg10[%dma_wait3A_106, %dma_wait3A_107] : memref<10000x64xf32, #tpu.memory_space<vmem_shared>> -> memref<10000x64xf32, #tpu.memory_space<vmem_shared>>
      tpu.wait_indirect_dma semaphore(%arg12 : memref<!tpu.dma_semaphore, #tpu.memory_space<semaphore_mem>>) src(%dma_wait3A_108 : memref<10000x64xf32, #tpu.memory_space<vmem_shared>>) dst(%arg8 : memref<256x64xf32, #tpu.memory_space<vmem>>)
      "tpu.region"() ({
        %run_scoped3A = tpu.sem_alloc : memref<!tpu.dma_semaphore, #tpu.memory_space<semaphore_mem>>
        %dma_start3A_114 = arith.constant 1536 : i32
        %dma_start3A_115 = tpu.memref_slice %arg7[%dma_start3A_114] : memref<2048xi32, #tpu.memory_space<vmem>> -> memref<256xi32, #tpu.memory_space<vmem>>
        %dma_start3A_116 = arith.constant 0 : i32
        %dma_start3A_117 = arith.constant 0 : i32
        %dma_start3A_118 = tpu.memref_slice %arg11[%dma_start3A_116, %dma_start3A_117] : memref<10008x64xf32, #tpu.memory_space<vmem_shared>> -> memref<10008x64xf32, #tpu.memory_space<vmem_shared>>
        tpu.enqueue_indirect_dma source(%arg8 : memref<256x64xf32, #tpu.memory_space<vmem>>) target(%dma_start3A_118 : memref<10008x64xf32, #tpu.memory_space<vmem_shared>>) offsets(%dma_start3A_115 : memref<256xi32, #tpu.memory_space<vmem>>) semaphore(%run_scoped3A : memref<!tpu.dma_semaphore, #tpu.memory_space<semaphore_mem>>) {add = true}
        %dma_wait3A_119 = arith.constant 1536 : i32
        %dma_wait3A_120 = tpu.memref_slice %arg7[%dma_wait3A_119] : memref<2048xi32, #tpu.memory_space<vmem>> -> memref<256xi32, #tpu.memory_space<vmem>>
        %dma_wait3A_121 = arith.constant 0 : i32
        %dma_wait3A_122 = arith.constant 0 : i32
        %dma_wait3A_123 = tpu.memref_slice %arg11[%dma_wait3A_121, %dma_wait3A_122] : memref<10008x64xf32, #tpu.memory_space<vmem_shared>> -> memref<10008x64xf32, #tpu.memory_space<vmem_shared>>
        tpu.wait_indirect_dma semaphore(%run_scoped3A : memref<!tpu.dma_semaphore, #tpu.memory_space<semaphore_mem>>) src(%arg8 : memref<256x64xf32, #tpu.memory_space<vmem>>) dst(%dma_wait3A_123 : memref<10008x64xf32, #tpu.memory_space<vmem_shared>>)
        tpu.yield
      }) : () -> ()
      %dma_wait3A_109 = arith.constant 1792 : i32
      %dma_wait3A_110 = tpu.memref_slice %arg6[%dma_wait3A_109] : memref<2048xi32, #tpu.memory_space<vmem>> -> memref<256xi32, #tpu.memory_space<vmem>>
      %dma_wait3A_111 = arith.constant 0 : i32
      %dma_wait3A_112 = arith.constant 0 : i32
      %dma_wait3A_113 = tpu.memref_slice %arg10[%dma_wait3A_111, %dma_wait3A_112] : memref<10000x64xf32, #tpu.memory_space<vmem_shared>> -> memref<10000x64xf32, #tpu.memory_space<vmem_shared>>
      tpu.wait_indirect_dma semaphore(%arg13 : memref<!tpu.dma_semaphore, #tpu.memory_space<semaphore_mem>>) src(%dma_wait3A_113 : memref<10000x64xf32, #tpu.memory_space<vmem_shared>>) dst(%arg9 : memref<256x64xf32, #tpu.memory_space<vmem>>)
      "tpu.region"() ({
        %run_scoped3A = tpu.sem_alloc : memref<!tpu.dma_semaphore, #tpu.memory_space<semaphore_mem>>
        %dma_start3A_114 = arith.constant 1792 : i32
        %dma_start3A_115 = tpu.memref_slice %arg7[%dma_start3A_114] : memref<2048xi32, #tpu.memory_space<vmem>> -> memref<256xi32, #tpu.memory_space<vmem>>
        %dma_start3A_116 = arith.constant 0 : i32
        %dma_start3A_117 = arith.constant 0 : i32
        %dma_start3A_118 = tpu.memref_slice %arg11[%dma_start3A_116, %dma_start3A_117] : memref<10008x64xf32, #tpu.memory_space<vmem_shared>> -> memref<10008x64xf32, #tpu.memory_space<vmem_shared>>
        tpu.enqueue_indirect_dma source(%arg9 : memref<256x64xf32, #tpu.memory_space<vmem>>) target(%dma_start3A_118 : memref<10008x64xf32, #tpu.memory_space<vmem_shared>>) offsets(%dma_start3A_115 : memref<256xi32, #tpu.memory_space<vmem>>) semaphore(%run_scoped3A : memref<!tpu.dma_semaphore, #tpu.memory_space<semaphore_mem>>) {add = true}
        %dma_wait3A_119 = arith.constant 1792 : i32
        %dma_wait3A_120 = tpu.memref_slice %arg7[%dma_wait3A_119] : memref<2048xi32, #tpu.memory_space<vmem>> -> memref<256xi32, #tpu.memory_space<vmem>>
        %dma_wait3A_121 = arith.constant 0 : i32
        %dma_wait3A_122 = arith.constant 0 : i32
        %dma_wait3A_123 = tpu.memref_slice %arg11[%dma_wait3A_121, %dma_wait3A_122] : memref<10008x64xf32, #tpu.memory_space<vmem_shared>> -> memref<10008x64xf32, #tpu.memory_space<vmem_shared>>
        tpu.wait_indirect_dma semaphore(%run_scoped3A : memref<!tpu.dma_semaphore, #tpu.memory_space<semaphore_mem>>) src(%arg9 : memref<256x64xf32, #tpu.memory_space<vmem>>) dst(%dma_wait3A_123 : memref<10008x64xf32, #tpu.memory_space<vmem_shared>>)
        tpu.yield
      }) : () -> ()
    }
    %scan3A_10 = arith.constant 10 : i32
    %barrier3A_11 = arith.constant 0 : index
    tpu.barrier barrier_id(%barrier3A_11)
    %mul3A_12 = arith.constant 10000 : i32
    %mul3A_13 = arith.muli %arg0, %mul3A_12 : i32
    %add3A_14 = arith.addi %mul3A_13, %mul3A_0 : i32
    "tpu.region"() ({
      %run_scoped3A = tpu.sem_alloc : memref<!tpu.dma_semaphore, #tpu.memory_space<semaphore_mem>>
      %dma_start3A = arith.constant 0 : i32
      %dma_start3A_15 = tpu.memref_slice %arg5[%add3A_14, %dma_start3A] : memref<20000x64xf32, #tpu.memory_space<hbm>> -> memref<625x64xf32, #tpu.memory_space<hbm>>
      %dma_start3A_16 = arith.constant 0 : i32
      %dma_start3A_17 = tpu.memref_slice %arg11[%mul3A_0, %dma_start3A_16] : memref<10008x64xf32, #tpu.memory_space<vmem_shared>> -> memref<625x64xf32, #tpu.memory_space<vmem_shared>>
      tpu.enqueue_dma source(%dma_start3A_17 : memref<625x64xf32, #tpu.memory_space<vmem_shared>>) target(%dma_start3A_15 : memref<625x64xf32, #tpu.memory_space<hbm>>) target_semaphore(%run_scoped3A : memref<!tpu.dma_semaphore, #tpu.memory_space<semaphore_mem>>)
      %dma_wait3A = arith.constant 0 : i32
      %dma_wait3A_18 = tpu.memref_slice %arg5[%add3A_14, %dma_wait3A] : memref<20000x64xf32, #tpu.memory_space<hbm>> -> memref<625x64xf32, #tpu.memory_space<hbm>>
      %dma_wait3A_19 = arith.constant 0 : i32
      %dma_wait3A_20 = tpu.memref_slice %arg11[%mul3A_0, %dma_wait3A_19] : memref<10008x64xf32, #tpu.memory_space<vmem_shared>> -> memref<625x64xf32, #tpu.memory_space<vmem_shared>>
      tpu.wait_dma2 semaphore(%run_scoped3A : memref<!tpu.dma_semaphore, #tpu.memory_space<semaphore_mem>>) src(%dma_wait3A_20 : memref<625x64xf32, #tpu.memory_space<vmem_shared>>) dst(%dma_wait3A_18 : memref<625x64xf32, #tpu.memory_space<hbm>>)
      tpu.yield
    }) : () -> ()
    return
  }
}

#map = affine_map<(d0, d1) -> (0, 0)>
#map1 = affine_map<(d0, d1) -> (0, 0, 0, 0)>
module attributes {stable_mosaic.version = 14 : i64} {
  func.func @_message_pass0(%arg0: i32, %arg1: i32, %arg2: memref<20000x64xf32, #tpu.memory_space<hbm>>, %arg3: memref<2x16x5x128xi32, #tpu.memory_space<hbm>>, %arg4: memref<16x20480xi32, #tpu.memory_space<hbm>>, %arg5: memref<16x20480xi32, #tpu.memory_space<hbm>>, %arg6: memref<20000x64xf32, #tpu.memory_space<hbm>>, %arg7: memref<5x128xi32, #tpu.memory_space<vmem>>, %arg8: memref<2048xi32, #tpu.memory_space<vmem>>, %arg9: memref<2048xi32, #tpu.memory_space<vmem>>, %arg10: memref<256x64xf32, #tpu.memory_space<vmem>>, %arg11: memref<256x64xf32, #tpu.memory_space<vmem>>, %arg12: memref<10000x64xf32, #tpu.memory_space<vmem_shared>>, %arg13: memref<10008x64xf32, #tpu.memory_space<vmem_shared>>, %arg14: memref<!tpu.dma_semaphore, #tpu.memory_space<semaphore_mem>>, %arg15: memref<!tpu.dma_semaphore, #tpu.memory_space<semaphore_mem>>, %arg16: memref<!tpu.dma_semaphore, #tpu.memory_space<semaphore_mem>>) attributes {dimension_semantics = [#tpu.dimension_semantics<core_parallel>, #tpu.dimension_semantics<subcore_parallel>], iteration_bounds = array<i64: 2, 16>, scalar_prefetch = 0 : i64, scratch_operands = 10 : i64, tpu.core_type = #tpu.core_type<sc_vector_subcore>, window_params = [{transform_indices = #map}, {transform_indices = #map1}, {transform_indices = #map}, {transform_indices = #map}, {transform_indices = #map}]} {
    "tpu.region"() ({
      %run_scoped3A = tpu.sem_alloc : memref<!tpu.dma_semaphore, #tpu.memory_space<semaphore_mem>>
      %dma_start3A_127 = arith.constant 0 : i32
      %dma_start3A_128 = arith.constant 0 : i32
      %dma_start3A_129 = tpu.memref_slice %arg3[%arg0, %arg1, %dma_start3A_127, %dma_start3A_128] : memref<2x16x5x128xi32, #tpu.memory_space<hbm>> -> memref<1x1x5x128xi32, #tpu.memory_space<hbm>>
      %dma_start3A_130 = tpu.memref_squeeze %dma_start3A_129 : memref<1x1x5x128xi32, #tpu.memory_space<hbm>> -> memref<5x128xi32, #tpu.memory_space<hbm>>
      %dma_start3A_131 = arith.constant 0 : i32
      %dma_start3A_132 = arith.constant 0 : i32
      %dma_start3A_133 = tpu.memref_slice %arg3[%arg0, %arg1, %dma_start3A_131, %dma_start3A_132] : memref<2x16x5x128xi32, #tpu.memory_space<hbm>> -> memref<1x1x5x128xi32, #tpu.memory_space<hbm>>
      %dma_start3A_134 = tpu.memref_squeeze %dma_start3A_133 : memref<1x1x5x128xi32, #tpu.memory_space<hbm>> -> memref<5x128xi32, #tpu.memory_space<hbm>>
      tpu.enqueue_dma source(%dma_start3A_134 : memref<5x128xi32, #tpu.memory_space<hbm>>) target(%arg7 : memref<5x128xi32, #tpu.memory_space<vmem>>) target_semaphore(%run_scoped3A : memref<!tpu.dma_semaphore, #tpu.memory_space<semaphore_mem>>)
      %dma_wait3A_135 = arith.constant 0 : i32
      %dma_wait3A_136 = arith.constant 0 : i32
      %dma_wait3A_137 = tpu.memref_slice %arg3[%arg0, %arg1, %dma_wait3A_135, %dma_wait3A_136] : memref<2x16x5x128xi32, #tpu.memory_space<hbm>> -> memref<1x1x5x128xi32, #tpu.memory_space<hbm>>
      %dma_wait3A_138 = tpu.memref_squeeze %dma_wait3A_137 : memref<1x1x5x128xi32, #tpu.memory_space<hbm>> -> memref<5x128xi32, #tpu.memory_space<hbm>>
      %dma_wait3A_139 = arith.constant 0 : i32
      %dma_wait3A_140 = arith.constant 0 : i32
      %dma_wait3A_141 = tpu.memref_slice %arg3[%arg0, %arg1, %dma_wait3A_139, %dma_wait3A_140] : memref<2x16x5x128xi32, #tpu.memory_space<hbm>> -> memref<1x1x5x128xi32, #tpu.memory_space<hbm>>
      %dma_wait3A_142 = tpu.memref_squeeze %dma_wait3A_141 : memref<1x1x5x128xi32, #tpu.memory_space<hbm>> -> memref<5x128xi32, #tpu.memory_space<hbm>>
      tpu.wait_dma2 semaphore(%run_scoped3A : memref<!tpu.dma_semaphore, #tpu.memory_space<semaphore_mem>>) src(%dma_wait3A_142 : memref<5x128xi32, #tpu.memory_space<hbm>>) dst(%arg7 : memref<5x128xi32, #tpu.memory_space<vmem>>)
      tpu.yield
    }) : () -> ()
    %dma_start3A = arith.constant 0 : i32
    %dma_start3A_0 = arith.constant 0 : i32
    %dma_start3A_1 = arith.constant 0 : i32
    %dma_start3A_2 = tpu.memref_slice %arg10[%dma_start3A_0, %dma_start3A_1] : memref<256x64xf32, #tpu.memory_space<vmem>> -> memref<128x64xf32, #tpu.memory_space<vmem>>
    %dma_start3A_3 = arith.constant 0 : i32
    %dma_start3A_4 = tpu.memref_slice %arg7[%dma_start3A, %dma_start3A_3] : memref<5x128xi32, #tpu.memory_space<vmem>> -> memref<1x128xi32, #tpu.memory_space<vmem>>
    %dma_start3A_5 = tpu.memref_squeeze %dma_start3A_4 : memref<1x128xi32, #tpu.memory_space<vmem>> -> memref<128xi32, #tpu.memory_space<vmem>>
    %dma_start3A_6 = arith.constant 0 : i32
    %dma_start3A_7 = arith.constant 0 : i32
    %dma_start3A_8 = tpu.memref_slice %arg2[%dma_start3A_6, %dma_start3A_7] : memref<20000x64xf32, #tpu.memory_space<hbm>> -> memref<20000x64xf32, #tpu.memory_space<hbm>>
    tpu.enqueue_indirect_dma source(%dma_start3A_8 : memref<20000x64xf32, #tpu.memory_space<hbm>>) target(%dma_start3A_2 : memref<128x64xf32, #tpu.memory_space<vmem>>) offsets(%dma_start3A_5 : memref<128xi32, #tpu.memory_space<vmem>>) semaphore(%arg14 : memref<!tpu.dma_semaphore, #tpu.memory_space<semaphore_mem>>)
    %dma_wait3A = arith.constant 0 : i32
    %dma_wait3A_9 = arith.constant 0 : i32
    %dma_wait3A_10 = arith.constant 0 : i32
    %dma_wait3A_11 = tpu.memref_slice %arg10[%dma_wait3A_9, %dma_wait3A_10] : memref<256x64xf32, #tpu.memory_space<vmem>> -> memref<128x64xf32, #tpu.memory_space<vmem>>
    %dma_wait3A_12 = arith.constant 0 : i32
    %dma_wait3A_13 = tpu.memref_slice %arg7[%dma_wait3A, %dma_wait3A_12] : memref<5x128xi32, #tpu.memory_space<vmem>> -> memref<1x128xi32, #tpu.memory_space<vmem>>
    %dma_wait3A_14 = tpu.memref_squeeze %dma_wait3A_13 : memref<1x128xi32, #tpu.memory_space<vmem>> -> memref<128xi32, #tpu.memory_space<vmem>>
    %dma_wait3A_15 = arith.constant 0 : i32
    %dma_wait3A_16 = arith.constant 0 : i32
    %dma_wait3A_17 = tpu.memref_slice %arg2[%dma_wait3A_15, %dma_wait3A_16] : memref<20000x64xf32, #tpu.memory_space<hbm>> -> memref<20000x64xf32, #tpu.memory_space<hbm>>
    tpu.wait_indirect_dma semaphore(%arg14 : memref<!tpu.dma_semaphore, #tpu.memory_space<semaphore_mem>>) src(%dma_wait3A_17 : memref<20000x64xf32, #tpu.memory_space<hbm>>) dst(%dma_wait3A_11 : memref<128x64xf32, #tpu.memory_space<vmem>>)
    %mul3A = arith.constant 625 : i32
    %mul3A_18 = arith.muli %arg1, %mul3A : i32
    %add3A = arith.constant 0 : i32
    %add3A_19 = arith.addi %mul3A_18, %add3A : i32
    "tpu.region"() ({
      %run_scoped3A = tpu.sem_alloc : memref<!tpu.dma_semaphore, #tpu.memory_space<semaphore_mem>>
      %dma_start3A_127 = arith.constant 0 : i32
      %dma_start3A_128 = arith.constant 0 : i32
      %dma_start3A_129 = tpu.memref_slice %arg10[%dma_start3A_127, %dma_start3A_128] : memref<256x64xf32, #tpu.memory_space<vmem>> -> memref<128x64xf32, #tpu.memory_space<vmem>>
      %dma_start3A_130 = arith.constant 0 : i32
      %dma_start3A_131 = tpu.memref_slice %arg12[%add3A_19, %dma_start3A_130] : memref<10000x64xf32, #tpu.memory_space<vmem_shared>> -> memref<128x64xf32, #tpu.memory_space<vmem_shared>>
      %dma_start3A_132 = arith.constant 0 : i32
      %dma_start3A_133 = tpu.memref_slice %arg12[%add3A_19, %dma_start3A_132] : memref<10000x64xf32, #tpu.memory_space<vmem_shared>> -> memref<128x64xf32, #tpu.memory_space<vmem_shared>>
      %dma_start3A_134 = arith.constant 0 : i32
      %dma_start3A_135 = arith.constant 0 : i32
      %dma_start3A_136 = tpu.memref_slice %arg10[%dma_start3A_134, %dma_start3A_135] : memref<256x64xf32, #tpu.memory_space<vmem>> -> memref<128x64xf32, #tpu.memory_space<vmem>>
      tpu.enqueue_dma source(%dma_start3A_136 : memref<128x64xf32, #tpu.memory_space<vmem>>) target(%dma_start3A_133 : memref<128x64xf32, #tpu.memory_space<vmem_shared>>) target_semaphore(%run_scoped3A : memref<!tpu.dma_semaphore, #tpu.memory_space<semaphore_mem>>)
      %dma_wait3A_137 = arith.constant 0 : i32
      %dma_wait3A_138 = arith.constant 0 : i32
      %dma_wait3A_139 = tpu.memref_slice %arg10[%dma_wait3A_137, %dma_wait3A_138] : memref<256x64xf32, #tpu.memory_space<vmem>> -> memref<128x64xf32, #tpu.memory_space<vmem>>
      %dma_wait3A_140 = arith.constant 0 : i32
      %dma_wait3A_141 = tpu.memref_slice %arg12[%add3A_19, %dma_wait3A_140] : memref<10000x64xf32, #tpu.memory_space<vmem_shared>> -> memref<128x64xf32, #tpu.memory_space<vmem_shared>>
      %dma_wait3A_142 = arith.constant 0 : i32
      %dma_wait3A_143 = tpu.memref_slice %arg12[%add3A_19, %dma_wait3A_142] : memref<10000x64xf32, #tpu.memory_space<vmem_shared>> -> memref<128x64xf32, #tpu.memory_space<vmem_shared>>
      %dma_wait3A_144 = arith.constant 0 : i32
      %dma_wait3A_145 = arith.constant 0 : i32
      %dma_wait3A_146 = tpu.memref_slice %arg10[%dma_wait3A_144, %dma_wait3A_145] : memref<256x64xf32, #tpu.memory_space<vmem>> -> memref<128x64xf32, #tpu.memory_space<vmem>>
      tpu.wait_dma2 semaphore(%run_scoped3A : memref<!tpu.dma_semaphore, #tpu.memory_space<semaphore_mem>>) src(%dma_wait3A_146 : memref<128x64xf32, #tpu.memory_space<vmem>>) dst(%dma_wait3A_143 : memref<128x64xf32, #tpu.memory_space<vmem_shared>>)
      tpu.yield
    }) : () -> ()
    "tpu.region"() ({
      %run_scoped3A = tpu.sem_alloc : memref<!tpu.dma_semaphore, #tpu.memory_space<semaphore_mem>>
      %dma_start3A_127 = arith.constant 0 : i32
      %dma_start3A_128 = arith.constant 0 : i32
      %dma_start3A_129 = tpu.memref_slice %arg10[%dma_start3A_127, %dma_start3A_128] : memref<256x64xf32, #tpu.memory_space<vmem>> -> memref<128x64xf32, #tpu.memory_space<vmem>>
      %dma_start3A_130 = arith.constant 0 : i32
      %dma_start3A_131 = tpu.memref_slice %arg13[%add3A_19, %dma_start3A_130] : memref<10008x64xf32, #tpu.memory_space<vmem_shared>> -> memref<128x64xf32, #tpu.memory_space<vmem_shared>>
      %dma_start3A_132 = arith.constant 0 : i32
      %dma_start3A_133 = tpu.memref_slice %arg13[%add3A_19, %dma_start3A_132] : memref<10008x64xf32, #tpu.memory_space<vmem_shared>> -> memref<128x64xf32, #tpu.memory_space<vmem_shared>>
      %dma_start3A_134 = arith.constant 0 : i32
      %dma_start3A_135 = arith.constant 0 : i32
      %dma_start3A_136 = tpu.memref_slice %arg10[%dma_start3A_134, %dma_start3A_135] : memref<256x64xf32, #tpu.memory_space<vmem>> -> memref<128x64xf32, #tpu.memory_space<vmem>>
      tpu.enqueue_dma source(%dma_start3A_136 : memref<128x64xf32, #tpu.memory_space<vmem>>) target(%dma_start3A_133 : memref<128x64xf32, #tpu.memory_space<vmem_shared>>) target_semaphore(%run_scoped3A : memref<!tpu.dma_semaphore, #tpu.memory_space<semaphore_mem>>)
      %dma_wait3A_137 = arith.constant 0 : i32
      %dma_wait3A_138 = arith.constant 0 : i32
      %dma_wait3A_139 = tpu.memref_slice %arg10[%dma_wait3A_137, %dma_wait3A_138] : memref<256x64xf32, #tpu.memory_space<vmem>> -> memref<128x64xf32, #tpu.memory_space<vmem>>
      %dma_wait3A_140 = arith.constant 0 : i32
      %dma_wait3A_141 = tpu.memref_slice %arg13[%add3A_19, %dma_wait3A_140] : memref<10008x64xf32, #tpu.memory_space<vmem_shared>> -> memref<128x64xf32, #tpu.memory_space<vmem_shared>>
      %dma_wait3A_142 = arith.constant 0 : i32
      %dma_wait3A_143 = tpu.memref_slice %arg13[%add3A_19, %dma_wait3A_142] : memref<10008x64xf32, #tpu.memory_space<vmem_shared>> -> memref<128x64xf32, #tpu.memory_space<vmem_shared>>
      %dma_wait3A_144 = arith.constant 0 : i32
      %dma_wait3A_145 = arith.constant 0 : i32
      %dma_wait3A_146 = tpu.memref_slice %arg10[%dma_wait3A_144, %dma_wait3A_145] : memref<256x64xf32, #tpu.memory_space<vmem>> -> memref<128x64xf32, #tpu.memory_space<vmem>>
      tpu.wait_dma2 semaphore(%run_scoped3A : memref<!tpu.dma_semaphore, #tpu.memory_space<semaphore_mem>>) src(%dma_wait3A_146 : memref<128x64xf32, #tpu.memory_space<vmem>>) dst(%dma_wait3A_143 : memref<128x64xf32, #tpu.memory_space<vmem_shared>>)
      tpu.yield
    }) : () -> ()
    %dma_start3A_20 = arith.constant 1 : i32
    %dma_start3A_21 = arith.constant 0 : i32
    %dma_start3A_22 = arith.constant 0 : i32
    %dma_start3A_23 = tpu.memref_slice %arg10[%dma_start3A_21, %dma_start3A_22] : memref<256x64xf32, #tpu.memory_space<vmem>> -> memref<128x64xf32, #tpu.memory_space<vmem>>
    %dma_start3A_24 = arith.constant 0 : i32
    %dma_start3A_25 = tpu.memref_slice %arg7[%dma_start3A_20, %dma_start3A_24] : memref<5x128xi32, #tpu.memory_space<vmem>> -> memref<1x128xi32, #tpu.memory_space<vmem>>
    %dma_start3A_26 = tpu.memref_squeeze %dma_start3A_25 : memref<1x128xi32, #tpu.memory_space<vmem>> -> memref<128xi32, #tpu.memory_space<vmem>>
    %dma_start3A_27 = arith.constant 0 : i32
    %dma_start3A_28 = arith.constant 0 : i32
    %dma_start3A_29 = tpu.memref_slice %arg2[%dma_start3A_27, %dma_start3A_28] : memref<20000x64xf32, #tpu.memory_space<hbm>> -> memref<20000x64xf32, #tpu.memory_space<hbm>>
    tpu.enqueue_indirect_dma source(%dma_start3A_29 : memref<20000x64xf32, #tpu.memory_space<hbm>>) target(%dma_start3A_23 : memref<128x64xf32, #tpu.memory_space<vmem>>) offsets(%dma_start3A_26 : memref<128xi32, #tpu.memory_space<vmem>>) semaphore(%arg14 : memref<!tpu.dma_semaphore, #tpu.memory_space<semaphore_mem>>)
    %dma_wait3A_30 = arith.constant 1 : i32
    %dma_wait3A_31 = arith.constant 0 : i32
    %dma_wait3A_32 = arith.constant 0 : i32
    %dma_wait3A_33 = tpu.memref_slice %arg10[%dma_wait3A_31, %dma_wait3A_32] : memref<256x64xf32, #tpu.memory_space<vmem>> -> memref<128x64xf32, #tpu.memory_space<vmem>>
    %dma_wait3A_34 = arith.constant 0 : i32
    %dma_wait3A_35 = tpu.memref_slice %arg7[%dma_wait3A_30, %dma_wait3A_34] : memref<5x128xi32, #tpu.memory_space<vmem>> -> memref<1x128xi32, #tpu.memory_space<vmem>>
    %dma_wait3A_36 = tpu.memref_squeeze %dma_wait3A_35 : memref<1x128xi32, #tpu.memory_space<vmem>> -> memref<128xi32, #tpu.memory_space<vmem>>
    %dma_wait3A_37 = arith.constant 0 : i32
    %dma_wait3A_38 = arith.constant 0 : i32
    %dma_wait3A_39 = tpu.memref_slice %arg2[%dma_wait3A_37, %dma_wait3A_38] : memref<20000x64xf32, #tpu.memory_space<hbm>> -> memref<20000x64xf32, #tpu.memory_space<hbm>>
    tpu.wait_indirect_dma semaphore(%arg14 : memref<!tpu.dma_semaphore, #tpu.memory_space<semaphore_mem>>) src(%dma_wait3A_39 : memref<20000x64xf32, #tpu.memory_space<hbm>>) dst(%dma_wait3A_33 : memref<128x64xf32, #tpu.memory_space<vmem>>)
    %mul3A_40 = arith.constant 625 : i32
    %mul3A_41 = arith.muli %arg1, %mul3A_40 : i32
    %add3A_42 = arith.constant 128 : i32
    %add3A_43 = arith.addi %mul3A_41, %add3A_42 : i32
    "tpu.region"() ({
      %run_scoped3A = tpu.sem_alloc : memref<!tpu.dma_semaphore, #tpu.memory_space<semaphore_mem>>
      %dma_start3A_127 = arith.constant 0 : i32
      %dma_start3A_128 = arith.constant 0 : i32
      %dma_start3A_129 = tpu.memref_slice %arg10[%dma_start3A_127, %dma_start3A_128] : memref<256x64xf32, #tpu.memory_space<vmem>> -> memref<128x64xf32, #tpu.memory_space<vmem>>
      %dma_start3A_130 = arith.constant 0 : i32
      %dma_start3A_131 = tpu.memref_slice %arg12[%add3A_43, %dma_start3A_130] : memref<10000x64xf32, #tpu.memory_space<vmem_shared>> -> memref<128x64xf32, #tpu.memory_space<vmem_shared>>
      %dma_start3A_132 = arith.constant 0 : i32
      %dma_start3A_133 = tpu.memref_slice %arg12[%add3A_43, %dma_start3A_132] : memref<10000x64xf32, #tpu.memory_space<vmem_shared>> -> memref<128x64xf32, #tpu.memory_space<vmem_shared>>
      %dma_start3A_134 = arith.constant 0 : i32
      %dma_start3A_135 = arith.constant 0 : i32
      %dma_start3A_136 = tpu.memref_slice %arg10[%dma_start3A_134, %dma_start3A_135] : memref<256x64xf32, #tpu.memory_space<vmem>> -> memref<128x64xf32, #tpu.memory_space<vmem>>
      tpu.enqueue_dma source(%dma_start3A_136 : memref<128x64xf32, #tpu.memory_space<vmem>>) target(%dma_start3A_133 : memref<128x64xf32, #tpu.memory_space<vmem_shared>>) target_semaphore(%run_scoped3A : memref<!tpu.dma_semaphore, #tpu.memory_space<semaphore_mem>>)
      %dma_wait3A_137 = arith.constant 0 : i32
      %dma_wait3A_138 = arith.constant 0 : i32
      %dma_wait3A_139 = tpu.memref_slice %arg10[%dma_wait3A_137, %dma_wait3A_138] : memref<256x64xf32, #tpu.memory_space<vmem>> -> memref<128x64xf32, #tpu.memory_space<vmem>>
      %dma_wait3A_140 = arith.constant 0 : i32
      %dma_wait3A_141 = tpu.memref_slice %arg12[%add3A_43, %dma_wait3A_140] : memref<10000x64xf32, #tpu.memory_space<vmem_shared>> -> memref<128x64xf32, #tpu.memory_space<vmem_shared>>
      %dma_wait3A_142 = arith.constant 0 : i32
      %dma_wait3A_143 = tpu.memref_slice %arg12[%add3A_43, %dma_wait3A_142] : memref<10000x64xf32, #tpu.memory_space<vmem_shared>> -> memref<128x64xf32, #tpu.memory_space<vmem_shared>>
      %dma_wait3A_144 = arith.constant 0 : i32
      %dma_wait3A_145 = arith.constant 0 : i32
      %dma_wait3A_146 = tpu.memref_slice %arg10[%dma_wait3A_144, %dma_wait3A_145] : memref<256x64xf32, #tpu.memory_space<vmem>> -> memref<128x64xf32, #tpu.memory_space<vmem>>
      tpu.wait_dma2 semaphore(%run_scoped3A : memref<!tpu.dma_semaphore, #tpu.memory_space<semaphore_mem>>) src(%dma_wait3A_146 : memref<128x64xf32, #tpu.memory_space<vmem>>) dst(%dma_wait3A_143 : memref<128x64xf32, #tpu.memory_space<vmem_shared>>)
      tpu.yield
    }) : () -> ()
    "tpu.region"() ({
      %run_scoped3A = tpu.sem_alloc : memref<!tpu.dma_semaphore, #tpu.memory_space<semaphore_mem>>
      %dma_start3A_127 = arith.constant 0 : i32
      %dma_start3A_128 = arith.constant 0 : i32
      %dma_start3A_129 = tpu.memref_slice %arg10[%dma_start3A_127, %dma_start3A_128] : memref<256x64xf32, #tpu.memory_space<vmem>> -> memref<128x64xf32, #tpu.memory_space<vmem>>
      %dma_start3A_130 = arith.constant 0 : i32
      %dma_start3A_131 = tpu.memref_slice %arg13[%add3A_43, %dma_start3A_130] : memref<10008x64xf32, #tpu.memory_space<vmem_shared>> -> memref<128x64xf32, #tpu.memory_space<vmem_shared>>
      %dma_start3A_132 = arith.constant 0 : i32
      %dma_start3A_133 = tpu.memref_slice %arg13[%add3A_43, %dma_start3A_132] : memref<10008x64xf32, #tpu.memory_space<vmem_shared>> -> memref<128x64xf32, #tpu.memory_space<vmem_shared>>
      %dma_start3A_134 = arith.constant 0 : i32
      %dma_start3A_135 = arith.constant 0 : i32
      %dma_start3A_136 = tpu.memref_slice %arg10[%dma_start3A_134, %dma_start3A_135] : memref<256x64xf32, #tpu.memory_space<vmem>> -> memref<128x64xf32, #tpu.memory_space<vmem>>
      tpu.enqueue_dma source(%dma_start3A_136 : memref<128x64xf32, #tpu.memory_space<vmem>>) target(%dma_start3A_133 : memref<128x64xf32, #tpu.memory_space<vmem_shared>>) target_semaphore(%run_scoped3A : memref<!tpu.dma_semaphore, #tpu.memory_space<semaphore_mem>>)
      %dma_wait3A_137 = arith.constant 0 : i32
      %dma_wait3A_138 = arith.constant 0 : i32
      %dma_wait3A_139 = tpu.memref_slice %arg10[%dma_wait3A_137, %dma_wait3A_138] : memref<256x64xf32, #tpu.memory_space<vmem>> -> memref<128x64xf32, #tpu.memory_space<vmem>>
      %dma_wait3A_140 = arith.constant 0 : i32
      %dma_wait3A_141 = tpu.memref_slice %arg13[%add3A_43, %dma_wait3A_140] : memref<10008x64xf32, #tpu.memory_space<vmem_shared>> -> memref<128x64xf32, #tpu.memory_space<vmem_shared>>
      %dma_wait3A_142 = arith.constant 0 : i32
      %dma_wait3A_143 = tpu.memref_slice %arg13[%add3A_43, %dma_wait3A_142] : memref<10008x64xf32, #tpu.memory_space<vmem_shared>> -> memref<128x64xf32, #tpu.memory_space<vmem_shared>>
      %dma_wait3A_144 = arith.constant 0 : i32
      %dma_wait3A_145 = arith.constant 0 : i32
      %dma_wait3A_146 = tpu.memref_slice %arg10[%dma_wait3A_144, %dma_wait3A_145] : memref<256x64xf32, #tpu.memory_space<vmem>> -> memref<128x64xf32, #tpu.memory_space<vmem>>
      tpu.wait_dma2 semaphore(%run_scoped3A : memref<!tpu.dma_semaphore, #tpu.memory_space<semaphore_mem>>) src(%dma_wait3A_146 : memref<128x64xf32, #tpu.memory_space<vmem>>) dst(%dma_wait3A_143 : memref<128x64xf32, #tpu.memory_space<vmem_shared>>)
      tpu.yield
    }) : () -> ()
    %dma_start3A_44 = arith.constant 2 : i32
    %dma_start3A_45 = arith.constant 0 : i32
    %dma_start3A_46 = arith.constant 0 : i32
    %dma_start3A_47 = tpu.memref_slice %arg10[%dma_start3A_45, %dma_start3A_46] : memref<256x64xf32, #tpu.memory_space<vmem>> -> memref<128x64xf32, #tpu.memory_space<vmem>>
    %dma_start3A_48 = arith.constant 0 : i32
    %dma_start3A_49 = tpu.memref_slice %arg7[%dma_start3A_44, %dma_start3A_48] : memref<5x128xi32, #tpu.memory_space<vmem>> -> memref<1x128xi32, #tpu.memory_space<vmem>>
    %dma_start3A_50 = tpu.memref_squeeze %dma_start3A_49 : memref<1x128xi32, #tpu.memory_space<vmem>> -> memref<128xi32, #tpu.memory_space<vmem>>
    %dma_start3A_51 = arith.constant 0 : i32
    %dma_start3A_52 = arith.constant 0 : i32
    %dma_start3A_53 = tpu.memref_slice %arg2[%dma_start3A_51, %dma_start3A_52] : memref<20000x64xf32, #tpu.memory_space<hbm>> -> memref<20000x64xf32, #tpu.memory_space<hbm>>
    tpu.enqueue_indirect_dma source(%dma_start3A_53 : memref<20000x64xf32, #tpu.memory_space<hbm>>) target(%dma_start3A_47 : memref<128x64xf32, #tpu.memory_space<vmem>>) offsets(%dma_start3A_50 : memref<128xi32, #tpu.memory_space<vmem>>) semaphore(%arg14 : memref<!tpu.dma_semaphore, #tpu.memory_space<semaphore_mem>>)
    %dma_wait3A_54 = arith.constant 2 : i32
    %dma_wait3A_55 = arith.constant 0 : i32
    %dma_wait3A_56 = arith.constant 0 : i32
    %dma_wait3A_57 = tpu.memref_slice %arg10[%dma_wait3A_55, %dma_wait3A_56] : memref<256x64xf32, #tpu.memory_space<vmem>> -> memref<128x64xf32, #tpu.memory_space<vmem>>
    %dma_wait3A_58 = arith.constant 0 : i32
    %dma_wait3A_59 = tpu.memref_slice %arg7[%dma_wait3A_54, %dma_wait3A_58] : memref<5x128xi32, #tpu.memory_space<vmem>> -> memref<1x128xi32, #tpu.memory_space<vmem>>
    %dma_wait3A_60 = tpu.memref_squeeze %dma_wait3A_59 : memref<1x128xi32, #tpu.memory_space<vmem>> -> memref<128xi32, #tpu.memory_space<vmem>>
    %dma_wait3A_61 = arith.constant 0 : i32
    %dma_wait3A_62 = arith.constant 0 : i32
    %dma_wait3A_63 = tpu.memref_slice %arg2[%dma_wait3A_61, %dma_wait3A_62] : memref<20000x64xf32, #tpu.memory_space<hbm>> -> memref<20000x64xf32, #tpu.memory_space<hbm>>
    tpu.wait_indirect_dma semaphore(%arg14 : memref<!tpu.dma_semaphore, #tpu.memory_space<semaphore_mem>>) src(%dma_wait3A_63 : memref<20000x64xf32, #tpu.memory_space<hbm>>) dst(%dma_wait3A_57 : memref<128x64xf32, #tpu.memory_space<vmem>>)
    %mul3A_64 = arith.constant 625 : i32
    %mul3A_65 = arith.muli %arg1, %mul3A_64 : i32
    %add3A_66 = arith.constant 256 : i32
    %add3A_67 = arith.addi %mul3A_65, %add3A_66 : i32
    "tpu.region"() ({
      %run_scoped3A = tpu.sem_alloc : memref<!tpu.dma_semaphore, #tpu.memory_space<semaphore_mem>>
      %dma_start3A_127 = arith.constant 0 : i32
      %dma_start3A_128 = arith.constant 0 : i32
      %dma_start3A_129 = tpu.memref_slice %arg10[%dma_start3A_127, %dma_start3A_128] : memref<256x64xf32, #tpu.memory_space<vmem>> -> memref<128x64xf32, #tpu.memory_space<vmem>>
      %dma_start3A_130 = arith.constant 0 : i32
      %dma_start3A_131 = tpu.memref_slice %arg12[%add3A_67, %dma_start3A_130] : memref<10000x64xf32, #tpu.memory_space<vmem_shared>> -> memref<128x64xf32, #tpu.memory_space<vmem_shared>>
      %dma_start3A_132 = arith.constant 0 : i32
      %dma_start3A_133 = tpu.memref_slice %arg12[%add3A_67, %dma_start3A_132] : memref<10000x64xf32, #tpu.memory_space<vmem_shared>> -> memref<128x64xf32, #tpu.memory_space<vmem_shared>>
      %dma_start3A_134 = arith.constant 0 : i32
      %dma_start3A_135 = arith.constant 0 : i32
      %dma_start3A_136 = tpu.memref_slice %arg10[%dma_start3A_134, %dma_start3A_135] : memref<256x64xf32, #tpu.memory_space<vmem>> -> memref<128x64xf32, #tpu.memory_space<vmem>>
      tpu.enqueue_dma source(%dma_start3A_136 : memref<128x64xf32, #tpu.memory_space<vmem>>) target(%dma_start3A_133 : memref<128x64xf32, #tpu.memory_space<vmem_shared>>) target_semaphore(%run_scoped3A : memref<!tpu.dma_semaphore, #tpu.memory_space<semaphore_mem>>)
      %dma_wait3A_137 = arith.constant 0 : i32
      %dma_wait3A_138 = arith.constant 0 : i32
      %dma_wait3A_139 = tpu.memref_slice %arg10[%dma_wait3A_137, %dma_wait3A_138] : memref<256x64xf32, #tpu.memory_space<vmem>> -> memref<128x64xf32, #tpu.memory_space<vmem>>
      %dma_wait3A_140 = arith.constant 0 : i32
      %dma_wait3A_141 = tpu.memref_slice %arg12[%add3A_67, %dma_wait3A_140] : memref<10000x64xf32, #tpu.memory_space<vmem_shared>> -> memref<128x64xf32, #tpu.memory_space<vmem_shared>>
      %dma_wait3A_142 = arith.constant 0 : i32
      %dma_wait3A_143 = tpu.memref_slice %arg12[%add3A_67, %dma_wait3A_142] : memref<10000x64xf32, #tpu.memory_space<vmem_shared>> -> memref<128x64xf32, #tpu.memory_space<vmem_shared>>
      %dma_wait3A_144 = arith.constant 0 : i32
      %dma_wait3A_145 = arith.constant 0 : i32
      %dma_wait3A_146 = tpu.memref_slice %arg10[%dma_wait3A_144, %dma_wait3A_145] : memref<256x64xf32, #tpu.memory_space<vmem>> -> memref<128x64xf32, #tpu.memory_space<vmem>>
      tpu.wait_dma2 semaphore(%run_scoped3A : memref<!tpu.dma_semaphore, #tpu.memory_space<semaphore_mem>>) src(%dma_wait3A_146 : memref<128x64xf32, #tpu.memory_space<vmem>>) dst(%dma_wait3A_143 : memref<128x64xf32, #tpu.memory_space<vmem_shared>>)
      tpu.yield
    }) : () -> ()
    "tpu.region"() ({
      %run_scoped3A = tpu.sem_alloc : memref<!tpu.dma_semaphore, #tpu.memory_space<semaphore_mem>>
      %dma_start3A_127 = arith.constant 0 : i32
      %dma_start3A_128 = arith.constant 0 : i32
      %dma_start3A_129 = tpu.memref_slice %arg10[%dma_start3A_127, %dma_start3A_128] : memref<256x64xf32, #tpu.memory_space<vmem>> -> memref<128x64xf32, #tpu.memory_space<vmem>>
      %dma_start3A_130 = arith.constant 0 : i32
      %dma_start3A_131 = tpu.memref_slice %arg13[%add3A_67, %dma_start3A_130] : memref<10008x64xf32, #tpu.memory_space<vmem_shared>> -> memref<128x64xf32, #tpu.memory_space<vmem_shared>>
      %dma_start3A_132 = arith.constant 0 : i32
      %dma_start3A_133 = tpu.memref_slice %arg13[%add3A_67, %dma_start3A_132] : memref<10008x64xf32, #tpu.memory_space<vmem_shared>> -> memref<128x64xf32, #tpu.memory_space<vmem_shared>>
      %dma_start3A_134 = arith.constant 0 : i32
      %dma_start3A_135 = arith.constant 0 : i32
      %dma_start3A_136 = tpu.memref_slice %arg10[%dma_start3A_134, %dma_start3A_135] : memref<256x64xf32, #tpu.memory_space<vmem>> -> memref<128x64xf32, #tpu.memory_space<vmem>>
      tpu.enqueue_dma source(%dma_start3A_136 : memref<128x64xf32, #tpu.memory_space<vmem>>) target(%dma_start3A_133 : memref<128x64xf32, #tpu.memory_space<vmem_shared>>) target_semaphore(%run_scoped3A : memref<!tpu.dma_semaphore, #tpu.memory_space<semaphore_mem>>)
      %dma_wait3A_137 = arith.constant 0 : i32
      %dma_wait3A_138 = arith.constant 0 : i32
      %dma_wait3A_139 = tpu.memref_slice %arg10[%dma_wait3A_137, %dma_wait3A_138] : memref<256x64xf32, #tpu.memory_space<vmem>> -> memref<128x64xf32, #tpu.memory_space<vmem>>
      %dma_wait3A_140 = arith.constant 0 : i32
      %dma_wait3A_141 = tpu.memref_slice %arg13[%add3A_67, %dma_wait3A_140] : memref<10008x64xf32, #tpu.memory_space<vmem_shared>> -> memref<128x64xf32, #tpu.memory_space<vmem_shared>>
      %dma_wait3A_142 = arith.constant 0 : i32
      %dma_wait3A_143 = tpu.memref_slice %arg13[%add3A_67, %dma_wait3A_142] : memref<10008x64xf32, #tpu.memory_space<vmem_shared>> -> memref<128x64xf32, #tpu.memory_space<vmem_shared>>
      %dma_wait3A_144 = arith.constant 0 : i32
      %dma_wait3A_145 = arith.constant 0 : i32
      %dma_wait3A_146 = tpu.memref_slice %arg10[%dma_wait3A_144, %dma_wait3A_145] : memref<256x64xf32, #tpu.memory_space<vmem>> -> memref<128x64xf32, #tpu.memory_space<vmem>>
      tpu.wait_dma2 semaphore(%run_scoped3A : memref<!tpu.dma_semaphore, #tpu.memory_space<semaphore_mem>>) src(%dma_wait3A_146 : memref<128x64xf32, #tpu.memory_space<vmem>>) dst(%dma_wait3A_143 : memref<128x64xf32, #tpu.memory_space<vmem_shared>>)
      tpu.yield
    }) : () -> ()
    %dma_start3A_68 = arith.constant 3 : i32
    %dma_start3A_69 = arith.constant 0 : i32
    %dma_start3A_70 = arith.constant 0 : i32
    %dma_start3A_71 = tpu.memref_slice %arg10[%dma_start3A_69, %dma_start3A_70] : memref<256x64xf32, #tpu.memory_space<vmem>> -> memref<128x64xf32, #tpu.memory_space<vmem>>
    %dma_start3A_72 = arith.constant 0 : i32
    %dma_start3A_73 = tpu.memref_slice %arg7[%dma_start3A_68, %dma_start3A_72] : memref<5x128xi32, #tpu.memory_space<vmem>> -> memref<1x128xi32, #tpu.memory_space<vmem>>
    %dma_start3A_74 = tpu.memref_squeeze %dma_start3A_73 : memref<1x128xi32, #tpu.memory_space<vmem>> -> memref<128xi32, #tpu.memory_space<vmem>>
    %dma_start3A_75 = arith.constant 0 : i32
    %dma_start3A_76 = arith.constant 0 : i32
    %dma_start3A_77 = tpu.memref_slice %arg2[%dma_start3A_75, %dma_start3A_76] : memref<20000x64xf32, #tpu.memory_space<hbm>> -> memref<20000x64xf32, #tpu.memory_space<hbm>>
    tpu.enqueue_indirect_dma source(%dma_start3A_77 : memref<20000x64xf32, #tpu.memory_space<hbm>>) target(%dma_start3A_71 : memref<128x64xf32, #tpu.memory_space<vmem>>) offsets(%dma_start3A_74 : memref<128xi32, #tpu.memory_space<vmem>>) semaphore(%arg14 : memref<!tpu.dma_semaphore, #tpu.memory_space<semaphore_mem>>)
    %dma_wait3A_78 = arith.constant 3 : i32
    %dma_wait3A_79 = arith.constant 0 : i32
    %dma_wait3A_80 = arith.constant 0 : i32
    %dma_wait3A_81 = tpu.memref_slice %arg10[%dma_wait3A_79, %dma_wait3A_80] : memref<256x64xf32, #tpu.memory_space<vmem>> -> memref<128x64xf32, #tpu.memory_space<vmem>>
    %dma_wait3A_82 = arith.constant 0 : i32
    %dma_wait3A_83 = tpu.memref_slice %arg7[%dma_wait3A_78, %dma_wait3A_82] : memref<5x128xi32, #tpu.memory_space<vmem>> -> memref<1x128xi32, #tpu.memory_space<vmem>>
    %dma_wait3A_84 = tpu.memref_squeeze %dma_wait3A_83 : memref<1x128xi32, #tpu.memory_space<vmem>> -> memref<128xi32, #tpu.memory_space<vmem>>
    %dma_wait3A_85 = arith.constant 0 : i32
    %dma_wait3A_86 = arith.constant 0 : i32
    %dma_wait3A_87 = tpu.memref_slice %arg2[%dma_wait3A_85, %dma_wait3A_86] : memref<20000x64xf32, #tpu.memory_space<hbm>> -> memref<20000x64xf32, #tpu.memory_space<hbm>>
    tpu.wait_indirect_dma semaphore(%arg14 : memref<!tpu.dma_semaphore, #tpu.memory_space<semaphore_mem>>) src(%dma_wait3A_87 : memref<20000x64xf32, #tpu.memory_space<hbm>>) dst(%dma_wait3A_81 : memref<128x64xf32, #tpu.memory_space<vmem>>)
    %mul3A_88 = arith.constant 625 : i32
    %mul3A_89 = arith.muli %arg1, %mul3A_88 : i32
    %add3A_90 = arith.constant 384 : i32
    %add3A_91 = arith.addi %mul3A_89, %add3A_90 : i32
    "tpu.region"() ({
      %run_scoped3A = tpu.sem_alloc : memref<!tpu.dma_semaphore, #tpu.memory_space<semaphore_mem>>
      %dma_start3A_127 = arith.constant 0 : i32
      %dma_start3A_128 = arith.constant 0 : i32
      %dma_start3A_129 = tpu.memref_slice %arg10[%dma_start3A_127, %dma_start3A_128] : memref<256x64xf32, #tpu.memory_space<vmem>> -> memref<128x64xf32, #tpu.memory_space<vmem>>
      %dma_start3A_130 = arith.constant 0 : i32
      %dma_start3A_131 = tpu.memref_slice %arg12[%add3A_91, %dma_start3A_130] : memref<10000x64xf32, #tpu.memory_space<vmem_shared>> -> memref<128x64xf32, #tpu.memory_space<vmem_shared>>
      %dma_start3A_132 = arith.constant 0 : i32
      %dma_start3A_133 = tpu.memref_slice %arg12[%add3A_91, %dma_start3A_132] : memref<10000x64xf32, #tpu.memory_space<vmem_shared>> -> memref<128x64xf32, #tpu.memory_space<vmem_shared>>
      %dma_start3A_134 = arith.constant 0 : i32
      %dma_start3A_135 = arith.constant 0 : i32
      %dma_start3A_136 = tpu.memref_slice %arg10[%dma_start3A_134, %dma_start3A_135] : memref<256x64xf32, #tpu.memory_space<vmem>> -> memref<128x64xf32, #tpu.memory_space<vmem>>
      tpu.enqueue_dma source(%dma_start3A_136 : memref<128x64xf32, #tpu.memory_space<vmem>>) target(%dma_start3A_133 : memref<128x64xf32, #tpu.memory_space<vmem_shared>>) target_semaphore(%run_scoped3A : memref<!tpu.dma_semaphore, #tpu.memory_space<semaphore_mem>>)
      %dma_wait3A_137 = arith.constant 0 : i32
      %dma_wait3A_138 = arith.constant 0 : i32
      %dma_wait3A_139 = tpu.memref_slice %arg10[%dma_wait3A_137, %dma_wait3A_138] : memref<256x64xf32, #tpu.memory_space<vmem>> -> memref<128x64xf32, #tpu.memory_space<vmem>>
      %dma_wait3A_140 = arith.constant 0 : i32
      %dma_wait3A_141 = tpu.memref_slice %arg12[%add3A_91, %dma_wait3A_140] : memref<10000x64xf32, #tpu.memory_space<vmem_shared>> -> memref<128x64xf32, #tpu.memory_space<vmem_shared>>
      %dma_wait3A_142 = arith.constant 0 : i32
      %dma_wait3A_143 = tpu.memref_slice %arg12[%add3A_91, %dma_wait3A_142] : memref<10000x64xf32, #tpu.memory_space<vmem_shared>> -> memref<128x64xf32, #tpu.memory_space<vmem_shared>>
      %dma_wait3A_144 = arith.constant 0 : i32
      %dma_wait3A_145 = arith.constant 0 : i32
      %dma_wait3A_146 = tpu.memref_slice %arg10[%dma_wait3A_144, %dma_wait3A_145] : memref<256x64xf32, #tpu.memory_space<vmem>> -> memref<128x64xf32, #tpu.memory_space<vmem>>
      tpu.wait_dma2 semaphore(%run_scoped3A : memref<!tpu.dma_semaphore, #tpu.memory_space<semaphore_mem>>) src(%dma_wait3A_146 : memref<128x64xf32, #tpu.memory_space<vmem>>) dst(%dma_wait3A_143 : memref<128x64xf32, #tpu.memory_space<vmem_shared>>)
      tpu.yield
    }) : () -> ()
    "tpu.region"() ({
      %run_scoped3A = tpu.sem_alloc : memref<!tpu.dma_semaphore, #tpu.memory_space<semaphore_mem>>
      %dma_start3A_127 = arith.constant 0 : i32
      %dma_start3A_128 = arith.constant 0 : i32
      %dma_start3A_129 = tpu.memref_slice %arg10[%dma_start3A_127, %dma_start3A_128] : memref<256x64xf32, #tpu.memory_space<vmem>> -> memref<128x64xf32, #tpu.memory_space<vmem>>
      %dma_start3A_130 = arith.constant 0 : i32
      %dma_start3A_131 = tpu.memref_slice %arg13[%add3A_91, %dma_start3A_130] : memref<10008x64xf32, #tpu.memory_space<vmem_shared>> -> memref<128x64xf32, #tpu.memory_space<vmem_shared>>
      %dma_start3A_132 = arith.constant 0 : i32
      %dma_start3A_133 = tpu.memref_slice %arg13[%add3A_91, %dma_start3A_132] : memref<10008x64xf32, #tpu.memory_space<vmem_shared>> -> memref<128x64xf32, #tpu.memory_space<vmem_shared>>
      %dma_start3A_134 = arith.constant 0 : i32
      %dma_start3A_135 = arith.constant 0 : i32
      %dma_start3A_136 = tpu.memref_slice %arg10[%dma_start3A_134, %dma_start3A_135] : memref<256x64xf32, #tpu.memory_space<vmem>> -> memref<128x64xf32, #tpu.memory_space<vmem>>
      tpu.enqueue_dma source(%dma_start3A_136 : memref<128x64xf32, #tpu.memory_space<vmem>>) target(%dma_start3A_133 : memref<128x64xf32, #tpu.memory_space<vmem_shared>>) target_semaphore(%run_scoped3A : memref<!tpu.dma_semaphore, #tpu.memory_space<semaphore_mem>>)
      %dma_wait3A_137 = arith.constant 0 : i32
      %dma_wait3A_138 = arith.constant 0 : i32
      %dma_wait3A_139 = tpu.memref_slice %arg10[%dma_wait3A_137, %dma_wait3A_138] : memref<256x64xf32, #tpu.memory_space<vmem>> -> memref<128x64xf32, #tpu.memory_space<vmem>>
      %dma_wait3A_140 = arith.constant 0 : i32
      %dma_wait3A_141 = tpu.memref_slice %arg13[%add3A_91, %dma_wait3A_140] : memref<10008x64xf32, #tpu.memory_space<vmem_shared>> -> memref<128x64xf32, #tpu.memory_space<vmem_shared>>
      %dma_wait3A_142 = arith.constant 0 : i32
      %dma_wait3A_143 = tpu.memref_slice %arg13[%add3A_91, %dma_wait3A_142] : memref<10008x64xf32, #tpu.memory_space<vmem_shared>> -> memref<128x64xf32, #tpu.memory_space<vmem_shared>>
      %dma_wait3A_144 = arith.constant 0 : i32
      %dma_wait3A_145 = arith.constant 0 : i32
      %dma_wait3A_146 = tpu.memref_slice %arg10[%dma_wait3A_144, %dma_wait3A_145] : memref<256x64xf32, #tpu.memory_space<vmem>> -> memref<128x64xf32, #tpu.memory_space<vmem>>
      tpu.wait_dma2 semaphore(%run_scoped3A : memref<!tpu.dma_semaphore, #tpu.memory_space<semaphore_mem>>) src(%dma_wait3A_146 : memref<128x64xf32, #tpu.memory_space<vmem>>) dst(%dma_wait3A_143 : memref<128x64xf32, #tpu.memory_space<vmem_shared>>)
      tpu.yield
    }) : () -> ()
    %dma_start3A_92 = arith.constant 4 : i32
    %dma_start3A_93 = arith.constant 0 : i32
    %dma_start3A_94 = arith.constant 0 : i32
    %dma_start3A_95 = tpu.memref_slice %arg10[%dma_start3A_93, %dma_start3A_94] : memref<256x64xf32, #tpu.memory_space<vmem>> -> memref<128x64xf32, #tpu.memory_space<vmem>>
    %dma_start3A_96 = arith.constant 0 : i32
    %dma_start3A_97 = tpu.memref_slice %arg7[%dma_start3A_92, %dma_start3A_96] : memref<5x128xi32, #tpu.memory_space<vmem>> -> memref<1x128xi32, #tpu.memory_space<vmem>>
    %dma_start3A_98 = tpu.memref_squeeze %dma_start3A_97 : memref<1x128xi32, #tpu.memory_space<vmem>> -> memref<128xi32, #tpu.memory_space<vmem>>
    %dma_start3A_99 = arith.constant 0 : i32
    %dma_start3A_100 = arith.constant 0 : i32
    %dma_start3A_101 = tpu.memref_slice %arg2[%dma_start3A_99, %dma_start3A_100] : memref<20000x64xf32, #tpu.memory_space<hbm>> -> memref<20000x64xf32, #tpu.memory_space<hbm>>
    tpu.enqueue_indirect_dma source(%dma_start3A_101 : memref<20000x64xf32, #tpu.memory_space<hbm>>) target(%dma_start3A_95 : memref<128x64xf32, #tpu.memory_space<vmem>>) offsets(%dma_start3A_98 : memref<128xi32, #tpu.memory_space<vmem>>) semaphore(%arg14 : memref<!tpu.dma_semaphore, #tpu.memory_space<semaphore_mem>>)
    %dma_wait3A_102 = arith.constant 4 : i32
    %dma_wait3A_103 = arith.constant 0 : i32
    %dma_wait3A_104 = arith.constant 0 : i32
    %dma_wait3A_105 = tpu.memref_slice %arg10[%dma_wait3A_103, %dma_wait3A_104] : memref<256x64xf32, #tpu.memory_space<vmem>> -> memref<128x64xf32, #tpu.memory_space<vmem>>
    %dma_wait3A_106 = arith.constant 0 : i32
    %dma_wait3A_107 = tpu.memref_slice %arg7[%dma_wait3A_102, %dma_wait3A_106] : memref<5x128xi32, #tpu.memory_space<vmem>> -> memref<1x128xi32, #tpu.memory_space<vmem>>
    %dma_wait3A_108 = tpu.memref_squeeze %dma_wait3A_107 : memref<1x128xi32, #tpu.memory_space<vmem>> -> memref<128xi32, #tpu.memory_space<vmem>>
    %dma_wait3A_109 = arith.constant 0 : i32
    %dma_wait3A_110 = arith.constant 0 : i32
    %dma_wait3A_111 = tpu.memref_slice %arg2[%dma_wait3A_109, %dma_wait3A_110] : memref<20000x64xf32, #tpu.memory_space<hbm>> -> memref<20000x64xf32, #tpu.memory_space<hbm>>
    tpu.wait_indirect_dma semaphore(%arg14 : memref<!tpu.dma_semaphore, #tpu.memory_space<semaphore_mem>>) src(%dma_wait3A_111 : memref<20000x64xf32, #tpu.memory_space<hbm>>) dst(%dma_wait3A_105 : memref<128x64xf32, #tpu.memory_space<vmem>>)
    %mul3A_112 = arith.constant 625 : i32
    %mul3A_113 = arith.muli %arg1, %mul3A_112 : i32
    %add3A_114 = arith.constant 512 : i32
    %add3A_115 = arith.addi %mul3A_113, %add3A_114 : i32
    "tpu.region"() ({
      %run_scoped3A = tpu.sem_alloc : memref<!tpu.dma_semaphore, #tpu.memory_space<semaphore_mem>>
      %dma_start3A_127 = arith.constant 0 : i32
      %dma_start3A_128 = arith.constant 0 : i32
      %dma_start3A_129 = tpu.memref_slice %arg10[%dma_start3A_127, %dma_start3A_128] : memref<256x64xf32, #tpu.memory_space<vmem>> -> memref<113x64xf32, #tpu.memory_space<vmem>>
      %dma_start3A_130 = arith.constant 0 : i32
      %dma_start3A_131 = tpu.memref_slice %arg12[%add3A_115, %dma_start3A_130] : memref<10000x64xf32, #tpu.memory_space<vmem_shared>> -> memref<113x64xf32, #tpu.memory_space<vmem_shared>>
      %dma_start3A_132 = arith.constant 0 : i32
      %dma_start3A_133 = tpu.memref_slice %arg12[%add3A_115, %dma_start3A_132] : memref<10000x64xf32, #tpu.memory_space<vmem_shared>> -> memref<113x64xf32, #tpu.memory_space<vmem_shared>>
      %dma_start3A_134 = arith.constant 0 : i32
      %dma_start3A_135 = arith.constant 0 : i32
      %dma_start3A_136 = tpu.memref_slice %arg10[%dma_start3A_134, %dma_start3A_135] : memref<256x64xf32, #tpu.memory_space<vmem>> -> memref<113x64xf32, #tpu.memory_space<vmem>>
      tpu.enqueue_dma source(%dma_start3A_136 : memref<113x64xf32, #tpu.memory_space<vmem>>) target(%dma_start3A_133 : memref<113x64xf32, #tpu.memory_space<vmem_shared>>) target_semaphore(%run_scoped3A : memref<!tpu.dma_semaphore, #tpu.memory_space<semaphore_mem>>)
      %dma_wait3A_137 = arith.constant 0 : i32
      %dma_wait3A_138 = arith.constant 0 : i32
      %dma_wait3A_139 = tpu.memref_slice %arg10[%dma_wait3A_137, %dma_wait3A_138] : memref<256x64xf32, #tpu.memory_space<vmem>> -> memref<113x64xf32, #tpu.memory_space<vmem>>
      %dma_wait3A_140 = arith.constant 0 : i32
      %dma_wait3A_141 = tpu.memref_slice %arg12[%add3A_115, %dma_wait3A_140] : memref<10000x64xf32, #tpu.memory_space<vmem_shared>> -> memref<113x64xf32, #tpu.memory_space<vmem_shared>>
      %dma_wait3A_142 = arith.constant 0 : i32
      %dma_wait3A_143 = tpu.memref_slice %arg12[%add3A_115, %dma_wait3A_142] : memref<10000x64xf32, #tpu.memory_space<vmem_shared>> -> memref<113x64xf32, #tpu.memory_space<vmem_shared>>
      %dma_wait3A_144 = arith.constant 0 : i32
      %dma_wait3A_145 = arith.constant 0 : i32
      %dma_wait3A_146 = tpu.memref_slice %arg10[%dma_wait3A_144, %dma_wait3A_145] : memref<256x64xf32, #tpu.memory_space<vmem>> -> memref<113x64xf32, #tpu.memory_space<vmem>>
      tpu.wait_dma2 semaphore(%run_scoped3A : memref<!tpu.dma_semaphore, #tpu.memory_space<semaphore_mem>>) src(%dma_wait3A_146 : memref<113x64xf32, #tpu.memory_space<vmem>>) dst(%dma_wait3A_143 : memref<113x64xf32, #tpu.memory_space<vmem_shared>>)
      tpu.yield
    }) : () -> ()
    "tpu.region"() ({
      %run_scoped3A = tpu.sem_alloc : memref<!tpu.dma_semaphore, #tpu.memory_space<semaphore_mem>>
      %dma_start3A_127 = arith.constant 0 : i32
      %dma_start3A_128 = arith.constant 0 : i32
      %dma_start3A_129 = tpu.memref_slice %arg10[%dma_start3A_127, %dma_start3A_128] : memref<256x64xf32, #tpu.memory_space<vmem>> -> memref<113x64xf32, #tpu.memory_space<vmem>>
      %dma_start3A_130 = arith.constant 0 : i32
      %dma_start3A_131 = tpu.memref_slice %arg13[%add3A_115, %dma_start3A_130] : memref<10008x64xf32, #tpu.memory_space<vmem_shared>> -> memref<113x64xf32, #tpu.memory_space<vmem_shared>>
      %dma_start3A_132 = arith.constant 0 : i32
      %dma_start3A_133 = tpu.memref_slice %arg13[%add3A_115, %dma_start3A_132] : memref<10008x64xf32, #tpu.memory_space<vmem_shared>> -> memref<113x64xf32, #tpu.memory_space<vmem_shared>>
      %dma_start3A_134 = arith.constant 0 : i32
      %dma_start3A_135 = arith.constant 0 : i32
      %dma_start3A_136 = tpu.memref_slice %arg10[%dma_start3A_134, %dma_start3A_135] : memref<256x64xf32, #tpu.memory_space<vmem>> -> memref<113x64xf32, #tpu.memory_space<vmem>>
      tpu.enqueue_dma source(%dma_start3A_136 : memref<113x64xf32, #tpu.memory_space<vmem>>) target(%dma_start3A_133 : memref<113x64xf32, #tpu.memory_space<vmem_shared>>) target_semaphore(%run_scoped3A : memref<!tpu.dma_semaphore, #tpu.memory_space<semaphore_mem>>)
      %dma_wait3A_137 = arith.constant 0 : i32
      %dma_wait3A_138 = arith.constant 0 : i32
      %dma_wait3A_139 = tpu.memref_slice %arg10[%dma_wait3A_137, %dma_wait3A_138] : memref<256x64xf32, #tpu.memory_space<vmem>> -> memref<113x64xf32, #tpu.memory_space<vmem>>
      %dma_wait3A_140 = arith.constant 0 : i32
      %dma_wait3A_141 = tpu.memref_slice %arg13[%add3A_115, %dma_wait3A_140] : memref<10008x64xf32, #tpu.memory_space<vmem_shared>> -> memref<113x64xf32, #tpu.memory_space<vmem_shared>>
      %dma_wait3A_142 = arith.constant 0 : i32
      %dma_wait3A_143 = tpu.memref_slice %arg13[%add3A_115, %dma_wait3A_142] : memref<10008x64xf32, #tpu.memory_space<vmem_shared>> -> memref<113x64xf32, #tpu.memory_space<vmem_shared>>
      %dma_wait3A_144 = arith.constant 0 : i32
      %dma_wait3A_145 = arith.constant 0 : i32
      %dma_wait3A_146 = tpu.memref_slice %arg10[%dma_wait3A_144, %dma_wait3A_145] : memref<256x64xf32, #tpu.memory_space<vmem>> -> memref<113x64xf32, #tpu.memory_space<vmem>>
      tpu.wait_dma2 semaphore(%run_scoped3A : memref<!tpu.dma_semaphore, #tpu.memory_space<semaphore_mem>>) src(%dma_wait3A_146 : memref<113x64xf32, #tpu.memory_space<vmem>>) dst(%dma_wait3A_143 : memref<113x64xf32, #tpu.memory_space<vmem_shared>>)
      tpu.yield
    }) : () -> ()
    %barrier3A = arith.constant 0 : index
    tpu.barrier barrier_id(%barrier3A)
    %scan3A = arith.constant 0 : i32
    %scan3A_116 = arith.constant 0 : i32
    %scan3A_117 = arith.constant 10 : i32
    %scan3A_118 = arith.addi %scan3A_116, %scan3A_117 : i32
    %scan3A_119 = arith.constant 1 : i32
    scf.for %scan3A_127 = %scan3A_116 to %scan3A_118 step %scan3A_119  : i32 {
      %mul3A_128 = arith.constant 2048 : i32
      %mul3A_129 = arith.muli %scan3A_127, %mul3A_128 : i32
      %dma_start3A_130 = tpu.memref_slice %arg4[%arg1, %mul3A_129] : memref<16x20480xi32, #tpu.memory_space<hbm>> -> memref<1x2048xi32, #tpu.memory_space<hbm>>
      %dma_start3A_131 = tpu.memref_squeeze %dma_start3A_130 : memref<1x2048xi32, #tpu.memory_space<hbm>> -> memref<2048xi32, #tpu.memory_space<hbm>>
      %dma_start3A_132 = tpu.memref_slice %arg4[%arg1, %mul3A_129] : memref<16x20480xi32, #tpu.memory_space<hbm>> -> memref<1x2048xi32, #tpu.memory_space<hbm>>
      %dma_start3A_133 = tpu.memref_squeeze %dma_start3A_132 : memref<1x2048xi32, #tpu.memory_space<hbm>> -> memref<2048xi32, #tpu.memory_space<hbm>>
      tpu.enqueue_dma source(%dma_start3A_133 : memref<2048xi32, #tpu.memory_space<hbm>>) target(%arg8 : memref<2048xi32, #tpu.memory_space<vmem>>) target_semaphore(%arg16 : memref<!tpu.dma_semaphore, #tpu.memory_space<semaphore_mem>>)
      %mul3A_134 = arith.constant 2048 : i32
      %mul3A_135 = arith.muli %scan3A_127, %mul3A_134 : i32
      %dma_start3A_136 = tpu.memref_slice %arg5[%arg1, %mul3A_135] : memref<16x20480xi32, #tpu.memory_space<hbm>> -> memref<1x2048xi32, #tpu.memory_space<hbm>>
      %dma_start3A_137 = tpu.memref_squeeze %dma_start3A_136 : memref<1x2048xi32, #tpu.memory_space<hbm>> -> memref<2048xi32, #tpu.memory_space<hbm>>
      %dma_start3A_138 = tpu.memref_slice %arg5[%arg1, %mul3A_135] : memref<16x20480xi32, #tpu.memory_space<hbm>> -> memref<1x2048xi32, #tpu.memory_space<hbm>>
      %dma_start3A_139 = tpu.memref_squeeze %dma_start3A_138 : memref<1x2048xi32, #tpu.memory_space<hbm>> -> memref<2048xi32, #tpu.memory_space<hbm>>
      tpu.enqueue_dma source(%dma_start3A_139 : memref<2048xi32, #tpu.memory_space<hbm>>) target(%arg9 : memref<2048xi32, #tpu.memory_space<vmem>>) target_semaphore(%arg16 : memref<!tpu.dma_semaphore, #tpu.memory_space<semaphore_mem>>)
      %dma_wait3A_140 = tpu.memref_slice %arg4[%arg1, %mul3A_129] : memref<16x20480xi32, #tpu.memory_space<hbm>> -> memref<1x2048xi32, #tpu.memory_space<hbm>>
      %dma_wait3A_141 = tpu.memref_squeeze %dma_wait3A_140 : memref<1x2048xi32, #tpu.memory_space<hbm>> -> memref<2048xi32, #tpu.memory_space<hbm>>
      %dma_wait3A_142 = tpu.memref_slice %arg4[%arg1, %mul3A_129] : memref<16x20480xi32, #tpu.memory_space<hbm>> -> memref<1x2048xi32, #tpu.memory_space<hbm>>
      %dma_wait3A_143 = tpu.memref_squeeze %dma_wait3A_142 : memref<1x2048xi32, #tpu.memory_space<hbm>> -> memref<2048xi32, #tpu.memory_space<hbm>>
      tpu.wait_dma2 semaphore(%arg16 : memref<!tpu.dma_semaphore, #tpu.memory_space<semaphore_mem>>) src(%dma_wait3A_143 : memref<2048xi32, #tpu.memory_space<hbm>>) dst(%arg8 : memref<2048xi32, #tpu.memory_space<vmem>>)
      %dma_wait3A_144 = tpu.memref_slice %arg5[%arg1, %mul3A_135] : memref<16x20480xi32, #tpu.memory_space<hbm>> -> memref<1x2048xi32, #tpu.memory_space<hbm>>
      %dma_wait3A_145 = tpu.memref_squeeze %dma_wait3A_144 : memref<1x2048xi32, #tpu.memory_space<hbm>> -> memref<2048xi32, #tpu.memory_space<hbm>>
      %dma_wait3A_146 = tpu.memref_slice %arg5[%arg1, %mul3A_135] : memref<16x20480xi32, #tpu.memory_space<hbm>> -> memref<1x2048xi32, #tpu.memory_space<hbm>>
      %dma_wait3A_147 = tpu.memref_squeeze %dma_wait3A_146 : memref<1x2048xi32, #tpu.memory_space<hbm>> -> memref<2048xi32, #tpu.memory_space<hbm>>
      tpu.wait_dma2 semaphore(%arg16 : memref<!tpu.dma_semaphore, #tpu.memory_space<semaphore_mem>>) src(%dma_wait3A_147 : memref<2048xi32, #tpu.memory_space<hbm>>) dst(%arg9 : memref<2048xi32, #tpu.memory_space<vmem>>)
      %dma_start3A_148 = arith.constant 0 : i32
      %dma_start3A_149 = tpu.memref_slice %arg8[%dma_start3A_148] : memref<2048xi32, #tpu.memory_space<vmem>> -> memref<256xi32, #tpu.memory_space<vmem>>
      %dma_start3A_150 = arith.constant 0 : i32
      %dma_start3A_151 = arith.constant 0 : i32
      %dma_start3A_152 = tpu.memref_slice %arg12[%dma_start3A_150, %dma_start3A_151] : memref<10000x64xf32, #tpu.memory_space<vmem_shared>> -> memref<10000x64xf32, #tpu.memory_space<vmem_shared>>
      tpu.enqueue_indirect_dma source(%dma_start3A_152 : memref<10000x64xf32, #tpu.memory_space<vmem_shared>>) target(%arg10 : memref<256x64xf32, #tpu.memory_space<vmem>>) offsets(%dma_start3A_149 : memref<256xi32, #tpu.memory_space<vmem>>) semaphore(%arg14 : memref<!tpu.dma_semaphore, #tpu.memory_space<semaphore_mem>>)
      %dma_start3A_153 = arith.constant 256 : i32
      %dma_start3A_154 = tpu.memref_slice %arg8[%dma_start3A_153] : memref<2048xi32, #tpu.memory_space<vmem>> -> memref<256xi32, #tpu.memory_space<vmem>>
      %dma_start3A_155 = arith.constant 0 : i32
      %dma_start3A_156 = arith.constant 0 : i32
      %dma_start3A_157 = tpu.memref_slice %arg12[%dma_start3A_155, %dma_start3A_156] : memref<10000x64xf32, #tpu.memory_space<vmem_shared>> -> memref<10000x64xf32, #tpu.memory_space<vmem_shared>>
      tpu.enqueue_indirect_dma source(%dma_start3A_157 : memref<10000x64xf32, #tpu.memory_space<vmem_shared>>) target(%arg11 : memref<256x64xf32, #tpu.memory_space<vmem>>) offsets(%dma_start3A_154 : memref<256xi32, #tpu.memory_space<vmem>>) semaphore(%arg15 : memref<!tpu.dma_semaphore, #tpu.memory_space<semaphore_mem>>)
      %dma_wait3A_158 = arith.constant 0 : i32
      %dma_wait3A_159 = tpu.memref_slice %arg8[%dma_wait3A_158] : memref<2048xi32, #tpu.memory_space<vmem>> -> memref<256xi32, #tpu.memory_space<vmem>>
      %dma_wait3A_160 = arith.constant 0 : i32
      %dma_wait3A_161 = arith.constant 0 : i32
      %dma_wait3A_162 = tpu.memref_slice %arg12[%dma_wait3A_160, %dma_wait3A_161] : memref<10000x64xf32, #tpu.memory_space<vmem_shared>> -> memref<10000x64xf32, #tpu.memory_space<vmem_shared>>
      tpu.wait_indirect_dma semaphore(%arg14 : memref<!tpu.dma_semaphore, #tpu.memory_space<semaphore_mem>>) src(%dma_wait3A_162 : memref<10000x64xf32, #tpu.memory_space<vmem_shared>>) dst(%arg10 : memref<256x64xf32, #tpu.memory_space<vmem>>)
      "tpu.region"() ({
        %run_scoped3A = tpu.sem_alloc : memref<!tpu.dma_semaphore, #tpu.memory_space<semaphore_mem>>
        %dma_start3A_228 = arith.constant 0 : i32
        %dma_start3A_229 = tpu.memref_slice %arg9[%dma_start3A_228] : memref<2048xi32, #tpu.memory_space<vmem>> -> memref<256xi32, #tpu.memory_space<vmem>>
        %dma_start3A_230 = arith.constant 0 : i32
        %dma_start3A_231 = arith.constant 0 : i32
        %dma_start3A_232 = tpu.memref_slice %arg13[%dma_start3A_230, %dma_start3A_231] : memref<10008x64xf32, #tpu.memory_space<vmem_shared>> -> memref<10008x64xf32, #tpu.memory_space<vmem_shared>>
        tpu.enqueue_indirect_dma source(%arg10 : memref<256x64xf32, #tpu.memory_space<vmem>>) target(%dma_start3A_232 : memref<10008x64xf32, #tpu.memory_space<vmem_shared>>) offsets(%dma_start3A_229 : memref<256xi32, #tpu.memory_space<vmem>>) semaphore(%run_scoped3A : memref<!tpu.dma_semaphore, #tpu.memory_space<semaphore_mem>>) {add = true}
        %dma_wait3A_233 = arith.constant 0 : i32
        %dma_wait3A_234 = tpu.memref_slice %arg9[%dma_wait3A_233] : memref<2048xi32, #tpu.memory_space<vmem>> -> memref<256xi32, #tpu.memory_space<vmem>>
        %dma_wait3A_235 = arith.constant 0 : i32
        %dma_wait3A_236 = arith.constant 0 : i32
        %dma_wait3A_237 = tpu.memref_slice %arg13[%dma_wait3A_235, %dma_wait3A_236] : memref<10008x64xf32, #tpu.memory_space<vmem_shared>> -> memref<10008x64xf32, #tpu.memory_space<vmem_shared>>
        tpu.wait_indirect_dma semaphore(%run_scoped3A : memref<!tpu.dma_semaphore, #tpu.memory_space<semaphore_mem>>) src(%arg10 : memref<256x64xf32, #tpu.memory_space<vmem>>) dst(%dma_wait3A_237 : memref<10008x64xf32, #tpu.memory_space<vmem_shared>>)
        tpu.yield
      }) : () -> ()
      %dma_start3A_163 = arith.constant 512 : i32
      %dma_start3A_164 = tpu.memref_slice %arg8[%dma_start3A_163] : memref<2048xi32, #tpu.memory_space<vmem>> -> memref<256xi32, #tpu.memory_space<vmem>>
      %dma_start3A_165 = arith.constant 0 : i32
      %dma_start3A_166 = arith.constant 0 : i32
      %dma_start3A_167 = tpu.memref_slice %arg12[%dma_start3A_165, %dma_start3A_166] : memref<10000x64xf32, #tpu.memory_space<vmem_shared>> -> memref<10000x64xf32, #tpu.memory_space<vmem_shared>>
      tpu.enqueue_indirect_dma source(%dma_start3A_167 : memref<10000x64xf32, #tpu.memory_space<vmem_shared>>) target(%arg10 : memref<256x64xf32, #tpu.memory_space<vmem>>) offsets(%dma_start3A_164 : memref<256xi32, #tpu.memory_space<vmem>>) semaphore(%arg14 : memref<!tpu.dma_semaphore, #tpu.memory_space<semaphore_mem>>)
      %dma_wait3A_168 = arith.constant 256 : i32
      %dma_wait3A_169 = tpu.memref_slice %arg8[%dma_wait3A_168] : memref<2048xi32, #tpu.memory_space<vmem>> -> memref<256xi32, #tpu.memory_space<vmem>>
      %dma_wait3A_170 = arith.constant 0 : i32
      %dma_wait3A_171 = arith.constant 0 : i32
      %dma_wait3A_172 = tpu.memref_slice %arg12[%dma_wait3A_170, %dma_wait3A_171] : memref<10000x64xf32, #tpu.memory_space<vmem_shared>> -> memref<10000x64xf32, #tpu.memory_space<vmem_shared>>
      tpu.wait_indirect_dma semaphore(%arg15 : memref<!tpu.dma_semaphore, #tpu.memory_space<semaphore_mem>>) src(%dma_wait3A_172 : memref<10000x64xf32, #tpu.memory_space<vmem_shared>>) dst(%arg11 : memref<256x64xf32, #tpu.memory_space<vmem>>)
      "tpu.region"() ({
        %run_scoped3A = tpu.sem_alloc : memref<!tpu.dma_semaphore, #tpu.memory_space<semaphore_mem>>
        %dma_start3A_228 = arith.constant 256 : i32
        %dma_start3A_229 = tpu.memref_slice %arg9[%dma_start3A_228] : memref<2048xi32, #tpu.memory_space<vmem>> -> memref<256xi32, #tpu.memory_space<vmem>>
        %dma_start3A_230 = arith.constant 0 : i32
        %dma_start3A_231 = arith.constant 0 : i32
        %dma_start3A_232 = tpu.memref_slice %arg13[%dma_start3A_230, %dma_start3A_231] : memref<10008x64xf32, #tpu.memory_space<vmem_shared>> -> memref<10008x64xf32, #tpu.memory_space<vmem_shared>>
        tpu.enqueue_indirect_dma source(%arg11 : memref<256x64xf32, #tpu.memory_space<vmem>>) target(%dma_start3A_232 : memref<10008x64xf32, #tpu.memory_space<vmem_shared>>) offsets(%dma_start3A_229 : memref<256xi32, #tpu.memory_space<vmem>>) semaphore(%run_scoped3A : memref<!tpu.dma_semaphore, #tpu.memory_space<semaphore_mem>>) {add = true}
        %dma_wait3A_233 = arith.constant 256 : i32
        %dma_wait3A_234 = tpu.memref_slice %arg9[%dma_wait3A_233] : memref<2048xi32, #tpu.memory_space<vmem>> -> memref<256xi32, #tpu.memory_space<vmem>>
        %dma_wait3A_235 = arith.constant 0 : i32
        %dma_wait3A_236 = arith.constant 0 : i32
        %dma_wait3A_237 = tpu.memref_slice %arg13[%dma_wait3A_235, %dma_wait3A_236] : memref<10008x64xf32, #tpu.memory_space<vmem_shared>> -> memref<10008x64xf32, #tpu.memory_space<vmem_shared>>
        tpu.wait_indirect_dma semaphore(%run_scoped3A : memref<!tpu.dma_semaphore, #tpu.memory_space<semaphore_mem>>) src(%arg11 : memref<256x64xf32, #tpu.memory_space<vmem>>) dst(%dma_wait3A_237 : memref<10008x64xf32, #tpu.memory_space<vmem_shared>>)
        tpu.yield
      }) : () -> ()
      %dma_start3A_173 = arith.constant 768 : i32
      %dma_start3A_174 = tpu.memref_slice %arg8[%dma_start3A_173] : memref<2048xi32, #tpu.memory_space<vmem>> -> memref<256xi32, #tpu.memory_space<vmem>>
      %dma_start3A_175 = arith.constant 0 : i32
      %dma_start3A_176 = arith.constant 0 : i32
      %dma_start3A_177 = tpu.memref_slice %arg12[%dma_start3A_175, %dma_start3A_176] : memref<10000x64xf32, #tpu.memory_space<vmem_shared>> -> memref<10000x64xf32, #tpu.memory_space<vmem_shared>>
      tpu.enqueue_indirect_dma source(%dma_start3A_177 : memref<10000x64xf32, #tpu.memory_space<vmem_shared>>) target(%arg11 : memref<256x64xf32, #tpu.memory_space<vmem>>) offsets(%dma_start3A_174 : memref<256xi32, #tpu.memory_space<vmem>>) semaphore(%arg15 : memref<!tpu.dma_semaphore, #tpu.memory_space<semaphore_mem>>)
      %dma_wait3A_178 = arith.constant 512 : i32
      %dma_wait3A_179 = tpu.memref_slice %arg8[%dma_wait3A_178] : memref<2048xi32, #tpu.memory_space<vmem>> -> memref<256xi32, #tpu.memory_space<vmem>>
      %dma_wait3A_180 = arith.constant 0 : i32
      %dma_wait3A_181 = arith.constant 0 : i32
      %dma_wait3A_182 = tpu.memref_slice %arg12[%dma_wait3A_180, %dma_wait3A_181] : memref<10000x64xf32, #tpu.memory_space<vmem_shared>> -> memref<10000x64xf32, #tpu.memory_space<vmem_shared>>
      tpu.wait_indirect_dma semaphore(%arg14 : memref<!tpu.dma_semaphore, #tpu.memory_space<semaphore_mem>>) src(%dma_wait3A_182 : memref<10000x64xf32, #tpu.memory_space<vmem_shared>>) dst(%arg10 : memref<256x64xf32, #tpu.memory_space<vmem>>)
      "tpu.region"() ({
        %run_scoped3A = tpu.sem_alloc : memref<!tpu.dma_semaphore, #tpu.memory_space<semaphore_mem>>
        %dma_start3A_228 = arith.constant 512 : i32
        %dma_start3A_229 = tpu.memref_slice %arg9[%dma_start3A_228] : memref<2048xi32, #tpu.memory_space<vmem>> -> memref<256xi32, #tpu.memory_space<vmem>>
        %dma_start3A_230 = arith.constant 0 : i32
        %dma_start3A_231 = arith.constant 0 : i32
        %dma_start3A_232 = tpu.memref_slice %arg13[%dma_start3A_230, %dma_start3A_231] : memref<10008x64xf32, #tpu.memory_space<vmem_shared>> -> memref<10008x64xf32, #tpu.memory_space<vmem_shared>>
        tpu.enqueue_indirect_dma source(%arg10 : memref<256x64xf32, #tpu.memory_space<vmem>>) target(%dma_start3A_232 : memref<10008x64xf32, #tpu.memory_space<vmem_shared>>) offsets(%dma_start3A_229 : memref<256xi32, #tpu.memory_space<vmem>>) semaphore(%run_scoped3A : memref<!tpu.dma_semaphore, #tpu.memory_space<semaphore_mem>>) {add = true}
        %dma_wait3A_233 = arith.constant 512 : i32
        %dma_wait3A_234 = tpu.memref_slice %arg9[%dma_wait3A_233] : memref<2048xi32, #tpu.memory_space<vmem>> -> memref<256xi32, #tpu.memory_space<vmem>>
        %dma_wait3A_235 = arith.constant 0 : i32
        %dma_wait3A_236 = arith.constant 0 : i32
        %dma_wait3A_237 = tpu.memref_slice %arg13[%dma_wait3A_235, %dma_wait3A_236] : memref<10008x64xf32, #tpu.memory_space<vmem_shared>> -> memref<10008x64xf32, #tpu.memory_space<vmem_shared>>
        tpu.wait_indirect_dma semaphore(%run_scoped3A : memref<!tpu.dma_semaphore, #tpu.memory_space<semaphore_mem>>) src(%arg10 : memref<256x64xf32, #tpu.memory_space<vmem>>) dst(%dma_wait3A_237 : memref<10008x64xf32, #tpu.memory_space<vmem_shared>>)
        tpu.yield
      }) : () -> ()
      %dma_start3A_183 = arith.constant 1024 : i32
      %dma_start3A_184 = tpu.memref_slice %arg8[%dma_start3A_183] : memref<2048xi32, #tpu.memory_space<vmem>> -> memref<256xi32, #tpu.memory_space<vmem>>
      %dma_start3A_185 = arith.constant 0 : i32
      %dma_start3A_186 = arith.constant 0 : i32
      %dma_start3A_187 = tpu.memref_slice %arg12[%dma_start3A_185, %dma_start3A_186] : memref<10000x64xf32, #tpu.memory_space<vmem_shared>> -> memref<10000x64xf32, #tpu.memory_space<vmem_shared>>
      tpu.enqueue_indirect_dma source(%dma_start3A_187 : memref<10000x64xf32, #tpu.memory_space<vmem_shared>>) target(%arg10 : memref<256x64xf32, #tpu.memory_space<vmem>>) offsets(%dma_start3A_184 : memref<256xi32, #tpu.memory_space<vmem>>) semaphore(%arg14 : memref<!tpu.dma_semaphore, #tpu.memory_space<semaphore_mem>>)
      %dma_wait3A_188 = arith.constant 768 : i32
      %dma_wait3A_189 = tpu.memref_slice %arg8[%dma_wait3A_188] : memref<2048xi32, #tpu.memory_space<vmem>> -> memref<256xi32, #tpu.memory_space<vmem>>
      %dma_wait3A_190 = arith.constant 0 : i32
      %dma_wait3A_191 = arith.constant 0 : i32
      %dma_wait3A_192 = tpu.memref_slice %arg12[%dma_wait3A_190, %dma_wait3A_191] : memref<10000x64xf32, #tpu.memory_space<vmem_shared>> -> memref<10000x64xf32, #tpu.memory_space<vmem_shared>>
      tpu.wait_indirect_dma semaphore(%arg15 : memref<!tpu.dma_semaphore, #tpu.memory_space<semaphore_mem>>) src(%dma_wait3A_192 : memref<10000x64xf32, #tpu.memory_space<vmem_shared>>) dst(%arg11 : memref<256x64xf32, #tpu.memory_space<vmem>>)
      "tpu.region"() ({
        %run_scoped3A = tpu.sem_alloc : memref<!tpu.dma_semaphore, #tpu.memory_space<semaphore_mem>>
        %dma_start3A_228 = arith.constant 768 : i32
        %dma_start3A_229 = tpu.memref_slice %arg9[%dma_start3A_228] : memref<2048xi32, #tpu.memory_space<vmem>> -> memref<256xi32, #tpu.memory_space<vmem>>
        %dma_start3A_230 = arith.constant 0 : i32
        %dma_start3A_231 = arith.constant 0 : i32
        %dma_start3A_232 = tpu.memref_slice %arg13[%dma_start3A_230, %dma_start3A_231] : memref<10008x64xf32, #tpu.memory_space<vmem_shared>> -> memref<10008x64xf32, #tpu.memory_space<vmem_shared>>
        tpu.enqueue_indirect_dma source(%arg11 : memref<256x64xf32, #tpu.memory_space<vmem>>) target(%dma_start3A_232 : memref<10008x64xf32, #tpu.memory_space<vmem_shared>>) offsets(%dma_start3A_229 : memref<256xi32, #tpu.memory_space<vmem>>) semaphore(%run_scoped3A : memref<!tpu.dma_semaphore, #tpu.memory_space<semaphore_mem>>) {add = true}
        %dma_wait3A_233 = arith.constant 768 : i32
        %dma_wait3A_234 = tpu.memref_slice %arg9[%dma_wait3A_233] : memref<2048xi32, #tpu.memory_space<vmem>> -> memref<256xi32, #tpu.memory_space<vmem>>
        %dma_wait3A_235 = arith.constant 0 : i32
        %dma_wait3A_236 = arith.constant 0 : i32
        %dma_wait3A_237 = tpu.memref_slice %arg13[%dma_wait3A_235, %dma_wait3A_236] : memref<10008x64xf32, #tpu.memory_space<vmem_shared>> -> memref<10008x64xf32, #tpu.memory_space<vmem_shared>>
        tpu.wait_indirect_dma semaphore(%run_scoped3A : memref<!tpu.dma_semaphore, #tpu.memory_space<semaphore_mem>>) src(%arg11 : memref<256x64xf32, #tpu.memory_space<vmem>>) dst(%dma_wait3A_237 : memref<10008x64xf32, #tpu.memory_space<vmem_shared>>)
        tpu.yield
      }) : () -> ()
      %dma_start3A_193 = arith.constant 1280 : i32
      %dma_start3A_194 = tpu.memref_slice %arg8[%dma_start3A_193] : memref<2048xi32, #tpu.memory_space<vmem>> -> memref<256xi32, #tpu.memory_space<vmem>>
      %dma_start3A_195 = arith.constant 0 : i32
      %dma_start3A_196 = arith.constant 0 : i32
      %dma_start3A_197 = tpu.memref_slice %arg12[%dma_start3A_195, %dma_start3A_196] : memref<10000x64xf32, #tpu.memory_space<vmem_shared>> -> memref<10000x64xf32, #tpu.memory_space<vmem_shared>>
      tpu.enqueue_indirect_dma source(%dma_start3A_197 : memref<10000x64xf32, #tpu.memory_space<vmem_shared>>) target(%arg11 : memref<256x64xf32, #tpu.memory_space<vmem>>) offsets(%dma_start3A_194 : memref<256xi32, #tpu.memory_space<vmem>>) semaphore(%arg15 : memref<!tpu.dma_semaphore, #tpu.memory_space<semaphore_mem>>)
      %dma_wait3A_198 = arith.constant 1024 : i32
      %dma_wait3A_199 = tpu.memref_slice %arg8[%dma_wait3A_198] : memref<2048xi32, #tpu.memory_space<vmem>> -> memref<256xi32, #tpu.memory_space<vmem>>
      %dma_wait3A_200 = arith.constant 0 : i32
      %dma_wait3A_201 = arith.constant 0 : i32
      %dma_wait3A_202 = tpu.memref_slice %arg12[%dma_wait3A_200, %dma_wait3A_201] : memref<10000x64xf32, #tpu.memory_space<vmem_shared>> -> memref<10000x64xf32, #tpu.memory_space<vmem_shared>>
      tpu.wait_indirect_dma semaphore(%arg14 : memref<!tpu.dma_semaphore, #tpu.memory_space<semaphore_mem>>) src(%dma_wait3A_202 : memref<10000x64xf32, #tpu.memory_space<vmem_shared>>) dst(%arg10 : memref<256x64xf32, #tpu.memory_space<vmem>>)
      "tpu.region"() ({
        %run_scoped3A = tpu.sem_alloc : memref<!tpu.dma_semaphore, #tpu.memory_space<semaphore_mem>>
        %dma_start3A_228 = arith.constant 1024 : i32
        %dma_start3A_229 = tpu.memref_slice %arg9[%dma_start3A_228] : memref<2048xi32, #tpu.memory_space<vmem>> -> memref<256xi32, #tpu.memory_space<vmem>>
        %dma_start3A_230 = arith.constant 0 : i32
        %dma_start3A_231 = arith.constant 0 : i32
        %dma_start3A_232 = tpu.memref_slice %arg13[%dma_start3A_230, %dma_start3A_231] : memref<10008x64xf32, #tpu.memory_space<vmem_shared>> -> memref<10008x64xf32, #tpu.memory_space<vmem_shared>>
        tpu.enqueue_indirect_dma source(%arg10 : memref<256x64xf32, #tpu.memory_space<vmem>>) target(%dma_start3A_232 : memref<10008x64xf32, #tpu.memory_space<vmem_shared>>) offsets(%dma_start3A_229 : memref<256xi32, #tpu.memory_space<vmem>>) semaphore(%run_scoped3A : memref<!tpu.dma_semaphore, #tpu.memory_space<semaphore_mem>>) {add = true}
        %dma_wait3A_233 = arith.constant 1024 : i32
        %dma_wait3A_234 = tpu.memref_slice %arg9[%dma_wait3A_233] : memref<2048xi32, #tpu.memory_space<vmem>> -> memref<256xi32, #tpu.memory_space<vmem>>
        %dma_wait3A_235 = arith.constant 0 : i32
        %dma_wait3A_236 = arith.constant 0 : i32
        %dma_wait3A_237 = tpu.memref_slice %arg13[%dma_wait3A_235, %dma_wait3A_236] : memref<10008x64xf32, #tpu.memory_space<vmem_shared>> -> memref<10008x64xf32, #tpu.memory_space<vmem_shared>>
        tpu.wait_indirect_dma semaphore(%run_scoped3A : memref<!tpu.dma_semaphore, #tpu.memory_space<semaphore_mem>>) src(%arg10 : memref<256x64xf32, #tpu.memory_space<vmem>>) dst(%dma_wait3A_237 : memref<10008x64xf32, #tpu.memory_space<vmem_shared>>)
        tpu.yield
      }) : () -> ()
      %dma_start3A_203 = arith.constant 1536 : i32
      %dma_start3A_204 = tpu.memref_slice %arg8[%dma_start3A_203] : memref<2048xi32, #tpu.memory_space<vmem>> -> memref<256xi32, #tpu.memory_space<vmem>>
      %dma_start3A_205 = arith.constant 0 : i32
      %dma_start3A_206 = arith.constant 0 : i32
      %dma_start3A_207 = tpu.memref_slice %arg12[%dma_start3A_205, %dma_start3A_206] : memref<10000x64xf32, #tpu.memory_space<vmem_shared>> -> memref<10000x64xf32, #tpu.memory_space<vmem_shared>>
      tpu.enqueue_indirect_dma source(%dma_start3A_207 : memref<10000x64xf32, #tpu.memory_space<vmem_shared>>) target(%arg10 : memref<256x64xf32, #tpu.memory_space<vmem>>) offsets(%dma_start3A_204 : memref<256xi32, #tpu.memory_space<vmem>>) semaphore(%arg14 : memref<!tpu.dma_semaphore, #tpu.memory_space<semaphore_mem>>)
      %dma_wait3A_208 = arith.constant 1280 : i32
      %dma_wait3A_209 = tpu.memref_slice %arg8[%dma_wait3A_208] : memref<2048xi32, #tpu.memory_space<vmem>> -> memref<256xi32, #tpu.memory_space<vmem>>
      %dma_wait3A_210 = arith.constant 0 : i32
      %dma_wait3A_211 = arith.constant 0 : i32
      %dma_wait3A_212 = tpu.memref_slice %arg12[%dma_wait3A_210, %dma_wait3A_211] : memref<10000x64xf32, #tpu.memory_space<vmem_shared>> -> memref<10000x64xf32, #tpu.memory_space<vmem_shared>>
      tpu.wait_indirect_dma semaphore(%arg15 : memref<!tpu.dma_semaphore, #tpu.memory_space<semaphore_mem>>) src(%dma_wait3A_212 : memref<10000x64xf32, #tpu.memory_space<vmem_shared>>) dst(%arg11 : memref<256x64xf32, #tpu.memory_space<vmem>>)
      "tpu.region"() ({
        %run_scoped3A = tpu.sem_alloc : memref<!tpu.dma_semaphore, #tpu.memory_space<semaphore_mem>>
        %dma_start3A_228 = arith.constant 1280 : i32
        %dma_start3A_229 = tpu.memref_slice %arg9[%dma_start3A_228] : memref<2048xi32, #tpu.memory_space<vmem>> -> memref<256xi32, #tpu.memory_space<vmem>>
        %dma_start3A_230 = arith.constant 0 : i32
        %dma_start3A_231 = arith.constant 0 : i32
        %dma_start3A_232 = tpu.memref_slice %arg13[%dma_start3A_230, %dma_start3A_231] : memref<10008x64xf32, #tpu.memory_space<vmem_shared>> -> memref<10008x64xf32, #tpu.memory_space<vmem_shared>>
        tpu.enqueue_indirect_dma source(%arg11 : memref<256x64xf32, #tpu.memory_space<vmem>>) target(%dma_start3A_232 : memref<10008x64xf32, #tpu.memory_space<vmem_shared>>) offsets(%dma_start3A_229 : memref<256xi32, #tpu.memory_space<vmem>>) semaphore(%run_scoped3A : memref<!tpu.dma_semaphore, #tpu.memory_space<semaphore_mem>>) {add = true}
        %dma_wait3A_233 = arith.constant 1280 : i32
        %dma_wait3A_234 = tpu.memref_slice %arg9[%dma_wait3A_233] : memref<2048xi32, #tpu.memory_space<vmem>> -> memref<256xi32, #tpu.memory_space<vmem>>
        %dma_wait3A_235 = arith.constant 0 : i32
        %dma_wait3A_236 = arith.constant 0 : i32
        %dma_wait3A_237 = tpu.memref_slice %arg13[%dma_wait3A_235, %dma_wait3A_236] : memref<10008x64xf32, #tpu.memory_space<vmem_shared>> -> memref<10008x64xf32, #tpu.memory_space<vmem_shared>>
        tpu.wait_indirect_dma semaphore(%run_scoped3A : memref<!tpu.dma_semaphore, #tpu.memory_space<semaphore_mem>>) src(%arg11 : memref<256x64xf32, #tpu.memory_space<vmem>>) dst(%dma_wait3A_237 : memref<10008x64xf32, #tpu.memory_space<vmem_shared>>)
        tpu.yield
      }) : () -> ()
      %dma_start3A_213 = arith.constant 1792 : i32
      %dma_start3A_214 = tpu.memref_slice %arg8[%dma_start3A_213] : memref<2048xi32, #tpu.memory_space<vmem>> -> memref<256xi32, #tpu.memory_space<vmem>>
      %dma_start3A_215 = arith.constant 0 : i32
      %dma_start3A_216 = arith.constant 0 : i32
      %dma_start3A_217 = tpu.memref_slice %arg12[%dma_start3A_215, %dma_start3A_216] : memref<10000x64xf32, #tpu.memory_space<vmem_shared>> -> memref<10000x64xf32, #tpu.memory_space<vmem_shared>>
      tpu.enqueue_indirect_dma source(%dma_start3A_217 : memref<10000x64xf32, #tpu.memory_space<vmem_shared>>) target(%arg11 : memref<256x64xf32, #tpu.memory_space<vmem>>) offsets(%dma_start3A_214 : memref<256xi32, #tpu.memory_space<vmem>>) semaphore(%arg15 : memref<!tpu.dma_semaphore, #tpu.memory_space<semaphore_mem>>)
      %dma_wait3A_218 = arith.constant 1536 : i32
      %dma_wait3A_219 = tpu.memref_slice %arg8[%dma_wait3A_218] : memref<2048xi32, #tpu.memory_space<vmem>> -> memref<256xi32, #tpu.memory_space<vmem>>
      %dma_wait3A_220 = arith.constant 0 : i32
      %dma_wait3A_221 = arith.constant 0 : i32
      %dma_wait3A_222 = tpu.memref_slice %arg12[%dma_wait3A_220, %dma_wait3A_221] : memref<10000x64xf32, #tpu.memory_space<vmem_shared>> -> memref<10000x64xf32, #tpu.memory_space<vmem_shared>>
      tpu.wait_indirect_dma semaphore(%arg14 : memref<!tpu.dma_semaphore, #tpu.memory_space<semaphore_mem>>) src(%dma_wait3A_222 : memref<10000x64xf32, #tpu.memory_space<vmem_shared>>) dst(%arg10 : memref<256x64xf32, #tpu.memory_space<vmem>>)
      "tpu.region"() ({
        %run_scoped3A = tpu.sem_alloc : memref<!tpu.dma_semaphore, #tpu.memory_space<semaphore_mem>>
        %dma_start3A_228 = arith.constant 1536 : i32
        %dma_start3A_229 = tpu.memref_slice %arg9[%dma_start3A_228] : memref<2048xi32, #tpu.memory_space<vmem>> -> memref<256xi32, #tpu.memory_space<vmem>>
        %dma_start3A_230 = arith.constant 0 : i32
        %dma_start3A_231 = arith.constant 0 : i32
        %dma_start3A_232 = tpu.memref_slice %arg13[%dma_start3A_230, %dma_start3A_231] : memref<10008x64xf32, #tpu.memory_space<vmem_shared>> -> memref<10008x64xf32, #tpu.memory_space<vmem_shared>>
        tpu.enqueue_indirect_dma source(%arg10 : memref<256x64xf32, #tpu.memory_space<vmem>>) target(%dma_start3A_232 : memref<10008x64xf32, #tpu.memory_space<vmem_shared>>) offsets(%dma_start3A_229 : memref<256xi32, #tpu.memory_space<vmem>>) semaphore(%run_scoped3A : memref<!tpu.dma_semaphore, #tpu.memory_space<semaphore_mem>>) {add = true}
        %dma_wait3A_233 = arith.constant 1536 : i32
        %dma_wait3A_234 = tpu.memref_slice %arg9[%dma_wait3A_233] : memref<2048xi32, #tpu.memory_space<vmem>> -> memref<256xi32, #tpu.memory_space<vmem>>
        %dma_wait3A_235 = arith.constant 0 : i32
        %dma_wait3A_236 = arith.constant 0 : i32
        %dma_wait3A_237 = tpu.memref_slice %arg13[%dma_wait3A_235, %dma_wait3A_236] : memref<10008x64xf32, #tpu.memory_space<vmem_shared>> -> memref<10008x64xf32, #tpu.memory_space<vmem_shared>>
        tpu.wait_indirect_dma semaphore(%run_scoped3A : memref<!tpu.dma_semaphore, #tpu.memory_space<semaphore_mem>>) src(%arg10 : memref<256x64xf32, #tpu.memory_space<vmem>>) dst(%dma_wait3A_237 : memref<10008x64xf32, #tpu.memory_space<vmem_shared>>)
        tpu.yield
      }) : () -> ()
      %dma_wait3A_223 = arith.constant 1792 : i32
      %dma_wait3A_224 = tpu.memref_slice %arg8[%dma_wait3A_223] : memref<2048xi32, #tpu.memory_space<vmem>> -> memref<256xi32, #tpu.memory_space<vmem>>
      %dma_wait3A_225 = arith.constant 0 : i32
      %dma_wait3A_226 = arith.constant 0 : i32
      %dma_wait3A_227 = tpu.memref_slice %arg12[%dma_wait3A_225, %dma_wait3A_226] : memref<10000x64xf32, #tpu.memory_space<vmem_shared>> -> memref<10000x64xf32, #tpu.memory_space<vmem_shared>>
      tpu.wait_indirect_dma semaphore(%arg15 : memref<!tpu.dma_semaphore, #tpu.memory_space<semaphore_mem>>) src(%dma_wait3A_227 : memref<10000x64xf32, #tpu.memory_space<vmem_shared>>) dst(%arg11 : memref<256x64xf32, #tpu.memory_space<vmem>>)
      "tpu.region"() ({
        %run_scoped3A = tpu.sem_alloc : memref<!tpu.dma_semaphore, #tpu.memory_space<semaphore_mem>>
        %dma_start3A_228 = arith.constant 1792 : i32
        %dma_start3A_229 = tpu.memref_slice %arg9[%dma_start3A_228] : memref<2048xi32, #tpu.memory_space<vmem>> -> memref<256xi32, #tpu.memory_space<vmem>>
        %dma_start3A_230 = arith.constant 0 : i32
        %dma_start3A_231 = arith.constant 0 : i32
        %dma_start3A_232 = tpu.memref_slice %arg13[%dma_start3A_230, %dma_start3A_231] : memref<10008x64xf32, #tpu.memory_space<vmem_shared>> -> memref<10008x64xf32, #tpu.memory_space<vmem_shared>>
        tpu.enqueue_indirect_dma source(%arg11 : memref<256x64xf32, #tpu.memory_space<vmem>>) target(%dma_start3A_232 : memref<10008x64xf32, #tpu.memory_space<vmem_shared>>) offsets(%dma_start3A_229 : memref<256xi32, #tpu.memory_space<vmem>>) semaphore(%run_scoped3A : memref<!tpu.dma_semaphore, #tpu.memory_space<semaphore_mem>>) {add = true}
        %dma_wait3A_233 = arith.constant 1792 : i32
        %dma_wait3A_234 = tpu.memref_slice %arg9[%dma_wait3A_233] : memref<2048xi32, #tpu.memory_space<vmem>> -> memref<256xi32, #tpu.memory_space<vmem>>
        %dma_wait3A_235 = arith.constant 0 : i32
        %dma_wait3A_236 = arith.constant 0 : i32
        %dma_wait3A_237 = tpu.memref_slice %arg13[%dma_wait3A_235, %dma_wait3A_236] : memref<10008x64xf32, #tpu.memory_space<vmem_shared>> -> memref<10008x64xf32, #tpu.memory_space<vmem_shared>>
        tpu.wait_indirect_dma semaphore(%run_scoped3A : memref<!tpu.dma_semaphore, #tpu.memory_space<semaphore_mem>>) src(%arg11 : memref<256x64xf32, #tpu.memory_space<vmem>>) dst(%dma_wait3A_237 : memref<10008x64xf32, #tpu.memory_space<vmem_shared>>)
        tpu.yield
      }) : () -> ()
    }
    %scan3A_120 = arith.constant 10 : i32
    %barrier3A_121 = arith.constant 0 : index
    tpu.barrier barrier_id(%barrier3A_121)
    %mul3A_122 = arith.constant 625 : i32
    %mul3A_123 = arith.muli %arg1, %mul3A_122 : i32
    %mul3A_124 = arith.constant 10000 : i32
    %mul3A_125 = arith.muli %arg0, %mul3A_124 : i32
    %add3A_126 = arith.addi %mul3A_125, %mul3A_123 : i32
    "tpu.region"() ({
      %run_scoped3A = tpu.sem_alloc : memref<!tpu.dma_semaphore, #tpu.memory_space<semaphore_mem>>
      %dma_start3A_127 = arith.constant 0 : i32
      %dma_start3A_128 = tpu.memref_slice %arg6[%add3A_126, %dma_start3A_127] : memref<20000x64xf32, #tpu.memory_space<hbm>> -> memref<625x64xf32, #tpu.memory_space<hbm>>
      %dma_start3A_129 = arith.constant 0 : i32
      %dma_start3A_130 = tpu.memref_slice %arg13[%mul3A_123, %dma_start3A_129] : memref<10008x64xf32, #tpu.memory_space<vmem_shared>> -> memref<625x64xf32, #tpu.memory_space<vmem_shared>>
      tpu.enqueue_dma source(%dma_start3A_130 : memref<625x64xf32, #tpu.memory_space<vmem_shared>>) target(%dma_start3A_128 : memref<625x64xf32, #tpu.memory_space<hbm>>) target_semaphore(%run_scoped3A : memref<!tpu.dma_semaphore, #tpu.memory_space<semaphore_mem>>)
      %dma_wait3A_131 = arith.constant 0 : i32
      %dma_wait3A_132 = tpu.memref_slice %arg6[%add3A_126, %dma_wait3A_131] : memref<20000x64xf32, #tpu.memory_space<hbm>> -> memref<625x64xf32, #tpu.memory_space<hbm>>
      %dma_wait3A_133 = arith.constant 0 : i32
      %dma_wait3A_134 = tpu.memref_slice %arg13[%mul3A_123, %dma_wait3A_133] : memref<10008x64xf32, #tpu.memory_space<vmem_shared>> -> memref<625x64xf32, #tpu.memory_space<vmem_shared>>
      tpu.wait_dma2 semaphore(%run_scoped3A : memref<!tpu.dma_semaphore, #tpu.memory_space<semaphore_mem>>) src(%dma_wait3A_134 : memref<625x64xf32, #tpu.memory_space<vmem_shared>>) dst(%dma_wait3A_132 : memref<625x64xf32, #tpu.memory_space<hbm>>)
      tpu.yield
    }) : () -> ()
    return
  }
}

#map = affine_map<(d0, d1) -> (0, 0)>
module attributes {stable_mosaic.version = 14 : i64} {
  func.func @_message_pass(%arg0: i32, %arg1: i32, %arg2: memref<20000x64xf32, #tpu.memory_space<hbm>>, %arg3: memref<16x20480xi32, #tpu.memory_space<hbm>>, %arg4: memref<16x20480xi32, #tpu.memory_space<hbm>>, %arg5: memref<20000x64xf32, #tpu.memory_space<hbm>>, %arg6: memref<2048xi32, #tpu.memory_space<vmem>>, %arg7: memref<2048xi32, #tpu.memory_space<vmem>>, %arg8: memref<256x64xf32, #tpu.memory_space<vmem>>, %arg9: memref<256x64xf32, #tpu.memory_space<vmem>>, %arg10: memref<10000x64xf32, #tpu.memory_space<vmem_shared>>, %arg11: memref<10008x64xf32, #tpu.memory_space<vmem_shared>>, %arg12: memref<!tpu.dma_semaphore, #tpu.memory_space<semaphore_mem>>, %arg13: memref<!tpu.dma_semaphore, #tpu.memory_space<semaphore_mem>>, %arg14: memref<!tpu.dma_semaphore, #tpu.memory_space<semaphore_mem>>) attributes {dimension_semantics = [#tpu.dimension_semantics<core_parallel>, #tpu.dimension_semantics<subcore_parallel>], iteration_bounds = array<i64: 2, 16>, scalar_prefetch = 0 : i64, scratch_operands = 9 : i64, tpu.core_type = #tpu.core_type<sc_vector_subcore>, window_params = [{transform_indices = #map}, {transform_indices = #map}, {transform_indices = #map}, {transform_indices = #map}]} {
    %mul3A = arith.constant 625 : i32
    %mul3A_0 = arith.muli %arg1, %mul3A : i32
    %mul3A_1 = arith.constant 10000 : i32
    %mul3A_2 = arith.muli %arg0, %mul3A_1 : i32
    %add3A = arith.addi %mul3A_2, %mul3A_0 : i32
    "tpu.region"() ({
      %run_scoped3A = tpu.sem_alloc : memref<!tpu.dma_semaphore, #tpu.memory_space<semaphore_mem>>
      %dma_start3A = arith.constant 0 : i32
      %dma_start3A_15 = tpu.memref_slice %arg10[%mul3A_0, %dma_start3A] : memref<10000x64xf32, #tpu.memory_space<vmem_shared>> -> memref<625x64xf32, #tpu.memory_space<vmem_shared>>
      %dma_start3A_16 = arith.constant 0 : i32
      %dma_start3A_17 = tpu.memref_slice %arg2[%add3A, %dma_start3A_16] : memref<20000x64xf32, #tpu.memory_space<hbm>> -> memref<625x64xf32, #tpu.memory_space<hbm>>
      tpu.enqueue_dma source(%dma_start3A_17 : memref<625x64xf32, #tpu.memory_space<hbm>>) target(%dma_start3A_15 : memref<625x64xf32, #tpu.memory_space<vmem_shared>>) target_semaphore(%run_scoped3A : memref<!tpu.dma_semaphore, #tpu.memory_space<semaphore_mem>>)
      %dma_wait3A = arith.constant 0 : i32
      %dma_wait3A_18 = tpu.memref_slice %arg10[%mul3A_0, %dma_wait3A] : memref<10000x64xf32, #tpu.memory_space<vmem_shared>> -> memref<625x64xf32, #tpu.memory_space<vmem_shared>>
      %dma_wait3A_19 = arith.constant 0 : i32
      %dma_wait3A_20 = tpu.memref_slice %arg2[%add3A, %dma_wait3A_19] : memref<20000x64xf32, #tpu.memory_space<hbm>> -> memref<625x64xf32, #tpu.memory_space<hbm>>
      tpu.wait_dma2 semaphore(%run_scoped3A : memref<!tpu.dma_semaphore, #tpu.memory_space<semaphore_mem>>) src(%dma_wait3A_20 : memref<625x64xf32, #tpu.memory_space<hbm>>) dst(%dma_wait3A_18 : memref<625x64xf32, #tpu.memory_space<vmem_shared>>)
      tpu.yield
    }) : () -> ()
    %mul3A_3 = arith.constant 10000 : i32
    %mul3A_4 = arith.muli %arg0, %mul3A_3 : i32
    %add3A_5 = arith.addi %mul3A_4, %mul3A_0 : i32
    "tpu.region"() ({
      %run_scoped3A = tpu.sem_alloc : memref<!tpu.dma_semaphore, #tpu.memory_space<semaphore_mem>>
      %dma_start3A = arith.constant 0 : i32
      %dma_start3A_15 = tpu.memref_slice %arg11[%mul3A_0, %dma_start3A] : memref<10008x64xf32, #tpu.memory_space<vmem_shared>> -> memref<625x64xf32, #tpu.memory_space<vmem_shared>>
      %dma_start3A_16 = arith.constant 0 : i32
      %dma_start3A_17 = tpu.memref_slice %arg2[%add3A_5, %dma_start3A_16] : memref<20000x64xf32, #tpu.memory_space<hbm>> -> memref<625x64xf32, #tpu.memory_space<hbm>>
      tpu.enqueue_dma source(%dma_start3A_17 : memref<625x64xf32, #tpu.memory_space<hbm>>) target(%dma_start3A_15 : memref<625x64xf32, #tpu.memory_space<vmem_shared>>) target_semaphore(%run_scoped3A : memref<!tpu.dma_semaphore, #tpu.memory_space<semaphore_mem>>)
      %dma_wait3A = arith.constant 0 : i32
      %dma_wait3A_18 = tpu.memref_slice %arg11[%mul3A_0, %dma_wait3A] : memref<10008x64xf32, #tpu.memory_space<vmem_shared>> -> memref<625x64xf32, #tpu.memory_space<vmem_shared>>
      %dma_wait3A_19 = arith.constant 0 : i32
      %dma_wait3A_20 = tpu.memref_slice %arg2[%add3A_5, %dma_wait3A_19] : memref<20000x64xf32, #tpu.memory_space<hbm>> -> memref<625x64xf32, #tpu.memory_space<hbm>>
      tpu.wait_dma2 semaphore(%run_scoped3A : memref<!tpu.dma_semaphore, #tpu.memory_space<semaphore_mem>>) src(%dma_wait3A_20 : memref<625x64xf32, #tpu.memory_space<hbm>>) dst(%dma_wait3A_18 : memref<625x64xf32, #tpu.memory_space<vmem_shared>>)
      tpu.yield
    }) : () -> ()
    %barrier3A = arith.constant 0 : index
    tpu.barrier barrier_id(%barrier3A)
    %scan3A = arith.constant 0 : i32
    %scan3A_6 = arith.constant 0 : i32
    %scan3A_7 = arith.constant 10 : i32
    %scan3A_8 = arith.addi %scan3A_6, %scan3A_7 : i32
    %scan3A_9 = arith.constant 1 : i32
    scf.for %scan3A_15 = %scan3A_6 to %scan3A_8 step %scan3A_9  : i32 {
      %mul3A_16 = arith.constant 2048 : i32
      %mul3A_17 = arith.muli %scan3A_15, %mul3A_16 : i32
      %dma_start3A = tpu.memref_slice %arg3[%arg1, %mul3A_17] : memref<16x20480xi32, #tpu.memory_space<hbm>> -> memref<1x2048xi32, #tpu.memory_space<hbm>>
      %dma_start3A_18 = tpu.memref_squeeze %dma_start3A : memref<1x2048xi32, #tpu.memory_space<hbm>> -> memref<2048xi32, #tpu.memory_space<hbm>>
      %dma_start3A_19 = tpu.memref_slice %arg3[%arg1, %mul3A_17] : memref<16x20480xi32, #tpu.memory_space<hbm>> -> memref<1x2048xi32, #tpu.memory_space<hbm>>
      %dma_start3A_20 = tpu.memref_squeeze %dma_start3A_19 : memref<1x2048xi32, #tpu.memory_space<hbm>> -> memref<2048xi32, #tpu.memory_space<hbm>>
      tpu.enqueue_dma source(%dma_start3A_20 : memref<2048xi32, #tpu.memory_space<hbm>>) target(%arg6 : memref<2048xi32, #tpu.memory_space<vmem>>) target_semaphore(%arg14 : memref<!tpu.dma_semaphore, #tpu.memory_space<semaphore_mem>>)
      %mul3A_21 = arith.constant 2048 : i32
      %mul3A_22 = arith.muli %scan3A_15, %mul3A_21 : i32
      %dma_start3A_23 = tpu.memref_slice %arg4[%arg1, %mul3A_22] : memref<16x20480xi32, #tpu.memory_space<hbm>> -> memref<1x2048xi32, #tpu.memory_space<hbm>>
      %dma_start3A_24 = tpu.memref_squeeze %dma_start3A_23 : memref<1x2048xi32, #tpu.memory_space<hbm>> -> memref<2048xi32, #tpu.memory_space<hbm>>
      %dma_start3A_25 = tpu.memref_slice %arg4[%arg1, %mul3A_22] : memref<16x20480xi32, #tpu.memory_space<hbm>> -> memref<1x2048xi32, #tpu.memory_space<hbm>>
      %dma_start3A_26 = tpu.memref_squeeze %dma_start3A_25 : memref<1x2048xi32, #tpu.memory_space<hbm>> -> memref<2048xi32, #tpu.memory_space<hbm>>
      tpu.enqueue_dma source(%dma_start3A_26 : memref<2048xi32, #tpu.memory_space<hbm>>) target(%arg7 : memref<2048xi32, #tpu.memory_space<vmem>>) target_semaphore(%arg14 : memref<!tpu.dma_semaphore, #tpu.memory_space<semaphore_mem>>)
      %dma_wait3A = tpu.memref_slice %arg3[%arg1, %mul3A_17] : memref<16x20480xi32, #tpu.memory_space<hbm>> -> memref<1x2048xi32, #tpu.memory_space<hbm>>
      %dma_wait3A_27 = tpu.memref_squeeze %dma_wait3A : memref<1x2048xi32, #tpu.memory_space<hbm>> -> memref<2048xi32, #tpu.memory_space<hbm>>
      %dma_wait3A_28 = tpu.memref_slice %arg3[%arg1, %mul3A_17] : memref<16x20480xi32, #tpu.memory_space<hbm>> -> memref<1x2048xi32, #tpu.memory_space<hbm>>
      %dma_wait3A_29 = tpu.memref_squeeze %dma_wait3A_28 : memref<1x2048xi32, #tpu.memory_space<hbm>> -> memref<2048xi32, #tpu.memory_space<hbm>>
      tpu.wait_dma2 semaphore(%arg14 : memref<!tpu.dma_semaphore, #tpu.memory_space<semaphore_mem>>) src(%dma_wait3A_29 : memref<2048xi32, #tpu.memory_space<hbm>>) dst(%arg6 : memref<2048xi32, #tpu.memory_space<vmem>>)
      %dma_wait3A_30 = tpu.memref_slice %arg4[%arg1, %mul3A_22] : memref<16x20480xi32, #tpu.memory_space<hbm>> -> memref<1x2048xi32, #tpu.memory_space<hbm>>
      %dma_wait3A_31 = tpu.memref_squeeze %dma_wait3A_30 : memref<1x2048xi32, #tpu.memory_space<hbm>> -> memref<2048xi32, #tpu.memory_space<hbm>>
      %dma_wait3A_32 = tpu.memref_slice %arg4[%arg1, %mul3A_22] : memref<16x20480xi32, #tpu.memory_space<hbm>> -> memref<1x2048xi32, #tpu.memory_space<hbm>>
      %dma_wait3A_33 = tpu.memref_squeeze %dma_wait3A_32 : memref<1x2048xi32, #tpu.memory_space<hbm>> -> memref<2048xi32, #tpu.memory_space<hbm>>
      tpu.wait_dma2 semaphore(%arg14 : memref<!tpu.dma_semaphore, #tpu.memory_space<semaphore_mem>>) src(%dma_wait3A_33 : memref<2048xi32, #tpu.memory_space<hbm>>) dst(%arg7 : memref<2048xi32, #tpu.memory_space<vmem>>)
      %dma_start3A_34 = arith.constant 0 : i32
      %dma_start3A_35 = tpu.memref_slice %arg6[%dma_start3A_34] : memref<2048xi32, #tpu.memory_space<vmem>> -> memref<256xi32, #tpu.memory_space<vmem>>
      %dma_start3A_36 = arith.constant 0 : i32
      %dma_start3A_37 = arith.constant 0 : i32
      %dma_start3A_38 = tpu.memref_slice %arg10[%dma_start3A_36, %dma_start3A_37] : memref<10000x64xf32, #tpu.memory_space<vmem_shared>> -> memref<10000x64xf32, #tpu.memory_space<vmem_shared>>
      tpu.enqueue_indirect_dma source(%dma_start3A_38 : memref<10000x64xf32, #tpu.memory_space<vmem_shared>>) target(%arg8 : memref<256x64xf32, #tpu.memory_space<vmem>>) offsets(%dma_start3A_35 : memref<256xi32, #tpu.memory_space<vmem>>) semaphore(%arg12 : memref<!tpu.dma_semaphore, #tpu.memory_space<semaphore_mem>>)
      %dma_start3A_39 = arith.constant 256 : i32
      %dma_start3A_40 = tpu.memref_slice %arg6[%dma_start3A_39] : memref<2048xi32, #tpu.memory_space<vmem>> -> memref<256xi32, #tpu.memory_space<vmem>>
      %dma_start3A_41 = arith.constant 0 : i32
      %dma_start3A_42 = arith.constant 0 : i32
      %dma_start3A_43 = tpu.memref_slice %arg10[%dma_start3A_41, %dma_start3A_42] : memref<10000x64xf32, #tpu.memory_space<vmem_shared>> -> memref<10000x64xf32, #tpu.memory_space<vmem_shared>>
      tpu.enqueue_indirect_dma source(%dma_start3A_43 : memref<10000x64xf32, #tpu.memory_space<vmem_shared>>) target(%arg9 : memref<256x64xf32, #tpu.memory_space<vmem>>) offsets(%dma_start3A_40 : memref<256xi32, #tpu.memory_space<vmem>>) semaphore(%arg13 : memref<!tpu.dma_semaphore, #tpu.memory_space<semaphore_mem>>)
      %dma_wait3A_44 = arith.constant 0 : i32
      %dma_wait3A_45 = tpu.memref_slice %arg6[%dma_wait3A_44] : memref<2048xi32, #tpu.memory_space<vmem>> -> memref<256xi32, #tpu.memory_space<vmem>>
      %dma_wait3A_46 = arith.constant 0 : i32
      %dma_wait3A_47 = arith.constant 0 : i32
      %dma_wait3A_48 = tpu.memref_slice %arg10[%dma_wait3A_46, %dma_wait3A_47] : memref<10000x64xf32, #tpu.memory_space<vmem_shared>> -> memref<10000x64xf32, #tpu.memory_space<vmem_shared>>
      tpu.wait_indirect_dma semaphore(%arg12 : memref<!tpu.dma_semaphore, #tpu.memory_space<semaphore_mem>>) src(%dma_wait3A_48 : memref<10000x64xf32, #tpu.memory_space<vmem_shared>>) dst(%arg8 : memref<256x64xf32, #tpu.memory_space<vmem>>)
      "tpu.region"() ({
        %run_scoped3A = tpu.sem_alloc : memref<!tpu.dma_semaphore, #tpu.memory_space<semaphore_mem>>
        %dma_start3A_114 = arith.constant 0 : i32
        %dma_start3A_115 = tpu.memref_slice %arg7[%dma_start3A_114] : memref<2048xi32, #tpu.memory_space<vmem>> -> memref<256xi32, #tpu.memory_space<vmem>>
        %dma_start3A_116 = arith.constant 0 : i32
        %dma_start3A_117 = arith.constant 0 : i32
        %dma_start3A_118 = tpu.memref_slice %arg11[%dma_start3A_116, %dma_start3A_117] : memref<10008x64xf32, #tpu.memory_space<vmem_shared>> -> memref<10008x64xf32, #tpu.memory_space<vmem_shared>>
        tpu.enqueue_indirect_dma source(%arg8 : memref<256x64xf32, #tpu.memory_space<vmem>>) target(%dma_start3A_118 : memref<10008x64xf32, #tpu.memory_space<vmem_shared>>) offsets(%dma_start3A_115 : memref<256xi32, #tpu.memory_space<vmem>>) semaphore(%run_scoped3A : memref<!tpu.dma_semaphore, #tpu.memory_space<semaphore_mem>>) {add = true}
        %dma_wait3A_119 = arith.constant 0 : i32
        %dma_wait3A_120 = tpu.memref_slice %arg7[%dma_wait3A_119] : memref<2048xi32, #tpu.memory_space<vmem>> -> memref<256xi32, #tpu.memory_space<vmem>>
        %dma_wait3A_121 = arith.constant 0 : i32
        %dma_wait3A_122 = arith.constant 0 : i32
        %dma_wait3A_123 = tpu.memref_slice %arg11[%dma_wait3A_121, %dma_wait3A_122] : memref<10008x64xf32, #tpu.memory_space<vmem_shared>> -> memref<10008x64xf32, #tpu.memory_space<vmem_shared>>
        tpu.wait_indirect_dma semaphore(%run_scoped3A : memref<!tpu.dma_semaphore, #tpu.memory_space<semaphore_mem>>) src(%arg8 : memref<256x64xf32, #tpu.memory_space<vmem>>) dst(%dma_wait3A_123 : memref<10008x64xf32, #tpu.memory_space<vmem_shared>>)
        tpu.yield
      }) : () -> ()
      %dma_start3A_49 = arith.constant 512 : i32
      %dma_start3A_50 = tpu.memref_slice %arg6[%dma_start3A_49] : memref<2048xi32, #tpu.memory_space<vmem>> -> memref<256xi32, #tpu.memory_space<vmem>>
      %dma_start3A_51 = arith.constant 0 : i32
      %dma_start3A_52 = arith.constant 0 : i32
      %dma_start3A_53 = tpu.memref_slice %arg10[%dma_start3A_51, %dma_start3A_52] : memref<10000x64xf32, #tpu.memory_space<vmem_shared>> -> memref<10000x64xf32, #tpu.memory_space<vmem_shared>>
      tpu.enqueue_indirect_dma source(%dma_start3A_53 : memref<10000x64xf32, #tpu.memory_space<vmem_shared>>) target(%arg8 : memref<256x64xf32, #tpu.memory_space<vmem>>) offsets(%dma_start3A_50 : memref<256xi32, #tpu.memory_space<vmem>>) semaphore(%arg12 : memref<!tpu.dma_semaphore, #tpu.memory_space<semaphore_mem>>)
      %dma_wait3A_54 = arith.constant 256 : i32
      %dma_wait3A_55 = tpu.memref_slice %arg6[%dma_wait3A_54] : memref<2048xi32, #tpu.memory_space<vmem>> -> memref<256xi32, #tpu.memory_space<vmem>>
      %dma_wait3A_56 = arith.constant 0 : i32
      %dma_wait3A_57 = arith.constant 0 : i32
      %dma_wait3A_58 = tpu.memref_slice %arg10[%dma_wait3A_56, %dma_wait3A_57] : memref<10000x64xf32, #tpu.memory_space<vmem_shared>> -> memref<10000x64xf32, #tpu.memory_space<vmem_shared>>
      tpu.wait_indirect_dma semaphore(%arg13 : memref<!tpu.dma_semaphore, #tpu.memory_space<semaphore_mem>>) src(%dma_wait3A_58 : memref<10000x64xf32, #tpu.memory_space<vmem_shared>>) dst(%arg9 : memref<256x64xf32, #tpu.memory_space<vmem>>)
      "tpu.region"() ({
        %run_scoped3A = tpu.sem_alloc : memref<!tpu.dma_semaphore, #tpu.memory_space<semaphore_mem>>
        %dma_start3A_114 = arith.constant 256 : i32
        %dma_start3A_115 = tpu.memref_slice %arg7[%dma_start3A_114] : memref<2048xi32, #tpu.memory_space<vmem>> -> memref<256xi32, #tpu.memory_space<vmem>>
        %dma_start3A_116 = arith.constant 0 : i32
        %dma_start3A_117 = arith.constant 0 : i32
        %dma_start3A_118 = tpu.memref_slice %arg11[%dma_start3A_116, %dma_start3A_117] : memref<10008x64xf32, #tpu.memory_space<vmem_shared>> -> memref<10008x64xf32, #tpu.memory_space<vmem_shared>>
        tpu.enqueue_indirect_dma source(%arg9 : memref<256x64xf32, #tpu.memory_space<vmem>>) target(%dma_start3A_118 : memref<10008x64xf32, #tpu.memory_space<vmem_shared>>) offsets(%dma_start3A_115 : memref<256xi32, #tpu.memory_space<vmem>>) semaphore(%run_scoped3A : memref<!tpu.dma_semaphore, #tpu.memory_space<semaphore_mem>>) {add = true}
        %dma_wait3A_119 = arith.constant 256 : i32
        %dma_wait3A_120 = tpu.memref_slice %arg7[%dma_wait3A_119] : memref<2048xi32, #tpu.memory_space<vmem>> -> memref<256xi32, #tpu.memory_space<vmem>>
        %dma_wait3A_121 = arith.constant 0 : i32
        %dma_wait3A_122 = arith.constant 0 : i32
        %dma_wait3A_123 = tpu.memref_slice %arg11[%dma_wait3A_121, %dma_wait3A_122] : memref<10008x64xf32, #tpu.memory_space<vmem_shared>> -> memref<10008x64xf32, #tpu.memory_space<vmem_shared>>
        tpu.wait_indirect_dma semaphore(%run_scoped3A : memref<!tpu.dma_semaphore, #tpu.memory_space<semaphore_mem>>) src(%arg9 : memref<256x64xf32, #tpu.memory_space<vmem>>) dst(%dma_wait3A_123 : memref<10008x64xf32, #tpu.memory_space<vmem_shared>>)
        tpu.yield
      }) : () -> ()
      %dma_start3A_59 = arith.constant 768 : i32
      %dma_start3A_60 = tpu.memref_slice %arg6[%dma_start3A_59] : memref<2048xi32, #tpu.memory_space<vmem>> -> memref<256xi32, #tpu.memory_space<vmem>>
      %dma_start3A_61 = arith.constant 0 : i32
      %dma_start3A_62 = arith.constant 0 : i32
      %dma_start3A_63 = tpu.memref_slice %arg10[%dma_start3A_61, %dma_start3A_62] : memref<10000x64xf32, #tpu.memory_space<vmem_shared>> -> memref<10000x64xf32, #tpu.memory_space<vmem_shared>>
      tpu.enqueue_indirect_dma source(%dma_start3A_63 : memref<10000x64xf32, #tpu.memory_space<vmem_shared>>) target(%arg9 : memref<256x64xf32, #tpu.memory_space<vmem>>) offsets(%dma_start3A_60 : memref<256xi32, #tpu.memory_space<vmem>>) semaphore(%arg13 : memref<!tpu.dma_semaphore, #tpu.memory_space<semaphore_mem>>)
      %dma_wait3A_64 = arith.constant 512 : i32
      %dma_wait3A_65 = tpu.memref_slice %arg6[%dma_wait3A_64] : memref<2048xi32, #tpu.memory_space<vmem>> -> memref<256xi32, #tpu.memory_space<vmem>>
      %dma_wait3A_66 = arith.constant 0 : i32
      %dma_wait3A_67 = arith.constant 0 : i32
      %dma_wait3A_68 = tpu.memref_slice %arg10[%dma_wait3A_66, %dma_wait3A_67] : memref<10000x64xf32, #tpu.memory_space<vmem_shared>> -> memref<10000x64xf32, #tpu.memory_space<vmem_shared>>
      tpu.wait_indirect_dma semaphore(%arg12 : memref<!tpu.dma_semaphore, #tpu.memory_space<semaphore_mem>>) src(%dma_wait3A_68 : memref<10000x64xf32, #tpu.memory_space<vmem_shared>>) dst(%arg8 : memref<256x64xf32, #tpu.memory_space<vmem>>)
      "tpu.region"() ({
        %run_scoped3A = tpu.sem_alloc : memref<!tpu.dma_semaphore, #tpu.memory_space<semaphore_mem>>
        %dma_start3A_114 = arith.constant 512 : i32
        %dma_start3A_115 = tpu.memref_slice %arg7[%dma_start3A_114] : memref<2048xi32, #tpu.memory_space<vmem>> -> memref<256xi32, #tpu.memory_space<vmem>>
        %dma_start3A_116 = arith.constant 0 : i32
        %dma_start3A_117 = arith.constant 0 : i32
        %dma_start3A_118 = tpu.memref_slice %arg11[%dma_start3A_116, %dma_start3A_117] : memref<10008x64xf32, #tpu.memory_space<vmem_shared>> -> memref<10008x64xf32, #tpu.memory_space<vmem_shared>>
        tpu.enqueue_indirect_dma source(%arg8 : memref<256x64xf32, #tpu.memory_space<vmem>>) target(%dma_start3A_118 : memref<10008x64xf32, #tpu.memory_space<vmem_shared>>) offsets(%dma_start3A_115 : memref<256xi32, #tpu.memory_space<vmem>>) semaphore(%run_scoped3A : memref<!tpu.dma_semaphore, #tpu.memory_space<semaphore_mem>>) {add = true}
        %dma_wait3A_119 = arith.constant 512 : i32
        %dma_wait3A_120 = tpu.memref_slice %arg7[%dma_wait3A_119] : memref<2048xi32, #tpu.memory_space<vmem>> -> memref<256xi32, #tpu.memory_space<vmem>>
        %dma_wait3A_121 = arith.constant 0 : i32
        %dma_wait3A_122 = arith.constant 0 : i32
        %dma_wait3A_123 = tpu.memref_slice %arg11[%dma_wait3A_121, %dma_wait3A_122] : memref<10008x64xf32, #tpu.memory_space<vmem_shared>> -> memref<10008x64xf32, #tpu.memory_space<vmem_shared>>
        tpu.wait_indirect_dma semaphore(%run_scoped3A : memref<!tpu.dma_semaphore, #tpu.memory_space<semaphore_mem>>) src(%arg8 : memref<256x64xf32, #tpu.memory_space<vmem>>) dst(%dma_wait3A_123 : memref<10008x64xf32, #tpu.memory_space<vmem_shared>>)
        tpu.yield
      }) : () -> ()
      %dma_start3A_69 = arith.constant 1024 : i32
      %dma_start3A_70 = tpu.memref_slice %arg6[%dma_start3A_69] : memref<2048xi32, #tpu.memory_space<vmem>> -> memref<256xi32, #tpu.memory_space<vmem>>
      %dma_start3A_71 = arith.constant 0 : i32
      %dma_start3A_72 = arith.constant 0 : i32
      %dma_start3A_73 = tpu.memref_slice %arg10[%dma_start3A_71, %dma_start3A_72] : memref<10000x64xf32, #tpu.memory_space<vmem_shared>> -> memref<10000x64xf32, #tpu.memory_space<vmem_shared>>
      tpu.enqueue_indirect_dma source(%dma_start3A_73 : memref<10000x64xf32, #tpu.memory_space<vmem_shared>>) target(%arg8 : memref<256x64xf32, #tpu.memory_space<vmem>>) offsets(%dma_start3A_70 : memref<256xi32, #tpu.memory_space<vmem>>) semaphore(%arg12 : memref<!tpu.dma_semaphore, #tpu.memory_space<semaphore_mem>>)
      %dma_wait3A_74 = arith.constant 768 : i32
      %dma_wait3A_75 = tpu.memref_slice %arg6[%dma_wait3A_74] : memref<2048xi32, #tpu.memory_space<vmem>> -> memref<256xi32, #tpu.memory_space<vmem>>
      %dma_wait3A_76 = arith.constant 0 : i32
      %dma_wait3A_77 = arith.constant 0 : i32
      %dma_wait3A_78 = tpu.memref_slice %arg10[%dma_wait3A_76, %dma_wait3A_77] : memref<10000x64xf32, #tpu.memory_space<vmem_shared>> -> memref<10000x64xf32, #tpu.memory_space<vmem_shared>>
      tpu.wait_indirect_dma semaphore(%arg13 : memref<!tpu.dma_semaphore, #tpu.memory_space<semaphore_mem>>) src(%dma_wait3A_78 : memref<10000x64xf32, #tpu.memory_space<vmem_shared>>) dst(%arg9 : memref<256x64xf32, #tpu.memory_space<vmem>>)
      "tpu.region"() ({
        %run_scoped3A = tpu.sem_alloc : memref<!tpu.dma_semaphore, #tpu.memory_space<semaphore_mem>>
        %dma_start3A_114 = arith.constant 768 : i32
        %dma_start3A_115 = tpu.memref_slice %arg7[%dma_start3A_114] : memref<2048xi32, #tpu.memory_space<vmem>> -> memref<256xi32, #tpu.memory_space<vmem>>
        %dma_start3A_116 = arith.constant 0 : i32
        %dma_start3A_117 = arith.constant 0 : i32
        %dma_start3A_118 = tpu.memref_slice %arg11[%dma_start3A_116, %dma_start3A_117] : memref<10008x64xf32, #tpu.memory_space<vmem_shared>> -> memref<10008x64xf32, #tpu.memory_space<vmem_shared>>
        tpu.enqueue_indirect_dma source(%arg9 : memref<256x64xf32, #tpu.memory_space<vmem>>) target(%dma_start3A_118 : memref<10008x64xf32, #tpu.memory_space<vmem_shared>>) offsets(%dma_start3A_115 : memref<256xi32, #tpu.memory_space<vmem>>) semaphore(%run_scoped3A : memref<!tpu.dma_semaphore, #tpu.memory_space<semaphore_mem>>) {add = true}
        %dma_wait3A_119 = arith.constant 768 : i32
        %dma_wait3A_120 = tpu.memref_slice %arg7[%dma_wait3A_119] : memref<2048xi32, #tpu.memory_space<vmem>> -> memref<256xi32, #tpu.memory_space<vmem>>
        %dma_wait3A_121 = arith.constant 0 : i32
        %dma_wait3A_122 = arith.constant 0 : i32
        %dma_wait3A_123 = tpu.memref_slice %arg11[%dma_wait3A_121, %dma_wait3A_122] : memref<10008x64xf32, #tpu.memory_space<vmem_shared>> -> memref<10008x64xf32, #tpu.memory_space<vmem_shared>>
        tpu.wait_indirect_dma semaphore(%run_scoped3A : memref<!tpu.dma_semaphore, #tpu.memory_space<semaphore_mem>>) src(%arg9 : memref<256x64xf32, #tpu.memory_space<vmem>>) dst(%dma_wait3A_123 : memref<10008x64xf32, #tpu.memory_space<vmem_shared>>)
        tpu.yield
      }) : () -> ()
      %dma_start3A_79 = arith.constant 1280 : i32
      %dma_start3A_80 = tpu.memref_slice %arg6[%dma_start3A_79] : memref<2048xi32, #tpu.memory_space<vmem>> -> memref<256xi32, #tpu.memory_space<vmem>>
      %dma_start3A_81 = arith.constant 0 : i32
      %dma_start3A_82 = arith.constant 0 : i32
      %dma_start3A_83 = tpu.memref_slice %arg10[%dma_start3A_81, %dma_start3A_82] : memref<10000x64xf32, #tpu.memory_space<vmem_shared>> -> memref<10000x64xf32, #tpu.memory_space<vmem_shared>>
      tpu.enqueue_indirect_dma source(%dma_start3A_83 : memref<10000x64xf32, #tpu.memory_space<vmem_shared>>) target(%arg9 : memref<256x64xf32, #tpu.memory_space<vmem>>) offsets(%dma_start3A_80 : memref<256xi32, #tpu.memory_space<vmem>>) semaphore(%arg13 : memref<!tpu.dma_semaphore, #tpu.memory_space<semaphore_mem>>)
      %dma_wait3A_84 = arith.constant 1024 : i32
      %dma_wait3A_85 = tpu.memref_slice %arg6[%dma_wait3A_84] : memref<2048xi32, #tpu.memory_space<vmem>> -> memref<256xi32, #tpu.memory_space<vmem>>
      %dma_wait3A_86 = arith.constant 0 : i32
      %dma_wait3A_87 = arith.constant 0 : i32
      %dma_wait3A_88 = tpu.memref_slice %arg10[%dma_wait3A_86, %dma_wait3A_87] : memref<10000x64xf32, #tpu.memory_space<vmem_shared>> -> memref<10000x64xf32, #tpu.memory_space<vmem_shared>>
      tpu.wait_indirect_dma semaphore(%arg12 : memref<!tpu.dma_semaphore, #tpu.memory_space<semaphore_mem>>) src(%dma_wait3A_88 : memref<10000x64xf32, #tpu.memory_space<vmem_shared>>) dst(%arg8 : memref<256x64xf32, #tpu.memory_space<vmem>>)
      "tpu.region"() ({
        %run_scoped3A = tpu.sem_alloc : memref<!tpu.dma_semaphore, #tpu.memory_space<semaphore_mem>>
        %dma_start3A_114 = arith.constant 1024 : i32
        %dma_start3A_115 = tpu.memref_slice %arg7[%dma_start3A_114] : memref<2048xi32, #tpu.memory_space<vmem>> -> memref<256xi32, #tpu.memory_space<vmem>>
        %dma_start3A_116 = arith.constant 0 : i32
        %dma_start3A_117 = arith.constant 0 : i32
        %dma_start3A_118 = tpu.memref_slice %arg11[%dma_start3A_116, %dma_start3A_117] : memref<10008x64xf32, #tpu.memory_space<vmem_shared>> -> memref<10008x64xf32, #tpu.memory_space<vmem_shared>>
        tpu.enqueue_indirect_dma source(%arg8 : memref<256x64xf32, #tpu.memory_space<vmem>>) target(%dma_start3A_118 : memref<10008x64xf32, #tpu.memory_space<vmem_shared>>) offsets(%dma_start3A_115 : memref<256xi32, #tpu.memory_space<vmem>>) semaphore(%run_scoped3A : memref<!tpu.dma_semaphore, #tpu.memory_space<semaphore_mem>>) {add = true}
        %dma_wait3A_119 = arith.constant 1024 : i32
        %dma_wait3A_120 = tpu.memref_slice %arg7[%dma_wait3A_119] : memref<2048xi32, #tpu.memory_space<vmem>> -> memref<256xi32, #tpu.memory_space<vmem>>
        %dma_wait3A_121 = arith.constant 0 : i32
        %dma_wait3A_122 = arith.constant 0 : i32
        %dma_wait3A_123 = tpu.memref_slice %arg11[%dma_wait3A_121, %dma_wait3A_122] : memref<10008x64xf32, #tpu.memory_space<vmem_shared>> -> memref<10008x64xf32, #tpu.memory_space<vmem_shared>>
        tpu.wait_indirect_dma semaphore(%run_scoped3A : memref<!tpu.dma_semaphore, #tpu.memory_space<semaphore_mem>>) src(%arg8 : memref<256x64xf32, #tpu.memory_space<vmem>>) dst(%dma_wait3A_123 : memref<10008x64xf32, #tpu.memory_space<vmem_shared>>)
        tpu.yield
      }) : () -> ()
      %dma_start3A_89 = arith.constant 1536 : i32
      %dma_start3A_90 = tpu.memref_slice %arg6[%dma_start3A_89] : memref<2048xi32, #tpu.memory_space<vmem>> -> memref<256xi32, #tpu.memory_space<vmem>>
      %dma_start3A_91 = arith.constant 0 : i32
      %dma_start3A_92 = arith.constant 0 : i32
      %dma_start3A_93 = tpu.memref_slice %arg10[%dma_start3A_91, %dma_start3A_92] : memref<10000x64xf32, #tpu.memory_space<vmem_shared>> -> memref<10000x64xf32, #tpu.memory_space<vmem_shared>>
      tpu.enqueue_indirect_dma source(%dma_start3A_93 : memref<10000x64xf32, #tpu.memory_space<vmem_shared>>) target(%arg8 : memref<256x64xf32, #tpu.memory_space<vmem>>) offsets(%dma_start3A_90 : memref<256xi32, #tpu.memory_space<vmem>>) semaphore(%arg12 : memref<!tpu.dma_semaphore, #tpu.memory_space<semaphore_mem>>)
      %dma_wait3A_94 = arith.constant 1280 : i32
      %dma_wait3A_95 = tpu.memref_slice %arg6[%dma_wait3A_94] : memref<2048xi32, #tpu.memory_space<vmem>> -> memref<256xi32, #tpu.memory_space<vmem>>
      %dma_wait3A_96 = arith.constant 0 : i32
      %dma_wait3A_97 = arith.constant 0 : i32
      %dma_wait3A_98 = tpu.memref_slice %arg10[%dma_wait3A_96, %dma_wait3A_97] : memref<10000x64xf32, #tpu.memory_space<vmem_shared>> -> memref<10000x64xf32, #tpu.memory_space<vmem_shared>>
      tpu.wait_indirect_dma semaphore(%arg13 : memref<!tpu.dma_semaphore, #tpu.memory_space<semaphore_mem>>) src(%dma_wait3A_98 : memref<10000x64xf32, #tpu.memory_space<vmem_shared>>) dst(%arg9 : memref<256x64xf32, #tpu.memory_space<vmem>>)
      "tpu.region"() ({
        %run_scoped3A = tpu.sem_alloc : memref<!tpu.dma_semaphore, #tpu.memory_space<semaphore_mem>>
        %dma_start3A_114 = arith.constant 1280 : i32
        %dma_start3A_115 = tpu.memref_slice %arg7[%dma_start3A_114] : memref<2048xi32, #tpu.memory_space<vmem>> -> memref<256xi32, #tpu.memory_space<vmem>>
        %dma_start3A_116 = arith.constant 0 : i32
        %dma_start3A_117 = arith.constant 0 : i32
        %dma_start3A_118 = tpu.memref_slice %arg11[%dma_start3A_116, %dma_start3A_117] : memref<10008x64xf32, #tpu.memory_space<vmem_shared>> -> memref<10008x64xf32, #tpu.memory_space<vmem_shared>>
        tpu.enqueue_indirect_dma source(%arg9 : memref<256x64xf32, #tpu.memory_space<vmem>>) target(%dma_start3A_118 : memref<10008x64xf32, #tpu.memory_space<vmem_shared>>) offsets(%dma_start3A_115 : memref<256xi32, #tpu.memory_space<vmem>>) semaphore(%run_scoped3A : memref<!tpu.dma_semaphore, #tpu.memory_space<semaphore_mem>>) {add = true}
        %dma_wait3A_119 = arith.constant 1280 : i32
        %dma_wait3A_120 = tpu.memref_slice %arg7[%dma_wait3A_119] : memref<2048xi32, #tpu.memory_space<vmem>> -> memref<256xi32, #tpu.memory_space<vmem>>
        %dma_wait3A_121 = arith.constant 0 : i32
        %dma_wait3A_122 = arith.constant 0 : i32
        %dma_wait3A_123 = tpu.memref_slice %arg11[%dma_wait3A_121, %dma_wait3A_122] : memref<10008x64xf32, #tpu.memory_space<vmem_shared>> -> memref<10008x64xf32, #tpu.memory_space<vmem_shared>>
        tpu.wait_indirect_dma semaphore(%run_scoped3A : memref<!tpu.dma_semaphore, #tpu.memory_space<semaphore_mem>>) src(%arg9 : memref<256x64xf32, #tpu.memory_space<vmem>>) dst(%dma_wait3A_123 : memref<10008x64xf32, #tpu.memory_space<vmem_shared>>)
        tpu.yield
      }) : () -> ()
      %dma_start3A_99 = arith.constant 1792 : i32
      %dma_start3A_100 = tpu.memref_slice %arg6[%dma_start3A_99] : memref<2048xi32, #tpu.memory_space<vmem>> -> memref<256xi32, #tpu.memory_space<vmem>>
      %dma_start3A_101 = arith.constant 0 : i32
      %dma_start3A_102 = arith.constant 0 : i32
      %dma_start3A_103 = tpu.memref_slice %arg10[%dma_start3A_101, %dma_start3A_102] : memref<10000x64xf32, #tpu.memory_space<vmem_shared>> -> memref<10000x64xf32, #tpu.memory_space<vmem_shared>>
      tpu.enqueue_indirect_dma source(%dma_start3A_103 : memref<10000x64xf32, #tpu.memory_space<vmem_shared>>) target(%arg9 : memref<256x64xf32, #tpu.memory_space<vmem>>) offsets(%dma_start3A_100 : memref<256xi32, #tpu.memory_space<vmem>>) semaphore(%arg13 : memref<!tpu.dma_semaphore, #tpu.memory_space<semaphore_mem>>)
      %dma_wait3A_104 = arith.constant 1536 : i32
      %dma_wait3A_105 = tpu.memref_slice %arg6[%dma_wait3A_104] : memref<2048xi32, #tpu.memory_space<vmem>> -> memref<256xi32, #tpu.memory_space<vmem>>
      %dma_wait3A_106 = arith.constant 0 : i32
      %dma_wait3A_107 = arith.constant 0 : i32
      %dma_wait3A_108 = tpu.memref_slice %arg10[%dma_wait3A_106, %dma_wait3A_107] : memref<10000x64xf32, #tpu.memory_space<vmem_shared>> -> memref<10000x64xf32, #tpu.memory_space<vmem_shared>>
      tpu.wait_indirect_dma semaphore(%arg12 : memref<!tpu.dma_semaphore, #tpu.memory_space<semaphore_mem>>) src(%dma_wait3A_108 : memref<10000x64xf32, #tpu.memory_space<vmem_shared>>) dst(%arg8 : memref<256x64xf32, #tpu.memory_space<vmem>>)
      "tpu.region"() ({
        %run_scoped3A = tpu.sem_alloc : memref<!tpu.dma_semaphore, #tpu.memory_space<semaphore_mem>>
        %dma_start3A_114 = arith.constant 1536 : i32
        %dma_start3A_115 = tpu.memref_slice %arg7[%dma_start3A_114] : memref<2048xi32, #tpu.memory_space<vmem>> -> memref<256xi32, #tpu.memory_space<vmem>>
        %dma_start3A_116 = arith.constant 0 : i32
        %dma_start3A_117 = arith.constant 0 : i32
        %dma_start3A_118 = tpu.memref_slice %arg11[%dma_start3A_116, %dma_start3A_117] : memref<10008x64xf32, #tpu.memory_space<vmem_shared>> -> memref<10008x64xf32, #tpu.memory_space<vmem_shared>>
        tpu.enqueue_indirect_dma source(%arg8 : memref<256x64xf32, #tpu.memory_space<vmem>>) target(%dma_start3A_118 : memref<10008x64xf32, #tpu.memory_space<vmem_shared>>) offsets(%dma_start3A_115 : memref<256xi32, #tpu.memory_space<vmem>>) semaphore(%run_scoped3A : memref<!tpu.dma_semaphore, #tpu.memory_space<semaphore_mem>>) {add = true}
        %dma_wait3A_119 = arith.constant 1536 : i32
        %dma_wait3A_120 = tpu.memref_slice %arg7[%dma_wait3A_119] : memref<2048xi32, #tpu.memory_space<vmem>> -> memref<256xi32, #tpu.memory_space<vmem>>
        %dma_wait3A_121 = arith.constant 0 : i32
        %dma_wait3A_122 = arith.constant 0 : i32
        %dma_wait3A_123 = tpu.memref_slice %arg11[%dma_wait3A_121, %dma_wait3A_122] : memref<10008x64xf32, #tpu.memory_space<vmem_shared>> -> memref<10008x64xf32, #tpu.memory_space<vmem_shared>>
        tpu.wait_indirect_dma semaphore(%run_scoped3A : memref<!tpu.dma_semaphore, #tpu.memory_space<semaphore_mem>>) src(%arg8 : memref<256x64xf32, #tpu.memory_space<vmem>>) dst(%dma_wait3A_123 : memref<10008x64xf32, #tpu.memory_space<vmem_shared>>)
        tpu.yield
      }) : () -> ()
      %dma_wait3A_109 = arith.constant 1792 : i32
      %dma_wait3A_110 = tpu.memref_slice %arg6[%dma_wait3A_109] : memref<2048xi32, #tpu.memory_space<vmem>> -> memref<256xi32, #tpu.memory_space<vmem>>
      %dma_wait3A_111 = arith.constant 0 : i32
      %dma_wait3A_112 = arith.constant 0 : i32
      %dma_wait3A_113 = tpu.memref_slice %arg10[%dma_wait3A_111, %dma_wait3A_112] : memref<10000x64xf32, #tpu.memory_space<vmem_shared>> -> memref<10000x64xf32, #tpu.memory_space<vmem_shared>>
      tpu.wait_indirect_dma semaphore(%arg13 : memref<!tpu.dma_semaphore, #tpu.memory_space<semaphore_mem>>) src(%dma_wait3A_113 : memref<10000x64xf32, #tpu.memory_space<vmem_shared>>) dst(%arg9 : memref<256x64xf32, #tpu.memory_space<vmem>>)
      "tpu.region"() ({
        %run_scoped3A = tpu.sem_alloc : memref<!tpu.dma_semaphore, #tpu.memory_space<semaphore_mem>>
        %dma_start3A_114 = arith.constant 1792 : i32
        %dma_start3A_115 = tpu.memref_slice %arg7[%dma_start3A_114] : memref<2048xi32, #tpu.memory_space<vmem>> -> memref<256xi32, #tpu.memory_space<vmem>>
        %dma_start3A_116 = arith.constant 0 : i32
        %dma_start3A_117 = arith.constant 0 : i32
        %dma_start3A_118 = tpu.memref_slice %arg11[%dma_start3A_116, %dma_start3A_117] : memref<10008x64xf32, #tpu.memory_space<vmem_shared>> -> memref<10008x64xf32, #tpu.memory_space<vmem_shared>>
        tpu.enqueue_indirect_dma source(%arg9 : memref<256x64xf32, #tpu.memory_space<vmem>>) target(%dma_start3A_118 : memref<10008x64xf32, #tpu.memory_space<vmem_shared>>) offsets(%dma_start3A_115 : memref<256xi32, #tpu.memory_space<vmem>>) semaphore(%run_scoped3A : memref<!tpu.dma_semaphore, #tpu.memory_space<semaphore_mem>>) {add = true}
        %dma_wait3A_119 = arith.constant 1792 : i32
        %dma_wait3A_120 = tpu.memref_slice %arg7[%dma_wait3A_119] : memref<2048xi32, #tpu.memory_space<vmem>> -> memref<256xi32, #tpu.memory_space<vmem>>
        %dma_wait3A_121 = arith.constant 0 : i32
        %dma_wait3A_122 = arith.constant 0 : i32
        %dma_wait3A_123 = tpu.memref_slice %arg11[%dma_wait3A_121, %dma_wait3A_122] : memref<10008x64xf32, #tpu.memory_space<vmem_shared>> -> memref<10008x64xf32, #tpu.memory_space<vmem_shared>>
        tpu.wait_indirect_dma semaphore(%run_scoped3A : memref<!tpu.dma_semaphore, #tpu.memory_space<semaphore_mem>>) src(%arg9 : memref<256x64xf32, #tpu.memory_space<vmem>>) dst(%dma_wait3A_123 : memref<10008x64xf32, #tpu.memory_space<vmem_shared>>)
        tpu.yield
      }) : () -> ()
    }
    %scan3A_10 = arith.constant 10 : i32
    %barrier3A_11 = arith.constant 0 : index
    tpu.barrier barrier_id(%barrier3A_11)
    %mul3A_12 = arith.constant 10000 : i32
    %mul3A_13 = arith.muli %arg0, %mul3A_12 : i32
    %add3A_14 = arith.addi %mul3A_13, %mul3A_0 : i32
    "tpu.region"() ({
      %run_scoped3A = tpu.sem_alloc : memref<!tpu.dma_semaphore, #tpu.memory_space<semaphore_mem>>
      %dma_start3A = arith.constant 0 : i32
      %dma_start3A_15 = tpu.memref_slice %arg5[%add3A_14, %dma_start3A] : memref<20000x64xf32, #tpu.memory_space<hbm>> -> memref<625x64xf32, #tpu.memory_space<hbm>>
      %dma_start3A_16 = arith.constant 0 : i32
      %dma_start3A_17 = tpu.memref_slice %arg11[%mul3A_0, %dma_start3A_16] : memref<10008x64xf32, #tpu.memory_space<vmem_shared>> -> memref<625x64xf32, #tpu.memory_space<vmem_shared>>
      tpu.enqueue_dma source(%dma_start3A_17 : memref<625x64xf32, #tpu.memory_space<vmem_shared>>) target(%dma_start3A_15 : memref<625x64xf32, #tpu.memory_space<hbm>>) target_semaphore(%run_scoped3A : memref<!tpu.dma_semaphore, #tpu.memory_space<semaphore_mem>>)
      %dma_wait3A = arith.constant 0 : i32
      %dma_wait3A_18 = tpu.memref_slice %arg5[%add3A_14, %dma_wait3A] : memref<20000x64xf32, #tpu.memory_space<hbm>> -> memref<625x64xf32, #tpu.memory_space<hbm>>
      %dma_wait3A_19 = arith.constant 0 : i32
      %dma_wait3A_20 = tpu.memref_slice %arg11[%mul3A_0, %dma_wait3A_19] : memref<10008x64xf32, #tpu.memory_space<vmem_shared>> -> memref<625x64xf32, #tpu.memory_space<vmem_shared>>
      tpu.wait_dma2 semaphore(%run_scoped3A : memref<!tpu.dma_semaphore, #tpu.memory_space<semaphore_mem>>) src(%dma_wait3A_20 : memref<625x64xf32, #tpu.memory_space<vmem_shared>>) dst(%dma_wait3A_18 : memref<625x64xf32, #tpu.memory_space<hbm>>)
      tpu.yield
    }) : () -> ()
    return
  }
}

#map = affine_map<(d0, d1) -> (0, 0)>
module attributes {stable_mosaic.version = 14 : i64} {
  func.func @_message_pass(%arg0: i32, %arg1: i32, %arg2: memref<20000x64xf32, #tpu.memory_space<hbm>>, %arg3: memref<16x20480xi32, #tpu.memory_space<hbm>>, %arg4: memref<16x20480xi32, #tpu.memory_space<hbm>>, %arg5: memref<20000x64xf32, #tpu.memory_space<hbm>>, %arg6: memref<2048xi32, #tpu.memory_space<vmem>>, %arg7: memref<2048xi32, #tpu.memory_space<vmem>>, %arg8: memref<256x64xf32, #tpu.memory_space<vmem>>, %arg9: memref<256x64xf32, #tpu.memory_space<vmem>>, %arg10: memref<10000x64xf32, #tpu.memory_space<vmem_shared>>, %arg11: memref<10008x64xf32, #tpu.memory_space<vmem_shared>>, %arg12: memref<!tpu.dma_semaphore, #tpu.memory_space<semaphore_mem>>, %arg13: memref<!tpu.dma_semaphore, #tpu.memory_space<semaphore_mem>>, %arg14: memref<!tpu.dma_semaphore, #tpu.memory_space<semaphore_mem>>) attributes {dimension_semantics = [#tpu.dimension_semantics<core_parallel>, #tpu.dimension_semantics<subcore_parallel>], iteration_bounds = array<i64: 2, 16>, scalar_prefetch = 0 : i64, scratch_operands = 9 : i64, tpu.core_type = #tpu.core_type<sc_vector_subcore>, window_params = [{transform_indices = #map}, {transform_indices = #map}, {transform_indices = #map}, {transform_indices = #map}]} {
    %mul3A = arith.constant 625 : i32
    %mul3A_0 = arith.muli %arg1, %mul3A : i32
    %mul3A_1 = arith.constant 10000 : i32
    %mul3A_2 = arith.muli %arg0, %mul3A_1 : i32
    %add3A = arith.addi %mul3A_2, %mul3A_0 : i32
    "tpu.region"() ({
      %run_scoped3A = tpu.sem_alloc : memref<!tpu.dma_semaphore, #tpu.memory_space<semaphore_mem>>
      %dma_start3A = arith.constant 0 : i32
      %dma_start3A_15 = tpu.memref_slice %arg10[%mul3A_0, %dma_start3A] : memref<10000x64xf32, #tpu.memory_space<vmem_shared>> -> memref<625x64xf32, #tpu.memory_space<vmem_shared>>
      %dma_start3A_16 = arith.constant 0 : i32
      %dma_start3A_17 = tpu.memref_slice %arg2[%add3A, %dma_start3A_16] : memref<20000x64xf32, #tpu.memory_space<hbm>> -> memref<625x64xf32, #tpu.memory_space<hbm>>
      tpu.enqueue_dma source(%dma_start3A_17 : memref<625x64xf32, #tpu.memory_space<hbm>>) target(%dma_start3A_15 : memref<625x64xf32, #tpu.memory_space<vmem_shared>>) target_semaphore(%run_scoped3A : memref<!tpu.dma_semaphore, #tpu.memory_space<semaphore_mem>>)
      %dma_wait3A = arith.constant 0 : i32
      %dma_wait3A_18 = tpu.memref_slice %arg10[%mul3A_0, %dma_wait3A] : memref<10000x64xf32, #tpu.memory_space<vmem_shared>> -> memref<625x64xf32, #tpu.memory_space<vmem_shared>>
      %dma_wait3A_19 = arith.constant 0 : i32
      %dma_wait3A_20 = tpu.memref_slice %arg2[%add3A, %dma_wait3A_19] : memref<20000x64xf32, #tpu.memory_space<hbm>> -> memref<625x64xf32, #tpu.memory_space<hbm>>
      tpu.wait_dma2 semaphore(%run_scoped3A : memref<!tpu.dma_semaphore, #tpu.memory_space<semaphore_mem>>) src(%dma_wait3A_20 : memref<625x64xf32, #tpu.memory_space<hbm>>) dst(%dma_wait3A_18 : memref<625x64xf32, #tpu.memory_space<vmem_shared>>)
      tpu.yield
    }) : () -> ()
    %mul3A_3 = arith.constant 10000 : i32
    %mul3A_4 = arith.muli %arg0, %mul3A_3 : i32
    %add3A_5 = arith.addi %mul3A_4, %mul3A_0 : i32
    "tpu.region"() ({
      %run_scoped3A = tpu.sem_alloc : memref<!tpu.dma_semaphore, #tpu.memory_space<semaphore_mem>>
      %dma_start3A = arith.constant 0 : i32
      %dma_start3A_15 = tpu.memref_slice %arg11[%mul3A_0, %dma_start3A] : memref<10008x64xf32, #tpu.memory_space<vmem_shared>> -> memref<625x64xf32, #tpu.memory_space<vmem_shared>>
      %dma_start3A_16 = arith.constant 0 : i32
      %dma_start3A_17 = tpu.memref_slice %arg2[%add3A_5, %dma_start3A_16] : memref<20000x64xf32, #tpu.memory_space<hbm>> -> memref<625x64xf32, #tpu.memory_space<hbm>>
      tpu.enqueue_dma source(%dma_start3A_17 : memref<625x64xf32, #tpu.memory_space<hbm>>) target(%dma_start3A_15 : memref<625x64xf32, #tpu.memory_space<vmem_shared>>) target_semaphore(%run_scoped3A : memref<!tpu.dma_semaphore, #tpu.memory_space<semaphore_mem>>)
      %dma_wait3A = arith.constant 0 : i32
      %dma_wait3A_18 = tpu.memref_slice %arg11[%mul3A_0, %dma_wait3A] : memref<10008x64xf32, #tpu.memory_space<vmem_shared>> -> memref<625x64xf32, #tpu.memory_space<vmem_shared>>
      %dma_wait3A_19 = arith.constant 0 : i32
      %dma_wait3A_20 = tpu.memref_slice %arg2[%add3A_5, %dma_wait3A_19] : memref<20000x64xf32, #tpu.memory_space<hbm>> -> memref<625x64xf32, #tpu.memory_space<hbm>>
      tpu.wait_dma2 semaphore(%run_scoped3A : memref<!tpu.dma_semaphore, #tpu.memory_space<semaphore_mem>>) src(%dma_wait3A_20 : memref<625x64xf32, #tpu.memory_space<hbm>>) dst(%dma_wait3A_18 : memref<625x64xf32, #tpu.memory_space<vmem_shared>>)
      tpu.yield
    }) : () -> ()
    %barrier3A = arith.constant 0 : index
    tpu.barrier barrier_id(%barrier3A)
    %scan3A = arith.constant 0 : i32
    %scan3A_6 = arith.constant 0 : i32
    %scan3A_7 = arith.constant 10 : i32
    %scan3A_8 = arith.addi %scan3A_6, %scan3A_7 : i32
    %scan3A_9 = arith.constant 1 : i32
    scf.for %scan3A_15 = %scan3A_6 to %scan3A_8 step %scan3A_9  : i32 {
      %mul3A_16 = arith.constant 2048 : i32
      %mul3A_17 = arith.muli %scan3A_15, %mul3A_16 : i32
      %dma_start3A = tpu.memref_slice %arg3[%arg1, %mul3A_17] : memref<16x20480xi32, #tpu.memory_space<hbm>> -> memref<1x2048xi32, #tpu.memory_space<hbm>>
      %dma_start3A_18 = tpu.memref_squeeze %dma_start3A : memref<1x2048xi32, #tpu.memory_space<hbm>> -> memref<2048xi32, #tpu.memory_space<hbm>>
      %dma_start3A_19 = tpu.memref_slice %arg3[%arg1, %mul3A_17] : memref<16x20480xi32, #tpu.memory_space<hbm>> -> memref<1x2048xi32, #tpu.memory_space<hbm>>
      %dma_start3A_20 = tpu.memref_squeeze %dma_start3A_19 : memref<1x2048xi32, #tpu.memory_space<hbm>> -> memref<2048xi32, #tpu.memory_space<hbm>>
      tpu.enqueue_dma source(%dma_start3A_20 : memref<2048xi32, #tpu.memory_space<hbm>>) target(%arg6 : memref<2048xi32, #tpu.memory_space<vmem>>) target_semaphore(%arg14 : memref<!tpu.dma_semaphore, #tpu.memory_space<semaphore_mem>>)
      %mul3A_21 = arith.constant 2048 : i32
      %mul3A_22 = arith.muli %scan3A_15, %mul3A_21 : i32
      %dma_start3A_23 = tpu.memref_slice %arg4[%arg1, %mul3A_22] : memref<16x20480xi32, #tpu.memory_space<hbm>> -> memref<1x2048xi32, #tpu.memory_space<hbm>>
      %dma_start3A_24 = tpu.memref_squeeze %dma_start3A_23 : memref<1x2048xi32, #tpu.memory_space<hbm>> -> memref<2048xi32, #tpu.memory_space<hbm>>
      %dma_start3A_25 = tpu.memref_slice %arg4[%arg1, %mul3A_22] : memref<16x20480xi32, #tpu.memory_space<hbm>> -> memref<1x2048xi32, #tpu.memory_space<hbm>>
      %dma_start3A_26 = tpu.memref_squeeze %dma_start3A_25 : memref<1x2048xi32, #tpu.memory_space<hbm>> -> memref<2048xi32, #tpu.memory_space<hbm>>
      tpu.enqueue_dma source(%dma_start3A_26 : memref<2048xi32, #tpu.memory_space<hbm>>) target(%arg7 : memref<2048xi32, #tpu.memory_space<vmem>>) target_semaphore(%arg14 : memref<!tpu.dma_semaphore, #tpu.memory_space<semaphore_mem>>)
      %dma_wait3A = tpu.memref_slice %arg3[%arg1, %mul3A_17] : memref<16x20480xi32, #tpu.memory_space<hbm>> -> memref<1x2048xi32, #tpu.memory_space<hbm>>
      %dma_wait3A_27 = tpu.memref_squeeze %dma_wait3A : memref<1x2048xi32, #tpu.memory_space<hbm>> -> memref<2048xi32, #tpu.memory_space<hbm>>
      %dma_wait3A_28 = tpu.memref_slice %arg3[%arg1, %mul3A_17] : memref<16x20480xi32, #tpu.memory_space<hbm>> -> memref<1x2048xi32, #tpu.memory_space<hbm>>
      %dma_wait3A_29 = tpu.memref_squeeze %dma_wait3A_28 : memref<1x2048xi32, #tpu.memory_space<hbm>> -> memref<2048xi32, #tpu.memory_space<hbm>>
      tpu.wait_dma2 semaphore(%arg14 : memref<!tpu.dma_semaphore, #tpu.memory_space<semaphore_mem>>) src(%dma_wait3A_29 : memref<2048xi32, #tpu.memory_space<hbm>>) dst(%arg6 : memref<2048xi32, #tpu.memory_space<vmem>>)
      %dma_wait3A_30 = tpu.memref_slice %arg4[%arg1, %mul3A_22] : memref<16x20480xi32, #tpu.memory_space<hbm>> -> memref<1x2048xi32, #tpu.memory_space<hbm>>
      %dma_wait3A_31 = tpu.memref_squeeze %dma_wait3A_30 : memref<1x2048xi32, #tpu.memory_space<hbm>> -> memref<2048xi32, #tpu.memory_space<hbm>>
      %dma_wait3A_32 = tpu.memref_slice %arg4[%arg1, %mul3A_22] : memref<16x20480xi32, #tpu.memory_space<hbm>> -> memref<1x2048xi32, #tpu.memory_space<hbm>>
      %dma_wait3A_33 = tpu.memref_squeeze %dma_wait3A_32 : memref<1x2048xi32, #tpu.memory_space<hbm>> -> memref<2048xi32, #tpu.memory_space<hbm>>
      tpu.wait_dma2 semaphore(%arg14 : memref<!tpu.dma_semaphore, #tpu.memory_space<semaphore_mem>>) src(%dma_wait3A_33 : memref<2048xi32, #tpu.memory_space<hbm>>) dst(%arg7 : memref<2048xi32, #tpu.memory_space<vmem>>)
      %dma_start3A_34 = arith.constant 0 : i32
      %dma_start3A_35 = tpu.memref_slice %arg6[%dma_start3A_34] : memref<2048xi32, #tpu.memory_space<vmem>> -> memref<256xi32, #tpu.memory_space<vmem>>
      %dma_start3A_36 = arith.constant 0 : i32
      %dma_start3A_37 = arith.constant 0 : i32
      %dma_start3A_38 = tpu.memref_slice %arg10[%dma_start3A_36, %dma_start3A_37] : memref<10000x64xf32, #tpu.memory_space<vmem_shared>> -> memref<10000x64xf32, #tpu.memory_space<vmem_shared>>
      tpu.enqueue_indirect_dma source(%dma_start3A_38 : memref<10000x64xf32, #tpu.memory_space<vmem_shared>>) target(%arg8 : memref<256x64xf32, #tpu.memory_space<vmem>>) offsets(%dma_start3A_35 : memref<256xi32, #tpu.memory_space<vmem>>) semaphore(%arg12 : memref<!tpu.dma_semaphore, #tpu.memory_space<semaphore_mem>>)
      %dma_start3A_39 = arith.constant 256 : i32
      %dma_start3A_40 = tpu.memref_slice %arg6[%dma_start3A_39] : memref<2048xi32, #tpu.memory_space<vmem>> -> memref<256xi32, #tpu.memory_space<vmem>>
      %dma_start3A_41 = arith.constant 0 : i32
      %dma_start3A_42 = arith.constant 0 : i32
      %dma_start3A_43 = tpu.memref_slice %arg10[%dma_start3A_41, %dma_start3A_42] : memref<10000x64xf32, #tpu.memory_space<vmem_shared>> -> memref<10000x64xf32, #tpu.memory_space<vmem_shared>>
      tpu.enqueue_indirect_dma source(%dma_start3A_43 : memref<10000x64xf32, #tpu.memory_space<vmem_shared>>) target(%arg9 : memref<256x64xf32, #tpu.memory_space<vmem>>) offsets(%dma_start3A_40 : memref<256xi32, #tpu.memory_space<vmem>>) semaphore(%arg13 : memref<!tpu.dma_semaphore, #tpu.memory_space<semaphore_mem>>)
      %dma_wait3A_44 = arith.constant 0 : i32
      %dma_wait3A_45 = tpu.memref_slice %arg6[%dma_wait3A_44] : memref<2048xi32, #tpu.memory_space<vmem>> -> memref<256xi32, #tpu.memory_space<vmem>>
      %dma_wait3A_46 = arith.constant 0 : i32
      %dma_wait3A_47 = arith.constant 0 : i32
      %dma_wait3A_48 = tpu.memref_slice %arg10[%dma_wait3A_46, %dma_wait3A_47] : memref<10000x64xf32, #tpu.memory_space<vmem_shared>> -> memref<10000x64xf32, #tpu.memory_space<vmem_shared>>
      tpu.wait_indirect_dma semaphore(%arg12 : memref<!tpu.dma_semaphore, #tpu.memory_space<semaphore_mem>>) src(%dma_wait3A_48 : memref<10000x64xf32, #tpu.memory_space<vmem_shared>>) dst(%arg8 : memref<256x64xf32, #tpu.memory_space<vmem>>)
      "tpu.region"() ({
        %run_scoped3A = tpu.sem_alloc : memref<!tpu.dma_semaphore, #tpu.memory_space<semaphore_mem>>
        %dma_start3A_114 = arith.constant 0 : i32
        %dma_start3A_115 = tpu.memref_slice %arg7[%dma_start3A_114] : memref<2048xi32, #tpu.memory_space<vmem>> -> memref<256xi32, #tpu.memory_space<vmem>>
        %dma_start3A_116 = arith.constant 0 : i32
        %dma_start3A_117 = arith.constant 0 : i32
        %dma_start3A_118 = tpu.memref_slice %arg11[%dma_start3A_116, %dma_start3A_117] : memref<10008x64xf32, #tpu.memory_space<vmem_shared>> -> memref<10008x64xf32, #tpu.memory_space<vmem_shared>>
        tpu.enqueue_indirect_dma source(%arg8 : memref<256x64xf32, #tpu.memory_space<vmem>>) target(%dma_start3A_118 : memref<10008x64xf32, #tpu.memory_space<vmem_shared>>) offsets(%dma_start3A_115 : memref<256xi32, #tpu.memory_space<vmem>>) semaphore(%run_scoped3A : memref<!tpu.dma_semaphore, #tpu.memory_space<semaphore_mem>>) {add = true}
        %dma_wait3A_119 = arith.constant 0 : i32
        %dma_wait3A_120 = tpu.memref_slice %arg7[%dma_wait3A_119] : memref<2048xi32, #tpu.memory_space<vmem>> -> memref<256xi32, #tpu.memory_space<vmem>>
        %dma_wait3A_121 = arith.constant 0 : i32
        %dma_wait3A_122 = arith.constant 0 : i32
        %dma_wait3A_123 = tpu.memref_slice %arg11[%dma_wait3A_121, %dma_wait3A_122] : memref<10008x64xf32, #tpu.memory_space<vmem_shared>> -> memref<10008x64xf32, #tpu.memory_space<vmem_shared>>
        tpu.wait_indirect_dma semaphore(%run_scoped3A : memref<!tpu.dma_semaphore, #tpu.memory_space<semaphore_mem>>) src(%arg8 : memref<256x64xf32, #tpu.memory_space<vmem>>) dst(%dma_wait3A_123 : memref<10008x64xf32, #tpu.memory_space<vmem_shared>>)
        tpu.yield
      }) : () -> ()
      %dma_start3A_49 = arith.constant 512 : i32
      %dma_start3A_50 = tpu.memref_slice %arg6[%dma_start3A_49] : memref<2048xi32, #tpu.memory_space<vmem>> -> memref<256xi32, #tpu.memory_space<vmem>>
      %dma_start3A_51 = arith.constant 0 : i32
      %dma_start3A_52 = arith.constant 0 : i32
      %dma_start3A_53 = tpu.memref_slice %arg10[%dma_start3A_51, %dma_start3A_52] : memref<10000x64xf32, #tpu.memory_space<vmem_shared>> -> memref<10000x64xf32, #tpu.memory_space<vmem_shared>>
      tpu.enqueue_indirect_dma source(%dma_start3A_53 : memref<10000x64xf32, #tpu.memory_space<vmem_shared>>) target(%arg8 : memref<256x64xf32, #tpu.memory_space<vmem>>) offsets(%dma_start3A_50 : memref<256xi32, #tpu.memory_space<vmem>>) semaphore(%arg12 : memref<!tpu.dma_semaphore, #tpu.memory_space<semaphore_mem>>)
      %dma_wait3A_54 = arith.constant 256 : i32
      %dma_wait3A_55 = tpu.memref_slice %arg6[%dma_wait3A_54] : memref<2048xi32, #tpu.memory_space<vmem>> -> memref<256xi32, #tpu.memory_space<vmem>>
      %dma_wait3A_56 = arith.constant 0 : i32
      %dma_wait3A_57 = arith.constant 0 : i32
      %dma_wait3A_58 = tpu.memref_slice %arg10[%dma_wait3A_56, %dma_wait3A_57] : memref<10000x64xf32, #tpu.memory_space<vmem_shared>> -> memref<10000x64xf32, #tpu.memory_space<vmem_shared>>
      tpu.wait_indirect_dma semaphore(%arg13 : memref<!tpu.dma_semaphore, #tpu.memory_space<semaphore_mem>>) src(%dma_wait3A_58 : memref<10000x64xf32, #tpu.memory_space<vmem_shared>>) dst(%arg9 : memref<256x64xf32, #tpu.memory_space<vmem>>)
      "tpu.region"() ({
        %run_scoped3A = tpu.sem_alloc : memref<!tpu.dma_semaphore, #tpu.memory_space<semaphore_mem>>
        %dma_start3A_114 = arith.constant 256 : i32
        %dma_start3A_115 = tpu.memref_slice %arg7[%dma_start3A_114] : memref<2048xi32, #tpu.memory_space<vmem>> -> memref<256xi32, #tpu.memory_space<vmem>>
        %dma_start3A_116 = arith.constant 0 : i32
        %dma_start3A_117 = arith.constant 0 : i32
        %dma_start3A_118 = tpu.memref_slice %arg11[%dma_start3A_116, %dma_start3A_117] : memref<10008x64xf32, #tpu.memory_space<vmem_shared>> -> memref<10008x64xf32, #tpu.memory_space<vmem_shared>>
        tpu.enqueue_indirect_dma source(%arg9 : memref<256x64xf32, #tpu.memory_space<vmem>>) target(%dma_start3A_118 : memref<10008x64xf32, #tpu.memory_space<vmem_shared>>) offsets(%dma_start3A_115 : memref<256xi32, #tpu.memory_space<vmem>>) semaphore(%run_scoped3A : memref<!tpu.dma_semaphore, #tpu.memory_space<semaphore_mem>>) {add = true}
        %dma_wait3A_119 = arith.constant 256 : i32
        %dma_wait3A_120 = tpu.memref_slice %arg7[%dma_wait3A_119] : memref<2048xi32, #tpu.memory_space<vmem>> -> memref<256xi32, #tpu.memory_space<vmem>>
        %dma_wait3A_121 = arith.constant 0 : i32
        %dma_wait3A_122 = arith.constant 0 : i32
        %dma_wait3A_123 = tpu.memref_slice %arg11[%dma_wait3A_121, %dma_wait3A_122] : memref<10008x64xf32, #tpu.memory_space<vmem_shared>> -> memref<10008x64xf32, #tpu.memory_space<vmem_shared>>
        tpu.wait_indirect_dma semaphore(%run_scoped3A : memref<!tpu.dma_semaphore, #tpu.memory_space<semaphore_mem>>) src(%arg9 : memref<256x64xf32, #tpu.memory_space<vmem>>) dst(%dma_wait3A_123 : memref<10008x64xf32, #tpu.memory_space<vmem_shared>>)
        tpu.yield
      }) : () -> ()
      %dma_start3A_59 = arith.constant 768 : i32
      %dma_start3A_60 = tpu.memref_slice %arg6[%dma_start3A_59] : memref<2048xi32, #tpu.memory_space<vmem>> -> memref<256xi32, #tpu.memory_space<vmem>>
      %dma_start3A_61 = arith.constant 0 : i32
      %dma_start3A_62 = arith.constant 0 : i32
      %dma_start3A_63 = tpu.memref_slice %arg10[%dma_start3A_61, %dma_start3A_62] : memref<10000x64xf32, #tpu.memory_space<vmem_shared>> -> memref<10000x64xf32, #tpu.memory_space<vmem_shared>>
      tpu.enqueue_indirect_dma source(%dma_start3A_63 : memref<10000x64xf32, #tpu.memory_space<vmem_shared>>) target(%arg9 : memref<256x64xf32, #tpu.memory_space<vmem>>) offsets(%dma_start3A_60 : memref<256xi32, #tpu.memory_space<vmem>>) semaphore(%arg13 : memref<!tpu.dma_semaphore, #tpu.memory_space<semaphore_mem>>)
      %dma_wait3A_64 = arith.constant 512 : i32
      %dma_wait3A_65 = tpu.memref_slice %arg6[%dma_wait3A_64] : memref<2048xi32, #tpu.memory_space<vmem>> -> memref<256xi32, #tpu.memory_space<vmem>>
      %dma_wait3A_66 = arith.constant 0 : i32
      %dma_wait3A_67 = arith.constant 0 : i32
      %dma_wait3A_68 = tpu.memref_slice %arg10[%dma_wait3A_66, %dma_wait3A_67] : memref<10000x64xf32, #tpu.memory_space<vmem_shared>> -> memref<10000x64xf32, #tpu.memory_space<vmem_shared>>
      tpu.wait_indirect_dma semaphore(%arg12 : memref<!tpu.dma_semaphore, #tpu.memory_space<semaphore_mem>>) src(%dma_wait3A_68 : memref<10000x64xf32, #tpu.memory_space<vmem_shared>>) dst(%arg8 : memref<256x64xf32, #tpu.memory_space<vmem>>)
      "tpu.region"() ({
        %run_scoped3A = tpu.sem_alloc : memref<!tpu.dma_semaphore, #tpu.memory_space<semaphore_mem>>
        %dma_start3A_114 = arith.constant 512 : i32
        %dma_start3A_115 = tpu.memref_slice %arg7[%dma_start3A_114] : memref<2048xi32, #tpu.memory_space<vmem>> -> memref<256xi32, #tpu.memory_space<vmem>>
        %dma_start3A_116 = arith.constant 0 : i32
        %dma_start3A_117 = arith.constant 0 : i32
        %dma_start3A_118 = tpu.memref_slice %arg11[%dma_start3A_116, %dma_start3A_117] : memref<10008x64xf32, #tpu.memory_space<vmem_shared>> -> memref<10008x64xf32, #tpu.memory_space<vmem_shared>>
        tpu.enqueue_indirect_dma source(%arg8 : memref<256x64xf32, #tpu.memory_space<vmem>>) target(%dma_start3A_118 : memref<10008x64xf32, #tpu.memory_space<vmem_shared>>) offsets(%dma_start3A_115 : memref<256xi32, #tpu.memory_space<vmem>>) semaphore(%run_scoped3A : memref<!tpu.dma_semaphore, #tpu.memory_space<semaphore_mem>>) {add = true}
        %dma_wait3A_119 = arith.constant 512 : i32
        %dma_wait3A_120 = tpu.memref_slice %arg7[%dma_wait3A_119] : memref<2048xi32, #tpu.memory_space<vmem>> -> memref<256xi32, #tpu.memory_space<vmem>>
        %dma_wait3A_121 = arith.constant 0 : i32
        %dma_wait3A_122 = arith.constant 0 : i32
        %dma_wait3A_123 = tpu.memref_slice %arg11[%dma_wait3A_121, %dma_wait3A_122] : memref<10008x64xf32, #tpu.memory_space<vmem_shared>> -> memref<10008x64xf32, #tpu.memory_space<vmem_shared>>
        tpu.wait_indirect_dma semaphore(%run_scoped3A : memref<!tpu.dma_semaphore, #tpu.memory_space<semaphore_mem>>) src(%arg8 : memref<256x64xf32, #tpu.memory_space<vmem>>) dst(%dma_wait3A_123 : memref<10008x64xf32, #tpu.memory_space<vmem_shared>>)
        tpu.yield
      }) : () -> ()
      %dma_start3A_69 = arith.constant 1024 : i32
      %dma_start3A_70 = tpu.memref_slice %arg6[%dma_start3A_69] : memref<2048xi32, #tpu.memory_space<vmem>> -> memref<256xi32, #tpu.memory_space<vmem>>
      %dma_start3A_71 = arith.constant 0 : i32
      %dma_start3A_72 = arith.constant 0 : i32
      %dma_start3A_73 = tpu.memref_slice %arg10[%dma_start3A_71, %dma_start3A_72] : memref<10000x64xf32, #tpu.memory_space<vmem_shared>> -> memref<10000x64xf32, #tpu.memory_space<vmem_shared>>
      tpu.enqueue_indirect_dma source(%dma_start3A_73 : memref<10000x64xf32, #tpu.memory_space<vmem_shared>>) target(%arg8 : memref<256x64xf32, #tpu.memory_space<vmem>>) offsets(%dma_start3A_70 : memref<256xi32, #tpu.memory_space<vmem>>) semaphore(%arg12 : memref<!tpu.dma_semaphore, #tpu.memory_space<semaphore_mem>>)
      %dma_wait3A_74 = arith.constant 768 : i32
      %dma_wait3A_75 = tpu.memref_slice %arg6[%dma_wait3A_74] : memref<2048xi32, #tpu.memory_space<vmem>> -> memref<256xi32, #tpu.memory_space<vmem>>
      %dma_wait3A_76 = arith.constant 0 : i32
      %dma_wait3A_77 = arith.constant 0 : i32
      %dma_wait3A_78 = tpu.memref_slice %arg10[%dma_wait3A_76, %dma_wait3A_77] : memref<10000x64xf32, #tpu.memory_space<vmem_shared>> -> memref<10000x64xf32, #tpu.memory_space<vmem_shared>>
      tpu.wait_indirect_dma semaphore(%arg13 : memref<!tpu.dma_semaphore, #tpu.memory_space<semaphore_mem>>) src(%dma_wait3A_78 : memref<10000x64xf32, #tpu.memory_space<vmem_shared>>) dst(%arg9 : memref<256x64xf32, #tpu.memory_space<vmem>>)
      "tpu.region"() ({
        %run_scoped3A = tpu.sem_alloc : memref<!tpu.dma_semaphore, #tpu.memory_space<semaphore_mem>>
        %dma_start3A_114 = arith.constant 768 : i32
        %dma_start3A_115 = tpu.memref_slice %arg7[%dma_start3A_114] : memref<2048xi32, #tpu.memory_space<vmem>> -> memref<256xi32, #tpu.memory_space<vmem>>
        %dma_start3A_116 = arith.constant 0 : i32
        %dma_start3A_117 = arith.constant 0 : i32
        %dma_start3A_118 = tpu.memref_slice %arg11[%dma_start3A_116, %dma_start3A_117] : memref<10008x64xf32, #tpu.memory_space<vmem_shared>> -> memref<10008x64xf32, #tpu.memory_space<vmem_shared>>
        tpu.enqueue_indirect_dma source(%arg9 : memref<256x64xf32, #tpu.memory_space<vmem>>) target(%dma_start3A_118 : memref<10008x64xf32, #tpu.memory_space<vmem_shared>>) offsets(%dma_start3A_115 : memref<256xi32, #tpu.memory_space<vmem>>) semaphore(%run_scoped3A : memref<!tpu.dma_semaphore, #tpu.memory_space<semaphore_mem>>) {add = true}
        %dma_wait3A_119 = arith.constant 768 : i32
        %dma_wait3A_120 = tpu.memref_slice %arg7[%dma_wait3A_119] : memref<2048xi32, #tpu.memory_space<vmem>> -> memref<256xi32, #tpu.memory_space<vmem>>
        %dma_wait3A_121 = arith.constant 0 : i32
        %dma_wait3A_122 = arith.constant 0 : i32
        %dma_wait3A_123 = tpu.memref_slice %arg11[%dma_wait3A_121, %dma_wait3A_122] : memref<10008x64xf32, #tpu.memory_space<vmem_shared>> -> memref<10008x64xf32, #tpu.memory_space<vmem_shared>>
        tpu.wait_indirect_dma semaphore(%run_scoped3A : memref<!tpu.dma_semaphore, #tpu.memory_space<semaphore_mem>>) src(%arg9 : memref<256x64xf32, #tpu.memory_space<vmem>>) dst(%dma_wait3A_123 : memref<10008x64xf32, #tpu.memory_space<vmem_shared>>)
        tpu.yield
      }) : () -> ()
      %dma_start3A_79 = arith.constant 1280 : i32
      %dma_start3A_80 = tpu.memref_slice %arg6[%dma_start3A_79] : memref<2048xi32, #tpu.memory_space<vmem>> -> memref<256xi32, #tpu.memory_space<vmem>>
      %dma_start3A_81 = arith.constant 0 : i32
      %dma_start3A_82 = arith.constant 0 : i32
      %dma_start3A_83 = tpu.memref_slice %arg10[%dma_start3A_81, %dma_start3A_82] : memref<10000x64xf32, #tpu.memory_space<vmem_shared>> -> memref<10000x64xf32, #tpu.memory_space<vmem_shared>>
      tpu.enqueue_indirect_dma source(%dma_start3A_83 : memref<10000x64xf32, #tpu.memory_space<vmem_shared>>) target(%arg9 : memref<256x64xf32, #tpu.memory_space<vmem>>) offsets(%dma_start3A_80 : memref<256xi32, #tpu.memory_space<vmem>>) semaphore(%arg13 : memref<!tpu.dma_semaphore, #tpu.memory_space<semaphore_mem>>)
      %dma_wait3A_84 = arith.constant 1024 : i32
      %dma_wait3A_85 = tpu.memref_slice %arg6[%dma_wait3A_84] : memref<2048xi32, #tpu.memory_space<vmem>> -> memref<256xi32, #tpu.memory_space<vmem>>
      %dma_wait3A_86 = arith.constant 0 : i32
      %dma_wait3A_87 = arith.constant 0 : i32
      %dma_wait3A_88 = tpu.memref_slice %arg10[%dma_wait3A_86, %dma_wait3A_87] : memref<10000x64xf32, #tpu.memory_space<vmem_shared>> -> memref<10000x64xf32, #tpu.memory_space<vmem_shared>>
      tpu.wait_indirect_dma semaphore(%arg12 : memref<!tpu.dma_semaphore, #tpu.memory_space<semaphore_mem>>) src(%dma_wait3A_88 : memref<10000x64xf32, #tpu.memory_space<vmem_shared>>) dst(%arg8 : memref<256x64xf32, #tpu.memory_space<vmem>>)
      "tpu.region"() ({
        %run_scoped3A = tpu.sem_alloc : memref<!tpu.dma_semaphore, #tpu.memory_space<semaphore_mem>>
        %dma_start3A_114 = arith.constant 1024 : i32
        %dma_start3A_115 = tpu.memref_slice %arg7[%dma_start3A_114] : memref<2048xi32, #tpu.memory_space<vmem>> -> memref<256xi32, #tpu.memory_space<vmem>>
        %dma_start3A_116 = arith.constant 0 : i32
        %dma_start3A_117 = arith.constant 0 : i32
        %dma_start3A_118 = tpu.memref_slice %arg11[%dma_start3A_116, %dma_start3A_117] : memref<10008x64xf32, #tpu.memory_space<vmem_shared>> -> memref<10008x64xf32, #tpu.memory_space<vmem_shared>>
        tpu.enqueue_indirect_dma source(%arg8 : memref<256x64xf32, #tpu.memory_space<vmem>>) target(%dma_start3A_118 : memref<10008x64xf32, #tpu.memory_space<vmem_shared>>) offsets(%dma_start3A_115 : memref<256xi32, #tpu.memory_space<vmem>>) semaphore(%run_scoped3A : memref<!tpu.dma_semaphore, #tpu.memory_space<semaphore_mem>>) {add = true}
        %dma_wait3A_119 = arith.constant 1024 : i32
        %dma_wait3A_120 = tpu.memref_slice %arg7[%dma_wait3A_119] : memref<2048xi32, #tpu.memory_space<vmem>> -> memref<256xi32, #tpu.memory_space<vmem>>
        %dma_wait3A_121 = arith.constant 0 : i32
        %dma_wait3A_122 = arith.constant 0 : i32
        %dma_wait3A_123 = tpu.memref_slice %arg11[%dma_wait3A_121, %dma_wait3A_122] : memref<10008x64xf32, #tpu.memory_space<vmem_shared>> -> memref<10008x64xf32, #tpu.memory_space<vmem_shared>>
        tpu.wait_indirect_dma semaphore(%run_scoped3A : memref<!tpu.dma_semaphore, #tpu.memory_space<semaphore_mem>>) src(%arg8 : memref<256x64xf32, #tpu.memory_space<vmem>>) dst(%dma_wait3A_123 : memref<10008x64xf32, #tpu.memory_space<vmem_shared>>)
        tpu.yield
      }) : () -> ()
      %dma_start3A_89 = arith.constant 1536 : i32
      %dma_start3A_90 = tpu.memref_slice %arg6[%dma_start3A_89] : memref<2048xi32, #tpu.memory_space<vmem>> -> memref<256xi32, #tpu.memory_space<vmem>>
      %dma_start3A_91 = arith.constant 0 : i32
      %dma_start3A_92 = arith.constant 0 : i32
      %dma_start3A_93 = tpu.memref_slice %arg10[%dma_start3A_91, %dma_start3A_92] : memref<10000x64xf32, #tpu.memory_space<vmem_shared>> -> memref<10000x64xf32, #tpu.memory_space<vmem_shared>>
      tpu.enqueue_indirect_dma source(%dma_start3A_93 : memref<10000x64xf32, #tpu.memory_space<vmem_shared>>) target(%arg8 : memref<256x64xf32, #tpu.memory_space<vmem>>) offsets(%dma_start3A_90 : memref<256xi32, #tpu.memory_space<vmem>>) semaphore(%arg12 : memref<!tpu.dma_semaphore, #tpu.memory_space<semaphore_mem>>)
      %dma_wait3A_94 = arith.constant 1280 : i32
      %dma_wait3A_95 = tpu.memref_slice %arg6[%dma_wait3A_94] : memref<2048xi32, #tpu.memory_space<vmem>> -> memref<256xi32, #tpu.memory_space<vmem>>
      %dma_wait3A_96 = arith.constant 0 : i32
      %dma_wait3A_97 = arith.constant 0 : i32
      %dma_wait3A_98 = tpu.memref_slice %arg10[%dma_wait3A_96, %dma_wait3A_97] : memref<10000x64xf32, #tpu.memory_space<vmem_shared>> -> memref<10000x64xf32, #tpu.memory_space<vmem_shared>>
      tpu.wait_indirect_dma semaphore(%arg13 : memref<!tpu.dma_semaphore, #tpu.memory_space<semaphore_mem>>) src(%dma_wait3A_98 : memref<10000x64xf32, #tpu.memory_space<vmem_shared>>) dst(%arg9 : memref<256x64xf32, #tpu.memory_space<vmem>>)
      "tpu.region"() ({
        %run_scoped3A = tpu.sem_alloc : memref<!tpu.dma_semaphore, #tpu.memory_space<semaphore_mem>>
        %dma_start3A_114 = arith.constant 1280 : i32
        %dma_start3A_115 = tpu.memref_slice %arg7[%dma_start3A_114] : memref<2048xi32, #tpu.memory_space<vmem>> -> memref<256xi32, #tpu.memory_space<vmem>>
        %dma_start3A_116 = arith.constant 0 : i32
        %dma_start3A_117 = arith.constant 0 : i32
        %dma_start3A_118 = tpu.memref_slice %arg11[%dma_start3A_116, %dma_start3A_117] : memref<10008x64xf32, #tpu.memory_space<vmem_shared>> -> memref<10008x64xf32, #tpu.memory_space<vmem_shared>>
        tpu.enqueue_indirect_dma source(%arg9 : memref<256x64xf32, #tpu.memory_space<vmem>>) target(%dma_start3A_118 : memref<10008x64xf32, #tpu.memory_space<vmem_shared>>) offsets(%dma_start3A_115 : memref<256xi32, #tpu.memory_space<vmem>>) semaphore(%run_scoped3A : memref<!tpu.dma_semaphore, #tpu.memory_space<semaphore_mem>>) {add = true}
        %dma_wait3A_119 = arith.constant 1280 : i32
        %dma_wait3A_120 = tpu.memref_slice %arg7[%dma_wait3A_119] : memref<2048xi32, #tpu.memory_space<vmem>> -> memref<256xi32, #tpu.memory_space<vmem>>
        %dma_wait3A_121 = arith.constant 0 : i32
        %dma_wait3A_122 = arith.constant 0 : i32
        %dma_wait3A_123 = tpu.memref_slice %arg11[%dma_wait3A_121, %dma_wait3A_122] : memref<10008x64xf32, #tpu.memory_space<vmem_shared>> -> memref<10008x64xf32, #tpu.memory_space<vmem_shared>>
        tpu.wait_indirect_dma semaphore(%run_scoped3A : memref<!tpu.dma_semaphore, #tpu.memory_space<semaphore_mem>>) src(%arg9 : memref<256x64xf32, #tpu.memory_space<vmem>>) dst(%dma_wait3A_123 : memref<10008x64xf32, #tpu.memory_space<vmem_shared>>)
        tpu.yield
      }) : () -> ()
      %dma_start3A_99 = arith.constant 1792 : i32
      %dma_start3A_100 = tpu.memref_slice %arg6[%dma_start3A_99] : memref<2048xi32, #tpu.memory_space<vmem>> -> memref<256xi32, #tpu.memory_space<vmem>>
      %dma_start3A_101 = arith.constant 0 : i32
      %dma_start3A_102 = arith.constant 0 : i32
      %dma_start3A_103 = tpu.memref_slice %arg10[%dma_start3A_101, %dma_start3A_102] : memref<10000x64xf32, #tpu.memory_space<vmem_shared>> -> memref<10000x64xf32, #tpu.memory_space<vmem_shared>>
      tpu.enqueue_indirect_dma source(%dma_start3A_103 : memref<10000x64xf32, #tpu.memory_space<vmem_shared>>) target(%arg9 : memref<256x64xf32, #tpu.memory_space<vmem>>) offsets(%dma_start3A_100 : memref<256xi32, #tpu.memory_space<vmem>>) semaphore(%arg13 : memref<!tpu.dma_semaphore, #tpu.memory_space<semaphore_mem>>)
      %dma_wait3A_104 = arith.constant 1536 : i32
      %dma_wait3A_105 = tpu.memref_slice %arg6[%dma_wait3A_104] : memref<2048xi32, #tpu.memory_space<vmem>> -> memref<256xi32, #tpu.memory_space<vmem>>
      %dma_wait3A_106 = arith.constant 0 : i32
      %dma_wait3A_107 = arith.constant 0 : i32
      %dma_wait3A_108 = tpu.memref_slice %arg10[%dma_wait3A_106, %dma_wait3A_107] : memref<10000x64xf32, #tpu.memory_space<vmem_shared>> -> memref<10000x64xf32, #tpu.memory_space<vmem_shared>>
      tpu.wait_indirect_dma semaphore(%arg12 : memref<!tpu.dma_semaphore, #tpu.memory_space<semaphore_mem>>) src(%dma_wait3A_108 : memref<10000x64xf32, #tpu.memory_space<vmem_shared>>) dst(%arg8 : memref<256x64xf32, #tpu.memory_space<vmem>>)
      "tpu.region"() ({
        %run_scoped3A = tpu.sem_alloc : memref<!tpu.dma_semaphore, #tpu.memory_space<semaphore_mem>>
        %dma_start3A_114 = arith.constant 1536 : i32
        %dma_start3A_115 = tpu.memref_slice %arg7[%dma_start3A_114] : memref<2048xi32, #tpu.memory_space<vmem>> -> memref<256xi32, #tpu.memory_space<vmem>>
        %dma_start3A_116 = arith.constant 0 : i32
        %dma_start3A_117 = arith.constant 0 : i32
        %dma_start3A_118 = tpu.memref_slice %arg11[%dma_start3A_116, %dma_start3A_117] : memref<10008x64xf32, #tpu.memory_space<vmem_shared>> -> memref<10008x64xf32, #tpu.memory_space<vmem_shared>>
        tpu.enqueue_indirect_dma source(%arg8 : memref<256x64xf32, #tpu.memory_space<vmem>>) target(%dma_start3A_118 : memref<10008x64xf32, #tpu.memory_space<vmem_shared>>) offsets(%dma_start3A_115 : memref<256xi32, #tpu.memory_space<vmem>>) semaphore(%run_scoped3A : memref<!tpu.dma_semaphore, #tpu.memory_space<semaphore_mem>>) {add = true}
        %dma_wait3A_119 = arith.constant 1536 : i32
        %dma_wait3A_120 = tpu.memref_slice %arg7[%dma_wait3A_119] : memref<2048xi32, #tpu.memory_space<vmem>> -> memref<256xi32, #tpu.memory_space<vmem>>
        %dma_wait3A_121 = arith.constant 0 : i32
        %dma_wait3A_122 = arith.constant 0 : i32
        %dma_wait3A_123 = tpu.memref_slice %arg11[%dma_wait3A_121, %dma_wait3A_122] : memref<10008x64xf32, #tpu.memory_space<vmem_shared>> -> memref<10008x64xf32, #tpu.memory_space<vmem_shared>>
        tpu.wait_indirect_dma semaphore(%run_scoped3A : memref<!tpu.dma_semaphore, #tpu.memory_space<semaphore_mem>>) src(%arg8 : memref<256x64xf32, #tpu.memory_space<vmem>>) dst(%dma_wait3A_123 : memref<10008x64xf32, #tpu.memory_space<vmem_shared>>)
        tpu.yield
      }) : () -> ()
      %dma_wait3A_109 = arith.constant 1792 : i32
      %dma_wait3A_110 = tpu.memref_slice %arg6[%dma_wait3A_109] : memref<2048xi32, #tpu.memory_space<vmem>> -> memref<256xi32, #tpu.memory_space<vmem>>
      %dma_wait3A_111 = arith.constant 0 : i32
      %dma_wait3A_112 = arith.constant 0 : i32
      %dma_wait3A_113 = tpu.memref_slice %arg10[%dma_wait3A_111, %dma_wait3A_112] : memref<10000x64xf32, #tpu.memory_space<vmem_shared>> -> memref<10000x64xf32, #tpu.memory_space<vmem_shared>>
      tpu.wait_indirect_dma semaphore(%arg13 : memref<!tpu.dma_semaphore, #tpu.memory_space<semaphore_mem>>) src(%dma_wait3A_113 : memref<10000x64xf32, #tpu.memory_space<vmem_shared>>) dst(%arg9 : memref<256x64xf32, #tpu.memory_space<vmem>>)
      "tpu.region"() ({
        %run_scoped3A = tpu.sem_alloc : memref<!tpu.dma_semaphore, #tpu.memory_space<semaphore_mem>>
        %dma_start3A_114 = arith.constant 1792 : i32
        %dma_start3A_115 = tpu.memref_slice %arg7[%dma_start3A_114] : memref<2048xi32, #tpu.memory_space<vmem>> -> memref<256xi32, #tpu.memory_space<vmem>>
        %dma_start3A_116 = arith.constant 0 : i32
        %dma_start3A_117 = arith.constant 0 : i32
        %dma_start3A_118 = tpu.memref_slice %arg11[%dma_start3A_116, %dma_start3A_117] : memref<10008x64xf32, #tpu.memory_space<vmem_shared>> -> memref<10008x64xf32, #tpu.memory_space<vmem_shared>>
        tpu.enqueue_indirect_dma source(%arg9 : memref<256x64xf32, #tpu.memory_space<vmem>>) target(%dma_start3A_118 : memref<10008x64xf32, #tpu.memory_space<vmem_shared>>) offsets(%dma_start3A_115 : memref<256xi32, #tpu.memory_space<vmem>>) semaphore(%run_scoped3A : memref<!tpu.dma_semaphore, #tpu.memory_space<semaphore_mem>>) {add = true}
        %dma_wait3A_119 = arith.constant 1792 : i32
        %dma_wait3A_120 = tpu.memref_slice %arg7[%dma_wait3A_119] : memref<2048xi32, #tpu.memory_space<vmem>> -> memref<256xi32, #tpu.memory_space<vmem>>
        %dma_wait3A_121 = arith.constant 0 : i32
        %dma_wait3A_122 = arith.constant 0 : i32
        %dma_wait3A_123 = tpu.memref_slice %arg11[%dma_wait3A_121, %dma_wait3A_122] : memref<10008x64xf32, #tpu.memory_space<vmem_shared>> -> memref<10008x64xf32, #tpu.memory_space<vmem_shared>>
        tpu.wait_indirect_dma semaphore(%run_scoped3A : memref<!tpu.dma_semaphore, #tpu.memory_space<semaphore_mem>>) src(%arg9 : memref<256x64xf32, #tpu.memory_space<vmem>>) dst(%dma_wait3A_123 : memref<10008x64xf32, #tpu.memory_space<vmem_shared>>)
        tpu.yield
      }) : () -> ()
    }
    %scan3A_10 = arith.constant 10 : i32
    %barrier3A_11 = arith.constant 0 : index
    tpu.barrier barrier_id(%barrier3A_11)
    %mul3A_12 = arith.constant 10000 : i32
    %mul3A_13 = arith.muli %arg0, %mul3A_12 : i32
    %add3A_14 = arith.addi %mul3A_13, %mul3A_0 : i32
    "tpu.region"() ({
      %run_scoped3A = tpu.sem_alloc : memref<!tpu.dma_semaphore, #tpu.memory_space<semaphore_mem>>
      %dma_start3A = arith.constant 0 : i32
      %dma_start3A_15 = tpu.memref_slice %arg5[%add3A_14, %dma_start3A] : memref<20000x64xf32, #tpu.memory_space<hbm>> -> memref<625x64xf32, #tpu.memory_space<hbm>>
      %dma_start3A_16 = arith.constant 0 : i32
      %dma_start3A_17 = tpu.memref_slice %arg11[%mul3A_0, %dma_start3A_16] : memref<10008x64xf32, #tpu.memory_space<vmem_shared>> -> memref<625x64xf32, #tpu.memory_space<vmem_shared>>
      tpu.enqueue_dma source(%dma_start3A_17 : memref<625x64xf32, #tpu.memory_space<vmem_shared>>) target(%dma_start3A_15 : memref<625x64xf32, #tpu.memory_space<hbm>>) target_semaphore(%run_scoped3A : memref<!tpu.dma_semaphore, #tpu.memory_space<semaphore_mem>>)
      %dma_wait3A = arith.constant 0 : i32
      %dma_wait3A_18 = tpu.memref_slice %arg5[%add3A_14, %dma_wait3A] : memref<20000x64xf32, #tpu.memory_space<hbm>> -> memref<625x64xf32, #tpu.memory_space<hbm>>
      %dma_wait3A_19 = arith.constant 0 : i32
      %dma_wait3A_20 = tpu.memref_slice %arg11[%mul3A_0, %dma_wait3A_19] : memref<10008x64xf32, #tpu.memory_space<vmem_shared>> -> memref<625x64xf32, #tpu.memory_space<vmem_shared>>
      tpu.wait_dma2 semaphore(%run_scoped3A : memref<!tpu.dma_semaphore, #tpu.memory_space<semaphore_mem>>) src(%dma_wait3A_20 : memref<625x64xf32, #tpu.memory_space<vmem_shared>>) dst(%dma_wait3A_18 : memref<625x64xf32, #tpu.memory_space<hbm>>)
      tpu.yield
    }) : () -> ()
    return
  }
}

module attributes {stable_mosaic.version = 14 : i64} {
  func.func @_mlp_body(%arg0: i32, %arg1: memref<2x1000x64xf32, #tpu.memory_space<vmem>>, %arg2: memref<64x128xf32, #tpu.memory_space<vmem>>, %arg3: memref<64x128xf32, #tpu.memory_space<vmem>>, %arg4: memref<1x128xf32, #tpu.memory_space<vmem>>, %arg5: memref<128x128xf32, #tpu.memory_space<vmem>>, %arg6: memref<1x128xf32, #tpu.memory_space<vmem>>, %arg7: memref<2x1000x64xf32, #tpu.memory_space<vmem>>) attributes {dimension_semantics = [#tpu.dimension_semantics<arbitrary>], iteration_bounds = array<i64: 10>, scalar_prefetch = 0 : i64, scratch_operands = 0 : i64, tpu.core_type = #tpu.core_type<tc>, window_params = [{transform_indices = @transform_0, window_bounds = array<i64: 2, 1000, 64>}, {pipeline_mode = #tpu.pipeline_mode<synchronous>, transform_indices = @transform_1, window_bounds = array<i64: 64, 128>}, {pipeline_mode = #tpu.pipeline_mode<synchronous>, transform_indices = @transform_2, window_bounds = array<i64: 64, 128>}, {pipeline_mode = #tpu.pipeline_mode<synchronous>, transform_indices = @transform_3, window_bounds = array<i64: 1, 128>}, {pipeline_mode = #tpu.pipeline_mode<synchronous>, transform_indices = @transform_4, window_bounds = array<i64: 128, 128>}, {pipeline_mode = #tpu.pipeline_mode<synchronous>, transform_indices = @transform_5, window_bounds = array<i64: 1, 128>}, {transform_indices = @transform_6, window_bounds = array<i64: 2, 1000, 64>}]} {
    %get3A = arith.constant 0 : index
    %get3A_0 = arith.constant 0 : index
    %get3A_1 = arith.constant 0 : index
    %get3A_2 = vector.load %arg1[%get3A, %get3A_0, %get3A_1] : memref<2x1000x64xf32, #tpu.memory_space<vmem>>, vector<1x1000x64xf32>
    %get3A_3 = vector.shape_cast %get3A_2 : vector<1x1000x64xf32> to vector<1000x64xf32>
    %get3A_4 = arith.constant 1 : index
    %get3A_5 = arith.constant 0 : index
    %get3A_6 = arith.constant 0 : index
    %get3A_7 = vector.load %arg1[%get3A_4, %get3A_5, %get3A_6] : memref<2x1000x64xf32, #tpu.memory_space<vmem>>, vector<1x1000x64xf32>
    %get3A_8 = vector.shape_cast %get3A_7 : vector<1x1000x64xf32> to vector<1000x64xf32>
    %get3A_9 = arith.constant 0 : index
    %get3A_10 = arith.constant 0 : index
    %get3A_11 = vector.load %arg2[%get3A_9, %get3A_10] : memref<64x128xf32, #tpu.memory_space<vmem>>, vector<64x128xf32>
    %dot_general3A = arith.constant dense<0.000000e+00> : vector<1000x128xf32>
    %dot_general3A_12 = tpu.matmul %get3A_3, %get3A_11, %dot_general3A {dimension_numbers = #tpu.dot_dimension_numbers<[1], [0], [0], [1], [0, 0, 1, 1], [], []>, transpose_lhs_hint = false} : vector<1000x64xf32>, vector<64x128xf32>, vector<1000x128xf32> -> vector<1000x128xf32>
    %get3A_13 = arith.constant 0 : index
    %get3A_14 = arith.constant 0 : index
    %get3A_15 = vector.load %arg3[%get3A_13, %get3A_14] : memref<64x128xf32, #tpu.memory_space<vmem>>, vector<64x128xf32>
    %dot_general3A_16 = arith.constant dense<0.000000e+00> : vector<1000x128xf32>
    %dot_general3A_17 = tpu.matmul %get3A_8, %get3A_15, %dot_general3A_16 {dimension_numbers = #tpu.dot_dimension_numbers<[1], [0], [0], [1], [0, 0, 1, 1], [], []>, transpose_lhs_hint = false} : vector<1000x64xf32>, vector<64x128xf32>, vector<1000x128xf32> -> vector<1000x128xf32>
    %add3A = arith.addf %dot_general3A_12, %dot_general3A_17 : vector<1000x128xf32>
    %get3A_18 = arith.constant 0 : index
    %get3A_19 = arith.constant 0 : index
    %get3A_20 = vector.load %arg4[%get3A_18, %get3A_19] : memref<1x128xf32, #tpu.memory_space<vmem>>, vector<1x128xf32>
    %add3A_21 = vector.broadcast %get3A_20 : vector<1x128xf32> to vector<1000x128xf32>
    %add3A_22 = arith.addf %add3A, %add3A_21 : vector<1000x128xf32>
    %max3A = arith.constant 0.000000e+00 : f32
    %max3A_23 = vector.broadcast %max3A : f32 to vector<1000x128xf32>
    %max3A_24 = arith.maximumf %add3A_22, %max3A_23 : vector<1000x128xf32>
    %get3A_25 = arith.constant 0 : index
    %get3A_26 = arith.constant 0 : index
    %get3A_27 = vector.load %arg5[%get3A_25, %get3A_26] : memref<128x128xf32, #tpu.memory_space<vmem>>, vector<128x128xf32>
    %dot_general3A_28 = arith.constant dense<0.000000e+00> : vector<1000x128xf32>
    %dot_general3A_29 = tpu.matmul %max3A_24, %get3A_27, %dot_general3A_28 {dimension_numbers = #tpu.dot_dimension_numbers<[1], [0], [0], [1], [0, 0, 1, 1], [], []>, transpose_lhs_hint = false} : vector<1000x128xf32>, vector<128x128xf32>, vector<1000x128xf32> -> vector<1000x128xf32>
    %get3A_30 = arith.constant 0 : index
    %get3A_31 = arith.constant 0 : index
    %get3A_32 = vector.load %arg6[%get3A_30, %get3A_31] : memref<1x128xf32, #tpu.memory_space<vmem>>, vector<1x128xf32>
    %add3A_33 = vector.broadcast %get3A_32 : vector<1x128xf32> to vector<1000x128xf32>
    %add3A_34 = arith.addf %dot_general3A_29, %add3A_33 : vector<1000x128xf32>
    %max3A_35 = arith.constant 0.000000e+00 : f32
    %max3A_36 = vector.broadcast %max3A_35 : f32 to vector<1000x128xf32>
    %max3A_37 = arith.maximumf %add3A_34, %max3A_36 : vector<1000x128xf32>
    %slice3A = vector.extract_strided_slice %max3A_37 {offsets = [0, 0], sizes = [1000, 64], strides = [1, 1]} : vector<1000x128xf32> to vector<1000x64xf32>
    %swap3A = arith.constant 0 : index
    %swap3A_38 = arith.constant 0 : index
    %swap3A_39 = arith.constant 0 : index
    %swap3A_40 = vector.load %arg7[%swap3A, %swap3A_38, %swap3A_39] : memref<2x1000x64xf32, #tpu.memory_space<vmem>>, vector<1x1000x64xf32>
    %swap3A_41 = vector.shape_cast %swap3A_40 : vector<1x1000x64xf32> to vector<1000x64xf32>
    %swap3A_42 = vector.shape_cast %slice3A : vector<1000x64xf32> to vector<1x1000x64xf32>
    tpu.vector_store %arg7[%swap3A, %swap3A_38, %swap3A_39], %swap3A_42 {strides = array<i32>} : memref<2x1000x64xf32, #tpu.memory_space<vmem>>, vector<1x1000x64xf32>,
    %slice3A_43 = vector.extract_strided_slice %max3A_37 {offsets = [0, 64], sizes = [1000, 64], strides = [1, 1]} : vector<1000x128xf32> to vector<1000x64xf32>
    %swap3A_44 = arith.constant 1 : index
    %swap3A_45 = arith.constant 0 : index
    %swap3A_46 = arith.constant 0 : index
    %swap3A_47 = vector.load %arg7[%swap3A_44, %swap3A_45, %swap3A_46] : memref<2x1000x64xf32, #tpu.memory_space<vmem>>, vector<1x1000x64xf32>
    %swap3A_48 = vector.shape_cast %swap3A_47 : vector<1x1000x64xf32> to vector<1000x64xf32>
    %swap3A_49 = vector.shape_cast %slice3A_43 : vector<1000x64xf32> to vector<1x1000x64xf32>
    tpu.vector_store %arg7[%swap3A_44, %swap3A_45, %swap3A_46], %swap3A_49 {strides = array<i32>} : memref<2x1000x64xf32, #tpu.memory_space<vmem>>, vector<1x1000x64xf32>,
    return
  }
  func.func @transform_0(%arg0: i32) -> (i32, i32, i32) {
    %c0_i32 = arith.constant 0 : i32
    %c0_i32_0 = arith.constant 0 : i32
    %c0_i32_1 = arith.constant 0 : i32
    return %c0_i32, %arg0, %c0_i32_0 : i32, i32, i32
  }
  func.func @transform_1(%arg0: i32) -> (i32, i32) {
    %c0_i32 = arith.constant 0 : i32
    %c0_i32_0 = arith.constant 0 : i32
    %c0_i32_1 = arith.constant 0 : i32
    return %c0_i32, %c0_i32_0 : i32, i32
  }
  func.func @transform_2(%arg0: i32) -> (i32, i32) {
    %c0_i32 = arith.constant 0 : i32
    %c0_i32_0 = arith.constant 0 : i32
    %c0_i32_1 = arith.constant 0 : i32
    return %c0_i32, %c0_i32_0 : i32, i32
  }
  func.func @transform_3(%arg0: i32) -> (i32, i32) {
    %c0_i32 = arith.constant 0 : i32
    %c0_i32_0 = arith.constant 0 : i32
    %c0_i32_1 = arith.constant 0 : i32
    return %c0_i32, %c0_i32_0 : i32, i32
  }
  func.func @transform_4(%arg0: i32) -> (i32, i32) {
    %c0_i32 = arith.constant 0 : i32
    %c0_i32_0 = arith.constant 0 : i32
    %c0_i32_1 = arith.constant 0 : i32
    return %c0_i32, %c0_i32_0 : i32, i32
  }
  func.func @transform_5(%arg0: i32) -> (i32, i32) {
    %c0_i32 = arith.constant 0 : i32
    %c0_i32_0 = arith.constant 0 : i32
    %c0_i32_1 = arith.constant 0 : i32
    return %c0_i32, %c0_i32_0 : i32, i32
  }
  func.func @transform_6(%arg0: i32) -> (i32, i32, i32) {
    %c0_i32 = arith.constant 0 : i32
    %c0_i32_0 = arith.constant 0 : i32
    %c0_i32_1 = arith.constant 0 : i32
    return %c0_i32, %arg0, %c0_i32_0 : i32, i32, i32
  }
}

module attributes {stable_mosaic.version = 14 : i64} {
  func.func @_mlp_pool_body(%arg0: i32, %arg1: memref<2x1000x64xf32, #tpu.memory_space<vmem>>, %arg2: memref<64x128xf32, #tpu.memory_space<vmem>>, %arg3: memref<64x128xf32, #tpu.memory_space<vmem>>, %arg4: memref<1x128xf32, #tpu.memory_space<vmem>>, %arg5: memref<128x128xf32, #tpu.memory_space<vmem>>, %arg6: memref<1x128xf32, #tpu.memory_space<vmem>>, %arg7: memref<128x128xf32, #tpu.memory_space<vmem>>, %arg8: memref<1x128xf32, #tpu.memory_space<vmem>>, %arg9: memref<1x128xf32, #tpu.memory_space<vmem>>, %arg10: memref<1x128xf32, #tpu.memory_space<vmem>>) attributes {dimension_semantics = [#tpu.dimension_semantics<arbitrary>], iteration_bounds = array<i64: 10>, scalar_prefetch = 0 : i64, scratch_operands = 1 : i64, tpu.core_type = #tpu.core_type<tc>, window_params = [{transform_indices = @transform_0, window_bounds = array<i64: 2, 1000, 64>}, {pipeline_mode = #tpu.pipeline_mode<synchronous>, transform_indices = @transform_1, window_bounds = array<i64: 64, 128>}, {pipeline_mode = #tpu.pipeline_mode<synchronous>, transform_indices = @transform_2, window_bounds = array<i64: 64, 128>}, {pipeline_mode = #tpu.pipeline_mode<synchronous>, transform_indices = @transform_3, window_bounds = array<i64: 1, 128>}, {pipeline_mode = #tpu.pipeline_mode<synchronous>, transform_indices = @transform_4, window_bounds = array<i64: 128, 128>}, {pipeline_mode = #tpu.pipeline_mode<synchronous>, transform_indices = @transform_5, window_bounds = array<i64: 1, 128>}, {pipeline_mode = #tpu.pipeline_mode<synchronous>, transform_indices = @transform_6, window_bounds = array<i64: 128, 128>}, {pipeline_mode = #tpu.pipeline_mode<synchronous>, transform_indices = @transform_7, window_bounds = array<i64: 1, 128>}, {pipeline_mode = #tpu.pipeline_mode<synchronous>, transform_indices = @transform_8, window_bounds = array<i64: 1, 128>}]} {
    %get3A = arith.constant 0 : index
    %get3A_0 = arith.constant 0 : index
    %get3A_1 = arith.constant 0 : index
    %get3A_2 = vector.load %arg1[%get3A, %get3A_0, %get3A_1] : memref<2x1000x64xf32, #tpu.memory_space<vmem>>, vector<1x1000x64xf32>
    %get3A_3 = vector.shape_cast %get3A_2 : vector<1x1000x64xf32> to vector<1000x64xf32>
    %get3A_4 = arith.constant 1 : index
    %get3A_5 = arith.constant 0 : index
    %get3A_6 = arith.constant 0 : index
    %get3A_7 = vector.load %arg1[%get3A_4, %get3A_5, %get3A_6] : memref<2x1000x64xf32, #tpu.memory_space<vmem>>, vector<1x1000x64xf32>
    %get3A_8 = vector.shape_cast %get3A_7 : vector<1x1000x64xf32> to vector<1000x64xf32>
    %get3A_9 = arith.constant 0 : index
    %get3A_10 = arith.constant 0 : index
    %get3A_11 = vector.load %arg2[%get3A_9, %get3A_10] : memref<64x128xf32, #tpu.memory_space<vmem>>, vector<64x128xf32>
    %dot_general3A = arith.constant dense<0.000000e+00> : vector<1000x128xf32>
    %dot_general3A_12 = tpu.matmul %get3A_3, %get3A_11, %dot_general3A {dimension_numbers = #tpu.dot_dimension_numbers<[1], [0], [0], [1], [0, 0, 1, 1], [], []>, transpose_lhs_hint = false} : vector<1000x64xf32>, vector<64x128xf32>, vector<1000x128xf32> -> vector<1000x128xf32>
    %get3A_13 = arith.constant 0 : index
    %get3A_14 = arith.constant 0 : index
    %get3A_15 = vector.load %arg3[%get3A_13, %get3A_14] : memref<64x128xf32, #tpu.memory_space<vmem>>, vector<64x128xf32>
    %dot_general3A_16 = arith.constant dense<0.000000e+00> : vector<1000x128xf32>
    %dot_general3A_17 = tpu.matmul %get3A_8, %get3A_15, %dot_general3A_16 {dimension_numbers = #tpu.dot_dimension_numbers<[1], [0], [0], [1], [0, 0, 1, 1], [], []>, transpose_lhs_hint = false} : vector<1000x64xf32>, vector<64x128xf32>, vector<1000x128xf32> -> vector<1000x128xf32>
    %add3A = arith.addf %dot_general3A_12, %dot_general3A_17 : vector<1000x128xf32>
    %get3A_18 = arith.constant 0 : index
    %get3A_19 = arith.constant 0 : index
    %get3A_20 = vector.load %arg4[%get3A_18, %get3A_19] : memref<1x128xf32, #tpu.memory_space<vmem>>, vector<1x128xf32>
    %add3A_21 = vector.broadcast %get3A_20 : vector<1x128xf32> to vector<1000x128xf32>
    %add3A_22 = arith.addf %add3A, %add3A_21 : vector<1000x128xf32>
    %max3A = arith.constant 0.000000e+00 : f32
    %max3A_23 = vector.broadcast %max3A : f32 to vector<1000x128xf32>
    %max3A_24 = arith.maximumf %add3A_22, %max3A_23 : vector<1000x128xf32>
    %get3A_25 = arith.constant 0 : index
    %get3A_26 = arith.constant 0 : index
    %get3A_27 = vector.load %arg5[%get3A_25, %get3A_26] : memref<128x128xf32, #tpu.memory_space<vmem>>, vector<128x128xf32>
    %dot_general3A_28 = arith.constant dense<0.000000e+00> : vector<1000x128xf32>
    %dot_general3A_29 = tpu.matmul %max3A_24, %get3A_27, %dot_general3A_28 {dimension_numbers = #tpu.dot_dimension_numbers<[1], [0], [0], [1], [0, 0, 1, 1], [], []>, transpose_lhs_hint = false} : vector<1000x128xf32>, vector<128x128xf32>, vector<1000x128xf32> -> vector<1000x128xf32>
    %get3A_30 = arith.constant 0 : index
    %get3A_31 = arith.constant 0 : index
    %get3A_32 = vector.load %arg6[%get3A_30, %get3A_31] : memref<1x128xf32, #tpu.memory_space<vmem>>, vector<1x128xf32>
    %add3A_33 = vector.broadcast %get3A_32 : vector<1x128xf32> to vector<1000x128xf32>
    %add3A_34 = arith.addf %dot_general3A_29, %add3A_33 : vector<1000x128xf32>
    %max3A_35 = arith.constant 0.000000e+00 : f32
    %max3A_36 = vector.broadcast %max3A_35 : f32 to vector<1000x128xf32>
    %max3A_37 = arith.maximumf %add3A_34, %max3A_36 : vector<1000x128xf32>
    %reduce_sum3A = arith.constant dense<0.000000e+00> : vector<128xf32>
    %reduce_sum3A_38 = vector.multi_reduction <add>, %max3A_37, %reduce_sum3A [0] : vector<1000x128xf32> to vector<128xf32>
    %broadcast_in_dim3A = vector.shape_cast %reduce_sum3A_38 : vector<128xf32> to vector<1x128xf32>
    %eq3A = arith.constant 0 : i32
    %eq3A_39 = arith.cmpi eq, %arg0, %eq3A : i32
    %convert_element_type3A = arith.extui %eq3A_39 : i1 to i32
    %cond3A = arith.constant 0 : i32
    %cond3A_40 = arith.cmpi ne, %convert_element_type3A, %cond3A : i32
    scf.if %cond3A_40 {
      %swap3A = arith.constant 0 : index
      %swap3A_50 = arith.constant 0 : index
      %swap3A_51 = vector.load %arg10[%swap3A, %swap3A_50] : memref<1x128xf32, #tpu.memory_space<vmem>>, vector<1x128xf32>
      tpu.vector_store %arg10[%swap3A, %swap3A_50], %broadcast_in_dim3A {strides = array<i32>} : memref<1x128xf32, #tpu.memory_space<vmem>>, vector<1x128xf32>,
    } else {
    }
    %gt3A = arith.constant 0 : i32
    %gt3A_41 = arith.cmpi sgt, %arg0, %gt3A : i32
    %convert_element_type3A_42 = arith.extui %gt3A_41 : i1 to i32
    %cond3A_43 = arith.constant 0 : i32
    %cond3A_44 = arith.cmpi ne, %convert_element_type3A_42, %cond3A_43 : i32
    scf.if %cond3A_44 {
      %get3A_50 = arith.constant 0 : index
      %get3A_51 = arith.constant 0 : index
      %get3A_52 = vector.load %arg10[%get3A_50, %get3A_51] : memref<1x128xf32, #tpu.memory_space<vmem>>, vector<1x128xf32>
      %add3A_53 = arith.addf %get3A_52, %broadcast_in_dim3A : vector<1x128xf32>
      %swap3A = arith.constant 0 : index
      %swap3A_54 = arith.constant 0 : index
      %swap3A_55 = vector.load %arg10[%swap3A, %swap3A_54] : memref<1x128xf32, #tpu.memory_space<vmem>>, vector<1x128xf32>
      tpu.vector_store %arg10[%swap3A, %swap3A_54], %add3A_53 {strides = array<i32>} : memref<1x128xf32, #tpu.memory_space<vmem>>, vector<1x128xf32>,
    } else {
    }
    %eq3A_45 = arith.constant 9 : i32
    %eq3A_46 = arith.cmpi eq, %arg0, %eq3A_45 : i32
    %convert_element_type3A_47 = arith.extui %eq3A_46 : i1 to i32
    %cond3A_48 = arith.constant 0 : i32
    %cond3A_49 = arith.cmpi ne, %convert_element_type3A_47, %cond3A_48 : i32
    scf.if %cond3A_49 {
      %get3A_50 = arith.constant 0 : index
      %get3A_51 = arith.constant 0 : index
      %get3A_52 = vector.load %arg10[%get3A_50, %get3A_51] : memref<1x128xf32, #tpu.memory_space<vmem>>, vector<1x128xf32>
      %get3A_53 = arith.constant 0 : index
      %get3A_54 = arith.constant 0 : index
      %get3A_55 = vector.load %arg7[%get3A_53, %get3A_54] : memref<128x128xf32, #tpu.memory_space<vmem>>, vector<128x128xf32>
      %dot_general3A_56 = arith.constant dense<0.000000e+00> : vector<1x128xf32>
      %dot_general3A_57 = tpu.matmul %get3A_52, %get3A_55, %dot_general3A_56 {dimension_numbers = #tpu.dot_dimension_numbers<[1], [0], [0], [1], [0, 0, 1, 1], [], []>, transpose_lhs_hint = false} : vector<1x128xf32>, vector<128x128xf32>, vector<1x128xf32> -> vector<1x128xf32>
      %get3A_58 = arith.constant 0 : index
      %get3A_59 = arith.constant 0 : index
      %get3A_60 = vector.load %arg8[%get3A_58, %get3A_59] : memref<1x128xf32, #tpu.memory_space<vmem>>, vector<1x128xf32>
      %add3A_61 = arith.addf %dot_general3A_57, %get3A_60 : vector<1x128xf32>
      %swap3A = arith.constant 0 : index
      %swap3A_62 = arith.constant 0 : index
      %swap3A_63 = vector.load %arg9[%swap3A, %swap3A_62] : memref<1x128xf32, #tpu.memory_space<vmem>>, vector<1x128xf32>
      tpu.vector_store %arg9[%swap3A, %swap3A_62], %add3A_61 {strides = array<i32>} : memref<1x128xf32, #tpu.memory_space<vmem>>, vector<1x128xf32>,
    } else {
    }
    return
  }
  func.func @transform_0(%arg0: i32) -> (i32, i32, i32) {
    %c0_i32 = arith.constant 0 : i32
    %c0_i32_0 = arith.constant 0 : i32
    %c0_i32_1 = arith.constant 0 : i32
    return %c0_i32, %arg0, %c0_i32_0 : i32, i32, i32
  }
  func.func @transform_1(%arg0: i32) -> (i32, i32) {
    %c0_i32 = arith.constant 0 : i32
    %c0_i32_0 = arith.constant 0 : i32
    %c0_i32_1 = arith.constant 0 : i32
    return %c0_i32, %c0_i32_0 : i32, i32
  }
  func.func @transform_2(%arg0: i32) -> (i32, i32) {
    %c0_i32 = arith.constant 0 : i32
    %c0_i32_0 = arith.constant 0 : i32
    %c0_i32_1 = arith.constant 0 : i32
    return %c0_i32, %c0_i32_0 : i32, i32
  }
  func.func @transform_3(%arg0: i32) -> (i32, i32) {
    %c0_i32 = arith.constant 0 : i32
    %c0_i32_0 = arith.constant 0 : i32
    %c0_i32_1 = arith.constant 0 : i32
    return %c0_i32, %c0_i32_0 : i32, i32
  }
  func.func @transform_4(%arg0: i32) -> (i32, i32) {
    %c0_i32 = arith.constant 0 : i32
    %c0_i32_0 = arith.constant 0 : i32
    %c0_i32_1 = arith.constant 0 : i32
    return %c0_i32, %c0_i32_0 : i32, i32
  }
  func.func @transform_5(%arg0: i32) -> (i32, i32) {
    %c0_i32 = arith.constant 0 : i32
    %c0_i32_0 = arith.constant 0 : i32
    %c0_i32_1 = arith.constant 0 : i32
    return %c0_i32, %c0_i32_0 : i32, i32
  }
  func.func @transform_6(%arg0: i32) -> (i32, i32) {
    %c0_i32 = arith.constant 0 : i32
    %c0_i32_0 = arith.constant 0 : i32
    %c0_i32_1 = arith.constant 0 : i32
    return %c0_i32, %c0_i32_0 : i32, i32
  }
  func.func @transform_7(%arg0: i32) -> (i32, i32) {
    %c0_i32 = arith.constant 0 : i32
    %c0_i32_0 = arith.constant 0 : i32
    %c0_i32_1 = arith.constant 0 : i32
    return %c0_i32, %c0_i32_0 : i32, i32
  }
  func.func @transform_8(%arg0: i32) -> (i32, i32) {
    %c0_i32 = arith.constant 0 : i32
    %c0_i32_0 = arith.constant 0 : i32
    %c0_i32_1 = arith.constant 0 : i32
    return %c0_i32, %c0_i32_0 : i32, i32
  }
}

</mosaic_0001>

<sc_bundles>
// kernel: gather_offload_async_start
scs
__scs_entry_jumppad:
0x0: {  	(pc) =	sbr.rel $0x88, $3  }
0x1: {  	(tag) =	ssettag $0x0;
	lr =	simm.s32 $0x1  }
0x2: {  	[smem:$0x3F88] =	sst lr;
	_ =	strace $0xD0000000  }
0x3: {  	_ = 	snop  }
0x4: {  	_ = 	snop  }
0x5: {  	_ = 	snop  }
0x6: {  	_ = 	snop  }
0x7: {  	_ = 	snop  }
__scs_overlays_trampoline_lowered:
0x8: {  	[smem:$0x3F97] =	sst s0  }
0x9: {  	[smem:$0x3F98] =	sst s1  }
0xa: {  	[smem:$0x3F99] =	sst s2  }
0xb: {  	[smem:$0x3F9A] =	sst s3  }
0xc: {  	[smem:$0x3F9B] =	sst s4  }
0xd: {  	[smem:$0x3F9C] =	sst s5  }
0xe: {  	[smem:$0x3F9D] =	sst s6  }
0xf: {  	[smem:$0x3F9E] =	sst s7  }
0x10: {  	[smem:$0x3F9F] =	sst s8  }
0x11: {  	[smem:$0x3FA0] =	sst s9;
	s0 =	simm.s32 @!p0 $0x0  }
0x12: {  	s1 =	sld [smem:$0x3F86];
	s0 =	simm.s32 @p0 $0x1  }
0x13: {  	[smem:$0x3FA1] =	sst s0;
	s0 =	simm.s32 @!p1 $0x0  }
0x14: {  	s2 =	sld [smem:$0x3F85];
	s0 =	simm.s32 @p1 $0x1  }
0x15: {  	[smem:$0x3FA2] =	sst s0;
	s0 =	simm.s32 @!p2 $0x0  }
0x16: {  	s3 =	sld [smem:$0x3FDB];
	s0 =	simm.s32 @p2 $0x1  }
0x17: {  	s4 =	simm.s32 $0x1BF5;
	[smem:$0x3FA4] =	sst s0  }
0x18: {  	s0 =	sld [smem:$0x3F87];
	_ =	swait.ge [sflag:s4], $0x0  }
0x19: {  	s7 =	sld [smem:$0x3F88]  }
0x1a: {  	s8 =	sadd.s32 $0xFFFFE003, lr  }
0x1b: {  	s9 =	sadd.s32 $0xFFFFFEF7, lr;
	s5 =	simm.s32 $0xFFFFFFFF;
	p2 =	slt.u32 s8, $0xFFFFF086  }
0x1c: {  	p1 =	slt.u32 s9, $0xF7A;
	s5 =	simm.s32 @!p2 $0x0  }
0x1d: {  	s5 =	simm.s32 @p1 $0x1;
	p0 =	seq.s32 s7, s2  }
0x1e: {  	s7 =	smul.u32 @!p0 $0xF7A, s2;
	p2 =	seq.s32 @!p0 s5, $0x0  }
0x1f: {  	s9 =	smul.u32 $0xF7A, s1;
	s8 =	simm.s32 @!p0 $0x1BF5;
	p2 =	por !p2, p0  }
0x20: {  	[sflag:s8] =	ssyncset.s32 @!p0 $0xFFFFF086;
	s6 =	sadd.s32 @!p0 s3, s7;
	s7 =	simm.s32 @!p0 $0x108  }
0x21: {  	s3 =	sadd.s32 s3, s9;
	s6 =	sadd.s32 @!p0 $0x88, s6;
	s7 =	simm.s32 @p2 $0x1082  }
0x22: {  	[simem:s7], [sflag:s8] =	dma.local @!p0 [hbm:s6], $0xF7A  }
0x23: {  	s9 =	sor.u32 $0xD0000000, s2;
	s6 =	simm.s32 $0x108;
	_ =	swait.ge @!p0 [sflag:s8], $0x0  }
0x24: {  	s3 =	sadd.s32 $0x88, s3;
	s6 =	simm.s32 @!p1 $0x1082;
	[sflag:s4] =	ssyncset.s32 $0xFFFFF086  }
0x25: {  	[simem:s6], [sflag:s4] =	dma.local [hbm:s3], $0xF7A  }
0x26: {  	[smem:$0x3F88] =	sst s1;
	(tag) =	ssettag s2;
	_ =	strace s9  }
0x27: {  	s1 =	sld [smem:$0x3F98]  }
0x28: {  	s2 =	sld [smem:$0x3F99]  }
0x29: {  	s4 =	sld [smem:$0x3F9B]  }
0x2a: {  	p0 =	seq.s32 s5, $0x0;
	s5 =	sld [smem:$0x3F9C]  }
0x2b: {  	s6 =	sld [smem:$0x3F9D]  }
0x2c: {  	s7 =	sld [smem:$0x3F9E]  }
0x2d: {  	s3 =	simm.s32 $0x108;
	s8 =	sld [smem:$0x3F9F]  }
0x2e: {  	s3 =	simm.s32 @!p0 $0x1082;
	s9 =	sld [smem:$0x3FA0]  }
0x2f: {  	lr =	sadd.s32 s0, s3;
	s0 =	sld [smem:$0x3F97]  }
0x30: {  	s3 =	sld [smem:$0x3F9A]  }
0x31: {  	[smem:$0x3FA3] =	sst s10  }
0x32: {  	s10 =	sld [smem:$0x3FA1];
	_ =	sdelay $0x3  }
0x33: {  	p0 =	seq.s32 s10, $0x1;
	s10 =	sld [smem:$0x3FA3];
	_ =	sdelay $0x3  }
0x34: {  	[smem:$0x3FA3] =	sst s10  }
0x35: {  	s10 =	sld [smem:$0x3FA2];
	_ =	sdelay $0x3  }
0x36: {  	p1 =	seq.s32 s10, $0x1;
	s10 =	sld [smem:$0x3FA3];
	_ =	sdelay $0x3  }
0x37: {  	[smem:$0x3FA3] =	sst s10  }
0x38: {  	s10 =	sld [smem:$0x3FA4]  }
0x39: {  	_ = 	snop;
	(pc) =	sbr.ind lr, $3  }
0x3a: {  	_ = 	snop  }
0x3b: {  	_ = 	snop  }
0x3c: {  	p2 =	seq.s32 s10, $0x1;
	s10 =	sld [smem:$0x3FA3]  }
0x3d: {  	_ =	shalt  }
0x3e: {  	_ =	shalt  }
0x3f: {  	_ =	shalt  }
0x40: {  	_ =	shalt  }
0x41: {  	_ =	shalt  }
0x42: {  	_ =	shalt  }
0x43: {  	_ =	shalt  }
0x44: {  	_ =	shalt  }
0x45: {  	_ =	shalt  }
0x46: {  	_ =	shalt  }
0x47: {  	_ =	shalt  }
0x48: {  	_ =	shalt  }
0x49: {  	_ =	shalt  }
0x4a: {  	_ =	shalt  }
0x4b: {  	_ =	shalt  }
0x4c: {  	_ =	shalt  }
0x4d: {  	_ =	shalt  }
0x4e: {  	_ =	shalt  }
0x4f: {  	_ =	shalt  }
0x50: {  	_ =	shalt  }
0x51: {  	_ =	shalt  }
0x52: {  	_ =	shalt  }
0x53: {  	_ =	shalt  }
0x54: {  	_ =	shalt  }
0x55: {  	_ =	shalt  }
0x56: {  	_ =	shalt  }
0x57: {  	_ =	shalt  }
0x58: {  	_ =	shalt  }
0x59: {  	_ =	shalt  }
0x5a: {  	_ =	shalt  }
0x5b: {  	_ =	shalt  }
0x5c: {  	_ =	shalt  }
0x5d: {  	_ =	shalt  }
0x5e: {  	_ =	shalt  }
0x5f: {  	_ =	shalt  }
0x60: {  	_ =	shalt  }
0x61: {  	_ =	shalt  }
0x62: {  	_ =	shalt  }
0x63: {  	_ =	shalt  }
0x64: {  	_ =	shalt  }
0x65: {  	_ =	shalt  }
0x66: {  	_ =	shalt  }
0x67: {  	_ =	shalt  }
0x68: {  	_ =	shalt  }
0x69: {  	_ =	shalt  }
0x6a: {  	_ =	shalt  }
0x6b: {  	_ =	shalt  }
0x6c: {  	_ =	shalt  }
0x6d: {  	_ =	shalt  }
0x6e: {  	_ =	shalt  }
0x6f: {  	_ =	shalt  }
0x70: {  	_ =	shalt  }
0x71: {  	_ =	shalt  }
0x72: {  	_ =	shalt  }
0x73: {  	_ =	shalt  }
0x74: {  	_ =	shalt  }
0x75: {  	_ =	shalt  }
0x76: {  	_ =	shalt  }
0x77: {  	_ =	shalt  }
0x78: {  	_ =	shalt  }
0x79: {  	_ =	shalt  }
0x7a: {  	_ =	shalt  }
0x7b: {  	_ =	shalt  }
0x7c: {  	_ =	shalt  }
0x7d: {  	_ =	shalt  }
0x7e: {  	_ =	shalt  }
0x7f: {  	_ =	shalt  }
0x80: {  	_ =	shalt  }
0x81: {  	_ =	shalt  }
0x82: {  	_ =	shalt  }
0x83: {  	_ =	shalt  }
0x84: {  	_ =	shalt  }
0x85: {  	_ =	shalt  }
0x86: {  	_ =	shalt  }
0x87: {  	_ =	shalt  }
.Lfunc_end0:
.L_simem_size_0:
called_computation_lowered:
.L_overlay_start_0:
0x88: {  	s2 =	sld [smem:$0x3FD9]  }
0x89: {  	s3 =	sld [smem:$0x3FFE];
	_ =	sdelay $0x1  }
0x8a: {  	s1 =	srdreg.scid  }
0x8b: {  	s0 =	sand.u32 $0x1, s1  }
0x8c: {  	s17 =	sshll.u32 s0, $0xA;
	s2 =	sadd.s32 s3, s2  }
0x8d: {  	s2 =	sadd.s32 s2, s17  }
0x8e: {  	[smem:$0x3FAF] =	sst s2  }
0x8f: {  	_ = 	snop  }
0x90: {  	s2 =	sld [smem:$0x3FC9];
	(tm) =	ssettm $0x1  }
0x91: {  	s18 =	sld [smem:$0x3FFB];
	_ =	sdelay $0x3  }
0x92: {  	_ =	strace s18  }
0x93: {  	s3 =	sld [smem:$0x3FFC];
	_ =	sdelay $0x3  }
0x94: {  	_ =	strace s3  }
0x95: {  	s3 =	sld [smem:$0x3FFD];
	_ =	sdelay $0x3  }
0x96: {  	_ =	strace s3  }
0x97: {  	_ =	strace $0x8FFFFFFF  }
0x98: {  	s19 =	sld [smem:$0x3FDB];
	_ =	sdelay $0x1  }
0x99: {  	s4 =	simm.s32 $_scs_section_size  }
0x9a: {  	s5 =	simm.s32 $_size__tile_overlayer_lowered;
	s6 =	simm.s32 $_tile_overlayer_lowered  }
0x9b: {  	s22 =	simm.s32 $0x1BFF;
	s21 =	sshll.u32 s6, $0x1;
	s3 =	sadd.s32 s4, s19  }
0x9c: {  	s7 =	simm.s32 $0x0;
	s20 =	sshll.u32 s5, $0x1;
	s5 =	sadd.s32 s21, s3  }
0x9d: {  	[timem:s7], [sflag:s22] =	dma.local [hbm:s5], s20  }
0x9e: {  	_ =	swait.ge [sflag:s22], s20  }
0x9f: {  	s4 =	ssub.s32 $0x0, s20;
	[sflag:s22] =	ssyncset.done $0x0  }
0xa0: {  	[sflag:s22] =	ssyncadd.s32 s4;
	_ =	sdelay $0x1  }
0xa1: {  	s23 =	simm.s32 $0x1B8B  }
0xa2: {  	_ =	swait.ge [sflag:s23], $0x1  }
0xa3: {  	[sflag:s23] =	ssyncset.done $0x0  }
0xa4: {  	s25 =	simm.s32 $0x1B8E;
	s24 =	sld [smem:$0x3FFE];
	[sflag:s23] =	ssyncadd.s32 $0xFFFFFFFF  }
0xa5: {  	s26 =	simm.s32 $execute0_lowered;
	[smem:$0x3FD2] =	sst s25  }
0xa6: {  	s5 =	sshll.u32 s26, $0x1;
	_ =	strace $0x80000046;
	[dreg:$0x1] =	wrdreg $0xFFFFFFFF  }
0xa7: {  	s28 =	simm.s32 $_size_execute0_lowered;
	s3 =	sadd.s32 s3, s5;
	[dreg:$0x0] =	wrdreg $0x0  }
0xa8: {  	s5 =	sshll.u32 s28, $0x1;
	[dreg:$0x2] =	wrdreg s3  }
0xa9: {  	[dreg:$0x3] =	wrdreg s5  }
0xaa: {  	[dreg:$0x4] =	wrdreg $0xC0  }
0xab: {  	_ =	task [dreg:s7], $0x5FFFF  }
0xac: {  	[dreg:$0x1] =	wrdreg $0xFFFFFFFF  }
0xad: {  	[dreg:$0x0] =	wrdreg $0x60  }
0xae: {  	[dreg:$0x2] =	wrdreg s2  }
0xaf: {  	[dreg:$0x3] =	wrdreg s24  }
0xb0: {  	[dreg:$0x4] =	wrdreg $0x9  }
0xb1: {  	_ =	task.clear_ibuf [dreg:s7], $0x5FFFF;
	_ =	strace $0x90000046  }
0xb2: {  	s29 =	simm.s32 $0x9;
	_ =	strace $0x80000048  }
0xb3: {  	_ =	swait.ge [sflag:s29], $0x1  }
0xb4: {  	[sflag:s29] =	ssyncadd.s32 $0xFFFFFFFF  }
0xb5: {  	_ =	strace $0x90000048  }
0xb6: {  	_ =	sfence  }
0xb7: {  	s30 =	sld [smem:$0x0];
	_ =	sdelay $0x2  }
0xb8: {  	s31 =	sshll.u32 s1, $0xD;
	s1 =	sshrl.u32 s1, $0x2  }
0xb9: {  	s3 =	sand.u32 $0x4000, s31;
	s1 =	sadd.s32 s1, s30  }
0xba: {  	s0 =	sor.u32 s3, s0;
	s1 =	sshll.u32 s1, $0x11  }
0xbb: {  	s0 =	sor.u32 s1, s0  }
0xbc: {  	s0 =	sadd.s32 $0x8F2B, s0  }
0xbd: {  	[sflag:s0] =	ssyncadd.remote.s32 $0x1  }
0xbe: {  	_ =	sfence.sel $0xFFFF  }
0xbf: {  	[dreg:$0x0] =	wrdreg $0xFFFFFFFF;
	(pc) =	sbr.abs _section_cstart, $3  }
0xc0: {  	[dreg:$0x1] =	wrdreg $0xFFFFFFFF  }
0xc1: {  	_ =	task.clear_ibuf [dreg:s7], $0x2FFFF;
	_ =	strace $0x9FFFFFFF  }
0xc2: {  	(tm) =	ssettm $0x7FFFFFFF  }
0xc3: {  	_ =	shalt  }
tec
execute0_lowered:
.L_overlay_start_1:
0x0: {  	(tag) =	ssettag $0x1  }
0x1: {  	s1 =	srdreg.scid;
	s2 =	rddreg [dreg:$0x0]  }
0x2: {  	s0 =	stileid.u32;
	s5 =	rddreg [dreg:$0x1];
	s6 =	simm.s32 $0x1  }
0x3: {  	s9 =	simm.s32 $0x1;
	s10 =	simm.s32 $0x3;
	s1 =	sshll.u32 s1, $0x8  }
0x4: {  	s13 =	simm.s32 $0x0;
	s3 =	sshll.u32 s0, $0x9;
	s4 =	sand.u32 $0x100, s1  }
0x5: {  	s12 =	simm.s32 $0x0;
	s1 =	rddreg [dreg:$0x2];
	s3 =	sor.u32 s3, s4  }
0x6: {  	_ =	strace $0x80000047;
	s4 =	sadd.s32 $0xE600, s5;
	s8 =	ssub.s32 $0x2800, s3  }
.Ltmp0:
0x7: {  	s5 =	sadd.s32 $0xEC00, s5;
	s7 =	sand.u32 $0x1F00, s8;
	(pc) =	sbr.rel .LBB2_1-.Ltmp0, $4  }
0x8: {  	[sflag:s6] =	ssyncpa.u1 $0x0;
	s11 =	smov.u32 s3;
	p0 =	sne.s32 s7, $0x0  }
0x9: {  	s8 =	sshrl.u32 s8, $0xD;
	s7 =	simm.s32 $0x2;
	s9 =	simm.s32 @!p0 $0x0  }
0xa: {  	[sflag:s7] =	ssyncpa.u1 $0x0;
	p0 =	por $0x0, $0x0;
	s8 =	sadd.s32 s9, s8  }
0xb: {  	vm0 =	vmmov $0xffff;
	[sflag:s10] =	ssyncpa.u1 $0x0;
	s10 =	simm.s32 $0x0;
	s9 =	sadd.s32 $0x1, s8  }
.LBB2_4:
0xc: {  	v2 =	vnsel vm1, $0x0, v2  }
0xd: {  	vm1 =	vgt.s32 v0, $0x0;
	v2 =	vmin.u32 v2, $0x270F  }
0xe: {  	v0 =	vnsel vm1, $0x0, v0  }
0xf: {  	v0 =	vmin.u32 v0, $0x270F  }
0x10: {  	[tilespmem:s15], [sflag:$0x1] =	stream.indirect_vreg.gather [hbm4b:s2+s10], $0x1, v1, vm0, $0x4038;
	[tilespmem:$0x400] =	vst v63  }
0x11: {  	(ifvalue) =	ssetifvalue $0x7FFFFFFF  }
0x12: {  	[tilespmem:s16], [sflag:$0x1] =	stream.indirect_vreg.gather [hbm4b:s2+s10], $0x1, v2, vm0, $0x4038;
	[tilespmem:$0x400] =	vst v63  }
0x13: {  	s29 =	sadd.s32 $0x10, s16;
	(ifvalue) =	ssetifvalue $0x7FFFFFFF  }
0x14: {  	[tilespmem:s29], [sflag:$0x1] =	stream.indirect_vreg.gather [hbm4b:s2+s10], $0x1, v0, vm0, $0x4038;
	[tilespmem:$0x400] =	vst v63  }
0x15: {  	_ =	swait.ge [sflag:s6], $0x100  }
0x16: {  	s30 =	sshrl.u32 s13, $0x3;
	[sflag:s6] =	ssyncset.done $0x0  }
0x17: {  	s31 =	sand.u32 $0x7, s13;
	s15 =	sadd.s32 s5, s30;
	[sflag:s6] =	ssyncadd.s32 $0xFFFFFF00  }
0x18: {  	[hbm4b:s15+s31] =	stream.linear.scatter [tilespmem:s14], [sflag:$0x3], $0x100, $0x38;
	[tilespmem:$0x400] =	vst v63  }
.LBB2_5:
0x19: {  	s15 =	sadd.s32 $0x2000, s11  }
0x1a: {  	p2 =	sgt.s32 s15, $0x27FF  }
0x1b: {  	s15 =	smov.u32 @p2 s3;
	p2 =	sne.s32 s12, s9  }
.Ltmp1:
0x1c: {  	p1 =	slt.u32 s12, $0x2;
	(pc) =	sbr.rel @!p2 .LBB2_6-.Ltmp1, $4  }
0x1d: {  	s14 =	simm.s32 @!p1 $0x3  }
0x1e: {  	s16 =	sadd.s32 $0x1, s12;
	_ =	swait.ge @!p1 [sflag:s14], $0x100  }
0x1f: {  	s13 =	smov.u32 s11;
	p0 =	por !p0, !p0;
	[sflag:s14] =	ssyncset.done @!p1 $0x0  }
0x20: {  	s12 =	smov.u32 s16;
	s11 =	smov.u32 s15;
	[sflag:s14] =	ssyncadd.s32 @!p1 $0xFFFFFF00  }
.LBB2_1:
0x21: {  	p1 =	sge.u32 s12, s8  }
0x22: {  	s14 =	sxor.u32 @!p1 $0xFFFFFFFF, s12  }
0x23: {  	s31 =	sadd.s32 $0xFFFFFFFF, s12;
	s15 =	sshrl.u32 @!p1 s11, $0x3;
	s14 =	sshll.u32 @!p1 s14, $0x8  }
0x24: {  	s16 =	sand.u32 @!p1 $0x7, s11;
	s15 =	sadd.s32 @!p1 s4, s15;
	s14 =	sand.u32 @!p1 $0x100, s14  }
0x25: {  	[tilespmem:s14], [sflag:$0x2] =	stream.linear.gather @!p1 [hbm4b:s15+s16], $0x100, $0x38;
	[tilespmem:$0x400] =	vst v63  }
0x26: {  	p1 =	sge.u32 s31, s8  }
.Ltmp2:
0x27: {  	_ = 	snop;
	(pc) =	sbr.rel @p1 .LBB2_5-.Ltmp2, $1  }
0x28: {  	_ =	sdelay $0x3  }
0x29: {  	s14 =	simm.s32 $0x1  }
0x2a: {  	_ =	swait.ge [sflag:s7], $0x100;
	s14 =	simm.s32 @!p0 $0x0  }
0x2b: {  	[sflag:s7] =	ssyncset.done $0x0;
	s14 =	sshll.u32 s14, $0x8  }
0x2c: {  	[sflag:s7] =	ssyncadd.s32 $0xFFFFFF00;
	(ifvalue) =	ssetifvalue $0x7FFFFFFF;
	v0 =	vld.msk [tilespmem:s14+$0x0 ss:$0x1], $0xffff;
	_ =	sdelay $0x4  }
0x2d: {  	s15 =	sadd.s32 $0x10, s14;
	vm1 =	vgt.s32 v0, $0x0  }
0x2e: {  	v2 =	vld.msk [tilespmem:s15+$0x0 ss:$0x1], $0xffff;
	v1 =	vnsel vm1, $0x0, v0  }
0x2f: {  	v1 =	vmin.u32 v1, $0x270F;
	_ =	sdelay $0x1  }
0x30: {  	s16 =	sshll.u32 s12, $0x8;
	s18 =	simm.s32 $0x20  }
0x31: {  	s16 =	sand.u32 $0x100, s16;
	s17 =	sadd.s32 $0x10, s15;
	s15 =	sor.u32 $0x200, s14  }
0x32: {  	s14 =	sor.u32 $0x200, s16;
	s16 =	sadd.s32 $0x10, s15;
	v0 =	vld.msk [tilespmem:s17+$0x0 ss:$0x1], $0xffff;
	vm1 =	vgt.s32 v2, $0x0;
	(ifvalue) =	ssetifvalue $0x7FFFFFFF  }
.LBB2_3:
0x33: {  	[tilespmem:s15], [sflag:$0x1] =	stream.indirect_vreg.gather [hbm4b:s2+s10], $0x1, v1, vm0, $0x4038;
	[tilespmem:$0x400] =	vst v63  }
0x34: {  	s18 =	sadd.s32 $0x10, s18  }
0x35: {  	v2 =	vnsel vm1, $0x0, v2;
	p1 =	slt.u32 s18, $0xF0  }
.Ltmp3:
0x36: {  	s15 =	smov.u32 s16;
	v1 =	vmin.u32 v2, $0x270F;
	(pc) =	sbr.rel @p1 .LBB2_3-.Ltmp3, $3  }
0x37: {  	_ =	sdelay $0x1  }
0x38: {  	s17 =	sadd.s32 $0x10, s17  }
0x39: {  	vm1 =	vgt.s32 v0, $0x0;
	s16 =	sadd.s32 $0x10, s16;
	v2 =	vmov v0;
	(ifvalue) =	ssetifvalue $0x7FFFFFFF;
	v0 =	vld.msk [tilespmem:s17+$0x0 ss:$0x1], $0xffff  }
.Ltmp4:
0x3a: {  	_ = 	snop;
	(pc) =	sbr.rel .LBB2_4-.Ltmp4, $1  }
0x3b: {  	_ =	sdelay $0x3  }
.LBB2_6:
0x3c: {  	_ =	sfence.sel $0x180000  }
0x3d: {  	s2 =	simm.s32 $0x2;
	[bflag:$0x0] =	sbarrier.arrive $0xFFFF  }
0x3e: {  	s30 =	simm.s32 $0x3;
	[sflag:s2] =	ssyncpa.u1 $0x1  }
0x3f: {  	s31 =	simm.s32 $0x1;
	[sflag:s30] =	ssyncpa.u1 $0x1  }
0x40: {  	[sflag:s31] =	ssyncpa.u1 $0x1  }
0x41: {  	p0 =	sne.s32 s0, $0x0;
	_ =	strace $0x90000047  }
0x42: {  	s0 =	sadd.s32 @!p0 $0x100000, s1;
	[bflag:$0x2] =	sbarrier.arrive $0xFFFF  }
0x43: {  	[sflag:s0] =	ssyncadd.tile.s32 @!p0 $0x1;
	_ =	shalt  }
.Lfunc_end2:
_tile_overlayer_lowered:
.L_overlay_start_2:
0x44: {  	(tag) =	ssettag $0x2  }
0x45: {  	s0 =	rddreg [dreg:$0x0];
	s2 =	stileid.u32  }
0x46: {  	s1 =	rddreg [dreg:$0x1];
	p0 =	sne.s32 s2, $0x0  }
0x47: {  	s3 =	rddreg [dreg:$0x2];
	[bflag:$0x3] =	sbarrier.arrive $0xFFFF;
	s2 =	simm.s32 @!p0 $0x1C01  }
0x48: {  	[timem:s3], [sflag:s2] =	dma.local @!p0 [hbm:s0], s1  }
0x49: {  	s0 =	simm.s32 @!p0 $0x1  }
0x4a: {  	_ =	swait.ge @!p0 [sflag:s0], s1  }
0x4b: {  	s1 =	ssub.s32 @!p0 $0x0, s1;
	[sflag:s0] =	ssyncset.done @!p0 $0x0  }
0x4c: {  	[sflag:s0] =	ssyncadd.s32 @!p0 s1  }
0x4d: {  	[bflag:$0x3] =	sbarrier.arrive $0xFFFF  }
0x4e: {  	_ =	shalt  }

// kernel: kernel.12.cloned.1.call-start
scs
__scs_entry_jumppad:
0x0: {  	(pc) =	sbr.rel $0x88, $3  }
0x1: {  	(tag) =	ssettag $0x0;
	lr =	simm.s32 $0x1  }
0x2: {  	[smem:$0x3F88] =	sst lr;
	_ =	strace $0xD0000000  }
0x3: {  	_ = 	snop  }
0x4: {  	_ = 	snop  }
0x5: {  	_ = 	snop  }
0x6: {  	_ = 	snop  }
0x7: {  	_ = 	snop  }
__scs_overlays_trampoline_lowered:
0x8: {  	[smem:$0x3F97] =	sst s0  }
0x9: {  	[smem:$0x3F98] =	sst s1  }
0xa: {  	[smem:$0x3F99] =	sst s2  }
0xb: {  	[smem:$0x3F9A] =	sst s3  }
0xc: {  	[smem:$0x3F9B] =	sst s4  }
0xd: {  	[smem:$0x3F9C] =	sst s5  }
0xe: {  	[smem:$0x3F9D] =	sst s6  }
0xf: {  	[smem:$0x3F9E] =	sst s7  }
0x10: {  	[smem:$0x3F9F] =	sst s8  }
0x11: {  	[smem:$0x3FA0] =	sst s9;
	s0 =	simm.s32 @!p0 $0x0  }
0x12: {  	s1 =	sld [smem:$0x3F86];
	s0 =	simm.s32 @p0 $0x1  }
0x13: {  	[smem:$0x3FA1] =	sst s0;
	s0 =	simm.s32 @!p1 $0x0  }
0x14: {  	s2 =	sld [smem:$0x3F85];
	s0 =	simm.s32 @p1 $0x1  }
0x15: {  	[smem:$0x3FA2] =	sst s0;
	s0 =	simm.s32 @!p2 $0x0  }
0x16: {  	s3 =	sld [smem:$0x3FDB];
	s0 =	simm.s32 @p2 $0x1  }
0x17: {  	s4 =	simm.s32 $0x1BF5;
	[smem:$0x3FA4] =	sst s0  }
0x18: {  	s0 =	sld [smem:$0x3F87];
	_ =	swait.ge [sflag:s4], $0x0  }
0x19: {  	s7 =	sld [smem:$0x3F88]  }
0x1a: {  	s8 =	sadd.s32 $0xFFFFE003, lr  }
0x1b: {  	s9 =	sadd.s32 $0xFFFFFEF7, lr;
	s5 =	simm.s32 $0xFFFFFFFF;
	p2 =	slt.u32 s8, $0xFFFFF086  }
0x1c: {  	p1 =	slt.u32 s9, $0xF7A;
	s5 =	simm.s32 @!p2 $0x0  }
0x1d: {  	s5 =	simm.s32 @p1 $0x1;
	p0 =	seq.s32 s7, s2  }
0x1e: {  	s7 =	smul.u32 @!p0 $0xF7A, s2;
	p2 =	seq.s32 @!p0 s5, $0x0  }
0x1f: {  	s9 =	smul.u32 $0xF7A, s1;
	s8 =	simm.s32 @!p0 $0x1BF5;
	p2 =	por !p2, p0  }
0x20: {  	[sflag:s8] =	ssyncset.s32 @!p0 $0xFFFFF086;
	s6 =	sadd.s32 @!p0 s3, s7;
	s7 =	simm.s32 @!p0 $0x108  }
0x21: {  	s3 =	sadd.s32 s3, s9;
	s6 =	sadd.s32 @!p0 $0x88, s6;
	s7 =	simm.s32 @p2 $0x1082  }
0x22: {  	[simem:s7], [sflag:s8] =	dma.local @!p0 [hbm:s6], $0xF7A  }
0x23: {  	s9 =	sor.u32 $0xD0000000, s2;
	s6 =	simm.s32 $0x108;
	_ =	swait.ge @!p0 [sflag:s8], $0x0  }
0x24: {  	s3 =	sadd.s32 $0x88, s3;
	s6 =	simm.s32 @!p1 $0x1082;
	[sflag:s4] =	ssyncset.s32 $0xFFFFF086  }
0x25: {  	[simem:s6], [sflag:s4] =	dma.local [hbm:s3], $0xF7A  }
0x26: {  	[smem:$0x3F88] =	sst s1;
	(tag) =	ssettag s2;
	_ =	strace s9  }
0x27: {  	s1 =	sld [smem:$0x3F98]  }
0x28: {  	s2 =	sld [smem:$0x3F99]  }
0x29: {  	s4 =	sld [smem:$0x3F9B]  }
0x2a: {  	p0 =	seq.s32 s5, $0x0;
	s5 =	sld [smem:$0x3F9C]  }
0x2b: {  	s6 =	sld [smem:$0x3F9D]  }
0x2c: {  	s7 =	sld [smem:$0x3F9E]  }
0x2d: {  	s3 =	simm.s32 $0x108;
	s8 =	sld [smem:$0x3F9F]  }
0x2e: {  	s3 =	simm.s32 @!p0 $0x1082;
	s9 =	sld [smem:$0x3FA0]  }
0x2f: {  	lr =	sadd.s32 s0, s3;
	s0 =	sld [smem:$0x3F97]  }
0x30: {  	s3 =	sld [smem:$0x3F9A]  }
0x31: {  	[smem:$0x3FA3] =	sst s10  }
0x32: {  	s10 =	sld [smem:$0x3FA1];
	_ =	sdelay $0x3  }
0x33: {  	p0 =	seq.s32 s10, $0x1;
	s10 =	sld [smem:$0x3FA3];
	_ =	sdelay $0x3  }
0x34: {  	[smem:$0x3FA3] =	sst s10  }
0x35: {  	s10 =	sld [smem:$0x3FA2];
	_ =	sdelay $0x3  }
0x36: {  	p1 =	seq.s32 s10, $0x1;
	s10 =	sld [smem:$0x3FA3];
	_ =	sdelay $0x3  }
0x37: {  	[smem:$0x3FA3] =	sst s10  }
0x38: {  	s10 =	sld [smem:$0x3FA4]  }
0x39: {  	_ = 	snop;
	(pc) =	sbr.ind lr, $3  }
0x3a: {  	_ = 	snop  }
0x3b: {  	_ = 	snop  }
0x3c: {  	p2 =	seq.s32 s10, $0x1;
	s10 =	sld [smem:$0x3FA3]  }
0x3d: {  	_ =	shalt  }
0x3e: {  	_ =	shalt  }
0x3f: {  	_ =	shalt  }
0x40: {  	_ =	shalt  }
0x41: {  	_ =	shalt  }
0x42: {  	_ =	shalt  }
0x43: {  	_ =	shalt  }
0x44: {  	_ =	shalt  }
0x45: {  	_ =	shalt  }
0x46: {  	_ =	shalt  }
0x47: {  	_ =	shalt  }
0x48: {  	_ =	shalt  }
0x49: {  	_ =	shalt  }
0x4a: {  	_ =	shalt  }
0x4b: {  	_ =	shalt  }
0x4c: {  	_ =	shalt  }
0x4d: {  	_ =	shalt  }
0x4e: {  	_ =	shalt  }
0x4f: {  	_ =	shalt  }
0x50: {  	_ =	shalt  }
0x51: {  	_ =	shalt  }
0x52: {  	_ =	shalt  }
0x53: {  	_ =	shalt  }
0x54: {  	_ =	shalt  }
0x55: {  	_ =	shalt  }
0x56: {  	_ =	shalt  }
0x57: {  	_ =	shalt  }
0x58: {  	_ =	shalt  }
0x59: {  	_ =	shalt  }
0x5a: {  	_ =	shalt  }
0x5b: {  	_ =	shalt  }
0x5c: {  	_ =	shalt  }
0x5d: {  	_ =	shalt  }
0x5e: {  	_ =	shalt  }
0x5f: {  	_ =	shalt  }
0x60: {  	_ =	shalt  }
0x61: {  	_ =	shalt  }
0x62: {  	_ =	shalt  }
0x63: {  	_ =	shalt  }
0x64: {  	_ =	shalt  }
0x65: {  	_ =	shalt  }
0x66: {  	_ =	shalt  }
0x67: {  	_ =	shalt  }
0x68: {  	_ =	shalt  }
0x69: {  	_ =	shalt  }
0x6a: {  	_ =	shalt  }
0x6b: {  	_ =	shalt  }
0x6c: {  	_ =	shalt  }
0x6d: {  	_ =	shalt  }
0x6e: {  	_ =	shalt  }
0x6f: {  	_ =	shalt  }
0x70: {  	_ =	shalt  }
0x71: {  	_ =	shalt  }
0x72: {  	_ =	shalt  }
0x73: {  	_ =	shalt  }
0x74: {  	_ =	shalt  }
0x75: {  	_ =	shalt  }
0x76: {  	_ =	shalt  }
0x77: {  	_ =	shalt  }
0x78: {  	_ =	shalt  }
0x79: {  	_ =	shalt  }
0x7a: {  	_ =	shalt  }
0x7b: {  	_ =	shalt  }
0x7c: {  	_ =	shalt  }
0x7d: {  	_ =	shalt  }
0x7e: {  	_ =	shalt  }
0x7f: {  	_ =	shalt  }
0x80: {  	_ =	shalt  }
0x81: {  	_ =	shalt  }
0x82: {  	_ =	shalt  }
0x83: {  	_ =	shalt  }
0x84: {  	_ =	shalt  }
0x85: {  	_ =	shalt  }
0x86: {  	_ =	shalt  }
0x87: {  	_ =	shalt  }
.Lfunc_end0:
.L_simem_size_0:
called_computation.1_lowered:
.L_overlay_start_0:
0x88: {  	s2 =	sld [smem:$0x3FD9]  }
0x89: {  	s3 =	sld [smem:$0x3FFE];
	_ =	sdelay $0x1  }
0x8a: {  	s1 =	srdreg.scid  }
0x8b: {  	s0 =	sand.u32 $0x1, s1  }
0x8c: {  	s17 =	sshll.u32 s0, $0xA;
	s2 =	sadd.s32 s3, s2  }
0x8d: {  	s2 =	sadd.s32 s2, s17  }
0x8e: {  	[smem:$0x3FAF] =	sst s2  }
0x8f: {  	_ = 	snop  }
0x90: {  	s2 =	sld [smem:$0x3FB3];
	(tm) =	ssettm $0x1  }
0x91: {  	s18 =	sld [smem:$0x3FFB];
	_ =	sdelay $0x3  }
0x92: {  	_ =	strace s18  }
0x93: {  	s3 =	sld [smem:$0x3FFC];
	_ =	sdelay $0x3  }
0x94: {  	_ =	strace s3  }
0x95: {  	s3 =	sld [smem:$0x3FFD];
	_ =	sdelay $0x3  }
0x96: {  	_ =	strace s3  }
0x97: {  	_ =	strace $0x8FFFFFFF  }
0x98: {  	s19 =	sld [smem:$0x3FDB];
	_ =	sdelay $0x1  }
0x99: {  	s4 =	simm.s32 $_scs_section_size  }
0x9a: {  	s5 =	simm.s32 $_size__tile_overlayer_lowered;
	s6 =	simm.s32 $_tile_overlayer_lowered  }
0x9b: {  	s22 =	simm.s32 $0x1BFF;
	s21 =	sshll.u32 s6, $0x1;
	s3 =	sadd.s32 s4, s19  }
0x9c: {  	s7 =	simm.s32 $0x0;
	s20 =	sshll.u32 s5, $0x1;
	s5 =	sadd.s32 s21, s3  }
0x9d: {  	[timem:s7], [sflag:s22] =	dma.local [hbm:s5], s20  }
0x9e: {  	_ =	swait.ge [sflag:s22], s20  }
0x9f: {  	s4 =	ssub.s32 $0x0, s20;
	[sflag:s22] =	ssyncset.done $0x0  }
0xa0: {  	[sflag:s22] =	ssyncadd.s32 s4;
	_ =	sdelay $0x1  }
0xa1: {  	s23 =	simm.s32 $0x1B8B  }
0xa2: {  	_ =	swait.ge [sflag:s23], $0x1  }
0xa3: {  	[sflag:s23] =	ssyncset.done $0x0  }
0xa4: {  	s25 =	simm.s32 $0x1B8E;
	s24 =	sld [smem:$0x3FFE];
	[sflag:s23] =	ssyncadd.s32 $0xFFFFFFFF  }
0xa5: {  	s26 =	simm.s32 $execute0_lowered;
	[smem:$0x3FD2] =	sst s25  }
0xa6: {  	s5 =	sshll.u32 s26, $0x1;
	_ =	strace $0x80000049;
	[dreg:$0x1] =	wrdreg $0xFFFFFFFF  }
0xa7: {  	s28 =	simm.s32 $_size_execute0_lowered;
	s3 =	sadd.s32 s3, s5;
	[dreg:$0x0] =	wrdreg $0x0  }
0xa8: {  	s5 =	sshll.u32 s28, $0x1;
	[dreg:$0x2] =	wrdreg s3  }
0xa9: {  	[dreg:$0x3] =	wrdreg s5  }
0xaa: {  	[dreg:$0x4] =	wrdreg $0xC0  }
0xab: {  	_ =	task [dreg:s7], $0x5FFFF  }
0xac: {  	[dreg:$0x1] =	wrdreg $0xFFFFFFFF  }
0xad: {  	[dreg:$0x0] =	wrdreg $0x60  }
0xae: {  	[dreg:$0x2] =	wrdreg s2  }
0xaf: {  	[dreg:$0x3] =	wrdreg s24  }
0xb0: {  	[dreg:$0x4] =	wrdreg $0x92800  }
0xb1: {  	[dreg:$0x5] =	wrdreg $0x12EC00  }
0xb2: {  	[dreg:$0x6] =	wrdreg $0x9  }
0xb3: {  	_ =	task.clear_ibuf [dreg:s7], $0x7FFFF;
	_ =	strace $0x90000049  }
0xb4: {  	s29 =	simm.s32 $0x9;
	_ =	strace $0x8000004B  }
0xb5: {  	_ =	swait.ge [sflag:s29], $0x1  }
0xb6: {  	[sflag:s29] =	ssyncadd.s32 $0xFFFFFFFF  }
0xb7: {  	_ =	strace $0x9000004B  }
0xb8: {  	_ =	sfence  }
0xb9: {  	s30 =	sld [smem:$0x0];
	_ =	sdelay $0x2  }
0xba: {  	s31 =	sshll.u32 s1, $0xD;
	s1 =	sshrl.u32 s1, $0x2  }
0xbb: {  	s3 =	sand.u32 $0x4000, s31;
	s1 =	sadd.s32 s1, s30  }
0xbc: {  	s0 =	sor.u32 s3, s0;
	s1 =	sshll.u32 s1, $0x11  }
0xbd: {  	s0 =	sor.u32 s1, s0  }
0xbe: {  	s0 =	sadd.s32 $0x8F2B, s0  }
0xbf: {  	[sflag:s0] =	ssyncadd.remote.s32 $0x1  }
0xc0: {  	_ =	sfence.sel $0xFFFF  }
0xc1: {  	[dreg:$0x0] =	wrdreg $0xFFFFFFFF;
	(pc) =	sbr.abs _section_cstart, $3  }
0xc2: {  	[dreg:$0x1] =	wrdreg $0xFFFFFFFF  }
0xc3: {  	_ =	task.clear_ibuf [dreg:s7], $0x2FFFF;
	_ =	strace $0x9FFFFFFF  }
0xc4: {  	(tm) =	ssettm $0x7FFFFFFF  }
0xc5: {  	_ =	shalt  }
tec
execute0_lowered:
.L_overlay_start_1:
0x0: {  	(tag) =	ssettag $0x1  }
0x1: {  	s0 =	rddreg [dreg:$0x1];
	s1 =	srdreg.scid  }
0x2: {  	s3 =	rddreg [dreg:$0x2];
	s9 =	stileid.u32  }
0x3: {  	s4 =	rddreg [dreg:$0x3];
	s6 =	smul.u32 $0x280, s9  }
0x4: {  	s5 =	simm.s32 $0x0;
	s28 =	simm.s32 $0x280;
	s11 =	smul.u32 $0x1388, s9  }
0x5: {  	s29 =	simm.s32 $0xA80;
	s30 =	simm.s32 $0x3;
	s8 =	smul.u32 $0xA00, s9  }
0x6: {  	s31 =	simm.s32 $0x380;
	s1 =	sand.u32 $0x1, s1;
	s12 =	smul.u32 $0x9C40, s9  }
0x7: {  	s10 =	simm.s32 $0xD80;
	[smem:$0x7FF] =	sst s5;
	s2 =	smul.u32 $0x2800, s1  }
0x8: {  	s9 =	simm.s32 $0x680;
	s7 =	smul.u32 $0x13880, s1;
	s1 =	ssub.s32 $0x2, s1  }
0x9: {  	_ =	strace $0x8000004A;
	s8 =	sadd.s32 s8, s0;
	s13 =	sshrl.u32 s1, $0x1  }
0xa: {  	s14 =	sadd.s32 s12, s3;
	s18 =	sadd.s32 s12, s4;
	s15 =	sadd.s32 $0x2000, s12  }
0xb: {  	s16 =	sadd.s32 $0x4000, s12;
	s21 =	sadd.s32 $0x6000, s12;
	s22 =	sadd.s32 $0x8000, s12  }
0xc: {  	s12 =	simm.s32 $0xE80;
	s2 =	sadd.s32 s6, s2;
	s6 =	sadd.s32 s11, s7  }
0xd: {  	s1 =	ssub.s32 s1, s13;
	[dreg:$0x7] =	wrdreg s14;
	s17 =	sadd.s32 s15, s3  }
0xe: {  	s19 =	sadd.s32 s16, s3;
	s20 =	sadd.s32 s16, s4;
	[dreg:$0x8] =	wrdreg s18  }
0xf: {  	s23 =	sadd.s32 s21, s3;
	s24 =	sadd.s32 s22, s3;
	[dreg:$0x9] =	wrdreg s17  }
0x10: {  	s25 =	sadd.s32 s22, s4;
	s26 =	sadd.s32 $0x4600, s8;
	[dreg:$0xb] =	wrdreg s19  }
0x11: {  	s22 =	simm.s32 $0x1280;
	s7 =	simm.s32 $0xC80;
	[dreg:$0xc] =	wrdreg s20  }
0x12: {  	s11 =	simm.s32 $0x780;
	s13 =	simm.s32 $0x880;
	[dreg:$0xd] =	wrdreg s23  }
0x13: {  	s14 =	simm.s32 $0xF80;
	s16 =	simm.s32 $0x1080;
	[dreg:$0xf] =	wrdreg s24  }
0x14: {  	s2 =	sshrl.u32 s2, $0x3;
	[dreg:$0x10] =	wrdreg s25;
	s1 =	smax.u32 s1, $0x1  }
0x15: {  	[dreg:$0x5] =	wrdreg s26;
	s19 =	sadd.s32 $0xF200, s8;
	s20 =	simm.s32 $0x4  }
0x16: {  	s23 =	simm.s32 $0x1;
	s24 =	simm.s32 $0x100;
	s25 =	simm.s32 $0x480  }
0x17: {  	s26 =	simm.s32 $0x2;
	s17 =	simm.s32 $0x1180;
	s2 =	sadd.s32 s2, s0  }
0x18: {  	s0 =	sadd.s32 s6, s0;
	[dreg:$0x12] =	wrdreg s1;
	s2 =	sadd.s32 $0xE600, s2  }
0x19: {  	s8 =	simm.s32 $0x0;
	s0 =	sadd.s32 $0x19200, s0;
	[dreg:$0x6] =	wrdreg s2  }
0x1a: {  	s1 =	simm.s32 $0xB80;
	s2 =	sadd.s32 s15, s4;
	[dreg:$0x11] =	wrdreg s0  }
0x1b: {  	s6 =	simm.s32 $0x580;
	[dreg:$0xa] =	wrdreg s2;
	s2 =	sadd.s32 s21, s4  }
0x1c: {  	s15 =	simm.s32 $0x980;
	[dreg:$0xe] =	wrdreg s2;
	s2 =	simm.s32 $0x5280  }
.LBB2_1:
0x1d: {  	[dreg:$0x13] =	wrdreg s8  }
0x1e: {  	s0 =	rddreg [dreg:$0x6]  }
0x1f: {  	[tilespmem:s5], [sflag:$0x4] =	stream.linear.gather [hbm4b:s0+s5], $0x280, $0x38;
	[tilespmem:$0x1CB20] =	vst v63  }
0x20: {  	_ =	swait.ge [sflag:s20], $0x280  }
0x21: {  	[sflag:s20] =	ssyncset.done $0x0  }
0x22: {  	[sflag:s20] =	ssyncadd.s32 $0xFFFFFD80  }
0x23: {  	s21 =	simm.s32 $0x80;
	s0 =	rddreg [dreg:$0x0]  }
0x24: {  	[tilespmem:s22], [sflag:$0x1] =	stream.indirect.gather [hbm4b:s0+s21], $0x40, s5, s21, $0xb8;
	[tilespmem:$0x1CB20] =	vst v63  }
0x25: {  	_ =	swait.ge [sflag:s23], $0x2000  }
0x26: {  	[sflag:s23] =	ssyncset.done $0x0  }
0x27: {  	s8 =	rddreg [dreg:$0x7];
	[sflag:s23] =	ssyncadd.s32 $0xFFFFE000  }
0x28: {  	[spmem:s8] =	stream.linear.scatter [tilespmem:s22], [sflag:$0x4], $0x2000, $0x38;
	[tilespmem:$0x1CB20] =	vst v63  }
0x29: {  	_ =	swait.ge [sflag:s20], $0x2000  }
0x2a: {  	[sflag:s20] =	ssyncset.done $0x0  }
0x2b: {  	[sflag:s20] =	ssyncadd.s32 $0xFFFFE000  }
0x2c: {  	[spmem:s18] =	stream.linear.scatter [tilespmem:s22], [sflag:$0x4], $0x2000, $0x38;
	[tilespmem:$0x1CB20] =	vst v63  }
0x2d: {  	_ =	swait.ge [sflag:s20], $0x2000  }
0x2e: {  	[sflag:s20] =	ssyncset.done $0x0  }
0x2f: {  	[sflag:s20] =	ssyncadd.s32 $0xFFFFE000  }
0x30: {  	[tilespmem:s22], [sflag:$0x1] =	stream.indirect.gather [hbm4b:s0+s21], $0x40, s21, s21, $0xb8;
	[tilespmem:$0x1CB20] =	vst v63  }
0x31: {  	_ =	swait.ge [sflag:s23], $0x2000  }
0x32: {  	[sflag:s23] =	ssyncset.done $0x0  }
0x33: {  	s18 =	rddreg [dreg:$0x9];
	[sflag:s23] =	ssyncadd.s32 $0xFFFFE000  }
0x34: {  	[spmem:s18] =	stream.linear.scatter [tilespmem:s22], [sflag:$0x4], $0x2000, $0x38;
	[tilespmem:$0x1CB20] =	vst v63  }
0x35: {  	_ =	swait.ge [sflag:s20], $0x2000  }
0x36: {  	[sflag:s20] =	ssyncset.done $0x0  }
0x37: {  	s18 =	rddreg [dreg:$0xa];
	[sflag:s20] =	ssyncadd.s32 $0xFFFFE000  }
0x38: {  	[spmem:s18] =	stream.linear.scatter [tilespmem:s22], [sflag:$0x4], $0x2000, $0x38;
	[tilespmem:$0x1CB20] =	vst v63  }
0x39: {  	_ =	swait.ge [sflag:s20], $0x2000  }
0x3a: {  	[sflag:s20] =	ssyncset.done $0x0  }
0x3b: {  	[sflag:s20] =	ssyncadd.s32 $0xFFFFE000  }
0x3c: {  	[tilespmem:s22], [sflag:$0x1] =	stream.indirect.gather [hbm4b:s0+s21], $0x40, s24, s21, $0xb8;
	[tilespmem:$0x1CB20] =	vst v63  }
0x3d: {  	_ =	swait.ge [sflag:s23], $0x2000  }
0x3e: {  	[sflag:s23] =	ssyncset.done $0x0  }
0x3f: {  	s18 =	rddreg [dreg:$0xb];
	[sflag:s23] =	ssyncadd.s32 $0xFFFFE000  }
0x40: {  	[spmem:s18] =	stream.linear.scatter [tilespmem:s22], [sflag:$0x4], $0x2000, $0x38;
	[tilespmem:$0x1CB20] =	vst v63  }
0x41: {  	_ =	swait.ge [sflag:s20], $0x2000  }
0x42: {  	[sflag:s20] =	ssyncset.done $0x0  }
0x43: {  	s18 =	rddreg [dreg:$0xc];
	[sflag:s20] =	ssyncadd.s32 $0xFFFFE000  }
0x44: {  	[spmem:s18] =	stream.linear.scatter [tilespmem:s22], [sflag:$0x4], $0x2000, $0x38;
	[tilespmem:$0x1CB20] =	vst v63  }
0x45: {  	_ =	swait.ge [sflag:s20], $0x2000  }
0x46: {  	[sflag:s20] =	ssyncset.done $0x0  }
0x47: {  	s18 =	simm.s32 $0x180;
	[sflag:s20] =	ssyncadd.s32 $0xFFFFE000  }
0x48: {  	[tilespmem:s22], [sflag:$0x1] =	stream.indirect.gather [hbm4b:s0+s21], $0x40, s18, s21, $0xb8;
	[tilespmem:$0x1CB20] =	vst v63  }
0x49: {  	_ =	swait.ge [sflag:s23], $0x2000  }
0x4a: {  	[sflag:s23] =	ssyncset.done $0x0  }
0x4b: {  	s18 =	rddreg [dreg:$0xd];
	[sflag:s23] =	ssyncadd.s32 $0xFFFFE000  }
0x4c: {  	[spmem:s18] =	stream.linear.scatter [tilespmem:s22], [sflag:$0x4], $0x2000, $0x38;
	[tilespmem:$0x1CB20] =	vst v63  }
0x4d: {  	_ =	swait.ge [sflag:s20], $0x2000  }
0x4e: {  	[sflag:s20] =	ssyncset.done $0x0  }
0x4f: {  	s18 =	rddreg [dreg:$0xe];
	[sflag:s20] =	ssyncadd.s32 $0xFFFFE000  }
0x50: {  	[spmem:s18] =	stream.linear.scatter [tilespmem:s22], [sflag:$0x4], $0x2000, $0x38;
	[tilespmem:$0x1CB20] =	vst v63  }
0x51: {  	_ =	swait.ge [sflag:s20], $0x2000  }
0x52: {  	[sflag:s20] =	ssyncset.done $0x0  }
0x53: {  	s18 =	simm.s32 $0x200;
	[sflag:s20] =	ssyncadd.s32 $0xFFFFE000  }
0x54: {  	[tilespmem:s22], [sflag:$0x1] =	stream.indirect.gather [hbm4b:s0+s21], $0x40, s18, s21, $0xb8;
	[tilespmem:$0x1CB20] =	vst v63  }
0x55: {  	_ =	swait.ge [sflag:s23], $0x2000  }
0x56: {  	[sflag:s23] =	ssyncset.done $0x0  }
0x57: {  	s21 =	rddreg [dreg:$0xf];
	[sflag:s23] =	ssyncadd.s32 $0xFFFFE000  }
0x58: {  	[spmem:s21] =	stream.linear.scatter [tilespmem:s22], [sflag:$0x4], $0x1C40, $0x38;
	[tilespmem:$0x1CB20] =	vst v63  }
0x59: {  	_ =	swait.ge [sflag:s20], $0x1C40  }
0x5a: {  	[sflag:s20] =	ssyncset.done $0x0  }
0x5b: {  	s8 =	rddreg [dreg:$0x10];
	[sflag:s20] =	ssyncadd.s32 $0xFFFFE3C0  }
0x5c: {  	[spmem:s8] =	stream.linear.scatter [tilespmem:s22], [sflag:$0x4], $0x1C40, $0x38;
	[tilespmem:$0x1CB20] =	vst v63  }
0x5d: {  	_ =	swait.ge [sflag:s20], $0x1C40  }
0x5e: {  	[sflag:s20] =	ssyncset.done $0x0  }
0x5f: {  	[sflag:s20] =	ssyncadd.s32 $0xFFFFE3C0  }
0x60: {  	[bflag:$0x0] =	sbarrier.arrive $0xFFFF  }
0x61: {  	s21 =	sadd.s32 $0x0, s19;
	s18 =	rddreg [dreg:$0x5]  }
0x62: {  	[tilespmem:s28], [sflag:$0x3] =	stream.linear.gather [hbm4b:s21+s5], $0x800, $0x38;
	[tilespmem:$0x1CB20] =	vst v63  }
0x63: {  	s0 =	sadd.s32 $0x0, s18  }
0x64: {  	[tilespmem:s29], [sflag:$0x3] =	stream.linear.gather [hbm4b:s0+s5], $0x800, $0x38;
	[tilespmem:$0x1CB20] =	vst v63  }
0x65: {  	_ =	swait.ge [sflag:s30], $0x800  }
0x66: {  	[sflag:s30] =	ssyncset.done $0x0  }
0x67: {  	[sflag:s30] =	ssyncadd.s32 $0xFFFFF800  }
0x68: {  	_ =	swait.ge [sflag:s30], $0x800  }
0x69: {  	[sflag:s30] =	ssyncset.done $0x0  }
0x6a: {  	[sflag:s30] =	ssyncadd.s32 $0xFFFFF800  }
0x6b: {  	[tilespmem:s22], [sflag:$0x1] =	stream.indirect.gather [spmem:s3], $0x40, s28, s24, $0xb8;
	[tilespmem:$0x1CB20] =	vst v63  }
0x6c: {  	_ = 	snop  }
0x6d: {  	[tilespmem:s2], [sflag:$0x2] =	stream.indirect.gather [spmem:s3], $0x40, s31, s24, $0xb8;
	[tilespmem:$0x1CB20] =	vst v63  }
0x6e: {  	_ =	swait.ge [sflag:s23], $0x4000  }
0x6f: {  	[sflag:s23] =	ssyncset.done $0x0  }
0x70: {  	[sflag:s23] =	ssyncadd.s32 $0xFFFFC000  }
0x71: {  	[spmem:s4] =	stream.indirect.scatter.add.f32 [tilespmem:s22], [sflag:$0x4], $0x40, s29, s24, $0xb8;
	[tilespmem:$0x1CB20] =	vst v63  }
0x72: {  	_ =	swait.ge [sflag:s20], $0x4000  }
0x73: {  	[sflag:s20] =	ssyncset.done $0x0  }
0x74: {  	[sflag:s20] =	ssyncadd.s32 $0xFFFFC000  }
0x75: {  	[tilespmem:s22], [sflag:$0x1] =	stream.indirect.gather [spmem:s3], $0x40, s25, s24, $0xb8;
	[tilespmem:$0x1CB20] =	vst v63  }
0x76: {  	_ =	swait.ge [sflag:s26], $0x4000  }
0x77: {  	[sflag:s26] =	ssyncset.done $0x0  }
0x78: {  	[sflag:s26] =	ssyncadd.s32 $0xFFFFC000  }
0x79: {  	[spmem:s4] =	stream.indirect.scatter.add.f32 [tilespmem:s2], [sflag:$0x4], $0x40, s1, s24, $0xb8;
	[tilespmem:$0x1CB20] =	vst v63  }
0x7a: {  	_ =	swait.ge [sflag:s20], $0x4000  }
0x7b: {  	[sflag:s20] =	ssyncset.done $0x0  }
0x7c: {  	[sflag:s20] =	ssyncadd.s32 $0xFFFFC000  }
0x7d: {  	[tilespmem:s2], [sflag:$0x2] =	stream.indirect.gather [spmem:s3], $0x40, s6, s24, $0xb8;
	[tilespmem:$0x1CB20] =	vst v63  }
0x7e: {  	_ =	swait.ge [sflag:s23], $0x4000  }
0x7f: {  	[sflag:s23] =	ssyncset.done $0x0  }
0x80: {  	[sflag:s23] =	ssyncadd.s32 $0xFFFFC000  }
0x81: {  	[spmem:s4] =	stream.indirect.scatter.add.f32 [tilespmem:s22], [sflag:$0x4], $0x40, s7, s24, $0xb8;
	[tilespmem:$0x1CB20] =	vst v63  }
0x82: {  	_ =	swait.ge [sflag:s20], $0x4000  }
0x83: {  	[sflag:s20] =	ssyncset.done $0x0  }
0x84: {  	[sflag:s20] =	ssyncadd.s32 $0xFFFFC000  }
0x85: {  	[tilespmem:s22], [sflag:$0x1] =	stream.indirect.gather [spmem:s3], $0x40, s9, s24, $0xb8;
	[tilespmem:$0x1CB20] =	vst v63  }
0x86: {  	_ =	swait.ge [sflag:s26], $0x4000  }
0x87: {  	[sflag:s26] =	ssyncset.done $0x0  }
0x88: {  	[sflag:s26] =	ssyncadd.s32 $0xFFFFC000  }
0x89: {  	[spmem:s4] =	stream.indirect.scatter.add.f32 [tilespmem:s2], [sflag:$0x4], $0x40, s10, s24, $0xb8;
	[tilespmem:$0x1CB20] =	vst v63  }
0x8a: {  	_ =	swait.ge [sflag:s20], $0x4000  }
0x8b: {  	[sflag:s20] =	ssyncset.done $0x0  }
0x8c: {  	[sflag:s20] =	ssyncadd.s32 $0xFFFFC000  }
0x8d: {  	[tilespmem:s2], [sflag:$0x2] =	stream.indirect.gather [spmem:s3], $0x40, s11, s24, $0xb8;
	[tilespmem:$0x1CB20] =	vst v63  }
0x8e: {  	_ =	swait.ge [sflag:s23], $0x4000  }
0x8f: {  	[sflag:s23] =	ssyncset.done $0x0  }
0x90: {  	[sflag:s23] =	ssyncadd.s32 $0xFFFFC000  }
0x91: {  	[spmem:s4] =	stream.indirect.scatter.add.f32 [tilespmem:s22], [sflag:$0x4], $0x40, s12, s24, $0xb8;
	[tilespmem:$0x1CB20] =	vst v63  }
0x92: {  	_ =	swait.ge [sflag:s20], $0x4000  }
0x93: {  	[sflag:s20] =	ssyncset.done $0x0  }
0x94: {  	[sflag:s20] =	ssyncadd.s32 $0xFFFFC000  }
0x95: {  	[tilespmem:s22], [sflag:$0x1] =	stream.indirect.gather [spmem:s3], $0x40, s13, s24, $0xb8;
	[tilespmem:$0x1CB20] =	vst v63  }
0x96: {  	_ =	swait.ge [sflag:s26], $0x4000  }
0x97: {  	[sflag:s26] =	ssyncset.done $0x0  }
0x98: {  	[sflag:s26] =	ssyncadd.s32 $0xFFFFC000  }
0x99: {  	[spmem:s4] =	stream.indirect.scatter.add.f32 [tilespmem:s2], [sflag:$0x4], $0x40, s14, s24, $0xb8;
	[tilespmem:$0x1CB20] =	vst v63  }
0x9a: {  	_ =	swait.ge [sflag:s20], $0x4000  }
0x9b: {  	[sflag:s20] =	ssyncset.done $0x0  }
0x9c: {  	[sflag:s20] =	ssyncadd.s32 $0xFFFFC000  }
0x9d: {  	[tilespmem:s2], [sflag:$0x2] =	stream.indirect.gather [spmem:s3], $0x40, s15, s24, $0xb8;
	[tilespmem:$0x1CB20] =	vst v63  }
0x9e: {  	_ =	swait.ge [sflag:s23], $0x4000  }
0x9f: {  	[sflag:s23] =	ssyncset.done $0x0  }
0xa0: {  	[sflag:s23] =	ssyncadd.s32 $0xFFFFC000  }
0xa1: {  	[spmem:s4] =	stream.indirect.scatter.add.f32 [tilespmem:s22], [sflag:$0x4], $0x40, s16, s24, $0xb8;
	[tilespmem:$0x1CB20] =	vst v63  }
0xa2: {  	_ =	swait.ge [sflag:s20], $0x4000  }
0xa3: {  	[sflag:s20] =	ssyncset.done $0x0  }
0xa4: {  	[sflag:s20] =	ssyncadd.s32 $0xFFFFC000  }
0xa5: {  	_ =	swait.ge [sflag:s26], $0x4000  }
0xa6: {  	[sflag:s26] =	ssyncset.done $0x0  }
0xa7: {  	[sflag:s26] =	ssyncadd.s32 $0xFFFFC000  }
0xa8: {  	[spmem:s4] =	stream.indirect.scatter.add.f32 [tilespmem:s2], [sflag:$0x4], $0x40, s17, s24, $0xb8;
	[tilespmem:$0x1CB20] =	vst v63  }
0xa9: {  	s8 =	simm.s32 $0x100;
	_ =	swait.ge [sflag:s20], $0x4000  }
.LBB2_2:
0xaa: {  	[sflag:s20] =	ssyncset.done $0x0;
	s18 =	smov.u32 s8  }
0xab: {  	s21 =	rddreg [dreg:$0x5];
	s31 =	sadd.s32 s18, s19;
	[sflag:s20] =	ssyncadd.s32 $0xFFFFC000  }
0xac: {  	[tilespmem:s28], [sflag:$0x3] =	stream.linear.gather [hbm4b:s31+s5], $0x800, $0x38;
	[tilespmem:$0x1CB20] =	vst v63  }
0xad: {  	s21 =	sadd.s32 s18, s21  }
0xae: {  	[tilespmem:s29], [sflag:$0x3] =	stream.linear.gather [hbm4b:s21+s5], $0x800, $0x38;
	[tilespmem:$0x1CB20] =	vst v63  }
0xaf: {  	_ =	swait.ge [sflag:s30], $0x800  }
0xb0: {  	[sflag:s30] =	ssyncset.done $0x0  }
0xb1: {  	[sflag:s30] =	ssyncadd.s32 $0xFFFFF800  }
0xb2: {  	_ =	swait.ge [sflag:s30], $0x800  }
0xb3: {  	[sflag:s30] =	ssyncset.done $0x0  }
0xb4: {  	[sflag:s30] =	ssyncadd.s32 $0xFFFFF800  }
0xb5: {  	[tilespmem:s22], [sflag:$0x1] =	stream.indirect.gather [spmem:s3], $0x40, s28, s24, $0xb8;
	[tilespmem:$0x1CB20] =	vst v63  }
0xb6: {  	s31 =	simm.s32 $0x380  }
0xb7: {  	[tilespmem:s2], [sflag:$0x2] =	stream.indirect.gather [spmem:s3], $0x40, s31, s24, $0xb8;
	[tilespmem:$0x1CB20] =	vst v63  }
0xb8: {  	_ =	swait.ge [sflag:s23], $0x4000  }
0xb9: {  	[sflag:s23] =	ssyncset.done $0x0  }
0xba: {  	[sflag:s23] =	ssyncadd.s32 $0xFFFFC000  }
0xbb: {  	[spmem:s4] =	stream.indirect.scatter.add.f32 [tilespmem:s22], [sflag:$0x4], $0x40, s29, s24, $0xb8;
	[tilespmem:$0x1CB20] =	vst v63  }
0xbc: {  	_ =	swait.ge [sflag:s20], $0x4000  }
0xbd: {  	[sflag:s20] =	ssyncset.done $0x0  }
0xbe: {  	[sflag:s20] =	ssyncadd.s32 $0xFFFFC000  }
0xbf: {  	[tilespmem:s22], [sflag:$0x1] =	stream.indirect.gather [spmem:s3], $0x40, s25, s24, $0xb8;
	[tilespmem:$0x1CB20] =	vst v63  }
0xc0: {  	_ =	swait.ge [sflag:s26], $0x4000  }
0xc1: {  	[sflag:s26] =	ssyncset.done $0x0  }
0xc2: {  	[sflag:s26] =	ssyncadd.s32 $0xFFFFC000  }
0xc3: {  	[spmem:s4] =	stream.indirect.scatter.add.f32 [tilespmem:s2], [sflag:$0x4], $0x40, s1, s24, $0xb8;
	[tilespmem:$0x1CB20] =	vst v63  }
0xc4: {  	_ =	swait.ge [sflag:s20], $0x4000  }
0xc5: {  	[sflag:s20] =	ssyncset.done $0x0  }
0xc6: {  	[sflag:s20] =	ssyncadd.s32 $0xFFFFC000  }
0xc7: {  	[tilespmem:s2], [sflag:$0x2] =	stream.indirect.gather [spmem:s3], $0x40, s6, s24, $0xb8;
	[tilespmem:$0x1CB20] =	vst v63  }
0xc8: {  	_ =	swait.ge [sflag:s23], $0x4000  }
0xc9: {  	[sflag:s23] =	ssyncset.done $0x0  }
0xca: {  	[sflag:s23] =	ssyncadd.s32 $0xFFFFC000  }
0xcb: {  	[spmem:s4] =	stream.indirect.scatter.add.f32 [tilespmem:s22], [sflag:$0x4], $0x40, s7, s24, $0xb8;
	[tilespmem:$0x1CB20] =	vst v63  }
0xcc: {  	_ =	swait.ge [sflag:s20], $0x4000  }
0xcd: {  	[sflag:s20] =	ssyncset.done $0x0  }
0xce: {  	[sflag:s20] =	ssyncadd.s32 $0xFFFFC000  }
0xcf: {  	[tilespmem:s22], [sflag:$0x1] =	stream.indirect.gather [spmem:s3], $0x40, s9, s24, $0xb8;
	[tilespmem:$0x1CB20] =	vst v63  }
0xd0: {  	_ =	swait.ge [sflag:s26], $0x4000  }
0xd1: {  	[sflag:s26] =	ssyncset.done $0x0  }
0xd2: {  	[sflag:s26] =	ssyncadd.s32 $0xFFFFC000  }
0xd3: {  	[spmem:s4] =	stream.indirect.scatter.add.f32 [tilespmem:s2], [sflag:$0x4], $0x40, s10, s24, $0xb8;
	[tilespmem:$0x1CB20] =	vst v63  }
0xd4: {  	_ =	swait.ge [sflag:s20], $0x4000  }
0xd5: {  	[sflag:s20] =	ssyncset.done $0x0  }
0xd6: {  	[sflag:s20] =	ssyncadd.s32 $0xFFFFC000  }
0xd7: {  	[tilespmem:s2], [sflag:$0x2] =	stream.indirect.gather [spmem:s3], $0x40, s11, s24, $0xb8;
	[tilespmem:$0x1CB20] =	vst v63  }
0xd8: {  	_ =	swait.ge [sflag:s23], $0x4000  }
0xd9: {  	[sflag:s23] =	ssyncset.done $0x0  }
0xda: {  	[sflag:s23] =	ssyncadd.s32 $0xFFFFC000  }
0xdb: {  	[spmem:s4] =	stream.indirect.scatter.add.f32 [tilespmem:s22], [sflag:$0x4], $0x40, s12, s24, $0xb8;
	[tilespmem:$0x1CB20] =	vst v63  }
0xdc: {  	_ =	swait.ge [sflag:s20], $0x4000  }
0xdd: {  	[sflag:s20] =	ssyncset.done $0x0  }
0xde: {  	[sflag:s20] =	ssyncadd.s32 $0xFFFFC000  }
0xdf: {  	[tilespmem:s22], [sflag:$0x1] =	stream.indirect.gather [spmem:s3], $0x40, s13, s24, $0xb8;
	[tilespmem:$0x1CB20] =	vst v63  }
0xe0: {  	_ =	swait.ge [sflag:s26], $0x4000  }
0xe1: {  	[sflag:s26] =	ssyncset.done $0x0  }
0xe2: {  	[sflag:s26] =	ssyncadd.s32 $0xFFFFC000  }
0xe3: {  	[spmem:s4] =	stream.indirect.scatter.add.f32 [tilespmem:s2], [sflag:$0x4], $0x40, s14, s24, $0xb8;
	[tilespmem:$0x1CB20] =	vst v63  }
0xe4: {  	_ =	swait.ge [sflag:s20], $0x4000  }
0xe5: {  	[sflag:s20] =	ssyncset.done $0x0  }
0xe6: {  	[sflag:s20] =	ssyncadd.s32 $0xFFFFC000  }
0xe7: {  	[tilespmem:s2], [sflag:$0x2] =	stream.indirect.gather [spmem:s3], $0x40, s15, s24, $0xb8;
	[tilespmem:$0x1CB20] =	vst v63  }
0xe8: {  	_ =	swait.ge [sflag:s23], $0x4000  }
0xe9: {  	[sflag:s23] =	ssyncset.done $0x0  }
0xea: {  	[sflag:s23] =	ssyncadd.s32 $0xFFFFC000  }
0xeb: {  	[spmem:s4] =	stream.indirect.scatter.add.f32 [tilespmem:s22], [sflag:$0x4], $0x40, s16, s24, $0xb8;
	[tilespmem:$0x1CB20] =	vst v63  }
0xec: {  	_ =	swait.ge [sflag:s20], $0x4000  }
0xed: {  	[sflag:s20] =	ssyncset.done $0x0  }
0xee: {  	p0 =	sne.s32 s8, $0x900;
	[sflag:s20] =	ssyncadd.s32 $0xFFFFC000  }
.Ltmp0:
0xef: {  	_ =	swait.ge [sflag:s26], $0x4000;
	(pc) =	sbr.rel @p0 .LBB2_2-.Ltmp0, $4  }
0xf0: {  	[sflag:s26] =	ssyncset.done $0x0  }
0xf1: {  	s0 =	sadd.s32 $0x100, s8;
	[sflag:s26] =	ssyncadd.s32 $0xFFFFC000  }
0xf2: {  	[spmem:s4] =	stream.indirect.scatter.add.f32 [tilespmem:s2], [sflag:$0x4], $0x40, s17, s24, $0xb8;
	[tilespmem:$0x1CB20] =	vst v63  }
0xf3: {  	s8 =	smov.u32 s0;
	_ =	swait.ge [sflag:s20], $0x4000  }
0xf4: {  	[sflag:s20] =	ssyncset.done $0x0  }
0xf5: {  	[sflag:s20] =	ssyncadd.s32 $0xFFFFC000  }
0xf6: {  	s0 =	stileid.u32;
	[bflag:$0x0] =	sbarrier.arrive $0xFFFF  }
0xf7: {  	s0 =	sshll.u32 s0, $0x6;
	s18 =	rddreg [dreg:$0x8]  }
0xf8: {  	s0 =	sor.u32 $0x1C04, s0;
	s21 =	rddreg [dreg:$0x11];
	s8 =	sshrl.u32 s18, $0x3  }
0xf9: {  	[hbm:s21], [sflag:s0] =	dma.local [spmem:s8], $0x1388  }
0xfa: {  	_ =	swait.ge [sflag:s20], $0x1388  }
0xfb: {  	s0 =	rddreg [dreg:$0x13]  }
0xfc: {  	s21 =	rddreg [dreg:$0x12];
	s8 =	sadd.s32 $0x1, s0  }
0xfd: {  	p0 =	sne.s32 s8, s21  }
.Ltmp1:
0xfe: {  	_ = 	snop;
	(pc) =	sbr.rel @p0 .LBB2_1-.Ltmp1, $3  }
0xff: {  	_ =	sdelay $0x1  }
0x100: {  	[sflag:s20] =	ssyncset.done $0x0  }
0x101: {  	[sflag:s20] =	ssyncadd.s32 $0xFFFFEC78  }
0x102: {  	_ =	sfence.sel $0x180000  }
0x103: {  	[bflag:$0x0] =	sbarrier.arrive $0xFFFF  }
0x104: {  	_ =	strace $0x9000004A  }
0x105: {  	s0 =	stileid.u32;
	[bflag:$0x2] =	sbarrier.arrive $0xFFFF  }
0x106: {  	p0 =	sne.s32 s0, $0x0;
	s0 =	rddreg [dreg:$0x4]  }
0x107: {  	s0 =	sadd.s32 @!p0 $0x100000, s0  }
0x108: {  	[sflag:s0] =	ssyncadd.tile.s32 @!p0 $0x1;
	_ =	shalt  }
.Lfunc_end2:
_tile_overlayer_lowered:
.L_overlay_start_2:
0x109: {  	(tag) =	ssettag $0x2  }
0x10a: {  	s0 =	rddreg [dreg:$0x0];
	s2 =	stileid.u32  }
0x10b: {  	s1 =	rddreg [dreg:$0x1];
	p0 =	sne.s32 s2, $0x0  }
0x10c: {  	s3 =	rddreg [dreg:$0x2];
	[bflag:$0x3] =	sbarrier.arrive $0xFFFF;
	s2 =	simm.s32 @!p0 $0x1C04  }
0x10d: {  	[timem:s3], [sflag:s2] =	dma.local @!p0 [hbm:s0], s1  }
0x10e: {  	s0 =	simm.s32 @!p0 $0x4  }
0x10f: {  	_ =	swait.ge @!p0 [sflag:s0], s1  }
0x110: {  	s1 =	ssub.s32 @!p0 $0x0, s1;
	[sflag:s0] =	ssyncset.done @!p0 $0x0  }
0x111: {  	[sflag:s0] =	ssyncadd.s32 @!p0 s1  }
0x112: {  	[bflag:$0x3] =	sbarrier.arrive $0xFFFF  }
0x113: {  	_ =	shalt  }

// kernel: kernel.15.cloned.1.call-start
scs
__scs_entry_jumppad:
0x0: {  	(pc) =	sbr.rel $0x88, $3  }
0x1: {  	(tag) =	ssettag $0x0;
	lr =	simm.s32 $0x1  }
0x2: {  	[smem:$0x3F88] =	sst lr;
	_ =	strace $0xD0000000  }
0x3: {  	_ = 	snop  }
0x4: {  	_ = 	snop  }
0x5: {  	_ = 	snop  }
0x6: {  	_ = 	snop  }
0x7: {  	_ = 	snop  }
__scs_overlays_trampoline_lowered:
0x8: {  	[smem:$0x3F97] =	sst s0  }
0x9: {  	[smem:$0x3F98] =	sst s1  }
0xa: {  	[smem:$0x3F99] =	sst s2  }
0xb: {  	[smem:$0x3F9A] =	sst s3  }
0xc: {  	[smem:$0x3F9B] =	sst s4  }
0xd: {  	[smem:$0x3F9C] =	sst s5  }
0xe: {  	[smem:$0x3F9D] =	sst s6  }
0xf: {  	[smem:$0x3F9E] =	sst s7  }
0x10: {  	[smem:$0x3F9F] =	sst s8  }
0x11: {  	[smem:$0x3FA0] =	sst s9;
	s0 =	simm.s32 @!p0 $0x0  }
0x12: {  	s1 =	sld [smem:$0x3F86];
	s0 =	simm.s32 @p0 $0x1  }
0x13: {  	[smem:$0x3FA1] =	sst s0;
	s0 =	simm.s32 @!p1 $0x0  }
0x14: {  	s2 =	sld [smem:$0x3F85];
	s0 =	simm.s32 @p1 $0x1  }
0x15: {  	[smem:$0x3FA2] =	sst s0;
	s0 =	simm.s32 @!p2 $0x0  }
0x16: {  	s3 =	sld [smem:$0x3FDB];
	s0 =	simm.s32 @p2 $0x1  }
0x17: {  	s4 =	simm.s32 $0x1BF5;
	[smem:$0x3FA4] =	sst s0  }
0x18: {  	s0 =	sld [smem:$0x3F87];
	_ =	swait.ge [sflag:s4], $0x0  }
0x19: {  	s7 =	sld [smem:$0x3F88]  }
0x1a: {  	s8 =	sadd.s32 $0xFFFFE003, lr  }
0x1b: {  	s9 =	sadd.s32 $0xFFFFFEF7, lr;
	s5 =	simm.s32 $0xFFFFFFFF;
	p2 =	slt.u32 s8, $0xFFFFF086  }
0x1c: {  	p1 =	slt.u32 s9, $0xF7A;
	s5 =	simm.s32 @!p2 $0x0  }
0x1d: {  	s5 =	simm.s32 @p1 $0x1;
	p0 =	seq.s32 s7, s2  }
0x1e: {  	s7 =	smul.u32 @!p0 $0xF7A, s2;
	p2 =	seq.s32 @!p0 s5, $0x0  }
0x1f: {  	s9 =	smul.u32 $0xF7A, s1;
	s8 =	simm.s32 @!p0 $0x1BF5;
	p2 =	por !p2, p0  }
0x20: {  	[sflag:s8] =	ssyncset.s32 @!p0 $0xFFFFF086;
	s6 =	sadd.s32 @!p0 s3, s7;
	s7 =	simm.s32 @!p0 $0x108  }
0x21: {  	s3 =	sadd.s32 s3, s9;
	s6 =	sadd.s32 @!p0 $0x88, s6;
	s7 =	simm.s32 @p2 $0x1082  }
0x22: {  	[simem:s7], [sflag:s8] =	dma.local @!p0 [hbm:s6], $0xF7A  }
0x23: {  	s9 =	sor.u32 $0xD0000000, s2;
	s6 =	simm.s32 $0x108;
	_ =	swait.ge @!p0 [sflag:s8], $0x0  }
0x24: {  	s3 =	sadd.s32 $0x88, s3;
	s6 =	simm.s32 @!p1 $0x1082;
	[sflag:s4] =	ssyncset.s32 $0xFFFFF086  }
0x25: {  	[simem:s6], [sflag:s4] =	dma.local [hbm:s3], $0xF7A  }
0x26: {  	[smem:$0x3F88] =	sst s1;
	(tag) =	ssettag s2;
	_ =	strace s9  }
0x27: {  	s1 =	sld [smem:$0x3F98]  }
0x28: {  	s2 =	sld [smem:$0x3F99]  }
0x29: {  	s4 =	sld [smem:$0x3F9B]  }
0x2a: {  	p0 =	seq.s32 s5, $0x0;
	s5 =	sld [smem:$0x3F9C]  }
0x2b: {  	s6 =	sld [smem:$0x3F9D]  }
0x2c: {  	s7 =	sld [smem:$0x3F9E]  }
0x2d: {  	s3 =	simm.s32 $0x108;
	s8 =	sld [smem:$0x3F9F]  }
0x2e: {  	s3 =	simm.s32 @!p0 $0x1082;
	s9 =	sld [smem:$0x3FA0]  }
0x2f: {  	lr =	sadd.s32 s0, s3;
	s0 =	sld [smem:$0x3F97]  }
0x30: {  	s3 =	sld [smem:$0x3F9A]  }
0x31: {  	[smem:$0x3FA3] =	sst s10  }
0x32: {  	s10 =	sld [smem:$0x3FA1];
	_ =	sdelay $0x3  }
0x33: {  	p0 =	seq.s32 s10, $0x1;
	s10 =	sld [smem:$0x3FA3];
	_ =	sdelay $0x3  }
0x34: {  	[smem:$0x3FA3] =	sst s10  }
0x35: {  	s10 =	sld [smem:$0x3FA2];
	_ =	sdelay $0x3  }
0x36: {  	p1 =	seq.s32 s10, $0x1;
	s10 =	sld [smem:$0x3FA3];
	_ =	sdelay $0x3  }
0x37: {  	[smem:$0x3FA3] =	sst s10  }
0x38: {  	s10 =	sld [smem:$0x3FA4]  }
0x39: {  	_ = 	snop;
	(pc) =	sbr.ind lr, $3  }
0x3a: {  	_ = 	snop  }
0x3b: {  	_ = 	snop  }
0x3c: {  	p2 =	seq.s32 s10, $0x1;
	s10 =	sld [smem:$0x3FA3]  }
0x3d: {  	_ =	shalt  }
0x3e: {  	_ =	shalt  }
0x3f: {  	_ =	shalt  }
0x40: {  	_ =	shalt  }
0x41: {  	_ =	shalt  }
0x42: {  	_ =	shalt  }
0x43: {  	_ =	shalt  }
0x44: {  	_ =	shalt  }
0x45: {  	_ =	shalt  }
0x46: {  	_ =	shalt  }
0x47: {  	_ =	shalt  }
0x48: {  	_ =	shalt  }
0x49: {  	_ =	shalt  }
0x4a: {  	_ =	shalt  }
0x4b: {  	_ =	shalt  }
0x4c: {  	_ =	shalt  }
0x4d: {  	_ =	shalt  }
0x4e: {  	_ =	shalt  }
0x4f: {  	_ =	shalt  }
0x50: {  	_ =	shalt  }
0x51: {  	_ =	shalt  }
0x52: {  	_ =	shalt  }
0x53: {  	_ =	shalt  }
0x54: {  	_ =	shalt  }
0x55: {  	_ =	shalt  }
0x56: {  	_ =	shalt  }
0x57: {  	_ =	shalt  }
0x58: {  	_ =	shalt  }
0x59: {  	_ =	shalt  }
0x5a: {  	_ =	shalt  }
0x5b: {  	_ =	shalt  }
0x5c: {  	_ =	shalt  }
0x5d: {  	_ =	shalt  }
0x5e: {  	_ =	shalt  }
0x5f: {  	_ =	shalt  }
0x60: {  	_ =	shalt  }
0x61: {  	_ =	shalt  }
0x62: {  	_ =	shalt  }
0x63: {  	_ =	shalt  }
0x64: {  	_ =	shalt  }
0x65: {  	_ =	shalt  }
0x66: {  	_ =	shalt  }
0x67: {  	_ =	shalt  }
0x68: {  	_ =	shalt  }
0x69: {  	_ =	shalt  }
0x6a: {  	_ =	shalt  }
0x6b: {  	_ =	shalt  }
0x6c: {  	_ =	shalt  }
0x6d: {  	_ =	shalt  }
0x6e: {  	_ =	shalt  }
0x6f: {  	_ =	shalt  }
0x70: {  	_ =	shalt  }
0x71: {  	_ =	shalt  }
0x72: {  	_ =	shalt  }
0x73: {  	_ =	shalt  }
0x74: {  	_ =	shalt  }
0x75: {  	_ =	shalt  }
0x76: {  	_ =	shalt  }
0x77: {  	_ =	shalt  }
0x78: {  	_ =	shalt  }
0x79: {  	_ =	shalt  }
0x7a: {  	_ =	shalt  }
0x7b: {  	_ =	shalt  }
0x7c: {  	_ =	shalt  }
0x7d: {  	_ =	shalt  }
0x7e: {  	_ =	shalt  }
0x7f: {  	_ =	shalt  }
0x80: {  	_ =	shalt  }
0x81: {  	_ =	shalt  }
0x82: {  	_ =	shalt  }
0x83: {  	_ =	shalt  }
0x84: {  	_ =	shalt  }
0x85: {  	_ =	shalt  }
0x86: {  	_ =	shalt  }
0x87: {  	_ =	shalt  }
.Lfunc_end0:
.L_simem_size_0:
called_computation.2_lowered:
.L_overlay_start_0:
0x88: {  	s2 =	sld [smem:$0x3FD9]  }
0x89: {  	s3 =	sld [smem:$0x3FFE];
	_ =	sdelay $0x1  }
0x8a: {  	s1 =	srdreg.scid  }
0x8b: {  	s0 =	sand.u32 $0x1, s1  }
0x8c: {  	s16 =	sshll.u32 s0, $0xA;
	s2 =	sadd.s32 s3, s2  }
0x8d: {  	s2 =	sadd.s32 s2, s16  }
0x8e: {  	[smem:$0x3FAF] =	sst s2  }
0x8f: {  	_ = 	snop  }
0x90: {  	(tm) =	ssettm $0x1  }
0x91: {  	s17 =	sld [smem:$0x3FFB];
	_ =	sdelay $0x3  }
0x92: {  	_ =	strace s17  }
0x93: {  	s2 =	sld [smem:$0x3FFC];
	_ =	sdelay $0x3  }
0x94: {  	_ =	strace s2  }
0x95: {  	s2 =	sld [smem:$0x3FFD];
	_ =	sdelay $0x3  }
0x96: {  	_ =	strace s2  }
0x97: {  	_ =	strace $0x8FFFFFFF  }
0x98: {  	s18 =	sld [smem:$0x3FDB];
	_ =	sdelay $0x1  }
0x99: {  	s19 =	simm.s32 $_scs_section_size  }
0x9a: {  	s4 =	simm.s32 $_size__tile_overlayer_lowered;
	s5 =	simm.s32 $_tile_overlayer_lowered  }
0x9b: {  	s22 =	simm.s32 $0x1BFF;
	s21 =	sshll.u32 s5, $0x1;
	s2 =	sadd.s32 s19, s18  }
0x9c: {  	s6 =	simm.s32 $0x0;
	s20 =	sshll.u32 s4, $0x1;
	s4 =	sadd.s32 s21, s2  }
0x9d: {  	[timem:s6], [sflag:s22] =	dma.local [hbm:s4], s20  }
0x9e: {  	_ =	swait.ge [sflag:s22], s20  }
0x9f: {  	s3 =	ssub.s32 $0x0, s20;
	[sflag:s22] =	ssyncset.done $0x0  }
0xa0: {  	[sflag:s22] =	ssyncadd.s32 s3;
	_ =	sdelay $0x1  }
0xa1: {  	s23 =	simm.s32 $0x1B8B  }
0xa2: {  	_ =	swait.ge [sflag:s23], $0x1  }
0xa3: {  	[sflag:s23] =	ssyncset.done $0x0  }
0xa4: {  	s25 =	simm.s32 $0x1B8E;
	s24 =	sld [smem:$0x3FFE];
	[sflag:s23] =	ssyncadd.s32 $0xFFFFFFFF  }
0xa5: {  	s26 =	simm.s32 $execute0_lowered;
	[smem:$0x3FD2] =	sst s25  }
0xa6: {  	s4 =	sshll.u32 s26, $0x1;
	_ =	strace $0x8000004C;
	[dreg:$0x1] =	wrdreg $0xFFFFFFFF  }
0xa7: {  	s28 =	simm.s32 $_size_execute0_lowered;
	s2 =	sadd.s32 s2, s4;
	[dreg:$0x0] =	wrdreg $0x0  }
0xa8: {  	s4 =	sshll.u32 s28, $0x1;
	[dreg:$0x2] =	wrdreg s2  }
0xa9: {  	[dreg:$0x3] =	wrdreg s4  }
0xaa: {  	[dreg:$0x4] =	wrdreg $0xC0  }
0xab: {  	_ =	task [dreg:s6], $0x5FFFF  }
0xac: {  	[dreg:$0x1] =	wrdreg $0xFFFFFFFF  }
0xad: {  	[dreg:$0x0] =	wrdreg $0x60  }
0xae: {  	[dreg:$0x2] =	wrdreg s24  }
0xaf: {  	[dreg:$0x3] =	wrdreg $0x90000  }
0xb0: {  	[dreg:$0x4] =	wrdreg $0x12C400  }
0xb1: {  	[dreg:$0x5] =	wrdreg $0x9  }
0xb2: {  	_ =	task.clear_ibuf [dreg:s6], $0x6FFFF;
	_ =	strace $0x9000004C  }
0xb3: {  	s29 =	simm.s32 $0x9;
	_ =	strace $0x8000004E  }
0xb4: {  	_ =	swait.ge [sflag:s29], $0x1  }
0xb5: {  	[sflag:s29] =	ssyncadd.s32 $0xFFFFFFFF  }
0xb6: {  	_ =	strace $0x9000004E  }
0xb7: {  	_ =	sfence  }
0xb8: {  	s30 =	sld [smem:$0x0];
	_ =	sdelay $0x2  }
0xb9: {  	s31 =	sshll.u32 s1, $0xD;
	s1 =	sshrl.u32 s1, $0x2  }
0xba: {  	s3 =	sand.u32 $0x4000, s31;
	s1 =	sadd.s32 s1, s30  }
0xbb: {  	s0 =	sor.u32 s3, s0;
	s1 =	sshll.u32 s1, $0x11  }
0xbc: {  	s0 =	sor.u32 s1, s0  }
0xbd: {  	s0 =	sadd.s32 $0x8F2B, s0  }
0xbe: {  	[sflag:s0] =	ssyncadd.remote.s32 $0x1  }
0xbf: {  	_ =	sfence.sel $0xFFFF  }
0xc0: {  	[dreg:$0x0] =	wrdreg $0xFFFFFFFF;
	(pc) =	sbr.abs _section_cstart, $3  }
0xc1: {  	[dreg:$0x1] =	wrdreg $0xFFFFFFFF  }
0xc2: {  	_ =	task.clear_ibuf [dreg:s6], $0x2FFFF;
	_ =	strace $0x9FFFFFFF  }
0xc3: {  	(tm) =	ssettm $0x7FFFFFFF  }
tec
execute0_lowered:
.L_overlay_start_1:
0x0: {  	(tag) =	ssettag $0x1  }
0x1: {  	s0 =	rddreg [dreg:$0x0]  }
0x2: {  	s1 =	rddreg [dreg:$0x1]  }
0x3: {  	s2 =	rddreg [dreg:$0x2];
	s3 =	srdreg.scid;
	s4 =	simm.s32 $0x0  }
0x4: {  	s9 =	stileid.u32;
	s12 =	simm.s32 $0x4;
	s14 =	simm.s32 $0x800  }
0x5: {  	s15 =	simm.s32 $0x3;
	s16 =	simm.s32 $0x100;
	s17 =	simm.s32 $0x1000  }
0x6: {  	s18 =	simm.s32 $0x5000;
	s19 =	simm.s32 $0x1;
	s20 =	simm.s32 $0x200  }
0x7: {  	s28 =	simm.s32 $0x500;
	s29 =	simm.s32 $0xC00;
	s6 =	smul.u32 $0x271, s9  }
0x8: {  	s30 =	simm.s32 $0x600;
	s31 =	simm.s32 $0xD00;
	s7 =	smul.u32 $0xA00, s9  }
0x9: {  	s3 =	sand.u32 $0x1, s3;
	[smem:$0x7FF] =	sst s4;
	s8 =	smul.u32 $0x9C40, s9  }
0xa: {  	s24 =	sshll.u32 s9, $0x6;
	s5 =	smul.u32 $0x2710, s3;
	s3 =	ssub.s32 $0x2, s3  }
0xb: {  	_ =	strace $0x8000004D;
	s21 =	sshrl.u32 s3, $0x1;
	s7 =	sadd.s32 s7, s0  }
0xc: {  	s22 =	sadd.s32 s8, s1;
	s8 =	sadd.s32 s8, s2;
	s5 =	sadd.s32 s6, s5  }
0xd: {  	s3 =	ssub.s32 s3, s21;
	s6 =	sor.u32 $0x1C04, s24;
	s9 =	sadd.s32 $0x4600, s7  }
0xe: {  	s10 =	sadd.s32 $0xF200, s7;
	s26 =	sshrl.u32 s22, $0x3;
	s11 =	sshrl.u32 s8, $0x3  }
0xf: {  	s21 =	simm.s32 $0x2;
	s22 =	simm.s32 $0x900;
	s24 =	simm.s32 $0xA00  }
0x10: {  	s7 =	simm.s32 $0xF00;
	s8 =	simm.s32 $0x0;
	[dreg:$0x8] =	wrdreg s26  }
0x11: {  	s5 =	sshll.u32 s5, $0x3;
	s25 =	smax.u32 s3, $0x1;
	[dreg:$0x5] =	wrdreg s6  }
0x12: {  	s26 =	simm.s32 $0xB00;
	[dreg:$0x9] =	wrdreg s11;
	s0 =	sadd.s32 s5, s0  }
0x13: {  	s3 =	simm.s32 $0xE00;
	[dreg:$0x7] =	wrdreg s25;
	s23 =	sadd.s32 $0x19200, s0  }
0x14: {  	s25 =	simm.s32 $0x400;
	s0 =	sadd.s32 $0x40400, s0;
	[dreg:$0x4] =	wrdreg s23  }
0x15: {  	[dreg:$0x6] =	wrdreg s0;
	s23 =	simm.s32 $0x300;
	s0 =	simm.s32 $0x700  }
.LBB2_1:
0x16: {  	[dreg:$0xa] =	wrdreg s8  }
0x17: {  	s5 =	rddreg [dreg:$0x4]  }
0x18: {  	s13 =	rddreg [dreg:$0x8]  }
0x19: {  	[spmem:s13], [sflag:s6] =	dma.local [hbm:s5], $0x1388  }
0x1a: {  	_ =	swait.ge [sflag:s12], $0x1388  }
0x1b: {  	[sflag:s12] =	ssyncset.done $0x0  }
0x1c: {  	[sflag:s12] =	ssyncadd.s32 $0xFFFFEC78  }
0x1d: {  	[spmem:s11], [sflag:s6] =	dma.local [hbm:s5], $0x1388  }
0x1e: {  	_ =	swait.ge [sflag:s12], $0x1388  }
0x1f: {  	[sflag:s12] =	ssyncset.done $0x0  }
0x20: {  	[sflag:s12] =	ssyncadd.s32 $0xFFFFEC78  }
0x21: {  	s11 =	sadd.s32 $0x0, s10;
	[bflag:$0x0] =	sbarrier.arrive $0xFFFF  }
0x22: {  	[tilespmem:s4], [sflag:$0x3] =	stream.linear.gather [hbm4b:s11+s4], $0x800, $0x38;
	[tilespmem:$0x1C8A0] =	vst v63  }
0x23: {  	s13 =	sadd.s32 $0x0, s9  }
0x24: {  	[tilespmem:s14], [sflag:$0x3] =	stream.linear.gather [hbm4b:s13+s4], $0x800, $0x38;
	[tilespmem:$0x1C8A0] =	vst v63  }
0x25: {  	_ =	swait.ge [sflag:s15], $0x800  }
0x26: {  	[sflag:s15] =	ssyncset.done $0x0  }
0x27: {  	[sflag:s15] =	ssyncadd.s32 $0xFFFFF800  }
0x28: {  	_ =	swait.ge [sflag:s15], $0x800  }
0x29: {  	[sflag:s15] =	ssyncset.done $0x0  }
0x2a: {  	[sflag:s15] =	ssyncadd.s32 $0xFFFFF800  }
0x2b: {  	[tilespmem:s17], [sflag:$0x1] =	stream.indirect.gather [spmem:s1], $0x40, s4, s16, $0xb8;
	[tilespmem:$0x1C8A0] =	vst v63  }
0x2c: {  	_ = 	snop  }
0x2d: {  	[tilespmem:s18], [sflag:$0x2] =	stream.indirect.gather [spmem:s1], $0x40, s16, s16, $0xb8;
	[tilespmem:$0x1C8A0] =	vst v63  }
0x2e: {  	_ =	swait.ge [sflag:s19], $0x4000  }
0x2f: {  	[sflag:s19] =	ssyncset.done $0x0  }
0x30: {  	[sflag:s19] =	ssyncadd.s32 $0xFFFFC000  }
0x31: {  	[spmem:s2] =	stream.indirect.scatter.add.f32 [tilespmem:s17], [sflag:$0x4], $0x40, s14, s16, $0xb8;
	[tilespmem:$0x1C8A0] =	vst v63  }
0x32: {  	_ =	swait.ge [sflag:s12], $0x4000  }
0x33: {  	[sflag:s12] =	ssyncset.done $0x0  }
0x34: {  	[sflag:s12] =	ssyncadd.s32 $0xFFFFC000  }
0x35: {  	[tilespmem:s17], [sflag:$0x1] =	stream.indirect.gather [spmem:s1], $0x40, s20, s16, $0xb8;
	[tilespmem:$0x1C8A0] =	vst v63  }
0x36: {  	_ =	swait.ge [sflag:s21], $0x4000  }
0x37: {  	[sflag:s21] =	ssyncset.done $0x0  }
0x38: {  	[sflag:s21] =	ssyncadd.s32 $0xFFFFC000  }
0x39: {  	[spmem:s2] =	stream.indirect.scatter.add.f32 [tilespmem:s18], [sflag:$0x4], $0x40, s22, s16, $0xb8;
	[tilespmem:$0x1C8A0] =	vst v63  }
0x3a: {  	_ =	swait.ge [sflag:s12], $0x4000  }
0x3b: {  	[sflag:s12] =	ssyncset.done $0x0  }
0x3c: {  	[sflag:s12] =	ssyncadd.s32 $0xFFFFC000  }
0x3d: {  	[tilespmem:s18], [sflag:$0x2] =	stream.indirect.gather [spmem:s1], $0x40, s23, s16, $0xb8;
	[tilespmem:$0x1C8A0] =	vst v63  }
0x3e: {  	_ =	swait.ge [sflag:s19], $0x4000  }
0x3f: {  	[sflag:s19] =	ssyncset.done $0x0  }
0x40: {  	[sflag:s19] =	ssyncadd.s32 $0xFFFFC000  }
0x41: {  	[spmem:s2] =	stream.indirect.scatter.add.f32 [tilespmem:s17], [sflag:$0x4], $0x40, s24, s16, $0xb8;
	[tilespmem:$0x1C8A0] =	vst v63  }
0x42: {  	_ =	swait.ge [sflag:s12], $0x4000  }
0x43: {  	[sflag:s12] =	ssyncset.done $0x0  }
0x44: {  	[sflag:s12] =	ssyncadd.s32 $0xFFFFC000  }
0x45: {  	[tilespmem:s17], [sflag:$0x1] =	stream.indirect.gather [spmem:s1], $0x40, s25, s16, $0xb8;
	[tilespmem:$0x1C8A0] =	vst v63  }
0x46: {  	_ =	swait.ge [sflag:s21], $0x4000  }
0x47: {  	[sflag:s21] =	ssyncset.done $0x0  }
0x48: {  	[sflag:s21] =	ssyncadd.s32 $0xFFFFC000  }
0x49: {  	[spmem:s2] =	stream.indirect.scatter.add.f32 [tilespmem:s18], [sflag:$0x4], $0x40, s26, s16, $0xb8;
	[tilespmem:$0x1C8A0] =	vst v63  }
0x4a: {  	_ =	swait.ge [sflag:s12], $0x4000  }
0x4b: {  	[sflag:s12] =	ssyncset.done $0x0  }
0x4c: {  	[sflag:s12] =	ssyncadd.s32 $0xFFFFC000  }
0x4d: {  	[tilespmem:s18], [sflag:$0x2] =	stream.indirect.gather [spmem:s1], $0x40, s28, s16, $0xb8;
	[tilespmem:$0x1C8A0] =	vst v63  }
0x4e: {  	_ =	swait.ge [sflag:s19], $0x4000  }
0x4f: {  	[sflag:s19] =	ssyncset.done $0x0  }
0x50: {  	[sflag:s19] =	ssyncadd.s32 $0xFFFFC000  }
0x51: {  	[spmem:s2] =	stream.indirect.scatter.add.f32 [tilespmem:s17], [sflag:$0x4], $0x40, s29, s16, $0xb8;
	[tilespmem:$0x1C8A0] =	vst v63  }
0x52: {  	_ =	swait.ge [sflag:s12], $0x4000  }
0x53: {  	[sflag:s12] =	ssyncset.done $0x0  }
0x54: {  	[sflag:s12] =	ssyncadd.s32 $0xFFFFC000  }
0x55: {  	[tilespmem:s17], [sflag:$0x1] =	stream.indirect.gather [spmem:s1], $0x40, s30, s16, $0xb8;
	[tilespmem:$0x1C8A0] =	vst v63  }
0x56: {  	_ =	swait.ge [sflag:s21], $0x4000  }
0x57: {  	[sflag:s21] =	ssyncset.done $0x0  }
0x58: {  	[sflag:s21] =	ssyncadd.s32 $0xFFFFC000  }
0x59: {  	[spmem:s2] =	stream.indirect.scatter.add.f32 [tilespmem:s18], [sflag:$0x4], $0x40, s31, s16, $0xb8;
	[tilespmem:$0x1C8A0] =	vst v63  }
0x5a: {  	_ =	swait.ge [sflag:s12], $0x4000  }
0x5b: {  	[sflag:s12] =	ssyncset.done $0x0  }
0x5c: {  	[sflag:s12] =	ssyncadd.s32 $0xFFFFC000  }
0x5d: {  	[tilespmem:s18], [sflag:$0x2] =	stream.indirect.gather [spmem:s1], $0x40, s0, s16, $0xb8;
	[tilespmem:$0x1C8A0] =	vst v63  }
0x5e: {  	_ =	swait.ge [sflag:s19], $0x4000  }
0x5f: {  	[sflag:s19] =	ssyncset.done $0x0  }
0x60: {  	[sflag:s19] =	ssyncadd.s32 $0xFFFFC000  }
0x61: {  	[spmem:s2] =	stream.indirect.scatter.add.f32 [tilespmem:s17], [sflag:$0x4], $0x40, s3, s16, $0xb8;
	[tilespmem:$0x1C8A0] =	vst v63  }
0x62: {  	_ =	swait.ge [sflag:s12], $0x4000  }
0x63: {  	[sflag:s12] =	ssyncset.done $0x0  }
0x64: {  	[sflag:s12] =	ssyncadd.s32 $0xFFFFC000  }
0x65: {  	_ =	swait.ge [sflag:s21], $0x4000  }
0x66: {  	[sflag:s21] =	ssyncset.done $0x0  }
0x67: {  	[sflag:s21] =	ssyncadd.s32 $0xFFFFC000  }
0x68: {  	[spmem:s2] =	stream.indirect.scatter.add.f32 [tilespmem:s18], [sflag:$0x4], $0x40, s7, s16, $0xb8;
	[tilespmem:$0x1C8A0] =	vst v63  }
0x69: {  	_ =	swait.ge [sflag:s12], $0x4000  }
0x6a: {  	s5 =	simm.s32 $0x200;
	s11 =	simm.s32 $0x100;
	[sflag:s12] =	ssyncset.done $0x0  }
.LBB2_2:
0x6b: {  	s6 =	sadd.s32 s11, s10  }
0x6c: {  	[sflag:s12] =	ssyncadd.s32 $0xFFFFC000;
	s8 =	smov.u32 s5;
	s13 =	sadd.s32 $0x100, s5  }
0x6d: {  	[tilespmem:s4], [sflag:$0x3] =	stream.linear.gather [hbm4b:s6+s4], $0x800, $0x38;
	[tilespmem:$0x1C8A0] =	vst v63  }
0x6e: {  	p0 =	sne.s32 s5, $0x900;
	s5 =	sadd.s32 s11, s9;
	s11 =	smov.u32 s8  }
0x6f: {  	[tilespmem:s14], [sflag:$0x3] =	stream.linear.gather [hbm4b:s5+s4], $0x800, $0x38;
	[tilespmem:$0x1C8A0] =	vst v63  }
0x70: {  	_ =	swait.ge [sflag:s15], $0x800  }
0x71: {  	[sflag:s15] =	ssyncset.done $0x0  }
0x72: {  	[sflag:s15] =	ssyncadd.s32 $0xFFFFF800  }
0x73: {  	_ =	swait.ge [sflag:s15], $0x800  }
0x74: {  	[sflag:s15] =	ssyncset.done $0x0  }
0x75: {  	[sflag:s15] =	ssyncadd.s32 $0xFFFFF800  }
0x76: {  	[tilespmem:s17], [sflag:$0x1] =	stream.indirect.gather [spmem:s1], $0x40, s4, s16, $0xb8;
	[tilespmem:$0x1C8A0] =	vst v63  }
0x77: {  	_ = 	snop  }
0x78: {  	[tilespmem:s18], [sflag:$0x2] =	stream.indirect.gather [spmem:s1], $0x40, s16, s16, $0xb8;
	[tilespmem:$0x1C8A0] =	vst v63  }
0x79: {  	_ =	swait.ge [sflag:s19], $0x4000  }
0x7a: {  	[sflag:s19] =	ssyncset.done $0x0  }
0x7b: {  	[sflag:s19] =	ssyncadd.s32 $0xFFFFC000  }
0x7c: {  	[spmem:s2] =	stream.indirect.scatter.add.f32 [tilespmem:s17], [sflag:$0x4], $0x40, s14, s16, $0xb8;
	[tilespmem:$0x1C8A0] =	vst v63  }
0x7d: {  	_ =	swait.ge [sflag:s12], $0x4000  }
0x7e: {  	[sflag:s12] =	ssyncset.done $0x0  }
0x7f: {  	[sflag:s12] =	ssyncadd.s32 $0xFFFFC000  }
0x80: {  	[tilespmem:s17], [sflag:$0x1] =	stream.indirect.gather [spmem:s1], $0x40, s20, s16, $0xb8;
	[tilespmem:$0x1C8A0] =	vst v63  }
0x81: {  	_ =	swait.ge [sflag:s21], $0x4000  }
0x82: {  	[sflag:s21] =	ssyncset.done $0x0  }
0x83: {  	[sflag:s21] =	ssyncadd.s32 $0xFFFFC000  }
0x84: {  	[spmem:s2] =	stream.indirect.scatter.add.f32 [tilespmem:s18], [sflag:$0x4], $0x40, s22, s16, $0xb8;
	[tilespmem:$0x1C8A0] =	vst v63  }
0x85: {  	_ =	swait.ge [sflag:s12], $0x4000  }
0x86: {  	[sflag:s12] =	ssyncset.done $0x0  }
0x87: {  	[sflag:s12] =	ssyncadd.s32 $0xFFFFC000  }
0x88: {  	[tilespmem:s18], [sflag:$0x2] =	stream.indirect.gather [spmem:s1], $0x40, s23, s16, $0xb8;
	[tilespmem:$0x1C8A0] =	vst v63  }
0x89: {  	_ =	swait.ge [sflag:s19], $0x4000  }
0x8a: {  	[sflag:s19] =	ssyncset.done $0x0  }
0x8b: {  	[sflag:s19] =	ssyncadd.s32 $0xFFFFC000  }
0x8c: {  	[spmem:s2] =	stream.indirect.scatter.add.f32 [tilespmem:s17], [sflag:$0x4], $0x40, s24, s16, $0xb8;
	[tilespmem:$0x1C8A0] =	vst v63  }
0x8d: {  	_ =	swait.ge [sflag:s12], $0x4000  }
0x8e: {  	[sflag:s12] =	ssyncset.done $0x0  }
0x8f: {  	[sflag:s12] =	ssyncadd.s32 $0xFFFFC000  }
0x90: {  	[tilespmem:s17], [sflag:$0x1] =	stream.indirect.gather [spmem:s1], $0x40, s25, s16, $0xb8;
	[tilespmem:$0x1C8A0] =	vst v63  }
0x91: {  	_ =	swait.ge [sflag:s21], $0x4000  }
0x92: {  	[sflag:s21] =	ssyncset.done $0x0  }
0x93: {  	[sflag:s21] =	ssyncadd.s32 $0xFFFFC000  }
0x94: {  	[spmem:s2] =	stream.indirect.scatter.add.f32 [tilespmem:s18], [sflag:$0x4], $0x40, s26, s16, $0xb8;
	[tilespmem:$0x1C8A0] =	vst v63  }
0x95: {  	_ =	swait.ge [sflag:s12], $0x4000  }
0x96: {  	[sflag:s12] =	ssyncset.done $0x0  }
0x97: {  	[sflag:s12] =	ssyncadd.s32 $0xFFFFC000  }
0x98: {  	[tilespmem:s18], [sflag:$0x2] =	stream.indirect.gather [spmem:s1], $0x40, s28, s16, $0xb8;
	[tilespmem:$0x1C8A0] =	vst v63  }
0x99: {  	_ =	swait.ge [sflag:s19], $0x4000  }
0x9a: {  	[sflag:s19] =	ssyncset.done $0x0  }
0x9b: {  	[sflag:s19] =	ssyncadd.s32 $0xFFFFC000  }
0x9c: {  	[spmem:s2] =	stream.indirect.scatter.add.f32 [tilespmem:s17], [sflag:$0x4], $0x40, s29, s16, $0xb8;
	[tilespmem:$0x1C8A0] =	vst v63  }
0x9d: {  	_ =	swait.ge [sflag:s12], $0x4000  }
0x9e: {  	[sflag:s12] =	ssyncset.done $0x0  }
0x9f: {  	[sflag:s12] =	ssyncadd.s32 $0xFFFFC000  }
0xa0: {  	[tilespmem:s17], [sflag:$0x1] =	stream.indirect.gather [spmem:s1], $0x40, s30, s16, $0xb8;
	[tilespmem:$0x1C8A0] =	vst v63  }
0xa1: {  	_ =	swait.ge [sflag:s21], $0x4000  }
0xa2: {  	[sflag:s21] =	ssyncset.done $0x0  }
0xa3: {  	[sflag:s21] =	ssyncadd.s32 $0xFFFFC000  }
0xa4: {  	[spmem:s2] =	stream.indirect.scatter.add.f32 [tilespmem:s18], [sflag:$0x4], $0x40, s31, s16, $0xb8;
	[tilespmem:$0x1C8A0] =	vst v63  }
0xa5: {  	_ =	swait.ge [sflag:s12], $0x4000  }
0xa6: {  	[sflag:s12] =	ssyncset.done $0x0  }
0xa7: {  	[sflag:s12] =	ssyncadd.s32 $0xFFFFC000  }
0xa8: {  	[tilespmem:s18], [sflag:$0x2] =	stream.indirect.gather [spmem:s1], $0x40, s0, s16, $0xb8;
	[tilespmem:$0x1C8A0] =	vst v63  }
0xa9: {  	_ =	swait.ge [sflag:s19], $0x4000  }
0xaa: {  	[sflag:s19] =	ssyncset.done $0x0  }
0xab: {  	[sflag:s19] =	ssyncadd.s32 $0xFFFFC000  }
0xac: {  	[spmem:s2] =	stream.indirect.scatter.add.f32 [tilespmem:s17], [sflag:$0x4], $0x40, s3, s16, $0xb8;
	[tilespmem:$0x1C8A0] =	vst v63  }
0xad: {  	_ =	swait.ge [sflag:s12], $0x4000  }
0xae: {  	[sflag:s12] =	ssyncset.done $0x0  }
0xaf: {  	[sflag:s12] =	ssyncadd.s32 $0xFFFFC000  }
0xb0: {  	_ =	swait.ge [sflag:s21], $0x4000  }
.Ltmp0:
0xb1: {  	[sflag:s21] =	ssyncset.done $0x0;
	(pc) =	sbr.rel @p0 .LBB2_2-.Ltmp0, $4  }
0xb2: {  	[sflag:s21] =	ssyncadd.s32 $0xFFFFC000  }
0xb3: {  	[spmem:s2] =	stream.indirect.scatter.add.f32 [tilespmem:s18], [sflag:$0x4], $0x40, s7, s16, $0xb8;
	[tilespmem:$0x1C8A0] =	vst v63  }
0xb4: {  	_ =	swait.ge [sflag:s12], $0x4000  }
0xb5: {  	s5 =	smov.u32 s13;
	[sflag:s12] =	ssyncset.done $0x0  }
0xb6: {  	s5 =	sadd.s32 s11, s10;
	[sflag:s12] =	ssyncadd.s32 $0xFFFFC000  }
0xb7: {  	[tilespmem:s4], [sflag:$0x3] =	stream.linear.gather [hbm4b:s5+s4], $0x800, $0x38;
	[tilespmem:$0x1C8A0] =	vst v63  }
0xb8: {  	s6 =	sadd.s32 s11, s9  }
0xb9: {  	[tilespmem:s14], [sflag:$0x3] =	stream.linear.gather [hbm4b:s6+s4], $0x800, $0x38;
	[tilespmem:$0x1C8A0] =	vst v63  }
0xba: {  	_ =	swait.ge [sflag:s15], $0x800  }
0xbb: {  	[sflag:s15] =	ssyncset.done $0x0  }
0xbc: {  	[sflag:s15] =	ssyncadd.s32 $0xFFFFF800  }
0xbd: {  	_ =	swait.ge [sflag:s15], $0x800  }
0xbe: {  	[sflag:s15] =	ssyncset.done $0x0  }
0xbf: {  	[sflag:s15] =	ssyncadd.s32 $0xFFFFF800  }
0xc0: {  	[tilespmem:s17], [sflag:$0x1] =	stream.indirect.gather [spmem:s1], $0x40, s4, s16, $0xb8;
	[tilespmem:$0x1C8A0] =	vst v63  }
0xc1: {  	_ = 	snop  }
0xc2: {  	[tilespmem:s18], [sflag:$0x2] =	stream.indirect.gather [spmem:s1], $0x40, s16, s16, $0xb8;
	[tilespmem:$0x1C8A0] =	vst v63  }
0xc3: {  	_ =	swait.ge [sflag:s19], $0x4000  }
0xc4: {  	[sflag:s19] =	ssyncset.done $0x0  }
0xc5: {  	[sflag:s19] =	ssyncadd.s32 $0xFFFFC000  }
0xc6: {  	[spmem:s2] =	stream.indirect.scatter.add.f32 [tilespmem:s17], [sflag:$0x4], $0x40, s14, s16, $0xb8;
	[tilespmem:$0x1C8A0] =	vst v63  }
0xc7: {  	_ =	swait.ge [sflag:s12], $0x4000  }
0xc8: {  	[sflag:s12] =	ssyncset.done $0x0  }
0xc9: {  	[sflag:s12] =	ssyncadd.s32 $0xFFFFC000  }
0xca: {  	[tilespmem:s17], [sflag:$0x1] =	stream.indirect.gather [spmem:s1], $0x40, s20, s16, $0xb8;
	[tilespmem:$0x1C8A0] =	vst v63  }
0xcb: {  	_ =	swait.ge [sflag:s21], $0x4000  }
0xcc: {  	[sflag:s21] =	ssyncset.done $0x0  }
0xcd: {  	[sflag:s21] =	ssyncadd.s32 $0xFFFFC000  }
0xce: {  	[spmem:s2] =	stream.indirect.scatter.add.f32 [tilespmem:s18], [sflag:$0x4], $0x40, s22, s16, $0xb8;
	[tilespmem:$0x1C8A0] =	vst v63  }
0xcf: {  	_ =	swait.ge [sflag:s12], $0x4000  }
0xd0: {  	[sflag:s12] =	ssyncset.done $0x0  }
0xd1: {  	[sflag:s12] =	ssyncadd.s32 $0xFFFFC000  }
0xd2: {  	[tilespmem:s18], [sflag:$0x2] =	stream.indirect.gather [spmem:s1], $0x40, s23, s16, $0xb8;
	[tilespmem:$0x1C8A0] =	vst v63  }
0xd3: {  	_ =	swait.ge [sflag:s19], $0x4000  }
0xd4: {  	[sflag:s19] =	ssyncset.done $0x0  }
0xd5: {  	[sflag:s19] =	ssyncadd.s32 $0xFFFFC000  }
0xd6: {  	[spmem:s2] =	stream.indirect.scatter.add.f32 [tilespmem:s17], [sflag:$0x4], $0x40, s24, s16, $0xb8;
	[tilespmem:$0x1C8A0] =	vst v63  }
0xd7: {  	_ =	swait.ge [sflag:s12], $0x4000  }
0xd8: {  	[sflag:s12] =	ssyncset.done $0x0  }
0xd9: {  	[sflag:s12] =	ssyncadd.s32 $0xFFFFC000  }
0xda: {  	[tilespmem:s17], [sflag:$0x1] =	stream.indirect.gather [spmem:s1], $0x40, s25, s16, $0xb8;
	[tilespmem:$0x1C8A0] =	vst v63  }
0xdb: {  	_ =	swait.ge [sflag:s21], $0x4000  }
0xdc: {  	[sflag:s21] =	ssyncset.done $0x0  }
0xdd: {  	[sflag:s21] =	ssyncadd.s32 $0xFFFFC000  }
0xde: {  	[spmem:s2] =	stream.indirect.scatter.add.f32 [tilespmem:s18], [sflag:$0x4], $0x40, s26, s16, $0xb8;
	[tilespmem:$0x1C8A0] =	vst v63  }
0xdf: {  	_ =	swait.ge [sflag:s12], $0x4000  }
0xe0: {  	[sflag:s12] =	ssyncset.done $0x0  }
0xe1: {  	[sflag:s12] =	ssyncadd.s32 $0xFFFFC000  }
0xe2: {  	[tilespmem:s18], [sflag:$0x2] =	stream.indirect.gather [spmem:s1], $0x40, s28, s16, $0xb8;
	[tilespmem:$0x1C8A0] =	vst v63  }
0xe3: {  	_ =	swait.ge [sflag:s19], $0x4000  }
0xe4: {  	[sflag:s19] =	ssyncset.done $0x0  }
0xe5: {  	[sflag:s19] =	ssyncadd.s32 $0xFFFFC000  }
0xe6: {  	[spmem:s2] =	stream.indirect.scatter.add.f32 [tilespmem:s17], [sflag:$0x4], $0x40, s29, s16, $0xb8;
	[tilespmem:$0x1C8A0] =	vst v63  }
0xe7: {  	_ =	swait.ge [sflag:s12], $0x4000  }
0xe8: {  	[sflag:s12] =	ssyncset.done $0x0  }
0xe9: {  	[sflag:s12] =	ssyncadd.s32 $0xFFFFC000  }
0xea: {  	[tilespmem:s17], [sflag:$0x1] =	stream.indirect.gather [spmem:s1], $0x40, s30, s16, $0xb8;
	[tilespmem:$0x1C8A0] =	vst v63  }
0xeb: {  	_ =	swait.ge [sflag:s21], $0x4000  }
0xec: {  	[sflag:s21] =	ssyncset.done $0x0  }
0xed: {  	[sflag:s21] =	ssyncadd.s32 $0xFFFFC000  }
0xee: {  	[spmem:s2] =	stream.indirect.scatter.add.f32 [tilespmem:s18], [sflag:$0x4], $0x40, s31, s16, $0xb8;
	[tilespmem:$0x1C8A0] =	vst v63  }
0xef: {  	_ =	swait.ge [sflag:s12], $0x4000  }
0xf0: {  	[sflag:s12] =	ssyncset.done $0x0  }
0xf1: {  	[sflag:s12] =	ssyncadd.s32 $0xFFFFC000  }
0xf2: {  	[tilespmem:s18], [sflag:$0x2] =	stream.indirect.gather [spmem:s1], $0x40, s0, s16, $0xb8;
	[tilespmem:$0x1C8A0] =	vst v63  }
0xf3: {  	_ =	swait.ge [sflag:s19], $0x4000  }
0xf4: {  	[sflag:s19] =	ssyncset.done $0x0  }
0xf5: {  	[sflag:s19] =	ssyncadd.s32 $0xFFFFC000  }
0xf6: {  	[spmem:s2] =	stream.indirect.scatter.add.f32 [tilespmem:s17], [sflag:$0x4], $0x40, s3, s16, $0xb8;
	[tilespmem:$0x1C8A0] =	vst v63  }
0xf7: {  	_ =	swait.ge [sflag:s12], $0x4000  }
0xf8: {  	[sflag:s12] =	ssyncset.done $0x0  }
0xf9: {  	[sflag:s12] =	ssyncadd.s32 $0xFFFFC000  }
0xfa: {  	_ =	swait.ge [sflag:s21], $0x4000  }
0xfb: {  	[sflag:s21] =	ssyncset.done $0x0  }
0xfc: {  	[sflag:s21] =	ssyncadd.s32 $0xFFFFC000  }
0xfd: {  	[spmem:s2] =	stream.indirect.scatter.add.f32 [tilespmem:s18], [sflag:$0x4], $0x40, s7, s16, $0xb8;
	[tilespmem:$0x1C8A0] =	vst v63  }
0xfe: {  	_ =	swait.ge [sflag:s12], $0x4000  }
0xff: {  	[sflag:s12] =	ssyncset.done $0x0  }
0x100: {  	[sflag:s12] =	ssyncadd.s32 $0xFFFFC000  }
0x101: {  	[bflag:$0x0] =	sbarrier.arrive $0xFFFF  }
0x102: {  	s6 =	rddreg [dreg:$0x5]  }
0x103: {  	s8 =	rddreg [dreg:$0x6]  }
0x104: {  	s11 =	rddreg [dreg:$0x9]  }
0x105: {  	[hbm:s8], [sflag:s6] =	dma.local [spmem:s11], $0x1388  }
0x106: {  	_ =	swait.ge [sflag:s12], $0x1388  }
0x107: {  	s8 =	rddreg [dreg:$0xa]  }
0x108: {  	s13 =	rddreg [dreg:$0x7];
	s8 =	sadd.s32 $0x1, s8  }
0x109: {  	p0 =	sne.s32 s8, s13  }
.Ltmp1:
0x10a: {  	_ = 	snop;
	(pc) =	sbr.rel @p0 .LBB2_1-.Ltmp1, $3  }
0x10b: {  	_ =	sdelay $0x1  }
0x10c: {  	[sflag:s12] =	ssyncset.done $0x0  }
0x10d: {  	[sflag:s12] =	ssyncadd.s32 $0xFFFFEC78  }
0x10e: {  	_ =	sfence.sel $0x180000  }
0x10f: {  	[bflag:$0x0] =	sbarrier.arrive $0xFFFF  }
0x110: {  	_ =	strace $0x9000004D  }
0x111: {  	s0 =	stileid.u32;
	[bflag:$0x2] =	sbarrier.arrive $0xFFFF  }
0x112: {  	p0 =	sne.s32 s0, $0x0;
	s0 =	rddreg [dreg:$0x3]  }
0x113: {  	s0 =	sadd.s32 @!p0 $0x100000, s0  }
0x114: {  	[sflag:s0] =	ssyncadd.tile.s32 @!p0 $0x1;
	_ =	shalt  }
.Lfunc_end2:
_tile_overlayer_lowered:
.L_overlay_start_2:
0x115: {  	(tag) =	ssettag $0x2  }
0x116: {  	s0 =	rddreg [dreg:$0x0];
	s2 =	stileid.u32  }
0x117: {  	s1 =	rddreg [dreg:$0x1];
	p0 =	sne.s32 s2, $0x0  }
0x118: {  	s3 =	rddreg [dreg:$0x2];
	[bflag:$0x3] =	sbarrier.arrive $0xFFFF;
	s2 =	simm.s32 @!p0 $0x1C04  }
0x119: {  	[timem:s3], [sflag:s2] =	dma.local @!p0 [hbm:s0], s1  }
0x11a: {  	s0 =	simm.s32 @!p0 $0x4  }
0x11b: {  	_ =	swait.ge @!p0 [sflag:s0], s1  }
0x11c: {  	s1 =	ssub.s32 @!p0 $0x0, s1;
	[sflag:s0] =	ssyncset.done @!p0 $0x0  }
0x11d: {  	[sflag:s0] =	ssyncadd.s32 @!p0 s1  }
0x11e: {  	[bflag:$0x3] =	sbarrier.arrive $0xFFFF  }
0x11f: {  	_ =	shalt  }

// kernel: kernel.18.cloned.1.call-start
scs
__scs_entry_jumppad:
0x0: {  	(pc) =	sbr.rel $0x88, $3  }
0x1: {  	(tag) =	ssettag $0x0;
	lr =	simm.s32 $0x1  }
0x2: {  	[smem:$0x3F88] =	sst lr;
	_ =	strace $0xD0000000  }
0x3: {  	_ = 	snop  }
0x4: {  	_ = 	snop  }
0x5: {  	_ = 	snop  }
0x6: {  	_ = 	snop  }
0x7: {  	_ = 	snop  }
__scs_overlays_trampoline_lowered:
0x8: {  	[smem:$0x3F97] =	sst s0  }
0x9: {  	[smem:$0x3F98] =	sst s1  }
0xa: {  	[smem:$0x3F99] =	sst s2  }
0xb: {  	[smem:$0x3F9A] =	sst s3  }
0xc: {  	[smem:$0x3F9B] =	sst s4  }
0xd: {  	[smem:$0x3F9C] =	sst s5  }
0xe: {  	[smem:$0x3F9D] =	sst s6  }
0xf: {  	[smem:$0x3F9E] =	sst s7  }
0x10: {  	[smem:$0x3F9F] =	sst s8  }
0x11: {  	[smem:$0x3FA0] =	sst s9;
	s0 =	simm.s32 @!p0 $0x0  }
0x12: {  	s1 =	sld [smem:$0x3F86];
	s0 =	simm.s32 @p0 $0x1  }
0x13: {  	[smem:$0x3FA1] =	sst s0;
	s0 =	simm.s32 @!p1 $0x0  }
0x14: {  	s2 =	sld [smem:$0x3F85];
	s0 =	simm.s32 @p1 $0x1  }
0x15: {  	[smem:$0x3FA2] =	sst s0;
	s0 =	simm.s32 @!p2 $0x0  }
0x16: {  	s3 =	sld [smem:$0x3FDB];
	s0 =	simm.s32 @p2 $0x1  }
0x17: {  	s4 =	simm.s32 $0x1BF5;
	[smem:$0x3FA4] =	sst s0  }
0x18: {  	s0 =	sld [smem:$0x3F87];
	_ =	swait.ge [sflag:s4], $0x0  }
0x19: {  	s7 =	sld [smem:$0x3F88]  }
0x1a: {  	s8 =	sadd.s32 $0xFFFFE003, lr  }
0x1b: {  	s9 =	sadd.s32 $0xFFFFFEF7, lr;
	s5 =	simm.s32 $0xFFFFFFFF;
	p2 =	slt.u32 s8, $0xFFFFF086  }
0x1c: {  	p1 =	slt.u32 s9, $0xF7A;
	s5 =	simm.s32 @!p2 $0x0  }
0x1d: {  	s5 =	simm.s32 @p1 $0x1;
	p0 =	seq.s32 s7, s2  }
0x1e: {  	s7 =	smul.u32 @!p0 $0xF7A, s2;
	p2 =	seq.s32 @!p0 s5, $0x0  }
0x1f: {  	s9 =	smul.u32 $0xF7A, s1;
	s8 =	simm.s32 @!p0 $0x1BF5;
	p2 =	por !p2, p0  }
0x20: {  	[sflag:s8] =	ssyncset.s32 @!p0 $0xFFFFF086;
	s6 =	sadd.s32 @!p0 s3, s7;
	s7 =	simm.s32 @!p0 $0x108  }
0x21: {  	s3 =	sadd.s32 s3, s9;
	s6 =	sadd.s32 @!p0 $0x88, s6;
	s7 =	simm.s32 @p2 $0x1082  }
0x22: {  	[simem:s7], [sflag:s8] =	dma.local @!p0 [hbm:s6], $0xF7A  }
0x23: {  	s9 =	sor.u32 $0xD0000000, s2;
	s6 =	simm.s32 $0x108;
	_ =	swait.ge @!p0 [sflag:s8], $0x0  }
0x24: {  	s3 =	sadd.s32 $0x88, s3;
	s6 =	simm.s32 @!p1 $0x1082;
	[sflag:s4] =	ssyncset.s32 $0xFFFFF086  }
0x25: {  	[simem:s6], [sflag:s4] =	dma.local [hbm:s3], $0xF7A  }
0x26: {  	[smem:$0x3F88] =	sst s1;
	(tag) =	ssettag s2;
	_ =	strace s9  }
0x27: {  	s1 =	sld [smem:$0x3F98]  }
0x28: {  	s2 =	sld [smem:$0x3F99]  }
0x29: {  	s4 =	sld [smem:$0x3F9B]  }
0x2a: {  	p0 =	seq.s32 s5, $0x0;
	s5 =	sld [smem:$0x3F9C]  }
0x2b: {  	s6 =	sld [smem:$0x3F9D]  }
0x2c: {  	s7 =	sld [smem:$0x3F9E]  }
0x2d: {  	s3 =	simm.s32 $0x108;
	s8 =	sld [smem:$0x3F9F]  }
0x2e: {  	s3 =	simm.s32 @!p0 $0x1082;
	s9 =	sld [smem:$0x3FA0]  }
0x2f: {  	lr =	sadd.s32 s0, s3;
	s0 =	sld [smem:$0x3F97]  }
0x30: {  	s3 =	sld [smem:$0x3F9A]  }
0x31: {  	[smem:$0x3FA3] =	sst s10  }
0x32: {  	s10 =	sld [smem:$0x3FA1];
	_ =	sdelay $0x3  }
0x33: {  	p0 =	seq.s32 s10, $0x1;
	s10 =	sld [smem:$0x3FA3];
	_ =	sdelay $0x3  }
0x34: {  	[smem:$0x3FA3] =	sst s10  }
0x35: {  	s10 =	sld [smem:$0x3FA2];
	_ =	sdelay $0x3  }
0x36: {  	p1 =	seq.s32 s10, $0x1;
	s10 =	sld [smem:$0x3FA3];
	_ =	sdelay $0x3  }
0x37: {  	[smem:$0x3FA3] =	sst s10  }
0x38: {  	s10 =	sld [smem:$0x3FA4]  }
0x39: {  	_ = 	snop;
	(pc) =	sbr.ind lr, $3  }
0x3a: {  	_ = 	snop  }
0x3b: {  	_ = 	snop  }
0x3c: {  	p2 =	seq.s32 s10, $0x1;
	s10 =	sld [smem:$0x3FA3]  }
0x3d: {  	_ =	shalt  }
0x3e: {  	_ =	shalt  }
0x3f: {  	_ =	shalt  }
0x40: {  	_ =	shalt  }
0x41: {  	_ =	shalt  }
0x42: {  	_ =	shalt  }
0x43: {  	_ =	shalt  }
0x44: {  	_ =	shalt  }
0x45: {  	_ =	shalt  }
0x46: {  	_ =	shalt  }
0x47: {  	_ =	shalt  }
0x48: {  	_ =	shalt  }
0x49: {  	_ =	shalt  }
0x4a: {  	_ =	shalt  }
0x4b: {  	_ =	shalt  }
0x4c: {  	_ =	shalt  }
0x4d: {  	_ =	shalt  }
0x4e: {  	_ =	shalt  }
0x4f: {  	_ =	shalt  }
0x50: {  	_ =	shalt  }
0x51: {  	_ =	shalt  }
0x52: {  	_ =	shalt  }
0x53: {  	_ =	shalt  }
0x54: {  	_ =	shalt  }
0x55: {  	_ =	shalt  }
0x56: {  	_ =	shalt  }
0x57: {  	_ =	shalt  }
0x58: {  	_ =	shalt  }
0x59: {  	_ =	shalt  }
0x5a: {  	_ =	shalt  }
0x5b: {  	_ =	shalt  }
0x5c: {  	_ =	shalt  }
0x5d: {  	_ =	shalt  }
0x5e: {  	_ =	shalt  }
0x5f: {  	_ =	shalt  }
0x60: {  	_ =	shalt  }
0x61: {  	_ =	shalt  }
0x62: {  	_ =	shalt  }
0x63: {  	_ =	shalt  }
0x64: {  	_ =	shalt  }
0x65: {  	_ =	shalt  }
0x66: {  	_ =	shalt  }
0x67: {  	_ =	shalt  }
0x68: {  	_ =	shalt  }
0x69: {  	_ =	shalt  }
0x6a: {  	_ =	shalt  }
0x6b: {  	_ =	shalt  }
0x6c: {  	_ =	shalt  }
0x6d: {  	_ =	shalt  }
0x6e: {  	_ =	shalt  }
0x6f: {  	_ =	shalt  }
0x70: {  	_ =	shalt  }
0x71: {  	_ =	shalt  }
0x72: {  	_ =	shalt  }
0x73: {  	_ =	shalt  }
0x74: {  	_ =	shalt  }
0x75: {  	_ =	shalt  }
0x76: {  	_ =	shalt  }
0x77: {  	_ =	shalt  }
0x78: {  	_ =	shalt  }
0x79: {  	_ =	shalt  }
0x7a: {  	_ =	shalt  }
0x7b: {  	_ =	shalt  }
0x7c: {  	_ =	shalt  }
0x7d: {  	_ =	shalt  }
0x7e: {  	_ =	shalt  }
0x7f: {  	_ =	shalt  }
0x80: {  	_ =	shalt  }
0x81: {  	_ =	shalt  }
0x82: {  	_ =	shalt  }
0x83: {  	_ =	shalt  }
0x84: {  	_ =	shalt  }
0x85: {  	_ =	shalt  }
0x86: {  	_ =	shalt  }
0x87: {  	_ =	shalt  }
.Lfunc_end0:
.L_simem_size_0:
called_computation.3_lowered:
.L_overlay_start_0:
0x88: {  	s2 =	sld [smem:$0x3FD9]  }
0x89: {  	s3 =	sld [smem:$0x3FFE];
	_ =	sdelay $0x1  }
0x8a: {  	s1 =	srdreg.scid  }
0x8b: {  	s0 =	sand.u32 $0x1, s1  }
0x8c: {  	s16 =	sshll.u32 s0, $0xA;
	s2 =	sadd.s32 s3, s2  }
0x8d: {  	s2 =	sadd.s32 s2, s16  }
0x8e: {  	[smem:$0x3FAF] =	sst s2  }
0x8f: {  	_ = 	snop  }
0x90: {  	(tm) =	ssettm $0x1  }
0x91: {  	s17 =	sld [smem:$0x3FFB];
	_ =	sdelay $0x3  }
0x92: {  	_ =	strace s17  }
0x93: {  	s2 =	sld [smem:$0x3FFC];
	_ =	sdelay $0x3  }
0x94: {  	_ =	strace s2  }
0x95: {  	s2 =	sld [smem:$0x3FFD];
	_ =	sdelay $0x3  }
0x96: {  	_ =	strace s2  }
0x97: {  	_ =	strace $0x8FFFFFFF  }
0x98: {  	s18 =	sld [smem:$0x3FDB];
	_ =	sdelay $0x1  }
0x99: {  	s19 =	simm.s32 $_scs_section_size  }
0x9a: {  	s4 =	simm.s32 $_size__tile_overlayer_lowered;
	s5 =	simm.s32 $_tile_overlayer_lowered  }
0x9b: {  	s22 =	simm.s32 $0x1BFF;
	s21 =	sshll.u32 s5, $0x1;
	s2 =	sadd.s32 s19, s18  }
0x9c: {  	s6 =	simm.s32 $0x0;
	s20 =	sshll.u32 s4, $0x1;
	s4 =	sadd.s32 s21, s2  }
0x9d: {  	[timem:s6], [sflag:s22] =	dma.local [hbm:s4], s20  }
0x9e: {  	_ =	swait.ge [sflag:s22], s20  }
0x9f: {  	s3 =	ssub.s32 $0x0, s20;
	[sflag:s22] =	ssyncset.done $0x0  }
0xa0: {  	[sflag:s22] =	ssyncadd.s32 s3;
	_ =	sdelay $0x1  }
0xa1: {  	s23 =	simm.s32 $0x1B8B  }
0xa2: {  	_ =	swait.ge [sflag:s23], $0x1  }
0xa3: {  	[sflag:s23] =	ssyncset.done $0x0  }
0xa4: {  	s25 =	simm.s32 $0x1B8E;
	s24 =	sld [smem:$0x3FFE];
	[sflag:s23] =	ssyncadd.s32 $0xFFFFFFFF  }
0xa5: {  	s26 =	simm.s32 $execute0_lowered;
	[smem:$0x3FD2] =	sst s25  }
0xa6: {  	s4 =	sshll.u32 s26, $0x1;
	_ =	strace $0x8000004F;
	[dreg:$0x1] =	wrdreg $0xFFFFFFFF  }
0xa7: {  	s28 =	simm.s32 $_size_execute0_lowered;
	s2 =	sadd.s32 s2, s4;
	[dreg:$0x0] =	wrdreg $0x0  }
0xa8: {  	s4 =	sshll.u32 s28, $0x1;
	[dreg:$0x2] =	wrdreg s2  }
0xa9: {  	[dreg:$0x3] =	wrdreg s4  }
0xaa: {  	[dreg:$0x4] =	wrdreg $0xC0  }
0xab: {  	_ =	task [dreg:s6], $0x5FFFF  }
0xac: {  	[dreg:$0x1] =	wrdreg $0xFFFFFFFF  }
0xad: {  	[dreg:$0x0] =	wrdreg $0x60  }
0xae: {  	[dreg:$0x2] =	wrdreg s24  }
0xaf: {  	[dreg:$0x3] =	wrdreg $0x90000  }
0xb0: {  	[dreg:$0x4] =	wrdreg $0x12C400  }
0xb1: {  	[dreg:$0x5] =	wrdreg $0x9  }
0xb2: {  	_ =	task.clear_ibuf [dreg:s6], $0x6FFFF;
	_ =	strace $0x9000004F  }
0xb3: {  	s29 =	simm.s32 $0x9;
	_ =	strace $0x80000051  }
0xb4: {  	_ =	swait.ge [sflag:s29], $0x1  }
0xb5: {  	[sflag:s29] =	ssyncadd.s32 $0xFFFFFFFF  }
0xb6: {  	_ =	strace $0x90000051  }
0xb7: {  	_ =	sfence  }
0xb8: {  	s30 =	sld [smem:$0x0];
	_ =	sdelay $0x2  }
0xb9: {  	s31 =	sshll.u32 s1, $0xD;
	s1 =	sshrl.u32 s1, $0x2  }
0xba: {  	s3 =	sand.u32 $0x4000, s31;
	s1 =	sadd.s32 s1, s30  }
0xbb: {  	s0 =	sor.u32 s3, s0;
	s1 =	sshll.u32 s1, $0x11  }
0xbc: {  	s0 =	sor.u32 s1, s0  }
0xbd: {  	s0 =	sadd.s32 $0x8F2B, s0  }
0xbe: {  	[sflag:s0] =	ssyncadd.remote.s32 $0x1  }
0xbf: {  	_ =	sfence.sel $0xFFFF  }
0xc0: {  	[dreg:$0x0] =	wrdreg $0xFFFFFFFF;
	(pc) =	sbr.abs _section_cstart, $3  }
0xc1: {  	[dreg:$0x1] =	wrdreg $0xFFFFFFFF  }
0xc2: {  	_ =	task.clear_ibuf [dreg:s6], $0x2FFFF;
	_ =	strace $0x9FFFFFFF  }
0xc3: {  	(tm) =	ssettm $0x7FFFFFFF  }
tec
execute0_lowered:
.L_overlay_start_1:
0x0: {  	(tag) =	ssettag $0x1  }
0x1: {  	s0 =	rddreg [dreg:$0x0]  }
0x2: {  	s1 =	rddreg [dreg:$0x1]  }
0x3: {  	s2 =	rddreg [dreg:$0x2];
	s3 =	srdreg.scid;
	s4 =	simm.s32 $0x0  }
0x4: {  	s9 =	stileid.u32;
	s12 =	simm.s32 $0x4;
	s14 =	simm.s32 $0x800  }
0x5: {  	s15 =	simm.s32 $0x3;
	s16 =	simm.s32 $0x100;
	s17 =	simm.s32 $0x1000  }
0x6: {  	s18 =	simm.s32 $0x5000;
	s19 =	simm.s32 $0x1;
	s20 =	simm.s32 $0x200  }
0x7: {  	s28 =	simm.s32 $0x500;
	s29 =	simm.s32 $0xC00;
	s6 =	smul.u32 $0x271, s9  }
0x8: {  	s30 =	simm.s32 $0x600;
	s31 =	simm.s32 $0xD00;
	s7 =	smul.u32 $0xA00, s9  }
0x9: {  	s3 =	sand.u32 $0x1, s3;
	[smem:$0x7FF] =	sst s4;
	s8 =	smul.u32 $0x9C40, s9  }
0xa: {  	s24 =	sshll.u32 s9, $0x6;
	s5 =	smul.u32 $0x2710, s3;
	s3 =	ssub.s32 $0x2, s3  }
0xb: {  	_ =	strace $0x80000050;
	s21 =	sshrl.u32 s3, $0x1;
	s7 =	sadd.s32 s7, s0  }
0xc: {  	s22 =	sadd.s32 s8, s1;
	s8 =	sadd.s32 s8, s2;
	s5 =	sadd.s32 s6, s5  }
0xd: {  	s3 =	ssub.s32 s3, s21;
	s6 =	sor.u32 $0x1C04, s24;
	s9 =	sadd.s32 $0x4600, s7  }
0xe: {  	s10 =	sadd.s32 $0xF200, s7;
	s26 =	sshrl.u32 s22, $0x3;
	s11 =	sshrl.u32 s8, $0x3  }
0xf: {  	s21 =	simm.s32 $0x2;
	s22 =	simm.s32 $0x900;
	s24 =	simm.s32 $0xA00  }
0x10: {  	s7 =	simm.s32 $0xF00;
	s8 =	simm.s32 $0x0;
	[dreg:$0x8] =	wrdreg s26  }
0x11: {  	s5 =	sshll.u32 s5, $0x3;
	s25 =	smax.u32 s3, $0x1;
	[dreg:$0x5] =	wrdreg s6  }
0x12: {  	s26 =	simm.s32 $0xB00;
	[dreg:$0x9] =	wrdreg s11;
	s0 =	sadd.s32 s5, s0  }
0x13: {  	s3 =	simm.s32 $0xE00;
	[dreg:$0x7] =	wrdreg s25;
	s23 =	sadd.s32 $0x19200, s0  }
0x14: {  	s25 =	simm.s32 $0x400;
	s0 =	sadd.s32 $0x40400, s0;
	[dreg:$0x4] =	wrdreg s23  }
0x15: {  	[dreg:$0x6] =	wrdreg s0;
	s23 =	simm.s32 $0x300;
	s0 =	simm.s32 $0x700  }
.LBB2_1:
0x16: {  	[dreg:$0xa] =	wrdreg s8  }
0x17: {  	s5 =	rddreg [dreg:$0x4]  }
0x18: {  	s13 =	rddreg [dreg:$0x8]  }
0x19: {  	[spmem:s13], [sflag:s6] =	dma.local [hbm:s5], $0x1388  }
0x1a: {  	_ =	swait.ge [sflag:s12], $0x1388  }
0x1b: {  	[sflag:s12] =	ssyncset.done $0x0  }
0x1c: {  	[sflag:s12] =	ssyncadd.s32 $0xFFFFEC78  }
0x1d: {  	[spmem:s11], [sflag:s6] =	dma.local [hbm:s5], $0x1388  }
0x1e: {  	_ =	swait.ge [sflag:s12], $0x1388  }
0x1f: {  	[sflag:s12] =	ssyncset.done $0x0  }
0x20: {  	[sflag:s12] =	ssyncadd.s32 $0xFFFFEC78  }
0x21: {  	s11 =	sadd.s32 $0x0, s10;
	[bflag:$0x0] =	sbarrier.arrive $0xFFFF  }
0x22: {  	[tilespmem:s4], [sflag:$0x3] =	stream.linear.gather [hbm4b:s11+s4], $0x800, $0x38;
	[tilespmem:$0x1C8A0] =	vst v63  }
0x23: {  	s13 =	sadd.s32 $0x0, s9  }
0x24: {  	[tilespmem:s14], [sflag:$0x3] =	stream.linear.gather [hbm4b:s13+s4], $0x800, $0x38;
	[tilespmem:$0x1C8A0] =	vst v63  }
0x25: {  	_ =	swait.ge [sflag:s15], $0x800  }
0x26: {  	[sflag:s15] =	ssyncset.done $0x0  }
0x27: {  	[sflag:s15] =	ssyncadd.s32 $0xFFFFF800  }
0x28: {  	_ =	swait.ge [sflag:s15], $0x800  }
0x29: {  	[sflag:s15] =	ssyncset.done $0x0  }
0x2a: {  	[sflag:s15] =	ssyncadd.s32 $0xFFFFF800  }
0x2b: {  	[tilespmem:s17], [sflag:$0x1] =	stream.indirect.gather [spmem:s1], $0x40, s4, s16, $0xb8;
	[tilespmem:$0x1C8A0] =	vst v63  }
0x2c: {  	_ = 	snop  }
0x2d: {  	[tilespmem:s18], [sflag:$0x2] =	stream.indirect.gather [spmem:s1], $0x40, s16, s16, $0xb8;
	[tilespmem:$0x1C8A0] =	vst v63  }
0x2e: {  	_ =	swait.ge [sflag:s19], $0x4000  }
0x2f: {  	[sflag:s19] =	ssyncset.done $0x0  }
0x30: {  	[sflag:s19] =	ssyncadd.s32 $0xFFFFC000  }
0x31: {  	[spmem:s2] =	stream.indirect.scatter.add.f32 [tilespmem:s17], [sflag:$0x4], $0x40, s14, s16, $0xb8;
	[tilespmem:$0x1C8A0] =	vst v63  }
0x32: {  	_ =	swait.ge [sflag:s12], $0x4000  }
0x33: {  	[sflag:s12] =	ssyncset.done $0x0  }
0x34: {  	[sflag:s12] =	ssyncadd.s32 $0xFFFFC000  }
0x35: {  	[tilespmem:s17], [sflag:$0x1] =	stream.indirect.gather [spmem:s1], $0x40, s20, s16, $0xb8;
	[tilespmem:$0x1C8A0] =	vst v63  }
0x36: {  	_ =	swait.ge [sflag:s21], $0x4000  }
0x37: {  	[sflag:s21] =	ssyncset.done $0x0  }
0x38: {  	[sflag:s21] =	ssyncadd.s32 $0xFFFFC000  }
0x39: {  	[spmem:s2] =	stream.indirect.scatter.add.f32 [tilespmem:s18], [sflag:$0x4], $0x40, s22, s16, $0xb8;
	[tilespmem:$0x1C8A0] =	vst v63  }
0x3a: {  	_ =	swait.ge [sflag:s12], $0x4000  }
0x3b: {  	[sflag:s12] =	ssyncset.done $0x0  }
0x3c: {  	[sflag:s12] =	ssyncadd.s32 $0xFFFFC000  }
0x3d: {  	[tilespmem:s18], [sflag:$0x2] =	stream.indirect.gather [spmem:s1], $0x40, s23, s16, $0xb8;
	[tilespmem:$0x1C8A0] =	vst v63  }
0x3e: {  	_ =	swait.ge [sflag:s19], $0x4000  }
0x3f: {  	[sflag:s19] =	ssyncset.done $0x0  }
0x40: {  	[sflag:s19] =	ssyncadd.s32 $0xFFFFC000  }
0x41: {  	[spmem:s2] =	stream.indirect.scatter.add.f32 [tilespmem:s17], [sflag:$0x4], $0x40, s24, s16, $0xb8;
	[tilespmem:$0x1C8A0] =	vst v63  }
0x42: {  	_ =	swait.ge [sflag:s12], $0x4000  }
0x43: {  	[sflag:s12] =	ssyncset.done $0x0  }
0x44: {  	[sflag:s12] =	ssyncadd.s32 $0xFFFFC000  }
0x45: {  	[tilespmem:s17], [sflag:$0x1] =	stream.indirect.gather [spmem:s1], $0x40, s25, s16, $0xb8;
	[tilespmem:$0x1C8A0] =	vst v63  }
0x46: {  	_ =	swait.ge [sflag:s21], $0x4000  }
0x47: {  	[sflag:s21] =	ssyncset.done $0x0  }
0x48: {  	[sflag:s21] =	ssyncadd.s32 $0xFFFFC000  }
0x49: {  	[spmem:s2] =	stream.indirect.scatter.add.f32 [tilespmem:s18], [sflag:$0x4], $0x40, s26, s16, $0xb8;
	[tilespmem:$0x1C8A0] =	vst v63  }
0x4a: {  	_ =	swait.ge [sflag:s12], $0x4000  }
0x4b: {  	[sflag:s12] =	ssyncset.done $0x0  }
0x4c: {  	[sflag:s12] =	ssyncadd.s32 $0xFFFFC000  }
0x4d: {  	[tilespmem:s18], [sflag:$0x2] =	stream.indirect.gather [spmem:s1], $0x40, s28, s16, $0xb8;
	[tilespmem:$0x1C8A0] =	vst v63  }
0x4e: {  	_ =	swait.ge [sflag:s19], $0x4000  }
0x4f: {  	[sflag:s19] =	ssyncset.done $0x0  }
0x50: {  	[sflag:s19] =	ssyncadd.s32 $0xFFFFC000  }
0x51: {  	[spmem:s2] =	stream.indirect.scatter.add.f32 [tilespmem:s17], [sflag:$0x4], $0x40, s29, s16, $0xb8;
	[tilespmem:$0x1C8A0] =	vst v63  }
0x52: {  	_ =	swait.ge [sflag:s12], $0x4000  }
0x53: {  	[sflag:s12] =	ssyncset.done $0x0  }
0x54: {  	[sflag:s12] =	ssyncadd.s32 $0xFFFFC000  }
0x55: {  	[tilespmem:s17], [sflag:$0x1] =	stream.indirect.gather [spmem:s1], $0x40, s30, s16, $0xb8;
	[tilespmem:$0x1C8A0] =	vst v63  }
0x56: {  	_ =	swait.ge [sflag:s21], $0x4000  }
0x57: {  	[sflag:s21] =	ssyncset.done $0x0  }
0x58: {  	[sflag:s21] =	ssyncadd.s32 $0xFFFFC000  }
0x59: {  	[spmem:s2] =	stream.indirect.scatter.add.f32 [tilespmem:s18], [sflag:$0x4], $0x40, s31, s16, $0xb8;
	[tilespmem:$0x1C8A0] =	vst v63  }
0x5a: {  	_ =	swait.ge [sflag:s12], $0x4000  }
0x5b: {  	[sflag:s12] =	ssyncset.done $0x0  }
0x5c: {  	[sflag:s12] =	ssyncadd.s32 $0xFFFFC000  }
0x5d: {  	[tilespmem:s18], [sflag:$0x2] =	stream.indirect.gather [spmem:s1], $0x40, s0, s16, $0xb8;
	[tilespmem:$0x1C8A0] =	vst v63  }
0x5e: {  	_ =	swait.ge [sflag:s19], $0x4000  }
0x5f: {  	[sflag:s19] =	ssyncset.done $0x0  }
0x60: {  	[sflag:s19] =	ssyncadd.s32 $0xFFFFC000  }
0x61: {  	[spmem:s2] =	stream.indirect.scatter.add.f32 [tilespmem:s17], [sflag:$0x4], $0x40, s3, s16, $0xb8;
	[tilespmem:$0x1C8A0] =	vst v63  }
0x62: {  	_ =	swait.ge [sflag:s12], $0x4000  }
0x63: {  	[sflag:s12] =	ssyncset.done $0x0  }
0x64: {  	[sflag:s12] =	ssyncadd.s32 $0xFFFFC000  }
0x65: {  	_ =	swait.ge [sflag:s21], $0x4000  }
0x66: {  	[sflag:s21] =	ssyncset.done $0x0  }
0x67: {  	[sflag:s21] =	ssyncadd.s32 $0xFFFFC000  }
0x68: {  	[spmem:s2] =	stream.indirect.scatter.add.f32 [tilespmem:s18], [sflag:$0x4], $0x40, s7, s16, $0xb8;
	[tilespmem:$0x1C8A0] =	vst v63  }
0x69: {  	_ =	swait.ge [sflag:s12], $0x4000  }
0x6a: {  	s5 =	simm.s32 $0x200;
	s11 =	simm.s32 $0x100;
	[sflag:s12] =	ssyncset.done $0x0  }
.LBB2_2:
0x6b: {  	s6 =	sadd.s32 s11, s10  }
0x6c: {  	[sflag:s12] =	ssyncadd.s32 $0xFFFFC000;
	s8 =	smov.u32 s5;
	s13 =	sadd.s32 $0x100, s5  }
0x6d: {  	[tilespmem:s4], [sflag:$0x3] =	stream.linear.gather [hbm4b:s6+s4], $0x800, $0x38;
	[tilespmem:$0x1C8A0] =	vst v63  }
0x6e: {  	p0 =	sne.s32 s5, $0x900;
	s5 =	sadd.s32 s11, s9;
	s11 =	smov.u32 s8  }
0x6f: {  	[tilespmem:s14], [sflag:$0x3] =	stream.linear.gather [hbm4b:s5+s4], $0x800, $0x38;
	[tilespmem:$0x1C8A0] =	vst v63  }
0x70: {  	_ =	swait.ge [sflag:s15], $0x800  }
0x71: {  	[sflag:s15] =	ssyncset.done $0x0  }
0x72: {  	[sflag:s15] =	ssyncadd.s32 $0xFFFFF800  }
0x73: {  	_ =	swait.ge [sflag:s15], $0x800  }
0x74: {  	[sflag:s15] =	ssyncset.done $0x0  }
0x75: {  	[sflag:s15] =	ssyncadd.s32 $0xFFFFF800  }
0x76: {  	[tilespmem:s17], [sflag:$0x1] =	stream.indirect.gather [spmem:s1], $0x40, s4, s16, $0xb8;
	[tilespmem:$0x1C8A0] =	vst v63  }
0x77: {  	_ = 	snop  }
0x78: {  	[tilespmem:s18], [sflag:$0x2] =	stream.indirect.gather [spmem:s1], $0x40, s16, s16, $0xb8;
	[tilespmem:$0x1C8A0] =	vst v63  }
0x79: {  	_ =	swait.ge [sflag:s19], $0x4000  }
0x7a: {  	[sflag:s19] =	ssyncset.done $0x0  }
0x7b: {  	[sflag:s19] =	ssyncadd.s32 $0xFFFFC000  }
0x7c: {  	[spmem:s2] =	stream.indirect.scatter.add.f32 [tilespmem:s17], [sflag:$0x4], $0x40, s14, s16, $0xb8;
	[tilespmem:$0x1C8A0] =	vst v63  }
0x7d: {  	_ =	swait.ge [sflag:s12], $0x4000  }
0x7e: {  	[sflag:s12] =	ssyncset.done $0x0  }
0x7f: {  	[sflag:s12] =	ssyncadd.s32 $0xFFFFC000  }
0x80: {  	[tilespmem:s17], [sflag:$0x1] =	stream.indirect.gather [spmem:s1], $0x40, s20, s16, $0xb8;
	[tilespmem:$0x1C8A0] =	vst v63  }
0x81: {  	_ =	swait.ge [sflag:s21], $0x4000  }
0x82: {  	[sflag:s21] =	ssyncset.done $0x0  }
0x83: {  	[sflag:s21] =	ssyncadd.s32 $0xFFFFC000  }
0x84: {  	[spmem:s2] =	stream.indirect.scatter.add.f32 [tilespmem:s18], [sflag:$0x4], $0x40, s22, s16, $0xb8;
	[tilespmem:$0x1C8A0] =	vst v63  }
0x85: {  	_ =	swait.ge [sflag:s12], $0x4000  }
0x86: {  	[sflag:s12] =	ssyncset.done $0x0  }
0x87: {  	[sflag:s12] =	ssyncadd.s32 $0xFFFFC000  }
0x88: {  	[tilespmem:s18], [sflag:$0x2] =	stream.indirect.gather [spmem:s1], $0x40, s23, s16, $0xb8;
	[tilespmem:$0x1C8A0] =	vst v63  }
0x89: {  	_ =	swait.ge [sflag:s19], $0x4000  }
0x8a: {  	[sflag:s19] =	ssyncset.done $0x0  }
0x8b: {  	[sflag:s19] =	ssyncadd.s32 $0xFFFFC000  }
0x8c: {  	[spmem:s2] =	stream.indirect.scatter.add.f32 [tilespmem:s17], [sflag:$0x4], $0x40, s24, s16, $0xb8;
	[tilespmem:$0x1C8A0] =	vst v63  }
0x8d: {  	_ =	swait.ge [sflag:s12], $0x4000  }
0x8e: {  	[sflag:s12] =	ssyncset.done $0x0  }
0x8f: {  	[sflag:s12] =	ssyncadd.s32 $0xFFFFC000  }
0x90: {  	[tilespmem:s17], [sflag:$0x1] =	stream.indirect.gather [spmem:s1], $0x40, s25, s16, $0xb8;
	[tilespmem:$0x1C8A0] =	vst v63  }
0x91: {  	_ =	swait.ge [sflag:s21], $0x4000  }
0x92: {  	[sflag:s21] =	ssyncset.done $0x0  }
0x93: {  	[sflag:s21] =	ssyncadd.s32 $0xFFFFC000  }
0x94: {  	[spmem:s2] =	stream.indirect.scatter.add.f32 [tilespmem:s18], [sflag:$0x4], $0x40, s26, s16, $0xb8;
	[tilespmem:$0x1C8A0] =	vst v63  }
0x95: {  	_ =	swait.ge [sflag:s12], $0x4000  }
0x96: {  	[sflag:s12] =	ssyncset.done $0x0  }
0x97: {  	[sflag:s12] =	ssyncadd.s32 $0xFFFFC000  }
0x98: {  	[tilespmem:s18], [sflag:$0x2] =	stream.indirect.gather [spmem:s1], $0x40, s28, s16, $0xb8;
	[tilespmem:$0x1C8A0] =	vst v63  }
0x99: {  	_ =	swait.ge [sflag:s19], $0x4000  }
0x9a: {  	[sflag:s19] =	ssyncset.done $0x0  }
0x9b: {  	[sflag:s19] =	ssyncadd.s32 $0xFFFFC000  }
0x9c: {  	[spmem:s2] =	stream.indirect.scatter.add.f32 [tilespmem:s17], [sflag:$0x4], $0x40, s29, s16, $0xb8;
	[tilespmem:$0x1C8A0] =	vst v63  }
0x9d: {  	_ =	swait.ge [sflag:s12], $0x4000  }
0x9e: {  	[sflag:s12] =	ssyncset.done $0x0  }
0x9f: {  	[sflag:s12] =	ssyncadd.s32 $0xFFFFC000  }
0xa0: {  	[tilespmem:s17], [sflag:$0x1] =	stream.indirect.gather [spmem:s1], $0x40, s30, s16, $0xb8;
	[tilespmem:$0x1C8A0] =	vst v63  }
0xa1: {  	_ =	swait.ge [sflag:s21], $0x4000  }
0xa2: {  	[sflag:s21] =	ssyncset.done $0x0  }
0xa3: {  	[sflag:s21] =	ssyncadd.s32 $0xFFFFC000  }
0xa4: {  	[spmem:s2] =	stream.indirect.scatter.add.f32 [tilespmem:s18], [sflag:$0x4], $0x40, s31, s16, $0xb8;
	[tilespmem:$0x1C8A0] =	vst v63  }
0xa5: {  	_ =	swait.ge [sflag:s12], $0x4000  }
0xa6: {  	[sflag:s12] =	ssyncset.done $0x0  }
0xa7: {  	[sflag:s12] =	ssyncadd.s32 $0xFFFFC000  }
0xa8: {  	[tilespmem:s18], [sflag:$0x2] =	stream.indirect.gather [spmem:s1], $0x40, s0, s16, $0xb8;
	[tilespmem:$0x1C8A0] =	vst v63  }
0xa9: {  	_ =	swait.ge [sflag:s19], $0x4000  }
0xaa: {  	[sflag:s19] =	ssyncset.done $0x0  }
0xab: {  	[sflag:s19] =	ssyncadd.s32 $0xFFFFC000  }
0xac: {  	[spmem:s2] =	stream.indirect.scatter.add.f32 [tilespmem:s17], [sflag:$0x4], $0x40, s3, s16, $0xb8;
	[tilespmem:$0x1C8A0] =	vst v63  }
0xad: {  	_ =	swait.ge [sflag:s12], $0x4000  }
0xae: {  	[sflag:s12] =	ssyncset.done $0x0  }
0xaf: {  	[sflag:s12] =	ssyncadd.s32 $0xFFFFC000  }
0xb0: {  	_ =	swait.ge [sflag:s21], $0x4000  }
.Ltmp0:
0xb1: {  	[sflag:s21] =	ssyncset.done $0x0;
	(pc) =	sbr.rel @p0 .LBB2_2-.Ltmp0, $4  }
0xb2: {  	[sflag:s21] =	ssyncadd.s32 $0xFFFFC000  }
0xb3: {  	[spmem:s2] =	stream.indirect.scatter.add.f32 [tilespmem:s18], [sflag:$0x4], $0x40, s7, s16, $0xb8;
	[tilespmem:$0x1C8A0] =	vst v63  }
0xb4: {  	_ =	swait.ge [sflag:s12], $0x4000  }
0xb5: {  	s5 =	smov.u32 s13;
	[sflag:s12] =	ssyncset.done $0x0  }
0xb6: {  	s5 =	sadd.s32 s11, s10;
	[sflag:s12] =	ssyncadd.s32 $0xFFFFC000  }
0xb7: {  	[tilespmem:s4], [sflag:$0x3] =	stream.linear.gather [hbm4b:s5+s4], $0x800, $0x38;
	[tilespmem:$0x1C8A0] =	vst v63  }
0xb8: {  	s6 =	sadd.s32 s11, s9  }
0xb9: {  	[tilespmem:s14], [sflag:$0x3] =	stream.linear.gather [hbm4b:s6+s4], $0x800, $0x38;
	[tilespmem:$0x1C8A0] =	vst v63  }
0xba: {  	_ =	swait.ge [sflag:s15], $0x800  }
0xbb: {  	[sflag:s15] =	ssyncset.done $0x0  }
0xbc: {  	[sflag:s15] =	ssyncadd.s32 $0xFFFFF800  }
0xbd: {  	_ =	swait.ge [sflag:s15], $0x800  }
0xbe: {  	[sflag:s15] =	ssyncset.done $0x0  }
0xbf: {  	[sflag:s15] =	ssyncadd.s32 $0xFFFFF800  }
0xc0: {  	[tilespmem:s17], [sflag:$0x1] =	stream.indirect.gather [spmem:s1], $0x40, s4, s16, $0xb8;
	[tilespmem:$0x1C8A0] =	vst v63  }
0xc1: {  	_ = 	snop  }
0xc2: {  	[tilespmem:s18], [sflag:$0x2] =	stream.indirect.gather [spmem:s1], $0x40, s16, s16, $0xb8;
	[tilespmem:$0x1C8A0] =	vst v63  }
0xc3: {  	_ =	swait.ge [sflag:s19], $0x4000  }
0xc4: {  	[sflag:s19] =	ssyncset.done $0x0  }
0xc5: {  	[sflag:s19] =	ssyncadd.s32 $0xFFFFC000  }
0xc6: {  	[spmem:s2] =	stream.indirect.scatter.add.f32 [tilespmem:s17], [sflag:$0x4], $0x40, s14, s16, $0xb8;
	[tilespmem:$0x1C8A0] =	vst v63  }
0xc7: {  	_ =	swait.ge [sflag:s12], $0x4000  }
0xc8: {  	[sflag:s12] =	ssyncset.done $0x0  }
0xc9: {  	[sflag:s12] =	ssyncadd.s32 $0xFFFFC000  }
0xca: {  	[tilespmem:s17], [sflag:$0x1] =	stream.indirect.gather [spmem:s1], $0x40, s20, s16, $0xb8;
	[tilespmem:$0x1C8A0] =	vst v63  }
0xcb: {  	_ =	swait.ge [sflag:s21], $0x4000  }
0xcc: {  	[sflag:s21] =	ssyncset.done $0x0  }
0xcd: {  	[sflag:s21] =	ssyncadd.s32 $0xFFFFC000  }
0xce: {  	[spmem:s2] =	stream.indirect.scatter.add.f32 [tilespmem:s18], [sflag:$0x4], $0x40, s22, s16, $0xb8;
	[tilespmem:$0x1C8A0] =	vst v63  }
0xcf: {  	_ =	swait.ge [sflag:s12], $0x4000  }
0xd0: {  	[sflag:s12] =	ssyncset.done $0x0  }
0xd1: {  	[sflag:s12] =	ssyncadd.s32 $0xFFFFC000  }
0xd2: {  	[tilespmem:s18], [sflag:$0x2] =	stream.indirect.gather [spmem:s1], $0x40, s23, s16, $0xb8;
	[tilespmem:$0x1C8A0] =	vst v63  }
0xd3: {  	_ =	swait.ge [sflag:s19], $0x4000  }
0xd4: {  	[sflag:s19] =	ssyncset.done $0x0  }
0xd5: {  	[sflag:s19] =	ssyncadd.s32 $0xFFFFC000  }
0xd6: {  	[spmem:s2] =	stream.indirect.scatter.add.f32 [tilespmem:s17], [sflag:$0x4], $0x40, s24, s16, $0xb8;
	[tilespmem:$0x1C8A0] =	vst v63  }
0xd7: {  	_ =	swait.ge [sflag:s12], $0x4000  }
0xd8: {  	[sflag:s12] =	ssyncset.done $0x0  }
0xd9: {  	[sflag:s12] =	ssyncadd.s32 $0xFFFFC000  }
0xda: {  	[tilespmem:s17], [sflag:$0x1] =	stream.indirect.gather [spmem:s1], $0x40, s25, s16, $0xb8;
	[tilespmem:$0x1C8A0] =	vst v63  }
0xdb: {  	_ =	swait.ge [sflag:s21], $0x4000  }
0xdc: {  	[sflag:s21] =	ssyncset.done $0x0  }
0xdd: {  	[sflag:s21] =	ssyncadd.s32 $0xFFFFC000  }
0xde: {  	[spmem:s2] =	stream.indirect.scatter.add.f32 [tilespmem:s18], [sflag:$0x4], $0x40, s26, s16, $0xb8;
	[tilespmem:$0x1C8A0] =	vst v63  }
0xdf: {  	_ =	swait.ge [sflag:s12], $0x4000  }
0xe0: {  	[sflag:s12] =	ssyncset.done $0x0  }
0xe1: {  	[sflag:s12] =	ssyncadd.s32 $0xFFFFC000  }
0xe2: {  	[tilespmem:s18], [sflag:$0x2] =	stream.indirect.gather [spmem:s1], $0x40, s28, s16, $0xb8;
	[tilespmem:$0x1C8A0] =	vst v63  }
0xe3: {  	_ =	swait.ge [sflag:s19], $0x4000  }
0xe4: {  	[sflag:s19] =	ssyncset.done $0x0  }
0xe5: {  	[sflag:s19] =	ssyncadd.s32 $0xFFFFC000  }
0xe6: {  	[spmem:s2] =	stream.indirect.scatter.add.f32 [tilespmem:s17], [sflag:$0x4], $0x40, s29, s16, $0xb8;
	[tilespmem:$0x1C8A0] =	vst v63  }
0xe7: {  	_ =	swait.ge [sflag:s12], $0x4000  }
0xe8: {  	[sflag:s12] =	ssyncset.done $0x0  }
0xe9: {  	[sflag:s12] =	ssyncadd.s32 $0xFFFFC000  }
0xea: {  	[tilespmem:s17], [sflag:$0x1] =	stream.indirect.gather [spmem:s1], $0x40, s30, s16, $0xb8;
	[tilespmem:$0x1C8A0] =	vst v63  }
0xeb: {  	_ =	swait.ge [sflag:s21], $0x4000  }
0xec: {  	[sflag:s21] =	ssyncset.done $0x0  }
0xed: {  	[sflag:s21] =	ssyncadd.s32 $0xFFFFC000  }
0xee: {  	[spmem:s2] =	stream.indirect.scatter.add.f32 [tilespmem:s18], [sflag:$0x4], $0x40, s31, s16, $0xb8;
	[tilespmem:$0x1C8A0] =	vst v63  }
0xef: {  	_ =	swait.ge [sflag:s12], $0x4000  }
0xf0: {  	[sflag:s12] =	ssyncset.done $0x0  }
0xf1: {  	[sflag:s12] =	ssyncadd.s32 $0xFFFFC000  }
0xf2: {  	[tilespmem:s18], [sflag:$0x2] =	stream.indirect.gather [spmem:s1], $0x40, s0, s16, $0xb8;
	[tilespmem:$0x1C8A0] =	vst v63  }
0xf3: {  	_ =	swait.ge [sflag:s19], $0x4000  }
0xf4: {  	[sflag:s19] =	ssyncset.done $0x0  }
0xf5: {  	[sflag:s19] =	ssyncadd.s32 $0xFFFFC000  }
0xf6: {  	[spmem:s2] =	stream.indirect.scatter.add.f32 [tilespmem:s17], [sflag:$0x4], $0x40, s3, s16, $0xb8;
	[tilespmem:$0x1C8A0] =	vst v63  }
0xf7: {  	_ =	swait.ge [sflag:s12], $0x4000  }
0xf8: {  	[sflag:s12] =	ssyncset.done $0x0  }
0xf9: {  	[sflag:s12] =	ssyncadd.s32 $0xFFFFC000  }
0xfa: {  	_ =	swait.ge [sflag:s21], $0x4000  }
0xfb: {  	[sflag:s21] =	ssyncset.done $0x0  }
0xfc: {  	[sflag:s21] =	ssyncadd.s32 $0xFFFFC000  }
0xfd: {  	[spmem:s2] =	stream.indirect.scatter.add.f32 [tilespmem:s18], [sflag:$0x4], $0x40, s7, s16, $0xb8;
	[tilespmem:$0x1C8A0] =	vst v63  }
0xfe: {  	_ =	swait.ge [sflag:s12], $0x4000  }
0xff: {  	[sflag:s12] =	ssyncset.done $0x0  }
0x100: {  	[sflag:s12] =	ssyncadd.s32 $0xFFFFC000  }
0x101: {  	[bflag:$0x0] =	sbarrier.arrive $0xFFFF  }
0x102: {  	s6 =	rddreg [dreg:$0x5]  }
0x103: {  	s8 =	rddreg [dreg:$0x6]  }
0x104: {  	s11 =	rddreg [dreg:$0x9]  }
0x105: {  	[hbm:s8], [sflag:s6] =	dma.local [spmem:s11], $0x1388  }
0x106: {  	_ =	swait.ge [sflag:s12], $0x1388  }
0x107: {  	s8 =	rddreg [dreg:$0xa]  }
0x108: {  	s13 =	rddreg [dreg:$0x7];
	s8 =	sadd.s32 $0x1, s8  }
0x109: {  	p0 =	sne.s32 s8, s13  }
.Ltmp1:
0x10a: {  	_ = 	snop;
	(pc) =	sbr.rel @p0 .LBB2_1-.Ltmp1, $3  }
0x10b: {  	_ =	sdelay $0x1  }
0x10c: {  	[sflag:s12] =	ssyncset.done $0x0  }
0x10d: {  	[sflag:s12] =	ssyncadd.s32 $0xFFFFEC78  }
0x10e: {  	_ =	sfence.sel $0x180000  }
0x10f: {  	[bflag:$0x0] =	sbarrier.arrive $0xFFFF  }
0x110: {  	_ =	strace $0x90000050  }
0x111: {  	s0 =	stileid.u32;
	[bflag:$0x2] =	sbarrier.arrive $0xFFFF  }
0x112: {  	p0 =	sne.s32 s0, $0x0;
	s0 =	rddreg [dreg:$0x3]  }
0x113: {  	s0 =	sadd.s32 @!p0 $0x100000, s0  }
0x114: {  	[sflag:s0] =	ssyncadd.tile.s32 @!p0 $0x1;
	_ =	shalt  }
.Lfunc_end2:
_tile_overlayer_lowered:
.L_overlay_start_2:
0x115: {  	(tag) =	ssettag $0x2  }
0x116: {  	s0 =	rddreg [dreg:$0x0];
	s2 =	stileid.u32  }
0x117: {  	s1 =	rddreg [dreg:$0x1];
	p0 =	sne.s32 s2, $0x0  }
0x118: {  	s3 =	rddreg [dreg:$0x2];
	[bflag:$0x3] =	sbarrier.arrive $0xFFFF;
	s2 =	simm.s32 @!p0 $0x1C04  }
0x119: {  	[timem:s3], [sflag:s2] =	dma.local @!p0 [hbm:s0], s1  }
0x11a: {  	s0 =	simm.s32 @!p0 $0x4  }
0x11b: {  	_ =	swait.ge @!p0 [sflag:s0], s1  }
0x11c: {  	s1 =	ssub.s32 @!p0 $0x0, s1;
	[sflag:s0] =	ssyncset.done @!p0 $0x0  }
0x11d: {  	[sflag:s0] =	ssyncadd.s32 @!p0 s1  }
0x11e: {  	[bflag:$0x3] =	sbarrier.arrive $0xFFFF  }
0x11f: {  	_ =	shalt  }

// kernel: kernel.21.cloned.1.call-start
scs
__scs_entry_jumppad:
0x0: {  	(pc) =	sbr.rel $0x88, $3  }
0x1: {  	(tag) =	ssettag $0x0;
	lr =	simm.s32 $0x1  }
0x2: {  	[smem:$0x3F88] =	sst lr;
	_ =	strace $0xD0000000  }
0x3: {  	_ = 	snop  }
0x4: {  	_ = 	snop  }
0x5: {  	_ = 	snop  }
0x6: {  	_ = 	snop  }
0x7: {  	_ = 	snop  }
__scs_overlays_trampoline_lowered:
0x8: {  	[smem:$0x3F97] =	sst s0  }
0x9: {  	[smem:$0x3F98] =	sst s1  }
0xa: {  	[smem:$0x3F99] =	sst s2  }
0xb: {  	[smem:$0x3F9A] =	sst s3  }
0xc: {  	[smem:$0x3F9B] =	sst s4  }
0xd: {  	[smem:$0x3F9C] =	sst s5  }
0xe: {  	[smem:$0x3F9D] =	sst s6  }
0xf: {  	[smem:$0x3F9E] =	sst s7  }
0x10: {  	[smem:$0x3F9F] =	sst s8  }
0x11: {  	[smem:$0x3FA0] =	sst s9;
	s0 =	simm.s32 @!p0 $0x0  }
0x12: {  	s1 =	sld [smem:$0x3F86];
	s0 =	simm.s32 @p0 $0x1  }
0x13: {  	[smem:$0x3FA1] =	sst s0;
	s0 =	simm.s32 @!p1 $0x0  }
0x14: {  	s2 =	sld [smem:$0x3F85];
	s0 =	simm.s32 @p1 $0x1  }
0x15: {  	[smem:$0x3FA2] =	sst s0;
	s0 =	simm.s32 @!p2 $0x0  }
0x16: {  	s3 =	sld [smem:$0x3FDB];
	s0 =	simm.s32 @p2 $0x1  }
0x17: {  	s4 =	simm.s32 $0x1BF5;
	[smem:$0x3FA4] =	sst s0  }
0x18: {  	s0 =	sld [smem:$0x3F87];
	_ =	swait.ge [sflag:s4], $0x0  }
0x19: {  	s7 =	sld [smem:$0x3F88]  }
0x1a: {  	s8 =	sadd.s32 $0xFFFFE003, lr  }
0x1b: {  	s9 =	sadd.s32 $0xFFFFFEF7, lr;
	s5 =	simm.s32 $0xFFFFFFFF;
	p2 =	slt.u32 s8, $0xFFFFF086  }
0x1c: {  	p1 =	slt.u32 s9, $0xF7A;
	s5 =	simm.s32 @!p2 $0x0  }
0x1d: {  	s5 =	simm.s32 @p1 $0x1;
	p0 =	seq.s32 s7, s2  }
0x1e: {  	s7 =	smul.u32 @!p0 $0xF7A, s2;
	p2 =	seq.s32 @!p0 s5, $0x0  }
0x1f: {  	s9 =	smul.u32 $0xF7A, s1;
	s8 =	simm.s32 @!p0 $0x1BF5;
	p2 =	por !p2, p0  }
0x20: {  	[sflag:s8] =	ssyncset.s32 @!p0 $0xFFFFF086;
	s6 =	sadd.s32 @!p0 s3, s7;
	s7 =	simm.s32 @!p0 $0x108  }
0x21: {  	s3 =	sadd.s32 s3, s9;
	s6 =	sadd.s32 @!p0 $0x88, s6;
	s7 =	simm.s32 @p2 $0x1082  }
0x22: {  	[simem:s7], [sflag:s8] =	dma.local @!p0 [hbm:s6], $0xF7A  }
0x23: {  	s9 =	sor.u32 $0xD0000000, s2;
	s6 =	simm.s32 $0x108;
	_ =	swait.ge @!p0 [sflag:s8], $0x0  }
0x24: {  	s3 =	sadd.s32 $0x88, s3;
	s6 =	simm.s32 @!p1 $0x1082;
	[sflag:s4] =	ssyncset.s32 $0xFFFFF086  }
0x25: {  	[simem:s6], [sflag:s4] =	dma.local [hbm:s3], $0xF7A  }
0x26: {  	[smem:$0x3F88] =	sst s1;
	(tag) =	ssettag s2;
	_ =	strace s9  }
0x27: {  	s1 =	sld [smem:$0x3F98]  }
0x28: {  	s2 =	sld [smem:$0x3F99]  }
0x29: {  	s4 =	sld [smem:$0x3F9B]  }
0x2a: {  	p0 =	seq.s32 s5, $0x0;
	s5 =	sld [smem:$0x3F9C]  }
0x2b: {  	s6 =	sld [smem:$0x3F9D]  }
0x2c: {  	s7 =	sld [smem:$0x3F9E]  }
0x2d: {  	s3 =	simm.s32 $0x108;
	s8 =	sld [smem:$0x3F9F]  }
0x2e: {  	s3 =	simm.s32 @!p0 $0x1082;
	s9 =	sld [smem:$0x3FA0]  }
0x2f: {  	lr =	sadd.s32 s0, s3;
	s0 =	sld [smem:$0x3F97]  }
0x30: {  	s3 =	sld [smem:$0x3F9A]  }
0x31: {  	[smem:$0x3FA3] =	sst s10  }
0x32: {  	s10 =	sld [smem:$0x3FA1];
	_ =	sdelay $0x3  }
0x33: {  	p0 =	seq.s32 s10, $0x1;
	s10 =	sld [smem:$0x3FA3];
	_ =	sdelay $0x3  }
0x34: {  	[smem:$0x3FA3] =	sst s10  }
0x35: {  	s10 =	sld [smem:$0x3FA2];
	_ =	sdelay $0x3  }
0x36: {  	p1 =	seq.s32 s10, $0x1;
	s10 =	sld [smem:$0x3FA3];
	_ =	sdelay $0x3  }
0x37: {  	[smem:$0x3FA3] =	sst s10  }
0x38: {  	s10 =	sld [smem:$0x3FA4]  }
0x39: {  	_ = 	snop;
	(pc) =	sbr.ind lr, $3  }
0x3a: {  	_ = 	snop  }
0x3b: {  	_ = 	snop  }
0x3c: {  	p2 =	seq.s32 s10, $0x1;
	s10 =	sld [smem:$0x3FA3]  }
0x3d: {  	_ =	shalt  }
0x3e: {  	_ =	shalt  }
0x3f: {  	_ =	shalt  }
0x40: {  	_ =	shalt  }
0x41: {  	_ =	shalt  }
0x42: {  	_ =	shalt  }
0x43: {  	_ =	shalt  }
0x44: {  	_ =	shalt  }
0x45: {  	_ =	shalt  }
0x46: {  	_ =	shalt  }
0x47: {  	_ =	shalt  }
0x48: {  	_ =	shalt  }
0x49: {  	_ =	shalt  }
0x4a: {  	_ =	shalt  }
0x4b: {  	_ =	shalt  }
0x4c: {  	_ =	shalt  }
0x4d: {  	_ =	shalt  }
0x4e: {  	_ =	shalt  }
0x4f: {  	_ =	shalt  }
0x50: {  	_ =	shalt  }
0x51: {  	_ =	shalt  }
0x52: {  	_ =	shalt  }
0x53: {  	_ =	shalt  }
0x54: {  	_ =	shalt  }
0x55: {  	_ =	shalt  }
0x56: {  	_ =	shalt  }
0x57: {  	_ =	shalt  }
0x58: {  	_ =	shalt  }
0x59: {  	_ =	shalt  }
0x5a: {  	_ =	shalt  }
0x5b: {  	_ =	shalt  }
0x5c: {  	_ =	shalt  }
0x5d: {  	_ =	shalt  }
0x5e: {  	_ =	shalt  }
0x5f: {  	_ =	shalt  }
0x60: {  	_ =	shalt  }
0x61: {  	_ =	shalt  }
0x62: {  	_ =	shalt  }
0x63: {  	_ =	shalt  }
0x64: {  	_ =	shalt  }
0x65: {  	_ =	shalt  }
0x66: {  	_ =	shalt  }
0x67: {  	_ =	shalt  }
0x68: {  	_ =	shalt  }
0x69: {  	_ =	shalt  }
0x6a: {  	_ =	shalt  }
0x6b: {  	_ =	shalt  }
0x6c: {  	_ =	shalt  }
0x6d: {  	_ =	shalt  }
0x6e: {  	_ =	shalt  }
0x6f: {  	_ =	shalt  }
0x70: {  	_ =	shalt  }
0x71: {  	_ =	shalt  }
0x72: {  	_ =	shalt  }
0x73: {  	_ =	shalt  }
0x74: {  	_ =	shalt  }
0x75: {  	_ =	shalt  }
0x76: {  	_ =	shalt  }
0x77: {  	_ =	shalt  }
0x78: {  	_ =	shalt  }
0x79: {  	_ =	shalt  }
0x7a: {  	_ =	shalt  }
0x7b: {  	_ =	shalt  }
0x7c: {  	_ =	shalt  }
0x7d: {  	_ =	shalt  }
0x7e: {  	_ =	shalt  }
0x7f: {  	_ =	shalt  }
0x80: {  	_ =	shalt  }
0x81: {  	_ =	shalt  }
0x82: {  	_ =	shalt  }
0x83: {  	_ =	shalt  }
0x84: {  	_ =	shalt  }
0x85: {  	_ =	shalt  }
0x86: {  	_ =	shalt  }
0x87: {  	_ =	shalt  }
.Lfunc_end0:
.L_simem_size_0:
called_computation.4_lowered:
.L_overlay_start_0:
0x88: {  	s2 =	sld [smem:$0x3FD9]  }
0x89: {  	s3 =	sld [smem:$0x3FFE];
	_ =	sdelay $0x1  }
0x8a: {  	s1 =	srdreg.scid  }
0x8b: {  	s0 =	sand.u32 $0x1, s1  }
0x8c: {  	s16 =	sshll.u32 s0, $0xA;
	s2 =	sadd.s32 s3, s2  }
0x8d: {  	s2 =	sadd.s32 s2, s16  }
0x8e: {  	[smem:$0x3FAF] =	sst s2  }
0x8f: {  	_ = 	snop  }
0x90: {  	(tm) =	ssettm $0x1  }
0x91: {  	s17 =	sld [smem:$0x3FFB];
	_ =	sdelay $0x3  }
0x92: {  	_ =	strace s17  }
0x93: {  	s2 =	sld [smem:$0x3FFC];
	_ =	sdelay $0x3  }
0x94: {  	_ =	strace s2  }
0x95: {  	s2 =	sld [smem:$0x3FFD];
	_ =	sdelay $0x3  }
0x96: {  	_ =	strace s2  }
0x97: {  	_ =	strace $0x8FFFFFFF  }
0x98: {  	s18 =	sld [smem:$0x3FDB];
	_ =	sdelay $0x1  }
0x99: {  	s19 =	simm.s32 $_scs_section_size  }
0x9a: {  	s4 =	simm.s32 $_size__tile_overlayer_lowered;
	s5 =	simm.s32 $_tile_overlayer_lowered  }
0x9b: {  	s22 =	simm.s32 $0x1BFF;
	s21 =	sshll.u32 s5, $0x1;
	s2 =	sadd.s32 s19, s18  }
0x9c: {  	s6 =	simm.s32 $0x0;
	s20 =	sshll.u32 s4, $0x1;
	s4 =	sadd.s32 s21, s2  }
0x9d: {  	[timem:s6], [sflag:s22] =	dma.local [hbm:s4], s20  }
0x9e: {  	_ =	swait.ge [sflag:s22], s20  }
0x9f: {  	s3 =	ssub.s32 $0x0, s20;
	[sflag:s22] =	ssyncset.done $0x0  }
0xa0: {  	[sflag:s22] =	ssyncadd.s32 s3;
	_ =	sdelay $0x1  }
0xa1: {  	s23 =	simm.s32 $0x1B8B  }
0xa2: {  	_ =	swait.ge [sflag:s23], $0x1  }
0xa3: {  	[sflag:s23] =	ssyncset.done $0x0  }
0xa4: {  	s25 =	simm.s32 $0x1B8E;
	s24 =	sld [smem:$0x3FFE];
	[sflag:s23] =	ssyncadd.s32 $0xFFFFFFFF  }
0xa5: {  	s26 =	simm.s32 $execute0_lowered;
	[smem:$0x3FD2] =	sst s25  }
0xa6: {  	s4 =	sshll.u32 s26, $0x1;
	_ =	strace $0x80000052;
	[dreg:$0x1] =	wrdreg $0xFFFFFFFF  }
0xa7: {  	s28 =	simm.s32 $_size_execute0_lowered;
	s2 =	sadd.s32 s2, s4;
	[dreg:$0x0] =	wrdreg $0x0  }
0xa8: {  	s4 =	sshll.u32 s28, $0x1;
	[dreg:$0x2] =	wrdreg s2  }
0xa9: {  	[dreg:$0x3] =	wrdreg s4  }
0xaa: {  	[dreg:$0x4] =	wrdreg $0xC0  }
0xab: {  	_ =	task [dreg:s6], $0x5FFFF  }
0xac: {  	[dreg:$0x1] =	wrdreg $0xFFFFFFFF  }
0xad: {  	[dreg:$0x0] =	wrdreg $0x60  }
0xae: {  	[dreg:$0x2] =	wrdreg s24  }
0xaf: {  	[dreg:$0x3] =	wrdreg $0x90000  }
0xb0: {  	[dreg:$0x4] =	wrdreg $0x12C400  }
0xb1: {  	[dreg:$0x5] =	wrdreg $0x9  }
0xb2: {  	_ =	task.clear_ibuf [dreg:s6], $0x6FFFF;
	_ =	strace $0x90000052  }
0xb3: {  	s29 =	simm.s32 $0x9;
	_ =	strace $0x80000054  }
0xb4: {  	_ =	swait.ge [sflag:s29], $0x1  }
0xb5: {  	[sflag:s29] =	ssyncadd.s32 $0xFFFFFFFF  }
0xb6: {  	_ =	strace $0x90000054  }
0xb7: {  	_ =	sfence  }
0xb8: {  	s30 =	sld [smem:$0x0];
	_ =	sdelay $0x2  }
0xb9: {  	s31 =	sshll.u32 s1, $0xD;
	s1 =	sshrl.u32 s1, $0x2  }
0xba: {  	s3 =	sand.u32 $0x4000, s31;
	s1 =	sadd.s32 s1, s30  }
0xbb: {  	s0 =	sor.u32 s3, s0;
	s1 =	sshll.u32 s1, $0x11  }
0xbc: {  	s0 =	sor.u32 s1, s0  }
0xbd: {  	s0 =	sadd.s32 $0x8F2B, s0  }
0xbe: {  	[sflag:s0] =	ssyncadd.remote.s32 $0x1  }
0xbf: {  	_ =	sfence.sel $0xFFFF  }
0xc0: {  	[dreg:$0x0] =	wrdreg $0xFFFFFFFF;
	(pc) =	sbr.abs _section_cstart, $3  }
0xc1: {  	[dreg:$0x1] =	wrdreg $0xFFFFFFFF  }
0xc2: {  	_ =	task.clear_ibuf [dreg:s6], $0x2FFFF;
	_ =	strace $0x9FFFFFFF  }
0xc3: {  	(tm) =	ssettm $0x7FFFFFFF  }
tec
execute0_lowered:
.L_overlay_start_1:
0x0: {  	(tag) =	ssettag $0x1  }
0x1: {  	s0 =	rddreg [dreg:$0x0]  }
0x2: {  	s1 =	rddreg [dreg:$0x1]  }
0x3: {  	s2 =	rddreg [dreg:$0x2];
	s3 =	srdreg.scid;
	s4 =	simm.s32 $0x0  }
0x4: {  	s9 =	stileid.u32;
	s12 =	simm.s32 $0x4;
	s14 =	simm.s32 $0x800  }
0x5: {  	s15 =	simm.s32 $0x3;
	s16 =	simm.s32 $0x100;
	s17 =	simm.s32 $0x1000  }
0x6: {  	s18 =	simm.s32 $0x5000;
	s19 =	simm.s32 $0x1;
	s20 =	simm.s32 $0x200  }
0x7: {  	s28 =	simm.s32 $0x500;
	s29 =	simm.s32 $0xC00;
	s6 =	smul.u32 $0x271, s9  }
0x8: {  	s30 =	simm.s32 $0x600;
	s31 =	simm.s32 $0xD00;
	s7 =	smul.u32 $0xA00, s9  }
0x9: {  	s3 =	sand.u32 $0x1, s3;
	[smem:$0x7FF] =	sst s4;
	s8 =	smul.u32 $0x9C40, s9  }
0xa: {  	s24 =	sshll.u32 s9, $0x6;
	s5 =	smul.u32 $0x2710, s3;
	s3 =	ssub.s32 $0x2, s3  }
0xb: {  	_ =	strace $0x80000053;
	s21 =	sshrl.u32 s3, $0x1;
	s7 =	sadd.s32 s7, s0  }
0xc: {  	s22 =	sadd.s32 s8, s1;
	s8 =	sadd.s32 s8, s2;
	s5 =	sadd.s32 s6, s5  }
0xd: {  	s3 =	ssub.s32 s3, s21;
	s6 =	sor.u32 $0x1C04, s24;
	s9 =	sadd.s32 $0x4600, s7  }
0xe: {  	s10 =	sadd.s32 $0xF200, s7;
	s26 =	sshrl.u32 s22, $0x3;
	s11 =	sshrl.u32 s8, $0x3  }
0xf: {  	s21 =	simm.s32 $0x2;
	s22 =	simm.s32 $0x900;
	s24 =	simm.s32 $0xA00  }
0x10: {  	s7 =	simm.s32 $0xF00;
	s8 =	simm.s32 $0x0;
	[dreg:$0x8] =	wrdreg s26  }
0x11: {  	s5 =	sshll.u32 s5, $0x3;
	s25 =	smax.u32 s3, $0x1;
	[dreg:$0x5] =	wrdreg s6  }
0x12: {  	s26 =	simm.s32 $0xB00;
	[dreg:$0x9] =	wrdreg s11;
	s0 =	sadd.s32 s5, s0  }
0x13: {  	s3 =	simm.s32 $0xE00;
	[dreg:$0x7] =	wrdreg s25;
	s23 =	sadd.s32 $0x19200, s0  }
0x14: {  	s25 =	simm.s32 $0x400;
	s0 =	sadd.s32 $0x40400, s0;
	[dreg:$0x4] =	wrdreg s23  }
0x15: {  	[dreg:$0x6] =	wrdreg s0;
	s23 =	simm.s32 $0x300;
	s0 =	simm.s32 $0x700  }
.LBB2_1:
0x16: {  	[dreg:$0xa] =	wrdreg s8  }
0x17: {  	s5 =	rddreg [dreg:$0x4]  }
0x18: {  	s13 =	rddreg [dreg:$0x8]  }
0x19: {  	[spmem:s13], [sflag:s6] =	dma.local [hbm:s5], $0x1388  }
0x1a: {  	_ =	swait.ge [sflag:s12], $0x1388  }
0x1b: {  	[sflag:s12] =	ssyncset.done $0x0  }
0x1c: {  	[sflag:s12] =	ssyncadd.s32 $0xFFFFEC78  }
0x1d: {  	[spmem:s11], [sflag:s6] =	dma.local [hbm:s5], $0x1388  }
0x1e: {  	_ =	swait.ge [sflag:s12], $0x1388  }
0x1f: {  	[sflag:s12] =	ssyncset.done $0x0  }
0x20: {  	[sflag:s12] =	ssyncadd.s32 $0xFFFFEC78  }
0x21: {  	s11 =	sadd.s32 $0x0, s10;
	[bflag:$0x0] =	sbarrier.arrive $0xFFFF  }
0x22: {  	[tilespmem:s4], [sflag:$0x3] =	stream.linear.gather [hbm4b:s11+s4], $0x800, $0x38;
	[tilespmem:$0x1C8A0] =	vst v63  }
0x23: {  	s13 =	sadd.s32 $0x0, s9  }
0x24: {  	[tilespmem:s14], [sflag:$0x3] =	stream.linear.gather [hbm4b:s13+s4], $0x800, $0x38;
	[tilespmem:$0x1C8A0] =	vst v63  }
0x25: {  	_ =	swait.ge [sflag:s15], $0x800  }
0x26: {  	[sflag:s15] =	ssyncset.done $0x0  }
0x27: {  	[sflag:s15] =	ssyncadd.s32 $0xFFFFF800  }
0x28: {  	_ =	swait.ge [sflag:s15], $0x800  }
0x29: {  	[sflag:s15] =	ssyncset.done $0x0  }
0x2a: {  	[sflag:s15] =	ssyncadd.s32 $0xFFFFF800  }
0x2b: {  	[tilespmem:s17], [sflag:$0x1] =	stream.indirect.gather [spmem:s1], $0x40, s4, s16, $0xb8;
	[tilespmem:$0x1C8A0] =	vst v63  }
0x2c: {  	_ = 	snop  }
0x2d: {  	[tilespmem:s18], [sflag:$0x2] =	stream.indirect.gather [spmem:s1], $0x40, s16, s16, $0xb8;
	[tilespmem:$0x1C8A0] =	vst v63  }
0x2e: {  	_ =	swait.ge [sflag:s19], $0x4000  }
0x2f: {  	[sflag:s19] =	ssyncset.done $0x0  }
0x30: {  	[sflag:s19] =	ssyncadd.s32 $0xFFFFC000  }
0x31: {  	[spmem:s2] =	stream.indirect.scatter.add.f32 [tilespmem:s17], [sflag:$0x4], $0x40, s14, s16, $0xb8;
	[tilespmem:$0x1C8A0] =	vst v63  }
0x32: {  	_ =	swait.ge [sflag:s12], $0x4000  }
0x33: {  	[sflag:s12] =	ssyncset.done $0x0  }
0x34: {  	[sflag:s12] =	ssyncadd.s32 $0xFFFFC000  }
0x35: {  	[tilespmem:s17], [sflag:$0x1] =	stream.indirect.gather [spmem:s1], $0x40, s20, s16, $0xb8;
	[tilespmem:$0x1C8A0] =	vst v63  }
0x36: {  	_ =	swait.ge [sflag:s21], $0x4000  }
0x37: {  	[sflag:s21] =	ssyncset.done $0x0  }
0x38: {  	[sflag:s21] =	ssyncadd.s32 $0xFFFFC000  }
0x39: {  	[spmem:s2] =	stream.indirect.scatter.add.f32 [tilespmem:s18], [sflag:$0x4], $0x40, s22, s16, $0xb8;
	[tilespmem:$0x1C8A0] =	vst v63  }
0x3a: {  	_ =	swait.ge [sflag:s12], $0x4000  }
0x3b: {  	[sflag:s12] =	ssyncset.done $0x0  }
0x3c: {  	[sflag:s12] =	ssyncadd.s32 $0xFFFFC000  }
0x3d: {  	[tilespmem:s18], [sflag:$0x2] =	stream.indirect.gather [spmem:s1], $0x40, s23, s16, $0xb8;
	[tilespmem:$0x1C8A0] =	vst v63  }
0x3e: {  	_ =	swait.ge [sflag:s19], $0x4000  }
0x3f: {  	[sflag:s19] =	ssyncset.done $0x0  }
0x40: {  	[sflag:s19] =	ssyncadd.s32 $0xFFFFC000  }
0x41: {  	[spmem:s2] =	stream.indirect.scatter.add.f32 [tilespmem:s17], [sflag:$0x4], $0x40, s24, s16, $0xb8;
	[tilespmem:$0x1C8A0] =	vst v63  }
0x42: {  	_ =	swait.ge [sflag:s12], $0x4000  }
0x43: {  	[sflag:s12] =	ssyncset.done $0x0  }
0x44: {  	[sflag:s12] =	ssyncadd.s32 $0xFFFFC000  }
0x45: {  	[tilespmem:s17], [sflag:$0x1] =	stream.indirect.gather [spmem:s1], $0x40, s25, s16, $0xb8;
	[tilespmem:$0x1C8A0] =	vst v63  }
0x46: {  	_ =	swait.ge [sflag:s21], $0x4000  }
0x47: {  	[sflag:s21] =	ssyncset.done $0x0  }
0x48: {  	[sflag:s21] =	ssyncadd.s32 $0xFFFFC000  }
0x49: {  	[spmem:s2] =	stream.indirect.scatter.add.f32 [tilespmem:s18], [sflag:$0x4], $0x40, s26, s16, $0xb8;
	[tilespmem:$0x1C8A0] =	vst v63  }
0x4a: {  	_ =	swait.ge [sflag:s12], $0x4000  }
0x4b: {  	[sflag:s12] =	ssyncset.done $0x0  }
0x4c: {  	[sflag:s12] =	ssyncadd.s32 $0xFFFFC000  }
0x4d: {  	[tilespmem:s18], [sflag:$0x2] =	stream.indirect.gather [spmem:s1], $0x40, s28, s16, $0xb8;
	[tilespmem:$0x1C8A0] =	vst v63  }
0x4e: {  	_ =	swait.ge [sflag:s19], $0x4000  }
0x4f: {  	[sflag:s19] =	ssyncset.done $0x0  }
0x50: {  	[sflag:s19] =	ssyncadd.s32 $0xFFFFC000  }
0x51: {  	[spmem:s2] =	stream.indirect.scatter.add.f32 [tilespmem:s17], [sflag:$0x4], $0x40, s29, s16, $0xb8;
	[tilespmem:$0x1C8A0] =	vst v63  }
0x52: {  	_ =	swait.ge [sflag:s12], $0x4000  }
0x53: {  	[sflag:s12] =	ssyncset.done $0x0  }
0x54: {  	[sflag:s12] =	ssyncadd.s32 $0xFFFFC000  }
0x55: {  	[tilespmem:s17], [sflag:$0x1] =	stream.indirect.gather [spmem:s1], $0x40, s30, s16, $0xb8;
	[tilespmem:$0x1C8A0] =	vst v63  }
0x56: {  	_ =	swait.ge [sflag:s21], $0x4000  }
0x57: {  	[sflag:s21] =	ssyncset.done $0x0  }
0x58: {  	[sflag:s21] =	ssyncadd.s32 $0xFFFFC000  }
0x59: {  	[spmem:s2] =	stream.indirect.scatter.add.f32 [tilespmem:s18], [sflag:$0x4], $0x40, s31, s16, $0xb8;
	[tilespmem:$0x1C8A0] =	vst v63  }
0x5a: {  	_ =	swait.ge [sflag:s12], $0x4000  }
0x5b: {  	[sflag:s12] =	ssyncset.done $0x0  }
0x5c: {  	[sflag:s12] =	ssyncadd.s32 $0xFFFFC000  }
0x5d: {  	[tilespmem:s18], [sflag:$0x2] =	stream.indirect.gather [spmem:s1], $0x40, s0, s16, $0xb8;
	[tilespmem:$0x1C8A0] =	vst v63  }
0x5e: {  	_ =	swait.ge [sflag:s19], $0x4000  }
0x5f: {  	[sflag:s19] =	ssyncset.done $0x0  }
0x60: {  	[sflag:s19] =	ssyncadd.s32 $0xFFFFC000  }
0x61: {  	[spmem:s2] =	stream.indirect.scatter.add.f32 [tilespmem:s17], [sflag:$0x4], $0x40, s3, s16, $0xb8;
	[tilespmem:$0x1C8A0] =	vst v63  }
0x62: {  	_ =	swait.ge [sflag:s12], $0x4000  }
0x63: {  	[sflag:s12] =	ssyncset.done $0x0  }
0x64: {  	[sflag:s12] =	ssyncadd.s32 $0xFFFFC000  }
0x65: {  	_ =	swait.ge [sflag:s21], $0x4000  }
0x66: {  	[sflag:s21] =	ssyncset.done $0x0  }
0x67: {  	[sflag:s21] =	ssyncadd.s32 $0xFFFFC000  }
0x68: {  	[spmem:s2] =	stream.indirect.scatter.add.f32 [tilespmem:s18], [sflag:$0x4], $0x40, s7, s16, $0xb8;
	[tilespmem:$0x1C8A0] =	vst v63  }
0x69: {  	_ =	swait.ge [sflag:s12], $0x4000  }
0x6a: {  	s5 =	simm.s32 $0x200;
	s11 =	simm.s32 $0x100;
	[sflag:s12] =	ssyncset.done $0x0  }
.LBB2_2:
0x6b: {  	s6 =	sadd.s32 s11, s10  }
0x6c: {  	[sflag:s12] =	ssyncadd.s32 $0xFFFFC000;
	s8 =	smov.u32 s5;
	s13 =	sadd.s32 $0x100, s5  }
0x6d: {  	[tilespmem:s4], [sflag:$0x3] =	stream.linear.gather [hbm4b:s6+s4], $0x800, $0x38;
	[tilespmem:$0x1C8A0] =	vst v63  }
0x6e: {  	p0 =	sne.s32 s5, $0x900;
	s5 =	sadd.s32 s11, s9;
	s11 =	smov.u32 s8  }
0x6f: {  	[tilespmem:s14], [sflag:$0x3] =	stream.linear.gather [hbm4b:s5+s4], $0x800, $0x38;
	[tilespmem:$0x1C8A0] =	vst v63  }
0x70: {  	_ =	swait.ge [sflag:s15], $0x800  }
0x71: {  	[sflag:s15] =	ssyncset.done $0x0  }
0x72: {  	[sflag:s15] =	ssyncadd.s32 $0xFFFFF800  }
0x73: {  	_ =	swait.ge [sflag:s15], $0x800  }
0x74: {  	[sflag:s15] =	ssyncset.done $0x0  }
0x75: {  	[sflag:s15] =	ssyncadd.s32 $0xFFFFF800  }
0x76: {  	[tilespmem:s17], [sflag:$0x1] =	stream.indirect.gather [spmem:s1], $0x40, s4, s16, $0xb8;
	[tilespmem:$0x1C8A0] =	vst v63  }
0x77: {  	_ = 	snop  }
0x78: {  	[tilespmem:s18], [sflag:$0x2] =	stream.indirect.gather [spmem:s1], $0x40, s16, s16, $0xb8;
	[tilespmem:$0x1C8A0] =	vst v63  }
0x79: {  	_ =	swait.ge [sflag:s19], $0x4000  }
0x7a: {  	[sflag:s19] =	ssyncset.done $0x0  }
0x7b: {  	[sflag:s19] =	ssyncadd.s32 $0xFFFFC000  }
0x7c: {  	[spmem:s2] =	stream.indirect.scatter.add.f32 [tilespmem:s17], [sflag:$0x4], $0x40, s14, s16, $0xb8;
	[tilespmem:$0x1C8A0] =	vst v63  }
0x7d: {  	_ =	swait.ge [sflag:s12], $0x4000  }
0x7e: {  	[sflag:s12] =	ssyncset.done $0x0  }
0x7f: {  	[sflag:s12] =	ssyncadd.s32 $0xFFFFC000  }
0x80: {  	[tilespmem:s17], [sflag:$0x1] =	stream.indirect.gather [spmem:s1], $0x40, s20, s16, $0xb8;
	[tilespmem:$0x1C8A0] =	vst v63  }
0x81: {  	_ =	swait.ge [sflag:s21], $0x4000  }
0x82: {  	[sflag:s21] =	ssyncset.done $0x0  }
0x83: {  	[sflag:s21] =	ssyncadd.s32 $0xFFFFC000  }
0x84: {  	[spmem:s2] =	stream.indirect.scatter.add.f32 [tilespmem:s18], [sflag:$0x4], $0x40, s22, s16, $0xb8;
	[tilespmem:$0x1C8A0] =	vst v63  }
0x85: {  	_ =	swait.ge [sflag:s12], $0x4000  }
0x86: {  	[sflag:s12] =	ssyncset.done $0x0  }
0x87: {  	[sflag:s12] =	ssyncadd.s32 $0xFFFFC000  }
0x88: {  	[tilespmem:s18], [sflag:$0x2] =	stream.indirect.gather [spmem:s1], $0x40, s23, s16, $0xb8;
	[tilespmem:$0x1C8A0] =	vst v63  }
0x89: {  	_ =	swait.ge [sflag:s19], $0x4000  }
0x8a: {  	[sflag:s19] =	ssyncset.done $0x0  }
0x8b: {  	[sflag:s19] =	ssyncadd.s32 $0xFFFFC000  }
0x8c: {  	[spmem:s2] =	stream.indirect.scatter.add.f32 [tilespmem:s17], [sflag:$0x4], $0x40, s24, s16, $0xb8;
	[tilespmem:$0x1C8A0] =	vst v63  }
0x8d: {  	_ =	swait.ge [sflag:s12], $0x4000  }
0x8e: {  	[sflag:s12] =	ssyncset.done $0x0  }
0x8f: {  	[sflag:s12] =	ssyncadd.s32 $0xFFFFC000  }
0x90: {  	[tilespmem:s17], [sflag:$0x1] =	stream.indirect.gather [spmem:s1], $0x40, s25, s16, $0xb8;
	[tilespmem:$0x1C8A0] =	vst v63  }
0x91: {  	_ =	swait.ge [sflag:s21], $0x4000  }
0x92: {  	[sflag:s21] =	ssyncset.done $0x0  }
0x93: {  	[sflag:s21] =	ssyncadd.s32 $0xFFFFC000  }
0x94: {  	[spmem:s2] =	stream.indirect.scatter.add.f32 [tilespmem:s18], [sflag:$0x4], $0x40, s26, s16, $0xb8;
	[tilespmem:$0x1C8A0] =	vst v63  }
0x95: {  	_ =	swait.ge [sflag:s12], $0x4000  }
0x96: {  	[sflag:s12] =	ssyncset.done $0x0  }
0x97: {  	[sflag:s12] =	ssyncadd.s32 $0xFFFFC000  }
0x98: {  	[tilespmem:s18], [sflag:$0x2] =	stream.indirect.gather [spmem:s1], $0x40, s28, s16, $0xb8;
	[tilespmem:$0x1C8A0] =	vst v63  }
0x99: {  	_ =	swait.ge [sflag:s19], $0x4000  }
0x9a: {  	[sflag:s19] =	ssyncset.done $0x0  }
0x9b: {  	[sflag:s19] =	ssyncadd.s32 $0xFFFFC000  }
0x9c: {  	[spmem:s2] =	stream.indirect.scatter.add.f32 [tilespmem:s17], [sflag:$0x4], $0x40, s29, s16, $0xb8;
	[tilespmem:$0x1C8A0] =	vst v63  }
0x9d: {  	_ =	swait.ge [sflag:s12], $0x4000  }
0x9e: {  	[sflag:s12] =	ssyncset.done $0x0  }
0x9f: {  	[sflag:s12] =	ssyncadd.s32 $0xFFFFC000  }
0xa0: {  	[tilespmem:s17], [sflag:$0x1] =	stream.indirect.gather [spmem:s1], $0x40, s30, s16, $0xb8;
	[tilespmem:$0x1C8A0] =	vst v63  }
0xa1: {  	_ =	swait.ge [sflag:s21], $0x4000  }
0xa2: {  	[sflag:s21] =	ssyncset.done $0x0  }
0xa3: {  	[sflag:s21] =	ssyncadd.s32 $0xFFFFC000  }
0xa4: {  	[spmem:s2] =	stream.indirect.scatter.add.f32 [tilespmem:s18], [sflag:$0x4], $0x40, s31, s16, $0xb8;
	[tilespmem:$0x1C8A0] =	vst v63  }
0xa5: {  	_ =	swait.ge [sflag:s12], $0x4000  }
0xa6: {  	[sflag:s12] =	ssyncset.done $0x0  }
0xa7: {  	[sflag:s12] =	ssyncadd.s32 $0xFFFFC000  }
0xa8: {  	[tilespmem:s18], [sflag:$0x2] =	stream.indirect.gather [spmem:s1], $0x40, s0, s16, $0xb8;
	[tilespmem:$0x1C8A0] =	vst v63  }
0xa9: {  	_ =	swait.ge [sflag:s19], $0x4000  }
0xaa: {  	[sflag:s19] =	ssyncset.done $0x0  }
0xab: {  	[sflag:s19] =	ssyncadd.s32 $0xFFFFC000  }
0xac: {  	[spmem:s2] =	stream.indirect.scatter.add.f32 [tilespmem:s17], [sflag:$0x4], $0x40, s3, s16, $0xb8;
	[tilespmem:$0x1C8A0] =	vst v63  }
0xad: {  	_ =	swait.ge [sflag:s12], $0x4000  }
0xae: {  	[sflag:s12] =	ssyncset.done $0x0  }
0xaf: {  	[sflag:s12] =	ssyncadd.s32 $0xFFFFC000  }
0xb0: {  	_ =	swait.ge [sflag:s21], $0x4000  }
.Ltmp0:
0xb1: {  	[sflag:s21] =	ssyncset.done $0x0;
	(pc) =	sbr.rel @p0 .LBB2_2-.Ltmp0, $4  }
0xb2: {  	[sflag:s21] =	ssyncadd.s32 $0xFFFFC000  }
0xb3: {  	[spmem:s2] =	stream.indirect.scatter.add.f32 [tilespmem:s18], [sflag:$0x4], $0x40, s7, s16, $0xb8;
	[tilespmem:$0x1C8A0] =	vst v63  }
0xb4: {  	_ =	swait.ge [sflag:s12], $0x4000  }
0xb5: {  	s5 =	smov.u32 s13;
	[sflag:s12] =	ssyncset.done $0x0  }
0xb6: {  	s5 =	sadd.s32 s11, s10;
	[sflag:s12] =	ssyncadd.s32 $0xFFFFC000  }
0xb7: {  	[tilespmem:s4], [sflag:$0x3] =	stream.linear.gather [hbm4b:s5+s4], $0x800, $0x38;
	[tilespmem:$0x1C8A0] =	vst v63  }
0xb8: {  	s6 =	sadd.s32 s11, s9  }
0xb9: {  	[tilespmem:s14], [sflag:$0x3] =	stream.linear.gather [hbm4b:s6+s4], $0x800, $0x38;
	[tilespmem:$0x1C8A0] =	vst v63  }
0xba: {  	_ =	swait.ge [sflag:s15], $0x800  }
0xbb: {  	[sflag:s15] =	ssyncset.done $0x0  }
0xbc: {  	[sflag:s15] =	ssyncadd.s32 $0xFFFFF800  }
0xbd: {  	_ =	swait.ge [sflag:s15], $0x800  }
0xbe: {  	[sflag:s15] =	ssyncset.done $0x0  }
0xbf: {  	[sflag:s15] =	ssyncadd.s32 $0xFFFFF800  }
0xc0: {  	[tilespmem:s17], [sflag:$0x1] =	stream.indirect.gather [spmem:s1], $0x40, s4, s16, $0xb8;
	[tilespmem:$0x1C8A0] =	vst v63  }
0xc1: {  	_ = 	snop  }
0xc2: {  	[tilespmem:s18], [sflag:$0x2] =	stream.indirect.gather [spmem:s1], $0x40, s16, s16, $0xb8;
	[tilespmem:$0x1C8A0] =	vst v63  }
0xc3: {  	_ =	swait.ge [sflag:s19], $0x4000  }
0xc4: {  	[sflag:s19] =	ssyncset.done $0x0  }
0xc5: {  	[sflag:s19] =	ssyncadd.s32 $0xFFFFC000  }
0xc6: {  	[spmem:s2] =	stream.indirect.scatter.add.f32 [tilespmem:s17], [sflag:$0x4], $0x40, s14, s16, $0xb8;
	[tilespmem:$0x1C8A0] =	vst v63  }
0xc7: {  	_ =	swait.ge [sflag:s12], $0x4000  }
0xc8: {  	[sflag:s12] =	ssyncset.done $0x0  }
0xc9: {  	[sflag:s12] =	ssyncadd.s32 $0xFFFFC000  }
0xca: {  	[tilespmem:s17], [sflag:$0x1] =	stream.indirect.gather [spmem:s1], $0x40, s20, s16, $0xb8;
	[tilespmem:$0x1C8A0] =	vst v63  }
0xcb: {  	_ =	swait.ge [sflag:s21], $0x4000  }
0xcc: {  	[sflag:s21] =	ssyncset.done $0x0  }
0xcd: {  	[sflag:s21] =	ssyncadd.s32 $0xFFFFC000  }
0xce: {  	[spmem:s2] =	stream.indirect.scatter.add.f32 [tilespmem:s18], [sflag:$0x4], $0x40, s22, s16, $0xb8;
	[tilespmem:$0x1C8A0] =	vst v63  }
0xcf: {  	_ =	swait.ge [sflag:s12], $0x4000  }
0xd0: {  	[sflag:s12] =	ssyncset.done $0x0  }
0xd1: {  	[sflag:s12] =	ssyncadd.s32 $0xFFFFC000  }
0xd2: {  	[tilespmem:s18], [sflag:$0x2] =	stream.indirect.gather [spmem:s1], $0x40, s23, s16, $0xb8;
	[tilespmem:$0x1C8A0] =	vst v63  }
0xd3: {  	_ =	swait.ge [sflag:s19], $0x4000  }
0xd4: {  	[sflag:s19] =	ssyncset.done $0x0  }
0xd5: {  	[sflag:s19] =	ssyncadd.s32 $0xFFFFC000  }
0xd6: {  	[spmem:s2] =	stream.indirect.scatter.add.f32 [tilespmem:s17], [sflag:$0x4], $0x40, s24, s16, $0xb8;
	[tilespmem:$0x1C8A0] =	vst v63  }
0xd7: {  	_ =	swait.ge [sflag:s12], $0x4000  }
0xd8: {  	[sflag:s12] =	ssyncset.done $0x0  }
0xd9: {  	[sflag:s12] =	ssyncadd.s32 $0xFFFFC000  }
0xda: {  	[tilespmem:s17], [sflag:$0x1] =	stream.indirect.gather [spmem:s1], $0x40, s25, s16, $0xb8;
	[tilespmem:$0x1C8A0] =	vst v63  }
0xdb: {  	_ =	swait.ge [sflag:s21], $0x4000  }
0xdc: {  	[sflag:s21] =	ssyncset.done $0x0  }
0xdd: {  	[sflag:s21] =	ssyncadd.s32 $0xFFFFC000  }
0xde: {  	[spmem:s2] =	stream.indirect.scatter.add.f32 [tilespmem:s18], [sflag:$0x4], $0x40, s26, s16, $0xb8;
	[tilespmem:$0x1C8A0] =	vst v63  }
0xdf: {  	_ =	swait.ge [sflag:s12], $0x4000  }
0xe0: {  	[sflag:s12] =	ssyncset.done $0x0  }
0xe1: {  	[sflag:s12] =	ssyncadd.s32 $0xFFFFC000  }
0xe2: {  	[tilespmem:s18], [sflag:$0x2] =	stream.indirect.gather [spmem:s1], $0x40, s28, s16, $0xb8;
	[tilespmem:$0x1C8A0] =	vst v63  }
0xe3: {  	_ =	swait.ge [sflag:s19], $0x4000  }
0xe4: {  	[sflag:s19] =	ssyncset.done $0x0  }
0xe5: {  	[sflag:s19] =	ssyncadd.s32 $0xFFFFC000  }
0xe6: {  	[spmem:s2] =	stream.indirect.scatter.add.f32 [tilespmem:s17], [sflag:$0x4], $0x40, s29, s16, $0xb8;
	[tilespmem:$0x1C8A0] =	vst v63  }
0xe7: {  	_ =	swait.ge [sflag:s12], $0x4000  }
0xe8: {  	[sflag:s12] =	ssyncset.done $0x0  }
0xe9: {  	[sflag:s12] =	ssyncadd.s32 $0xFFFFC000  }
0xea: {  	[tilespmem:s17], [sflag:$0x1] =	stream.indirect.gather [spmem:s1], $0x40, s30, s16, $0xb8;
	[tilespmem:$0x1C8A0] =	vst v63  }
0xeb: {  	_ =	swait.ge [sflag:s21], $0x4000  }
0xec: {  	[sflag:s21] =	ssyncset.done $0x0  }
0xed: {  	[sflag:s21] =	ssyncadd.s32 $0xFFFFC000  }
0xee: {  	[spmem:s2] =	stream.indirect.scatter.add.f32 [tilespmem:s18], [sflag:$0x4], $0x40, s31, s16, $0xb8;
	[tilespmem:$0x1C8A0] =	vst v63  }
0xef: {  	_ =	swait.ge [sflag:s12], $0x4000  }
0xf0: {  	[sflag:s12] =	ssyncset.done $0x0  }
0xf1: {  	[sflag:s12] =	ssyncadd.s32 $0xFFFFC000  }
0xf2: {  	[tilespmem:s18], [sflag:$0x2] =	stream.indirect.gather [spmem:s1], $0x40, s0, s16, $0xb8;
	[tilespmem:$0x1C8A0] =	vst v63  }
0xf3: {  	_ =	swait.ge [sflag:s19], $0x4000  }
0xf4: {  	[sflag:s19] =	ssyncset.done $0x0  }
0xf5: {  	[sflag:s19] =	ssyncadd.s32 $0xFFFFC000  }
0xf6: {  	[spmem:s2] =	stream.indirect.scatter.add.f32 [tilespmem:s17], [sflag:$0x4], $0x40, s3, s16, $0xb8;
	[tilespmem:$0x1C8A0] =	vst v63  }
0xf7: {  	_ =	swait.ge [sflag:s12], $0x4000  }
0xf8: {  	[sflag:s12] =	ssyncset.done $0x0  }
0xf9: {  	[sflag:s12] =	ssyncadd.s32 $0xFFFFC000  }
0xfa: {  	_ =	swait.ge [sflag:s21], $0x4000  }
0xfb: {  	[sflag:s21] =	ssyncset.done $0x0  }
0xfc: {  	[sflag:s21] =	ssyncadd.s32 $0xFFFFC000  }
0xfd: {  	[spmem:s2] =	stream.indirect.scatter.add.f32 [tilespmem:s18], [sflag:$0x4], $0x40, s7, s16, $0xb8;
	[tilespmem:$0x1C8A0] =	vst v63  }
0xfe: {  	_ =	swait.ge [sflag:s12], $0x4000  }
0xff: {  	[sflag:s12] =	ssyncset.done $0x0  }
0x100: {  	[sflag:s12] =	ssyncadd.s32 $0xFFFFC000  }
0x101: {  	[bflag:$0x0] =	sbarrier.arrive $0xFFFF  }
0x102: {  	s6 =	rddreg [dreg:$0x5]  }
0x103: {  	s8 =	rddreg [dreg:$0x6]  }
0x104: {  	s11 =	rddreg [dreg:$0x9]  }
0x105: {  	[hbm:s8], [sflag:s6] =	dma.local [spmem:s11], $0x1388  }
0x106: {  	_ =	swait.ge [sflag:s12], $0x1388  }
0x107: {  	s8 =	rddreg [dreg:$0xa]  }
0x108: {  	s13 =	rddreg [dreg:$0x7];
	s8 =	sadd.s32 $0x1, s8  }
0x109: {  	p0 =	sne.s32 s8, s13  }
.Ltmp1:
0x10a: {  	_ = 	snop;
	(pc) =	sbr.rel @p0 .LBB2_1-.Ltmp1, $3  }
0x10b: {  	_ =	sdelay $0x1  }
0x10c: {  	[sflag:s12] =	ssyncset.done $0x0  }
0x10d: {  	[sflag:s12] =	ssyncadd.s32 $0xFFFFEC78  }
0x10e: {  	_ =	sfence.sel $0x180000  }
0x10f: {  	[bflag:$0x0] =	sbarrier.arrive $0xFFFF  }
0x110: {  	_ =	strace $0x90000053  }
0x111: {  	s0 =	stileid.u32;
	[bflag:$0x2] =	sbarrier.arrive $0xFFFF  }
0x112: {  	p0 =	sne.s32 s0, $0x0;
	s0 =	rddreg [dreg:$0x3]  }
0x113: {  	s0 =	sadd.s32 @!p0 $0x100000, s0  }
0x114: {  	[sflag:s0] =	ssyncadd.tile.s32 @!p0 $0x1;
	_ =	shalt  }
.Lfunc_end2:
_tile_overlayer_lowered:
.L_overlay_start_2:
0x115: {  	(tag) =	ssettag $0x2  }
0x116: {  	s0 =	rddreg [dreg:$0x0];
	s2 =	stileid.u32  }
0x117: {  	s1 =	rddreg [dreg:$0x1];
	p0 =	sne.s32 s2, $0x0  }
0x118: {  	s3 =	rddreg [dreg:$0x2];
	[bflag:$0x3] =	sbarrier.arrive $0xFFFF;
	s2 =	simm.s32 @!p0 $0x1C04  }
0x119: {  	[timem:s3], [sflag:s2] =	dma.local @!p0 [hbm:s0], s1  }
0x11a: {  	s0 =	simm.s32 @!p0 $0x4  }
0x11b: {  	_ =	swait.ge @!p0 [sflag:s0], s1  }
0x11c: {  	s1 =	ssub.s32 @!p0 $0x0, s1;
	[sflag:s0] =	ssyncset.done @!p0 $0x0  }
0x11d: {  	[sflag:s0] =	ssyncadd.s32 @!p0 s1  }
0x11e: {  	[bflag:$0x3] =	sbarrier.arrive $0xFFFF  }
0x11f: {  	_ =	shalt  }

// kernel: kernel.24.cloned.1.call-start
scs
__scs_entry_jumppad:
0x0: {  	(pc) =	sbr.rel $0x88, $3  }
0x1: {  	(tag) =	ssettag $0x0;
	lr =	simm.s32 $0x1  }
0x2: {  	[smem:$0x3F88] =	sst lr;
	_ =	strace $0xD0000000  }
0x3: {  	_ = 	snop  }
0x4: {  	_ = 	snop  }
0x5: {  	_ = 	snop  }
0x6: {  	_ = 	snop  }
0x7: {  	_ = 	snop  }
__scs_overlays_trampoline_lowered:
0x8: {  	[smem:$0x3F97] =	sst s0  }
0x9: {  	[smem:$0x3F98] =	sst s1  }
0xa: {  	[smem:$0x3F99] =	sst s2  }
0xb: {  	[smem:$0x3F9A] =	sst s3  }
0xc: {  	[smem:$0x3F9B] =	sst s4  }
0xd: {  	[smem:$0x3F9C] =	sst s5  }
0xe: {  	[smem:$0x3F9D] =	sst s6  }
0xf: {  	[smem:$0x3F9E] =	sst s7  }
0x10: {  	[smem:$0x3F9F] =	sst s8  }
0x11: {  	[smem:$0x3FA0] =	sst s9;
	s0 =	simm.s32 @!p0 $0x0  }
0x12: {  	s1 =	sld [smem:$0x3F86];
	s0 =	simm.s32 @p0 $0x1  }
0x13: {  	[smem:$0x3FA1] =	sst s0;
	s0 =	simm.s32 @!p1 $0x0  }
0x14: {  	s2 =	sld [smem:$0x3F85];
	s0 =	simm.s32 @p1 $0x1  }
0x15: {  	[smem:$0x3FA2] =	sst s0;
	s0 =	simm.s32 @!p2 $0x0  }
0x16: {  	s3 =	sld [smem:$0x3FDB];
	s0 =	simm.s32 @p2 $0x1  }
0x17: {  	s4 =	simm.s32 $0x1BF5;
	[smem:$0x3FA4] =	sst s0  }
0x18: {  	s0 =	sld [smem:$0x3F87];
	_ =	swait.ge [sflag:s4], $0x0  }
0x19: {  	s7 =	sld [smem:$0x3F88]  }
0x1a: {  	s8 =	sadd.s32 $0xFFFFE003, lr  }
0x1b: {  	s9 =	sadd.s32 $0xFFFFFEF7, lr;
	s5 =	simm.s32 $0xFFFFFFFF;
	p2 =	slt.u32 s8, $0xFFFFF086  }
0x1c: {  	p1 =	slt.u32 s9, $0xF7A;
	s5 =	simm.s32 @!p2 $0x0  }
0x1d: {  	s5 =	simm.s32 @p1 $0x1;
	p0 =	seq.s32 s7, s2  }
0x1e: {  	s7 =	smul.u32 @!p0 $0xF7A, s2;
	p2 =	seq.s32 @!p0 s5, $0x0  }
0x1f: {  	s9 =	smul.u32 $0xF7A, s1;
	s8 =	simm.s32 @!p0 $0x1BF5;
	p2 =	por !p2, p0  }
0x20: {  	[sflag:s8] =	ssyncset.s32 @!p0 $0xFFFFF086;
	s6 =	sadd.s32 @!p0 s3, s7;
	s7 =	simm.s32 @!p0 $0x108  }
0x21: {  	s3 =	sadd.s32 s3, s9;
	s6 =	sadd.s32 @!p0 $0x88, s6;
	s7 =	simm.s32 @p2 $0x1082  }
0x22: {  	[simem:s7], [sflag:s8] =	dma.local @!p0 [hbm:s6], $0xF7A  }
0x23: {  	s9 =	sor.u32 $0xD0000000, s2;
	s6 =	simm.s32 $0x108;
	_ =	swait.ge @!p0 [sflag:s8], $0x0  }
0x24: {  	s3 =	sadd.s32 $0x88, s3;
	s6 =	simm.s32 @!p1 $0x1082;
	[sflag:s4] =	ssyncset.s32 $0xFFFFF086  }
0x25: {  	[simem:s6], [sflag:s4] =	dma.local [hbm:s3], $0xF7A  }
0x26: {  	[smem:$0x3F88] =	sst s1;
	(tag) =	ssettag s2;
	_ =	strace s9  }
0x27: {  	s1 =	sld [smem:$0x3F98]  }
0x28: {  	s2 =	sld [smem:$0x3F99]  }
0x29: {  	s4 =	sld [smem:$0x3F9B]  }
0x2a: {  	p0 =	seq.s32 s5, $0x0;
	s5 =	sld [smem:$0x3F9C]  }
0x2b: {  	s6 =	sld [smem:$0x3F9D]  }
0x2c: {  	s7 =	sld [smem:$0x3F9E]  }
0x2d: {  	s3 =	simm.s32 $0x108;
	s8 =	sld [smem:$0x3F9F]  }
0x2e: {  	s3 =	simm.s32 @!p0 $0x1082;
	s9 =	sld [smem:$0x3FA0]  }
0x2f: {  	lr =	sadd.s32 s0, s3;
	s0 =	sld [smem:$0x3F97]  }
0x30: {  	s3 =	sld [smem:$0x3F9A]  }
0x31: {  	[smem:$0x3FA3] =	sst s10  }
0x32: {  	s10 =	sld [smem:$0x3FA1];
	_ =	sdelay $0x3  }
0x33: {  	p0 =	seq.s32 s10, $0x1;
	s10 =	sld [smem:$0x3FA3];
	_ =	sdelay $0x3  }
0x34: {  	[smem:$0x3FA3] =	sst s10  }
0x35: {  	s10 =	sld [smem:$0x3FA2];
	_ =	sdelay $0x3  }
0x36: {  	p1 =	seq.s32 s10, $0x1;
	s10 =	sld [smem:$0x3FA3];
	_ =	sdelay $0x3  }
0x37: {  	[smem:$0x3FA3] =	sst s10  }
0x38: {  	s10 =	sld [smem:$0x3FA4]  }
0x39: {  	_ = 	snop;
	(pc) =	sbr.ind lr, $3  }
0x3a: {  	_ = 	snop  }
0x3b: {  	_ = 	snop  }
0x3c: {  	p2 =	seq.s32 s10, $0x1;
	s10 =	sld [smem:$0x3FA3]  }
0x3d: {  	_ =	shalt  }
0x3e: {  	_ =	shalt  }
0x3f: {  	_ =	shalt  }
0x40: {  	_ =	shalt  }
0x41: {  	_ =	shalt  }
0x42: {  	_ =	shalt  }
0x43: {  	_ =	shalt  }
0x44: {  	_ =	shalt  }
0x45: {  	_ =	shalt  }
0x46: {  	_ =	shalt  }
0x47: {  	_ =	shalt  }
0x48: {  	_ =	shalt  }
0x49: {  	_ =	shalt  }
0x4a: {  	_ =	shalt  }
0x4b: {  	_ =	shalt  }
0x4c: {  	_ =	shalt  }
0x4d: {  	_ =	shalt  }
0x4e: {  	_ =	shalt  }
0x4f: {  	_ =	shalt  }
0x50: {  	_ =	shalt  }
0x51: {  	_ =	shalt  }
0x52: {  	_ =	shalt  }
0x53: {  	_ =	shalt  }
0x54: {  	_ =	shalt  }
0x55: {  	_ =	shalt  }
0x56: {  	_ =	shalt  }
0x57: {  	_ =	shalt  }
0x58: {  	_ =	shalt  }
0x59: {  	_ =	shalt  }
0x5a: {  	_ =	shalt  }
0x5b: {  	_ =	shalt  }
0x5c: {  	_ =	shalt  }
0x5d: {  	_ =	shalt  }
0x5e: {  	_ =	shalt  }
0x5f: {  	_ =	shalt  }
0x60: {  	_ =	shalt  }
0x61: {  	_ =	shalt  }
0x62: {  	_ =	shalt  }
0x63: {  	_ =	shalt  }
0x64: {  	_ =	shalt  }
0x65: {  	_ =	shalt  }
0x66: {  	_ =	shalt  }
0x67: {  	_ =	shalt  }
0x68: {  	_ =	shalt  }
0x69: {  	_ =	shalt  }
0x6a: {  	_ =	shalt  }
0x6b: {  	_ =	shalt  }
0x6c: {  	_ =	shalt  }
0x6d: {  	_ =	shalt  }
0x6e: {  	_ =	shalt  }
0x6f: {  	_ =	shalt  }
0x70: {  	_ =	shalt  }
0x71: {  	_ =	shalt  }
0x72: {  	_ =	shalt  }
0x73: {  	_ =	shalt  }
0x74: {  	_ =	shalt  }
0x75: {  	_ =	shalt  }
0x76: {  	_ =	shalt  }
0x77: {  	_ =	shalt  }
0x78: {  	_ =	shalt  }
0x79: {  	_ =	shalt  }
0x7a: {  	_ =	shalt  }
0x7b: {  	_ =	shalt  }
0x7c: {  	_ =	shalt  }
0x7d: {  	_ =	shalt  }
0x7e: {  	_ =	shalt  }
0x7f: {  	_ =	shalt  }
0x80: {  	_ =	shalt  }
0x81: {  	_ =	shalt  }
0x82: {  	_ =	shalt  }
0x83: {  	_ =	shalt  }
0x84: {  	_ =	shalt  }
0x85: {  	_ =	shalt  }
0x86: {  	_ =	shalt  }
0x87: {  	_ =	shalt  }
.Lfunc_end0:
.L_simem_size_0:
called_computation.5_lowered:
.L_overlay_start_0:
0x88: {  	s2 =	sld [smem:$0x3FD9]  }
0x89: {  	s3 =	sld [smem:$0x3FFE];
	_ =	sdelay $0x1  }
0x8a: {  	s1 =	srdreg.scid  }
0x8b: {  	s0 =	sand.u32 $0x1, s1  }
0x8c: {  	s16 =	sshll.u32 s0, $0xA;
	s2 =	sadd.s32 s3, s2  }
0x8d: {  	s2 =	sadd.s32 s2, s16  }
0x8e: {  	[smem:$0x3FAF] =	sst s2  }
0x8f: {  	_ = 	snop  }
0x90: {  	(tm) =	ssettm $0x1  }
0x91: {  	s17 =	sld [smem:$0x3FFB];
	_ =	sdelay $0x3  }
0x92: {  	_ =	strace s17  }
0x93: {  	s2 =	sld [smem:$0x3FFC];
	_ =	sdelay $0x3  }
0x94: {  	_ =	strace s2  }
0x95: {  	s2 =	sld [smem:$0x3FFD];
	_ =	sdelay $0x3  }
0x96: {  	_ =	strace s2  }
0x97: {  	_ =	strace $0x8FFFFFFF  }
0x98: {  	s18 =	sld [smem:$0x3FDB];
	_ =	sdelay $0x1  }
0x99: {  	s19 =	simm.s32 $_scs_section_size  }
0x9a: {  	s4 =	simm.s32 $_size__tile_overlayer_lowered;
	s5 =	simm.s32 $_tile_overlayer_lowered  }
0x9b: {  	s22 =	simm.s32 $0x1BFF;
	s21 =	sshll.u32 s5, $0x1;
	s2 =	sadd.s32 s19, s18  }
0x9c: {  	s6 =	simm.s32 $0x0;
	s20 =	sshll.u32 s4, $0x1;
	s4 =	sadd.s32 s21, s2  }
0x9d: {  	[timem:s6], [sflag:s22] =	dma.local [hbm:s4], s20  }
0x9e: {  	_ =	swait.ge [sflag:s22], s20  }
0x9f: {  	s3 =	ssub.s32 $0x0, s20;
	[sflag:s22] =	ssyncset.done $0x0  }
0xa0: {  	[sflag:s22] =	ssyncadd.s32 s3;
	_ =	sdelay $0x1  }
0xa1: {  	s23 =	simm.s32 $0x1B8B  }
0xa2: {  	_ =	swait.ge [sflag:s23], $0x1  }
0xa3: {  	[sflag:s23] =	ssyncset.done $0x0  }
0xa4: {  	s25 =	simm.s32 $0x1B8E;
	s24 =	sld [smem:$0x3FFE];
	[sflag:s23] =	ssyncadd.s32 $0xFFFFFFFF  }
0xa5: {  	s26 =	simm.s32 $execute0_lowered;
	[smem:$0x3FD2] =	sst s25  }
0xa6: {  	s4 =	sshll.u32 s26, $0x1;
	_ =	strace $0x80000055;
	[dreg:$0x1] =	wrdreg $0xFFFFFFFF  }
0xa7: {  	s28 =	simm.s32 $_size_execute0_lowered;
	s2 =	sadd.s32 s2, s4;
	[dreg:$0x0] =	wrdreg $0x0  }
0xa8: {  	s4 =	sshll.u32 s28, $0x1;
	[dreg:$0x2] =	wrdreg s2  }
0xa9: {  	[dreg:$0x3] =	wrdreg s4  }
0xaa: {  	[dreg:$0x4] =	wrdreg $0xC0  }
0xab: {  	_ =	task [dreg:s6], $0x5FFFF  }
0xac: {  	[dreg:$0x1] =	wrdreg $0xFFFFFFFF  }
0xad: {  	[dreg:$0x0] =	wrdreg $0x60  }
0xae: {  	[dreg:$0x2] =	wrdreg s24  }
0xaf: {  	[dreg:$0x3] =	wrdreg $0x90000  }
0xb0: {  	[dreg:$0x4] =	wrdreg $0x12C400  }
0xb1: {  	[dreg:$0x5] =	wrdreg $0x9  }
0xb2: {  	_ =	task.clear_ibuf [dreg:s6], $0x6FFFF;
	_ =	strace $0x90000055  }
0xb3: {  	s29 =	simm.s32 $0x9;
	_ =	strace $0x80000057  }
0xb4: {  	_ =	swait.ge [sflag:s29], $0x1  }
0xb5: {  	[sflag:s29] =	ssyncadd.s32 $0xFFFFFFFF  }
0xb6: {  	_ =	strace $0x90000057  }
0xb7: {  	_ =	sfence  }
0xb8: {  	s30 =	sld [smem:$0x0];
	_ =	sdelay $0x2  }
0xb9: {  	s31 =	sshll.u32 s1, $0xD;
	s1 =	sshrl.u32 s1, $0x2  }
0xba: {  	s3 =	sand.u32 $0x4000, s31;
	s1 =	sadd.s32 s1, s30  }
0xbb: {  	s0 =	sor.u32 s3, s0;
	s1 =	sshll.u32 s1, $0x11  }
0xbc: {  	s0 =	sor.u32 s1, s0  }
0xbd: {  	s0 =	sadd.s32 $0x8F2B, s0  }
0xbe: {  	[sflag:s0] =	ssyncadd.remote.s32 $0x1  }
0xbf: {  	_ =	sfence.sel $0xFFFF  }
0xc0: {  	[dreg:$0x0] =	wrdreg $0xFFFFFFFF;
	(pc) =	sbr.abs _section_cstart, $3  }
0xc1: {  	[dreg:$0x1] =	wrdreg $0xFFFFFFFF  }
0xc2: {  	_ =	task.clear_ibuf [dreg:s6], $0x2FFFF;
	_ =	strace $0x9FFFFFFF  }
0xc3: {  	(tm) =	ssettm $0x7FFFFFFF  }
tec
execute0_lowered:
.L_overlay_start_1:
0x0: {  	(tag) =	ssettag $0x1  }
0x1: {  	s0 =	rddreg [dreg:$0x0]  }
0x2: {  	s1 =	rddreg [dreg:$0x1]  }
0x3: {  	s2 =	rddreg [dreg:$0x2];
	s3 =	srdreg.scid;
	s4 =	simm.s32 $0x0  }
0x4: {  	s9 =	stileid.u32;
	s12 =	simm.s32 $0x4;
	s14 =	simm.s32 $0x800  }
0x5: {  	s15 =	simm.s32 $0x3;
	s16 =	simm.s32 $0x100;
	s17 =	simm.s32 $0x1000  }
0x6: {  	s18 =	simm.s32 $0x5000;
	s19 =	simm.s32 $0x1;
	s20 =	simm.s32 $0x200  }
0x7: {  	s28 =	simm.s32 $0x500;
	s29 =	simm.s32 $0xC00;
	s6 =	smul.u32 $0x271, s9  }
0x8: {  	s30 =	simm.s32 $0x600;
	s31 =	simm.s32 $0xD00;
	s7 =	smul.u32 $0xA00, s9  }
0x9: {  	s3 =	sand.u32 $0x1, s3;
	[smem:$0x7FF] =	sst s4;
	s8 =	smul.u32 $0x9C40, s9  }
0xa: {  	s24 =	sshll.u32 s9, $0x6;
	s5 =	smul.u32 $0x2710, s3;
	s3 =	ssub.s32 $0x2, s3  }
0xb: {  	_ =	strace $0x80000056;
	s21 =	sshrl.u32 s3, $0x1;
	s7 =	sadd.s32 s7, s0  }
0xc: {  	s22 =	sadd.s32 s8, s1;
	s8 =	sadd.s32 s8, s2;
	s5 =	sadd.s32 s6, s5  }
0xd: {  	s3 =	ssub.s32 s3, s21;
	s6 =	sor.u32 $0x1C04, s24;
	s9 =	sadd.s32 $0x4600, s7  }
0xe: {  	s10 =	sadd.s32 $0xF200, s7;
	s26 =	sshrl.u32 s22, $0x3;
	s11 =	sshrl.u32 s8, $0x3  }
0xf: {  	s21 =	simm.s32 $0x2;
	s22 =	simm.s32 $0x900;
	s24 =	simm.s32 $0xA00  }
0x10: {  	s7 =	simm.s32 $0xF00;
	s8 =	simm.s32 $0x0;
	[dreg:$0x8] =	wrdreg s26  }
0x11: {  	s5 =	sshll.u32 s5, $0x3;
	s25 =	smax.u32 s3, $0x1;
	[dreg:$0x5] =	wrdreg s6  }
0x12: {  	s26 =	simm.s32 $0xB00;
	[dreg:$0x9] =	wrdreg s11;
	s0 =	sadd.s32 s5, s0  }
0x13: {  	s3 =	simm.s32 $0xE00;
	[dreg:$0x7] =	wrdreg s25;
	s23 =	sadd.s32 $0x19200, s0  }
0x14: {  	s25 =	simm.s32 $0x400;
	s0 =	sadd.s32 $0x40400, s0;
	[dreg:$0x4] =	wrdreg s23  }
0x15: {  	[dreg:$0x6] =	wrdreg s0;
	s23 =	simm.s32 $0x300;
	s0 =	simm.s32 $0x700  }
.LBB2_1:
0x16: {  	[dreg:$0xa] =	wrdreg s8  }
0x17: {  	s5 =	rddreg [dreg:$0x4]  }
0x18: {  	s13 =	rddreg [dreg:$0x8]  }
0x19: {  	[spmem:s13], [sflag:s6] =	dma.local [hbm:s5], $0x1388  }
0x1a: {  	_ =	swait.ge [sflag:s12], $0x1388  }
0x1b: {  	[sflag:s12] =	ssyncset.done $0x0  }
0x1c: {  	[sflag:s12] =	ssyncadd.s32 $0xFFFFEC78  }
0x1d: {  	[spmem:s11], [sflag:s6] =	dma.local [hbm:s5], $0x1388  }
0x1e: {  	_ =	swait.ge [sflag:s12], $0x1388  }
0x1f: {  	[sflag:s12] =	ssyncset.done $0x0  }
0x20: {  	[sflag:s12] =	ssyncadd.s32 $0xFFFFEC78  }
0x21: {  	s11 =	sadd.s32 $0x0, s10;
	[bflag:$0x0] =	sbarrier.arrive $0xFFFF  }
0x22: {  	[tilespmem:s4], [sflag:$0x3] =	stream.linear.gather [hbm4b:s11+s4], $0x800, $0x38;
	[tilespmem:$0x1C8A0] =	vst v63  }
0x23: {  	s13 =	sadd.s32 $0x0, s9  }
0x24: {  	[tilespmem:s14], [sflag:$0x3] =	stream.linear.gather [hbm4b:s13+s4], $0x800, $0x38;
	[tilespmem:$0x1C8A0] =	vst v63  }
0x25: {  	_ =	swait.ge [sflag:s15], $0x800  }
0x26: {  	[sflag:s15] =	ssyncset.done $0x0  }
0x27: {  	[sflag:s15] =	ssyncadd.s32 $0xFFFFF800  }
0x28: {  	_ =	swait.ge [sflag:s15], $0x800  }
0x29: {  	[sflag:s15] =	ssyncset.done $0x0  }
0x2a: {  	[sflag:s15] =	ssyncadd.s32 $0xFFFFF800  }
0x2b: {  	[tilespmem:s17], [sflag:$0x1] =	stream.indirect.gather [spmem:s1], $0x40, s4, s16, $0xb8;
	[tilespmem:$0x1C8A0] =	vst v63  }
0x2c: {  	_ = 	snop  }
0x2d: {  	[tilespmem:s18], [sflag:$0x2] =	stream.indirect.gather [spmem:s1], $0x40, s16, s16, $0xb8;
	[tilespmem:$0x1C8A0] =	vst v63  }
0x2e: {  	_ =	swait.ge [sflag:s19], $0x4000  }
0x2f: {  	[sflag:s19] =	ssyncset.done $0x0  }
0x30: {  	[sflag:s19] =	ssyncadd.s32 $0xFFFFC000  }
0x31: {  	[spmem:s2] =	stream.indirect.scatter.add.f32 [tilespmem:s17], [sflag:$0x4], $0x40, s14, s16, $0xb8;
	[tilespmem:$0x1C8A0] =	vst v63  }
0x32: {  	_ =	swait.ge [sflag:s12], $0x4000  }
0x33: {  	[sflag:s12] =	ssyncset.done $0x0  }
0x34: {  	[sflag:s12] =	ssyncadd.s32 $0xFFFFC000  }
0x35: {  	[tilespmem:s17], [sflag:$0x1] =	stream.indirect.gather [spmem:s1], $0x40, s20, s16, $0xb8;
	[tilespmem:$0x1C8A0] =	vst v63  }
0x36: {  	_ =	swait.ge [sflag:s21], $0x4000  }
0x37: {  	[sflag:s21] =	ssyncset.done $0x0  }
0x38: {  	[sflag:s21] =	ssyncadd.s32 $0xFFFFC000  }
0x39: {  	[spmem:s2] =	stream.indirect.scatter.add.f32 [tilespmem:s18], [sflag:$0x4], $0x40, s22, s16, $0xb8;
	[tilespmem:$0x1C8A0] =	vst v63  }
0x3a: {  	_ =	swait.ge [sflag:s12], $0x4000  }
0x3b: {  	[sflag:s12] =	ssyncset.done $0x0  }
0x3c: {  	[sflag:s12] =	ssyncadd.s32 $0xFFFFC000  }
0x3d: {  	[tilespmem:s18], [sflag:$0x2] =	stream.indirect.gather [spmem:s1], $0x40, s23, s16, $0xb8;
	[tilespmem:$0x1C8A0] =	vst v63  }
0x3e: {  	_ =	swait.ge [sflag:s19], $0x4000  }
0x3f: {  	[sflag:s19] =	ssyncset.done $0x0  }
0x40: {  	[sflag:s19] =	ssyncadd.s32 $0xFFFFC000  }
0x41: {  	[spmem:s2] =	stream.indirect.scatter.add.f32 [tilespmem:s17], [sflag:$0x4], $0x40, s24, s16, $0xb8;
	[tilespmem:$0x1C8A0] =	vst v63  }
0x42: {  	_ =	swait.ge [sflag:s12], $0x4000  }
0x43: {  	[sflag:s12] =	ssyncset.done $0x0  }
0x44: {  	[sflag:s12] =	ssyncadd.s32 $0xFFFFC000  }
0x45: {  	[tilespmem:s17], [sflag:$0x1] =	stream.indirect.gather [spmem:s1], $0x40, s25, s16, $0xb8;
	[tilespmem:$0x1C8A0] =	vst v63  }
0x46: {  	_ =	swait.ge [sflag:s21], $0x4000  }
0x47: {  	[sflag:s21] =	ssyncset.done $0x0  }
0x48: {  	[sflag:s21] =	ssyncadd.s32 $0xFFFFC000  }
0x49: {  	[spmem:s2] =	stream.indirect.scatter.add.f32 [tilespmem:s18], [sflag:$0x4], $0x40, s26, s16, $0xb8;
	[tilespmem:$0x1C8A0] =	vst v63  }
0x4a: {  	_ =	swait.ge [sflag:s12], $0x4000  }
0x4b: {  	[sflag:s12] =	ssyncset.done $0x0  }
0x4c: {  	[sflag:s12] =	ssyncadd.s32 $0xFFFFC000  }
0x4d: {  	[tilespmem:s18], [sflag:$0x2] =	stream.indirect.gather [spmem:s1], $0x40, s28, s16, $0xb8;
	[tilespmem:$0x1C8A0] =	vst v63  }
0x4e: {  	_ =	swait.ge [sflag:s19], $0x4000  }
0x4f: {  	[sflag:s19] =	ssyncset.done $0x0  }
0x50: {  	[sflag:s19] =	ssyncadd.s32 $0xFFFFC000  }
0x51: {  	[spmem:s2] =	stream.indirect.scatter.add.f32 [tilespmem:s17], [sflag:$0x4], $0x40, s29, s16, $0xb8;
	[tilespmem:$0x1C8A0] =	vst v63  }
0x52: {  	_ =	swait.ge [sflag:s12], $0x4000  }
0x53: {  	[sflag:s12] =	ssyncset.done $0x0  }
0x54: {  	[sflag:s12] =	ssyncadd.s32 $0xFFFFC000  }
0x55: {  	[tilespmem:s17], [sflag:$0x1] =	stream.indirect.gather [spmem:s1], $0x40, s30, s16, $0xb8;
	[tilespmem:$0x1C8A0] =	vst v63  }
0x56: {  	_ =	swait.ge [sflag:s21], $0x4000  }
0x57: {  	[sflag:s21] =	ssyncset.done $0x0  }
0x58: {  	[sflag:s21] =	ssyncadd.s32 $0xFFFFC000  }
0x59: {  	[spmem:s2] =	stream.indirect.scatter.add.f32 [tilespmem:s18], [sflag:$0x4], $0x40, s31, s16, $0xb8;
	[tilespmem:$0x1C8A0] =	vst v63  }
0x5a: {  	_ =	swait.ge [sflag:s12], $0x4000  }
0x5b: {  	[sflag:s12] =	ssyncset.done $0x0  }
0x5c: {  	[sflag:s12] =	ssyncadd.s32 $0xFFFFC000  }
0x5d: {  	[tilespmem:s18], [sflag:$0x2] =	stream.indirect.gather [spmem:s1], $0x40, s0, s16, $0xb8;
	[tilespmem:$0x1C8A0] =	vst v63  }
0x5e: {  	_ =	swait.ge [sflag:s19], $0x4000  }
0x5f: {  	[sflag:s19] =	ssyncset.done $0x0  }
0x60: {  	[sflag:s19] =	ssyncadd.s32 $0xFFFFC000  }
0x61: {  	[spmem:s2] =	stream.indirect.scatter.add.f32 [tilespmem:s17], [sflag:$0x4], $0x40, s3, s16, $0xb8;
	[tilespmem:$0x1C8A0] =	vst v63  }
0x62: {  	_ =	swait.ge [sflag:s12], $0x4000  }
0x63: {  	[sflag:s12] =	ssyncset.done $0x0  }
0x64: {  	[sflag:s12] =	ssyncadd.s32 $0xFFFFC000  }
0x65: {  	_ =	swait.ge [sflag:s21], $0x4000  }
0x66: {  	[sflag:s21] =	ssyncset.done $0x0  }
0x67: {  	[sflag:s21] =	ssyncadd.s32 $0xFFFFC000  }
0x68: {  	[spmem:s2] =	stream.indirect.scatter.add.f32 [tilespmem:s18], [sflag:$0x4], $0x40, s7, s16, $0xb8;
	[tilespmem:$0x1C8A0] =	vst v63  }
0x69: {  	_ =	swait.ge [sflag:s12], $0x4000  }
0x6a: {  	s5 =	simm.s32 $0x200;
	s11 =	simm.s32 $0x100;
	[sflag:s12] =	ssyncset.done $0x0  }
.LBB2_2:
0x6b: {  	s6 =	sadd.s32 s11, s10  }
0x6c: {  	[sflag:s12] =	ssyncadd.s32 $0xFFFFC000;
	s8 =	smov.u32 s5;
	s13 =	sadd.s32 $0x100, s5  }
0x6d: {  	[tilespmem:s4], [sflag:$0x3] =	stream.linear.gather [hbm4b:s6+s4], $0x800, $0x38;
	[tilespmem:$0x1C8A0] =	vst v63  }
0x6e: {  	p0 =	sne.s32 s5, $0x900;
	s5 =	sadd.s32 s11, s9;
	s11 =	smov.u32 s8  }
0x6f: {  	[tilespmem:s14], [sflag:$0x3] =	stream.linear.gather [hbm4b:s5+s4], $0x800, $0x38;
	[tilespmem:$0x1C8A0] =	vst v63  }
0x70: {  	_ =	swait.ge [sflag:s15], $0x800  }
0x71: {  	[sflag:s15] =	ssyncset.done $0x0  }
0x72: {  	[sflag:s15] =	ssyncadd.s32 $0xFFFFF800  }
0x73: {  	_ =	swait.ge [sflag:s15], $0x800  }
0x74: {  	[sflag:s15] =	ssyncset.done $0x0  }
0x75: {  	[sflag:s15] =	ssyncadd.s32 $0xFFFFF800  }
0x76: {  	[tilespmem:s17], [sflag:$0x1] =	stream.indirect.gather [spmem:s1], $0x40, s4, s16, $0xb8;
	[tilespmem:$0x1C8A0] =	vst v63  }
0x77: {  	_ = 	snop  }
0x78: {  	[tilespmem:s18], [sflag:$0x2] =	stream.indirect.gather [spmem:s1], $0x40, s16, s16, $0xb8;
	[tilespmem:$0x1C8A0] =	vst v63  }
0x79: {  	_ =	swait.ge [sflag:s19], $0x4000  }
0x7a: {  	[sflag:s19] =	ssyncset.done $0x0  }
0x7b: {  	[sflag:s19] =	ssyncadd.s32 $0xFFFFC000  }
0x7c: {  	[spmem:s2] =	stream.indirect.scatter.add.f32 [tilespmem:s17], [sflag:$0x4], $0x40, s14, s16, $0xb8;
	[tilespmem:$0x1C8A0] =	vst v63  }
0x7d: {  	_ =	swait.ge [sflag:s12], $0x4000  }
0x7e: {  	[sflag:s12] =	ssyncset.done $0x0  }
0x7f: {  	[sflag:s12] =	ssyncadd.s32 $0xFFFFC000  }
0x80: {  	[tilespmem:s17], [sflag:$0x1] =	stream.indirect.gather [spmem:s1], $0x40, s20, s16, $0xb8;
	[tilespmem:$0x1C8A0] =	vst v63  }
0x81: {  	_ =	swait.ge [sflag:s21], $0x4000  }
0x82: {  	[sflag:s21] =	ssyncset.done $0x0  }
0x83: {  	[sflag:s21] =	ssyncadd.s32 $0xFFFFC000  }
0x84: {  	[spmem:s2] =	stream.indirect.scatter.add.f32 [tilespmem:s18], [sflag:$0x4], $0x40, s22, s16, $0xb8;
	[tilespmem:$0x1C8A0] =	vst v63  }
0x85: {  	_ =	swait.ge [sflag:s12], $0x4000  }
0x86: {  	[sflag:s12] =	ssyncset.done $0x0  }
0x87: {  	[sflag:s12] =	ssyncadd.s32 $0xFFFFC000  }
0x88: {  	[tilespmem:s18], [sflag:$0x2] =	stream.indirect.gather [spmem:s1], $0x40, s23, s16, $0xb8;
	[tilespmem:$0x1C8A0] =	vst v63  }
0x89: {  	_ =	swait.ge [sflag:s19], $0x4000  }
0x8a: {  	[sflag:s19] =	ssyncset.done $0x0  }
0x8b: {  	[sflag:s19] =	ssyncadd.s32 $0xFFFFC000  }
0x8c: {  	[spmem:s2] =	stream.indirect.scatter.add.f32 [tilespmem:s17], [sflag:$0x4], $0x40, s24, s16, $0xb8;
	[tilespmem:$0x1C8A0] =	vst v63  }
0x8d: {  	_ =	swait.ge [sflag:s12], $0x4000  }
0x8e: {  	[sflag:s12] =	ssyncset.done $0x0  }
0x8f: {  	[sflag:s12] =	ssyncadd.s32 $0xFFFFC000  }
0x90: {  	[tilespmem:s17], [sflag:$0x1] =	stream.indirect.gather [spmem:s1], $0x40, s25, s16, $0xb8;
	[tilespmem:$0x1C8A0] =	vst v63  }
0x91: {  	_ =	swait.ge [sflag:s21], $0x4000  }
0x92: {  	[sflag:s21] =	ssyncset.done $0x0  }
0x93: {  	[sflag:s21] =	ssyncadd.s32 $0xFFFFC000  }
0x94: {  	[spmem:s2] =	stream.indirect.scatter.add.f32 [tilespmem:s18], [sflag:$0x4], $0x40, s26, s16, $0xb8;
	[tilespmem:$0x1C8A0] =	vst v63  }
0x95: {  	_ =	swait.ge [sflag:s12], $0x4000  }
0x96: {  	[sflag:s12] =	ssyncset.done $0x0  }
0x97: {  	[sflag:s12] =	ssyncadd.s32 $0xFFFFC000  }
0x98: {  	[tilespmem:s18], [sflag:$0x2] =	stream.indirect.gather [spmem:s1], $0x40, s28, s16, $0xb8;
	[tilespmem:$0x1C8A0] =	vst v63  }
0x99: {  	_ =	swait.ge [sflag:s19], $0x4000  }
0x9a: {  	[sflag:s19] =	ssyncset.done $0x0  }
0x9b: {  	[sflag:s19] =	ssyncadd.s32 $0xFFFFC000  }
0x9c: {  	[spmem:s2] =	stream.indirect.scatter.add.f32 [tilespmem:s17], [sflag:$0x4], $0x40, s29, s16, $0xb8;
	[tilespmem:$0x1C8A0] =	vst v63  }
0x9d: {  	_ =	swait.ge [sflag:s12], $0x4000  }
0x9e: {  	[sflag:s12] =	ssyncset.done $0x0  }
0x9f: {  	[sflag:s12] =	ssyncadd.s32 $0xFFFFC000  }
0xa0: {  	[tilespmem:s17], [sflag:$0x1] =	stream.indirect.gather [spmem:s1], $0x40, s30, s16, $0xb8;
	[tilespmem:$0x1C8A0] =	vst v63  }
0xa1: {  	_ =	swait.ge [sflag:s21], $0x4000  }
0xa2: {  	[sflag:s21] =	ssyncset.done $0x0  }
0xa3: {  	[sflag:s21] =	ssyncadd.s32 $0xFFFFC000  }
0xa4: {  	[spmem:s2] =	stream.indirect.scatter.add.f32 [tilespmem:s18], [sflag:$0x4], $0x40, s31, s16, $0xb8;
	[tilespmem:$0x1C8A0] =	vst v63  }
0xa5: {  	_ =	swait.ge [sflag:s12], $0x4000  }
0xa6: {  	[sflag:s12] =	ssyncset.done $0x0  }
0xa7: {  	[sflag:s12] =	ssyncadd.s32 $0xFFFFC000  }
0xa8: {  	[tilespmem:s18], [sflag:$0x2] =	stream.indirect.gather [spmem:s1], $0x40, s0, s16, $0xb8;
	[tilespmem:$0x1C8A0] =	vst v63  }
0xa9: {  	_ =	swait.ge [sflag:s19], $0x4000  }
0xaa: {  	[sflag:s19] =	ssyncset.done $0x0  }
0xab: {  	[sflag:s19] =	ssyncadd.s32 $0xFFFFC000  }
0xac: {  	[spmem:s2] =	stream.indirect.scatter.add.f32 [tilespmem:s17], [sflag:$0x4], $0x40, s3, s16, $0xb8;
	[tilespmem:$0x1C8A0] =	vst v63  }
0xad: {  	_ =	swait.ge [sflag:s12], $0x4000  }
0xae: {  	[sflag:s12] =	ssyncset.done $0x0  }
0xaf: {  	[sflag:s12] =	ssyncadd.s32 $0xFFFFC000  }
0xb0: {  	_ =	swait.ge [sflag:s21], $0x4000  }
.Ltmp0:
0xb1: {  	[sflag:s21] =	ssyncset.done $0x0;
	(pc) =	sbr.rel @p0 .LBB2_2-.Ltmp0, $4  }
0xb2: {  	[sflag:s21] =	ssyncadd.s32 $0xFFFFC000  }
0xb3: {  	[spmem:s2] =	stream.indirect.scatter.add.f32 [tilespmem:s18], [sflag:$0x4], $0x40, s7, s16, $0xb8;
	[tilespmem:$0x1C8A0] =	vst v63  }
0xb4: {  	_ =	swait.ge [sflag:s12], $0x4000  }
0xb5: {  	s5 =	smov.u32 s13;
	[sflag:s12] =	ssyncset.done $0x0  }
0xb6: {  	s5 =	sadd.s32 s11, s10;
	[sflag:s12] =	ssyncadd.s32 $0xFFFFC000  }
0xb7: {  	[tilespmem:s4], [sflag:$0x3] =	stream.linear.gather [hbm4b:s5+s4], $0x800, $0x38;
	[tilespmem:$0x1C8A0] =	vst v63  }
0xb8: {  	s6 =	sadd.s32 s11, s9  }
0xb9: {  	[tilespmem:s14], [sflag:$0x3] =	stream.linear.gather [hbm4b:s6+s4], $0x800, $0x38;
	[tilespmem:$0x1C8A0] =	vst v63  }
0xba: {  	_ =	swait.ge [sflag:s15], $0x800  }
0xbb: {  	[sflag:s15] =	ssyncset.done $0x0  }
0xbc: {  	[sflag:s15] =	ssyncadd.s32 $0xFFFFF800  }
0xbd: {  	_ =	swait.ge [sflag:s15], $0x800  }
0xbe: {  	[sflag:s15] =	ssyncset.done $0x0  }
0xbf: {  	[sflag:s15] =	ssyncadd.s32 $0xFFFFF800  }
0xc0: {  	[tilespmem:s17], [sflag:$0x1] =	stream.indirect.gather [spmem:s1], $0x40, s4, s16, $0xb8;
	[tilespmem:$0x1C8A0] =	vst v63  }
0xc1: {  	_ = 	snop  }
0xc2: {  	[tilespmem:s18], [sflag:$0x2] =	stream.indirect.gather [spmem:s1], $0x40, s16, s16, $0xb8;
	[tilespmem:$0x1C8A0] =	vst v63  }
0xc3: {  	_ =	swait.ge [sflag:s19], $0x4000  }
0xc4: {  	[sflag:s19] =	ssyncset.done $0x0  }
0xc5: {  	[sflag:s19] =	ssyncadd.s32 $0xFFFFC000  }
0xc6: {  	[spmem:s2] =	stream.indirect.scatter.add.f32 [tilespmem:s17], [sflag:$0x4], $0x40, s14, s16, $0xb8;
	[tilespmem:$0x1C8A0] =	vst v63  }
0xc7: {  	_ =	swait.ge [sflag:s12], $0x4000  }
0xc8: {  	[sflag:s12] =	ssyncset.done $0x0  }
0xc9: {  	[sflag:s12] =	ssyncadd.s32 $0xFFFFC000  }
0xca: {  	[tilespmem:s17], [sflag:$0x1] =	stream.indirect.gather [spmem:s1], $0x40, s20, s16, $0xb8;
	[tilespmem:$0x1C8A0] =	vst v63  }
0xcb: {  	_ =	swait.ge [sflag:s21], $0x4000  }
0xcc: {  	[sflag:s21] =	ssyncset.done $0x0  }
0xcd: {  	[sflag:s21] =	ssyncadd.s32 $0xFFFFC000  }
0xce: {  	[spmem:s2] =	stream.indirect.scatter.add.f32 [tilespmem:s18], [sflag:$0x4], $0x40, s22, s16, $0xb8;
	[tilespmem:$0x1C8A0] =	vst v63  }
0xcf: {  	_ =	swait.ge [sflag:s12], $0x4000  }
0xd0: {  	[sflag:s12] =	ssyncset.done $0x0  }
0xd1: {  	[sflag:s12] =	ssyncadd.s32 $0xFFFFC000  }
0xd2: {  	[tilespmem:s18], [sflag:$0x2] =	stream.indirect.gather [spmem:s1], $0x40, s23, s16, $0xb8;
	[tilespmem:$0x1C8A0] =	vst v63  }
0xd3: {  	_ =	swait.ge [sflag:s19], $0x4000  }
0xd4: {  	[sflag:s19] =	ssyncset.done $0x0  }
0xd5: {  	[sflag:s19] =	ssyncadd.s32 $0xFFFFC000  }
0xd6: {  	[spmem:s2] =	stream.indirect.scatter.add.f32 [tilespmem:s17], [sflag:$0x4], $0x40, s24, s16, $0xb8;
	[tilespmem:$0x1C8A0] =	vst v63  }
0xd7: {  	_ =	swait.ge [sflag:s12], $0x4000  }
0xd8: {  	[sflag:s12] =	ssyncset.done $0x0  }
0xd9: {  	[sflag:s12] =	ssyncadd.s32 $0xFFFFC000  }
0xda: {  	[tilespmem:s17], [sflag:$0x1] =	stream.indirect.gather [spmem:s1], $0x40, s25, s16, $0xb8;
	[tilespmem:$0x1C8A0] =	vst v63  }
0xdb: {  	_ =	swait.ge [sflag:s21], $0x4000  }
0xdc: {  	[sflag:s21] =	ssyncset.done $0x0  }
0xdd: {  	[sflag:s21] =	ssyncadd.s32 $0xFFFFC000  }
0xde: {  	[spmem:s2] =	stream.indirect.scatter.add.f32 [tilespmem:s18], [sflag:$0x4], $0x40, s26, s16, $0xb8;
	[tilespmem:$0x1C8A0] =	vst v63  }
0xdf: {  	_ =	swait.ge [sflag:s12], $0x4000  }
0xe0: {  	[sflag:s12] =	ssyncset.done $0x0  }
0xe1: {  	[sflag:s12] =	ssyncadd.s32 $0xFFFFC000  }
0xe2: {  	[tilespmem:s18], [sflag:$0x2] =	stream.indirect.gather [spmem:s1], $0x40, s28, s16, $0xb8;
	[tilespmem:$0x1C8A0] =	vst v63  }
0xe3: {  	_ =	swait.ge [sflag:s19], $0x4000  }
0xe4: {  	[sflag:s19] =	ssyncset.done $0x0  }
0xe5: {  	[sflag:s19] =	ssyncadd.s32 $0xFFFFC000  }
0xe6: {  	[spmem:s2] =	stream.indirect.scatter.add.f32 [tilespmem:s17], [sflag:$0x4], $0x40, s29, s16, $0xb8;
	[tilespmem:$0x1C8A0] =	vst v63  }
0xe7: {  	_ =	swait.ge [sflag:s12], $0x4000  }
0xe8: {  	[sflag:s12] =	ssyncset.done $0x0  }
0xe9: {  	[sflag:s12] =	ssyncadd.s32 $0xFFFFC000  }
0xea: {  	[tilespmem:s17], [sflag:$0x1] =	stream.indirect.gather [spmem:s1], $0x40, s30, s16, $0xb8;
	[tilespmem:$0x1C8A0] =	vst v63  }
0xeb: {  	_ =	swait.ge [sflag:s21], $0x4000  }
0xec: {  	[sflag:s21] =	ssyncset.done $0x0  }
0xed: {  	[sflag:s21] =	ssyncadd.s32 $0xFFFFC000  }
0xee: {  	[spmem:s2] =	stream.indirect.scatter.add.f32 [tilespmem:s18], [sflag:$0x4], $0x40, s31, s16, $0xb8;
	[tilespmem:$0x1C8A0] =	vst v63  }
0xef: {  	_ =	swait.ge [sflag:s12], $0x4000  }
0xf0: {  	[sflag:s12] =	ssyncset.done $0x0  }
0xf1: {  	[sflag:s12] =	ssyncadd.s32 $0xFFFFC000  }
0xf2: {  	[tilespmem:s18], [sflag:$0x2] =	stream.indirect.gather [spmem:s1], $0x40, s0, s16, $0xb8;
	[tilespmem:$0x1C8A0] =	vst v63  }
0xf3: {  	_ =	swait.ge [sflag:s19], $0x4000  }
0xf4: {  	[sflag:s19] =	ssyncset.done $0x0  }
0xf5: {  	[sflag:s19] =	ssyncadd.s32 $0xFFFFC000  }
0xf6: {  	[spmem:s2] =	stream.indirect.scatter.add.f32 [tilespmem:s17], [sflag:$0x4], $0x40, s3, s16, $0xb8;
	[tilespmem:$0x1C8A0] =	vst v63  }
0xf7: {  	_ =	swait.ge [sflag:s12], $0x4000  }
0xf8: {  	[sflag:s12] =	ssyncset.done $0x0  }
0xf9: {  	[sflag:s12] =	ssyncadd.s32 $0xFFFFC000  }
0xfa: {  	_ =	swait.ge [sflag:s21], $0x4000  }
0xfb: {  	[sflag:s21] =	ssyncset.done $0x0  }
0xfc: {  	[sflag:s21] =	ssyncadd.s32 $0xFFFFC000  }
0xfd: {  	[spmem:s2] =	stream.indirect.scatter.add.f32 [tilespmem:s18], [sflag:$0x4], $0x40, s7, s16, $0xb8;
	[tilespmem:$0x1C8A0] =	vst v63  }
0xfe: {  	_ =	swait.ge [sflag:s12], $0x4000  }
0xff: {  	[sflag:s12] =	ssyncset.done $0x0  }
0x100: {  	[sflag:s12] =	ssyncadd.s32 $0xFFFFC000  }
0x101: {  	[bflag:$0x0] =	sbarrier.arrive $0xFFFF  }
0x102: {  	s6 =	rddreg [dreg:$0x5]  }
0x103: {  	s8 =	rddreg [dreg:$0x6]  }
0x104: {  	s11 =	rddreg [dreg:$0x9]  }
0x105: {  	[hbm:s8], [sflag:s6] =	dma.local [spmem:s11], $0x1388  }
0x106: {  	_ =	swait.ge [sflag:s12], $0x1388  }
0x107: {  	s8 =	rddreg [dreg:$0xa]  }
0x108: {  	s13 =	rddreg [dreg:$0x7];
	s8 =	sadd.s32 $0x1, s8  }
0x109: {  	p0 =	sne.s32 s8, s13  }
.Ltmp1:
0x10a: {  	_ = 	snop;
	(pc) =	sbr.rel @p0 .LBB2_1-.Ltmp1, $3  }
0x10b: {  	_ =	sdelay $0x1  }
0x10c: {  	[sflag:s12] =	ssyncset.done $0x0  }
0x10d: {  	[sflag:s12] =	ssyncadd.s32 $0xFFFFEC78  }
0x10e: {  	_ =	sfence.sel $0x180000  }
0x10f: {  	[bflag:$0x0] =	sbarrier.arrive $0xFFFF  }
0x110: {  	_ =	strace $0x90000056  }
0x111: {  	s0 =	stileid.u32;
	[bflag:$0x2] =	sbarrier.arrive $0xFFFF  }
0x112: {  	p0 =	sne.s32 s0, $0x0;
	s0 =	rddreg [dreg:$0x3]  }
0x113: {  	s0 =	sadd.s32 @!p0 $0x100000, s0  }
0x114: {  	[sflag:s0] =	ssyncadd.tile.s32 @!p0 $0x1;
	_ =	shalt  }
.Lfunc_end2:
_tile_overlayer_lowered:
.L_overlay_start_2:
0x115: {  	(tag) =	ssettag $0x2  }
0x116: {  	s0 =	rddreg [dreg:$0x0];
	s2 =	stileid.u32  }
0x117: {  	s1 =	rddreg [dreg:$0x1];
	p0 =	sne.s32 s2, $0x0  }
0x118: {  	s3 =	rddreg [dreg:$0x2];
	[bflag:$0x3] =	sbarrier.arrive $0xFFFF;
	s2 =	simm.s32 @!p0 $0x1C04  }
0x119: {  	[timem:s3], [sflag:s2] =	dma.local @!p0 [hbm:s0], s1  }
0x11a: {  	s0 =	simm.s32 @!p0 $0x4  }
0x11b: {  	_ =	swait.ge @!p0 [sflag:s0], s1  }
0x11c: {  	s1 =	ssub.s32 @!p0 $0x0, s1;
	[sflag:s0] =	ssyncset.done @!p0 $0x0  }
0x11d: {  	[sflag:s0] =	ssyncadd.s32 @!p0 s1  }
0x11e: {  	[bflag:$0x3] =	sbarrier.arrive $0xFFFF  }
0x11f: {  	_ =	shalt  }

</sc_bundles>
